<compile_context>
chip_gen: v7x
topology: tpu7x:2x2x1
jax: 0.10.2.dev20260603
libtpu: 0.0.44.dev20260713+nightly
codegen_flags: <defaults>
</compile_context>

<pallas_src>
import functools

import jax
import jax.numpy as jnp
from jax import lax
from jax.experimental import pallas as pl
from jax.experimental.pallas import tpu as pltpu
from jax.experimental.pallas import tpu_sc as plsc

_NUM_CLASSES = 9
_NEGPOS_RATIO = 3
_VAR0 = 0.1
_VAR1 = 0.2
_THRESH = 0.5

_R = 8
_L = 1152
_PPAD = _R * _L


def _smooth_l1(x):
    ax = jnp.abs(x)
    return jnp.where(ax < 1.0, 0.5 * ax * ax, ax - 0.5)


def _match_body(num_priors, num_truths, tgt_ref, pri_ref, conf_ref, loc_ref,
                lc_ref, part_ref):
    f32 = jnp.float32
    gidx = (lax.broadcasted_iota(jnp.int32, (_R, _L), 0) * _L
            + lax.broadcasted_iota(jnp.int32, (_R, _L), 1))

    pcx = pri_ref[0]
    pcy = pri_ref[1]
    pw = pri_ref[2]
    ph = pri_ref[3]
    px1 = pcx - pw / 2.0
    py1 = pcy - ph / 2.0
    px2 = pcx + pw / 2.0
    py2 = pcy + ph / 2.0
    area_b = (px2 - px1) * (py2 - py1)

    tgt = [[tgt_ref[0, 0, o, j] for j in range(5)] for o in range(num_truths)]
    O = num_truths

    t1c = tgt_ref[0, 0][:, 0].reshape(O, 1, 1)
    t2c = tgt_ref[0, 0][:, 1].reshape(O, 1, 1)
    t3c = tgt_ref[0, 0][:, 2].reshape(O, 1, 1)
    t4c = tgt_ref[0, 0][:, 3].reshape(O, 1, 1)
    ltx = jnp.maximum(t1c, px1[None])
    lty = jnp.maximum(t2c, py1[None])
    rbx = jnp.minimum(t3c, px2[None])
    rby = jnp.minimum(t4c, py2[None])
    inter = (jnp.clip(rbx - ltx, 0.0, None) * jnp.clip(rby - lty, 0.0, None))
    area_a = (t3c - t1c) * (t4c - t2c)
    iou3 = inter / (area_a + area_b[None] - inter)

    mo = jnp.max(jnp.max(iou3, axis=1), axis=1)
    eqm = iou3 == mo[:, None, None]
    big = jnp.int32(2 ** 30)
    bp = jnp.min(jnp.min(jnp.where(eqm, gidx[None], big), axis=1), axis=1)
    tidx3 = lax.broadcasted_iota(jnp.int32, (O, _R, _L), 0)
    hit = gidx[None] == bp[:, None, None]
    forced_o = jnp.max(jnp.where(hit, tidx3, -1), axis=0)

    bto = iou3[0]
    bidx = jnp.zeros((_R, _L), jnp.int32)
    for o in range(1, O):
        iou = iou3[o]
        upd = iou > bto
        bto = jnp.where(upd, iou, bto)
        bidx = jnp.where(upd, o, bidx)
    forced = forced_o >= 0
    bto = jnp.where(forced, 2.0, bto)
    fidx = jnp.where(forced, forced_o, bidx)
    lab = jnp.full((_R, _L), tgt[0][4], f32)
    m1 = jnp.full((_R, _L), tgt[0][0], f32)
    m2 = jnp.full((_R, _L), tgt[0][1], f32)
    m3 = jnp.full((_R, _L), tgt[0][2], f32)
    m4 = jnp.full((_R, _L), tgt[0][3], f32)
    for o in range(1, O):
        t1, t2, t3, t4, t5 = tgt[o]
        sel = fidx == o
        lab = jnp.where(sel, t5, lab)
        m1 = jnp.where(sel, t1, m1)
        m2 = jnp.where(sel, t2, m2)
        m3 = jnp.where(sel, t3, m3)
        m4 = jnp.where(sel, t4, m4)

    conf = jnp.where(bto < _THRESH, 0, lab.astype(jnp.int32) + 1)
    pos = conf > 0
    soft = jnp.minimum(bto, 1.0)

    g1 = ((m1 + m3) / 2.0 - pcx) / (_VAR0 * pw)
    g2 = ((m2 + m4) / 2.0 - pcy) / (_VAR0 * ph)
    g3 = jnp.log((m3 - m1) / pw) / _VAR1
    g4 = jnp.log((m4 - m2) / ph) / _VAR1
    zero = jnp.zeros((_R, _L), f32)
    loss_l = (jnp.sum(jnp.where(pos, _smooth_l1(loc_ref[0, 0] - g1), zero))
              + jnp.sum(jnp.where(pos, _smooth_l1(loc_ref[0, 1] - g2), zero))
              + jnp.sum(jnp.where(pos, _smooth_l1(loc_ref[0, 2] - g3), zero))
              + jnp.sum(jnp.where(pos, _smooth_l1(loc_ref[0, 3] - g4), zero)))

    rows = [conf_ref[0, c] for c in range(_NUM_CLASSES)]
    m9 = rows[0]
    for c in range(1, _NUM_CLASSES):
        m9 = jnp.maximum(m9, rows[c])
    s = jnp.exp(rows[0] - m9)
    for c in range(1, _NUM_CLASSES):
        s = s + jnp.exp(rows[c] - m9)
    lse = m9 + jnp.log(s)

    valid = gidx < num_priors
    lc_ref[0] = jnp.where(jnp.logical_and(valid, jnp.logical_not(pos)),
                          lse - rows[0], zero)

    logit_sel = rows[0]
    for c in range(1, _NUM_CLASSES):
        logit_sel = jnp.where(conf == c, rows[c], logit_sel)
    alpha = jnp.where(conf <= 1, 0.5, 1.0)
    pos_term = jnp.sum(jnp.where(pos, soft * alpha * (lse - logit_sel), zero))
    num_pos = jnp.sum(pos.astype(jnp.int32))

    lane = lax.broadcasted_iota(jnp.int32, (1, 128), 1)
    vec = jnp.where(lane == 0, pos_term,
                    jnp.where(lane == 1, loss_l,
                              jnp.where(lane == 2, num_pos.astype(f32), 0.0)))
    part_ref[0] = vec


def _sc_mining_body(num_priors, lc_hbm, parts_hbm, out_hbm,
                    val, prow, hist, suf_v, outrow):
    f32 = jnp.float32
    i32 = jnp.int32
    b = lax.axis_index("s") * 2 + lax.axis_index("c")
    pltpu.sync_copy(lc_hbm.at[b], val)
    pltpu.sync_copy(parts_hbm.at[b], prow)

    lane16 = lax.iota(i32, 16)
    zeros16_i = jnp.zeros((16,), i32)
    ones = jnp.ones((16,), f32)
    zeros16 = jnp.zeros((16,), f32)

    def splat_last(x):
        outrow[...] = x
        return plsc.load_gather(outrow, [jnp.full((16,), 15, i32)])

    np_s = plsc.load_gather(prow, [zeros16_i, jnp.full((16,), 2, i32)])
    kf = jnp.minimum(3.0 * np_s, jnp.float32(num_priors - 1))

    pfx = zeros16_i
    krem = kf
    for sp, w in ((23, 8), (15, 8), (7, 8), (0, 7)):
        for j in range(16):
            hist[pl.ds(j * 16, 16)] = zeros16
        hi = sp + w
        lowmask = jnp.int32((1 << w) - 1)
        pfx_hi = jnp.right_shift(pfx, hi)

        def _histo(i, sp=sp, hi=hi, lowmask=lowmask,
                   pfx_hi=pfx_hi, first=(sp == 23)):
            u = plsc.bitcast(val[pl.ds(i * 16, 16)], i32)
            idx = jnp.bitwise_and(jnp.right_shift(u, sp), lowmask)
            if first:
                plsc.addupdate_scatter(hist, [idx], ones)
            else:
                m = jnp.right_shift(u, hi) == pfx_hi
                plsc.addupdate_scatter(hist, [idx], ones, mask=m)

        plsc.parallel_loop(0, _PPAD // 16, unroll=8)(_histo)
        running = zeros16
        nsel_v = zeros16_i
        for cc in range(15, -1, -1):
            ch = hist[pl.ds(cc * 16, 16)]
            suf = lax.rev(plsc.cumsum(lax.rev(ch, (0,))), (0,)) + running
            suf_v[pl.ds(cc * 16, 16)] = suf
            nsel_v = nsel_v + plsc.all_reduce_population_count(suf >= krem)
            running = plsc.load_gather(suf_v, [jnp.full((16,), cc * 16, i32)])
        jstar = nsel_v - 1
        h_at = plsc.load_gather(hist, [jstar])
        s_at = plsc.load_gather(suf_v, [jstar])
        krem = krem - (s_at - h_at)
        pfx = jnp.bitwise_or(pfx, jnp.left_shift(jstar, sp))

    vk_v = plsc.bitcast(pfx, f32)

    def _sum(i, carry):
        a, c = carry
        ch = val[pl.ds(i * 16, 16)]
        m = ch > vk_v
        return a + jnp.where(m, ch, 0.0), c + jnp.where(m, 1.0, 0.0)

    acc, cnt = plsc.parallel_loop(0, _PPAD // 16, unroll=8,
                                  carry=(zeros16, zeros16))(_sum)
    sum_gt = splat_last(plsc.cumsum(acc))
    cnt_gt = splat_last(plsc.cumsum(cnt))
    neg = sum_gt + (kf - cnt_gt) * vk_v
    outrow[...] = jnp.where(lane16 == 0, neg, 0.0)
    pltpu.sync_copy(outrow, out_hbm.at[b])


def _combine_body(num_images, parts_ref, negs_ref, out_ref):
    f32 = jnp.float32
    pos_sum = jnp.sum(parts_ref[:, 0, 0])
    ll_sum = jnp.sum(parts_ref[:, 0, 1])
    np_sum = jnp.sum(parts_ref[:, 0, 2])
    neg_sum = jnp.sum(negs_ref[:, 0])
    loss_c_total = pos_sum + 0.5 * neg_sum
    N = jnp.where(np_sum > 0, np_sum, jnp.float32(num_images))
    lane = lax.broadcasted_iota(jnp.int32, (1, 128), 1)
    out_ref[...] = jnp.where(lane == 0, loss_c_total / N,
                             jnp.where(lane == 1, ll_sum / N, 0.0))


def kernel(conf_data, loc_data, priors, targets):
    B, P, C = conf_data.shape
    O = targets.shape[1]
    pad = _PPAD - P
    conf_r = jnp.pad(jnp.transpose(conf_data, (0, 2, 1)),
                     ((0, 0), (0, 0), (0, pad))).reshape(B, C, _R, _L)
    loc_r = jnp.pad(jnp.transpose(loc_data, (0, 2, 1)),
                    ((0, 0), (0, 0), (0, pad))).reshape(B, 4, _R, _L)
    pri_r = jnp.pad(jnp.transpose(priors, (1, 0)),
                    ((0, 0), (0, pad))).reshape(4, _R, _L)
    tgt_r = targets.reshape(B, 1, O, 5)

    lc_all, parts = pl.pallas_call(
        functools.partial(_match_body, P, O),
        grid=(B,),
        in_specs=[
            pl.BlockSpec((1, 1, O, 5), lambda i: (i, 0, 0, 0)),
            pl.BlockSpec((4, _R, _L), lambda i: (0, 0, 0)),
            pl.BlockSpec((1, C, _R, _L), lambda i: (i, 0, 0, 0)),
            pl.BlockSpec((1, 4, _R, _L), lambda i: (i, 0, 0, 0)),
        ],
        out_specs=[
            pl.BlockSpec((1, _R, _L), lambda i: (i, 0, 0)),
            pl.BlockSpec((1, 1, 128), lambda i: (i, 0, 0)),
        ],
        out_shape=[
            jax.ShapeDtypeStruct((B, _R, _L), jnp.float32),
            jax.ShapeDtypeStruct((B, 1, 128), jnp.float32),
        ],
    )(tgt_r, pri_r, conf_r, loc_r)

    lc_flat = lc_all.reshape(B, _PPAD)
    negs = pl.kernel(
        functools.partial(_sc_mining_body, P),
        out_type=jax.ShapeDtypeStruct((B, 16), jnp.float32),
        mesh=plsc.VectorSubcoreMesh(core_axis_name="c", subcore_axis_name="s"),
        compiler_params=pltpu.CompilerParams(needs_layout_passes=False),
        scratch_types=[
            pltpu.VMEM((_PPAD,), jnp.float32),
            pltpu.VMEM((1, 128), jnp.float32),
            pltpu.VMEM((256,), jnp.float32),
            pltpu.VMEM((256,), jnp.float32),
            pltpu.VMEM((16,), jnp.float32),
        ],
    )(lc_flat, parts)

    out = pl.pallas_call(
        functools.partial(_combine_body, B),
        out_shape=jax.ShapeDtypeStruct((1, 128), jnp.float32),
    )(parts, negs)

    return (out[0, 0], out[0, 1])

# --- scband reference (transcript-rebuilt; emitter-appended) ---
"""Pipeline reference for scband-multi-box-loss-33904471835574 (READ-ONLY COPY).

The authoritative reference and input builder live on the scoring server;
editing this copy changes nothing except your own understanding.
"""

import jax, jax.numpy as jnp
import numpy as np

NUM_CLASSES = 9
NEGPOS_RATIO = 3
VARIANCE = (0.1, 0.2)
THRESHOLD = 0.5
ALPHA = jnp.array([0.5, 0.5, 1, 1, 1, 1, 1, 1, 1], dtype=jnp.float32)


def point_form(boxes):
    return jnp.concatenate([boxes[:, :2] - boxes[:, 2:] / 2.0,
                            boxes[:, :2] + boxes[:, 2:] / 2.0], axis=1)


def jaccard(a, b):
    lt = jnp.maximum(a[:, None, :2], b[None, :, :2])
    rb = jnp.minimum(a[:, None, 2:], b[None, :, 2:])
    wh = jnp.clip(rb - lt, 0.0, None)
    inter = wh[..., 0] * wh[..., 1]
    area_a = ((a[:, 2] - a[:, 0]) * (a[:, 3] - a[:, 1]))[:, None]
    area_b = ((b[:, 2] - b[:, 0]) * (b[:, 3] - b[:, 1]))[None, :]
    return inter / (area_a + area_b - inter)


def encode(matched, priors, variances):
    g_cxcy = (matched[:, :2] + matched[:, 2:]) / 2.0 - priors[:, :2]
    g_cxcy = g_cxcy / (variances[0] * priors[:, 2:])
    g_wh = (matched[:, 2:] - matched[:, :2]) / priors[:, 2:]
    g_wh = jnp.log(g_wh) / variances[1]
    return jnp.concatenate([g_cxcy, g_wh], axis=1)


def match_soft(truths, labels, priors):
    overlaps = jaccard(truths, point_form(priors))  # [O, P]
    best_prior_idx = jnp.argmax(overlaps, axis=1)   # [O]
    best_truth_overlap = jnp.max(overlaps, axis=0)  # [P]
    best_truth_idx = jnp.argmax(overlaps, axis=0)   # [P]
    best_truth_overlap = best_truth_overlap.at[best_prior_idx].set(2.0)
    best_truth_idx = best_truth_idx.at[best_prior_idx].set(jnp.arange(truths.shape[0]))
    matches = truths[best_truth_idx]
    conf = labels[best_truth_idx].astype(jnp.int32) + 1
    conf = jnp.where(best_truth_overlap < THRESHOLD, 0, conf)
    loc = encode(matches, priors, VARIANCE)
    soft = jnp.where(conf > 0, jnp.clip(best_truth_overlap, 0.0, 1.0), 1.0)
    return loc, conf, soft


def smooth_l1(x):
    ax = jnp.abs(x)
    return jnp.where(ax < 1.0, 0.5 * ax * ax, ax - 0.5)


def setup_inputs(seed: int = 0) -> dict:
    key = jax.random.key(seed)
    k1, k2, k3, k4, k5, k6, k7 = jax.random.split(key, 7)
    B, P, C, O = 32, 8732, NUM_CLASSES, 12
    conf_data = jax.random.normal(k1, (B, P, C), dtype=jnp.float32)
    loc_data = jax.random.normal(k2, (B, P, 4), dtype=jnp.float32)
    # priors in center form (cx, cy, w, h)
    p_cxcy = jax.random.uniform(k3, (P, 2), minval=0.0, maxval=1.0)
    p_wh = jax.random.uniform(k4, (P, 2), minval=0.05, maxval=0.5)
    priors = jnp.concatenate([p_cxcy, p_wh], axis=1).astype(jnp.float32)
    # ground-truth boxes in corner form + label
    t_c = jax.random.uniform(k5, (B, O, 2), minval=0.2, maxval=0.8)
    t_s = jax.random.uniform(k6, (B, O, 2), minval=0.05, maxval=0.3)
    x1y1 = t_c - t_s / 2.0
    x2y2 = t_c + t_s / 2.0
    labels = jax.random.randint(k7, (B, O), 0, NUM_CLASSES - 1).astype(jnp.float32)
    targets = jnp.concatenate([x1y1, x2y2, labels[..., None]], axis=-1).astype(jnp.float32)
    return {"conf_data": conf_data, "loc_data": loc_data, "priors": priors, "targets": targets}


def reference(conf_data, loc_data, priors, targets):
    num = loc_data.shape[0]
    num_priors = loc_data.shape[1]
    priors = priors[:num_priors, :]
    loc_t, conf_t, soft_t = jax.vmap(lambda t: match_soft(t[:, :4], t[:, 4], priors))(targets)
    pos = conf_t > 0
    num_pos = pos.astype(jnp.int32).sum(axis=1, keepdims=True)
    # localization loss (smooth L1, summed over positive priors)
    loss_l = jnp.sum(smooth_l1(loc_data - loc_t) * pos[..., None].astype(loc_data.dtype))
    # hard negative mining on per-prior softmax loss
    batch_conf = conf_data.reshape(-1, NUM_CLASSES)
    gathered = jnp.take_along_axis(batch_conf, conf_t.reshape(-1, 1), axis=1)
    lse = jax.scipy.special.logsumexp(batch_conf, axis=1, keepdims=True)
    loss_c = (lse - gathered).reshape(num, -1)
    loss_c = jnp.where(pos, 0.0, loss_c)
    loss_idx = jnp.argsort(-loss_c, axis=1)
    idx_rank = jnp.argsort(loss_idx, axis=1)
    num_neg = jnp.minimum(NEGPOS_RATIO * num_pos, num_priors - 1)
    neg = idx_rank < num_neg
    sel = jnp.logical_or(pos, neg)
    # weighted cross entropy * soft targets on selected priors
    logp = batch_conf - lse
    ce = -jnp.take_along_axis(logp, conf_t.reshape(-1, 1), axis=1).reshape(num, -1)
    w = ALPHA[conf_t]
    loss_c_final = jnp.sum(jnp.where(sel, soft_t * w * ce, 0.0))
    n_pos_total = num_pos.sum()
    N = jnp.where(n_pos_total > 0, n_pos_total, num).astype(jnp.float32)
    return (loss_c_final / N, loss_l / N)

if __name__ == "__main__":
    import jax
    _d = setup_inputs()
    print(jax.jit(kernel)(*tuple(_d.values())))

</pallas_src>

<mosaic_0001>
#map = affine_map<(d0, d1) -> (0, 0)>
#map1 = affine_map<(d0, d1) -> (0, 0, 0)>
module attributes {stable_mosaic.version = 14 : i64} {
  func.func @_sc_mining_body(%arg0: i32, %arg1: i32, %arg2: memref<32x9216xf32, #tpu.memory_space<hbm>>, %arg3: memref<32x1x128xf32, #tpu.memory_space<hbm>>, %arg4: memref<32x16xf32, #tpu.memory_space<hbm>>, %arg5: memref<9216xf32, #tpu.memory_space<vmem>>, %arg6: memref<1x128xf32, #tpu.memory_space<vmem>>, %arg7: memref<256xf32, #tpu.memory_space<vmem>>, %arg8: memref<256xf32, #tpu.memory_space<vmem>>, %arg9: memref<16xf32, #tpu.memory_space<vmem>>) attributes {dimension_semantics = [#tpu.dimension_semantics<core_parallel>, #tpu.dimension_semantics<subcore_parallel>], iteration_bounds = array<i64: 2, 16>, scalar_prefetch = 0 : i64, scratch_operands = 5 : i64, tpu.core_type = #tpu.core_type<sc_vector_subcore>, window_params = [{transform_indices = #map}, {transform_indices = #map1}, {transform_indices = #map}]} {
    %mul3A = arith.constant 2 : i32
    %mul3A_0 = arith.muli %arg1, %mul3A : i32
    %add3A = arith.addi %mul3A_0, %arg0 : i32
    "tpu.region"() ({
      %run_scoped3A = tpu.sem_alloc : memref<!tpu.dma_semaphore, #tpu.memory_space<semaphore_mem>>
      %dma_start3A = arith.constant 0 : i32
      %dma_start3A_1766 = tpu.memref_slice %arg2[%add3A, %dma_start3A] : memref<32x9216xf32, #tpu.memory_space<hbm>> -> memref<1x9216xf32, #tpu.memory_space<hbm>>
      %dma_start3A_1767 = tpu.memref_squeeze %dma_start3A_1766 : memref<1x9216xf32, #tpu.memory_space<hbm>> -> memref<9216xf32, #tpu.memory_space<hbm>>
      %dma_start3A_1768 = arith.constant 0 : i32
      %dma_start3A_1769 = tpu.memref_slice %arg2[%add3A, %dma_start3A_1768] : memref<32x9216xf32, #tpu.memory_space<hbm>> -> memref<1x9216xf32, #tpu.memory_space<hbm>>
      %dma_start3A_1770 = tpu.memref_squeeze %dma_start3A_1769 : memref<1x9216xf32, #tpu.memory_space<hbm>> -> memref<9216xf32, #tpu.memory_space<hbm>>
      tpu.enqueue_dma source(%dma_start3A_1770 : memref<9216xf32, #tpu.memory_space<hbm>>) target(%arg5 : memref<9216xf32, #tpu.memory_space<vmem>>) target_semaphore(%run_scoped3A : memref<!tpu.dma_semaphore, #tpu.memory_space<semaphore_mem>>)
      %dma_wait3A = arith.constant 0 : i32
      %dma_wait3A_1771 = tpu.memref_slice %arg2[%add3A, %dma_wait3A] : memref<32x9216xf32, #tpu.memory_space<hbm>> -> memref<1x9216xf32, #tpu.memory_space<hbm>>
      %dma_wait3A_1772 = tpu.memref_squeeze %dma_wait3A_1771 : memref<1x9216xf32, #tpu.memory_space<hbm>> -> memref<9216xf32, #tpu.memory_space<hbm>>
      %dma_wait3A_1773 = arith.constant 0 : i32
      %dma_wait3A_1774 = tpu.memref_slice %arg2[%add3A, %dma_wait3A_1773] : memref<32x9216xf32, #tpu.memory_space<hbm>> -> memref<1x9216xf32, #tpu.memory_space<hbm>>
      %dma_wait3A_1775 = tpu.memref_squeeze %dma_wait3A_1774 : memref<1x9216xf32, #tpu.memory_space<hbm>> -> memref<9216xf32, #tpu.memory_space<hbm>>
      tpu.wait_dma2 semaphore(%run_scoped3A : memref<!tpu.dma_semaphore, #tpu.memory_space<semaphore_mem>>) src(%dma_wait3A_1775 : memref<9216xf32, #tpu.memory_space<hbm>>) dst(%arg5 : memref<9216xf32, #tpu.memory_space<vmem>>)
      tpu.yield
    }) : () -> ()
    "tpu.region"() ({
      %run_scoped3A = tpu.sem_alloc : memref<!tpu.dma_semaphore, #tpu.memory_space<semaphore_mem>>
      %dma_start3A = arith.constant 0 : i32
      %dma_start3A_1766 = arith.constant 0 : i32
      %dma_start3A_1767 = tpu.memref_slice %arg3[%add3A, %dma_start3A, %dma_start3A_1766] : memref<32x1x128xf32, #tpu.memory_space<hbm>> -> memref<1x1x128xf32, #tpu.memory_space<hbm>>
      %dma_start3A_1768 = tpu.memref_squeeze %dma_start3A_1767 : memref<1x1x128xf32, #tpu.memory_space<hbm>> -> memref<1x128xf32, #tpu.memory_space<hbm>>
      %dma_start3A_1769 = arith.constant 0 : i32
      %dma_start3A_1770 = arith.constant 0 : i32
      %dma_start3A_1771 = tpu.memref_slice %arg3[%add3A, %dma_start3A_1769, %dma_start3A_1770] : memref<32x1x128xf32, #tpu.memory_space<hbm>> -> memref<1x1x128xf32, #tpu.memory_space<hbm>>
      %dma_start3A_1772 = tpu.memref_squeeze %dma_start3A_1771 : memref<1x1x128xf32, #tpu.memory_space<hbm>> -> memref<1x128xf32, #tpu.memory_space<hbm>>
      tpu.enqueue_dma source(%dma_start3A_1772 : memref<1x128xf32, #tpu.memory_space<hbm>>) target(%arg6 : memref<1x128xf32, #tpu.memory_space<vmem>>) target_semaphore(%run_scoped3A : memref<!tpu.dma_semaphore, #tpu.memory_space<semaphore_mem>>)
      %dma_wait3A = arith.constant 0 : i32
      %dma_wait3A_1773 = arith.constant 0 : i32
      %dma_wait3A_1774 = tpu.memref_slice %arg3[%add3A, %dma_wait3A, %dma_wait3A_1773] : memref<32x1x128xf32, #tpu.memory_space<hbm>> -> memref<1x1x128xf32, #tpu.memory_space<hbm>>
      %dma_wait3A_1775 = tpu.memref_squeeze %dma_wait3A_1774 : memref<1x1x128xf32, #tpu.memory_space<hbm>> -> memref<1x128xf32, #tpu.memory_space<hbm>>
      %dma_wait3A_1776 = arith.constant 0 : i32
      %dma_wait3A_1777 = arith.constant 0 : i32
      %dma_wait3A_1778 = tpu.memref_slice %arg3[%add3A, %dma_wait3A_1776, %dma_wait3A_1777] : memref<32x1x128xf32, #tpu.memory_space<hbm>> -> memref<1x1x128xf32, #tpu.memory_space<hbm>>
      %dma_wait3A_1779 = tpu.memref_squeeze %dma_wait3A_1778 : memref<1x1x128xf32, #tpu.memory_space<hbm>> -> memref<1x128xf32, #tpu.memory_space<hbm>>
      tpu.wait_dma2 semaphore(%run_scoped3A : memref<!tpu.dma_semaphore, #tpu.memory_space<semaphore_mem>>) src(%dma_wait3A_1779 : memref<1x128xf32, #tpu.memory_space<hbm>>) dst(%arg6 : memref<1x128xf32, #tpu.memory_space<vmem>>)
      tpu.yield
    }) : () -> ()
    %iota3A = tpu.iota {dimensions = array<i32: 0>} : vector<16xi32>
    %broadcast_in_dim3A = arith.constant 0 : i32
    %broadcast_in_dim3A_1 = vector.broadcast %broadcast_in_dim3A : i32 to vector<16xi32>
    %broadcast_in_dim3A_2 = arith.constant 1.000000e+00 : f32
    %broadcast_in_dim3A_3 = vector.broadcast %broadcast_in_dim3A_2 : f32 to vector<16xf32>
    %broadcast_in_dim3A_4 = arith.constant 0.000000e+00 : f32
    %broadcast_in_dim3A_5 = vector.broadcast %broadcast_in_dim3A_4 : f32 to vector<16xf32>
    %broadcast_in_dim3A_6 = arith.constant 2 : i32
    %broadcast_in_dim3A_7 = vector.broadcast %broadcast_in_dim3A_6 : i32 to vector<16xi32>
    %gather3A = tpu.vector_load_idx %arg6[%broadcast_in_dim3A_1, %broadcast_in_dim3A_7] : memref<1x128xf32, #tpu.memory_space<vmem>>[vector<16xi32>, vector<16xi32>], vector<16xf32>,
    %mul3A_8 = arith.constant 3.000000e+00 : f32
    %mul3A_9 = vector.broadcast %mul3A_8 : f32 to vector<16xf32>
    %mul3A_10 = arith.mulf %mul3A_9, %gather3A : vector<16xf32>
    %min3A = arith.constant 8.731000e+03 : f32
    %min3A_11 = vector.broadcast %min3A : f32 to vector<16xf32>
    %min3A_12 = arith.minimumf %mul3A_10, %min3A_11 : vector<16xf32>
    %swap3A = arith.constant 0 : index
    %swap3A_13 = tpu.vector_load %arg7[%swap3A] {strides = array<i32>} : memref<256xf32, #tpu.memory_space<vmem>>, vector<16xf32>,
    tpu.vector_store %arg7[%swap3A], %broadcast_in_dim3A_5 {strides = array<i32>} : memref<256xf32, #tpu.memory_space<vmem>>, vector<16xf32>,
    %swap3A_14 = arith.constant 16 : index
    %swap3A_15 = tpu.vector_load %arg7[%swap3A_14] {strides = array<i32>} : memref<256xf32, #tpu.memory_space<vmem>>, vector<16xf32>,
    tpu.vector_store %arg7[%swap3A_14], %broadcast_in_dim3A_5 {strides = array<i32>} : memref<256xf32, #tpu.memory_space<vmem>>, vector<16xf32>,
    %swap3A_16 = arith.constant 32 : index
    %swap3A_17 = tpu.vector_load %arg7[%swap3A_16] {strides = array<i32>} : memref<256xf32, #tpu.memory_space<vmem>>, vector<16xf32>,
    tpu.vector_store %arg7[%swap3A_16], %broadcast_in_dim3A_5 {strides = array<i32>} : memref<256xf32, #tpu.memory_space<vmem>>, vector<16xf32>,
    %swap3A_18 = arith.constant 48 : index
    %swap3A_19 = tpu.vector_load %arg7[%swap3A_18] {strides = array<i32>} : memref<256xf32, #tpu.memory_space<vmem>>, vector<16xf32>,
    tpu.vector_store %arg7[%swap3A_18], %broadcast_in_dim3A_5 {strides = array<i32>} : memref<256xf32, #tpu.memory_space<vmem>>, vector<16xf32>,
    %swap3A_20 = arith.constant 64 : index
    %swap3A_21 = tpu.vector_load %arg7[%swap3A_20] {strides = array<i32>} : memref<256xf32, #tpu.memory_space<vmem>>, vector<16xf32>,
    tpu.vector_store %arg7[%swap3A_20], %broadcast_in_dim3A_5 {strides = array<i32>} : memref<256xf32, #tpu.memory_space<vmem>>, vector<16xf32>,
    %swap3A_22 = arith.constant 80 : index
    %swap3A_23 = tpu.vector_load %arg7[%swap3A_22] {strides = array<i32>} : memref<256xf32, #tpu.memory_space<vmem>>, vector<16xf32>,
    tpu.vector_store %arg7[%swap3A_22], %broadcast_in_dim3A_5 {strides = array<i32>} : memref<256xf32, #tpu.memory_space<vmem>>, vector<16xf32>,
    %swap3A_24 = arith.constant 96 : index
    %swap3A_25 = tpu.vector_load %arg7[%swap3A_24] {strides = array<i32>} : memref<256xf32, #tpu.memory_space<vmem>>, vector<16xf32>,
    tpu.vector_store %arg7[%swap3A_24], %broadcast_in_dim3A_5 {strides = array<i32>} : memref<256xf32, #tpu.memory_space<vmem>>, vector<16xf32>,
    %swap3A_26 = arith.constant 112 : index
    %swap3A_27 = tpu.vector_load %arg7[%swap3A_26] {strides = array<i32>} : memref<256xf32, #tpu.memory_space<vmem>>, vector<16xf32>,
    tpu.vector_store %arg7[%swap3A_26], %broadcast_in_dim3A_5 {strides = array<i32>} : memref<256xf32, #tpu.memory_space<vmem>>, vector<16xf32>,
    %swap3A_28 = arith.constant 128 : index
    %swap3A_29 = tpu.vector_load %arg7[%swap3A_28] {strides = array<i32>} : memref<256xf32, #tpu.memory_space<vmem>>, vector<16xf32>,
    tpu.vector_store %arg7[%swap3A_28], %broadcast_in_dim3A_5 {strides = array<i32>} : memref<256xf32, #tpu.memory_space<vmem>>, vector<16xf32>,
    %swap3A_30 = arith.constant 144 : index
    %swap3A_31 = tpu.vector_load %arg7[%swap3A_30] {strides = array<i32>} : memref<256xf32, #tpu.memory_space<vmem>>, vector<16xf32>,
    tpu.vector_store %arg7[%swap3A_30], %broadcast_in_dim3A_5 {strides = array<i32>} : memref<256xf32, #tpu.memory_space<vmem>>, vector<16xf32>,
    %swap3A_32 = arith.constant 160 : index
    %swap3A_33 = tpu.vector_load %arg7[%swap3A_32] {strides = array<i32>} : memref<256xf32, #tpu.memory_space<vmem>>, vector<16xf32>,
    tpu.vector_store %arg7[%swap3A_32], %broadcast_in_dim3A_5 {strides = array<i32>} : memref<256xf32, #tpu.memory_space<vmem>>, vector<16xf32>,
    %swap3A_34 = arith.constant 176 : index
    %swap3A_35 = tpu.vector_load %arg7[%swap3A_34] {strides = array<i32>} : memref<256xf32, #tpu.memory_space<vmem>>, vector<16xf32>,
    tpu.vector_store %arg7[%swap3A_34], %broadcast_in_dim3A_5 {strides = array<i32>} : memref<256xf32, #tpu.memory_space<vmem>>, vector<16xf32>,
    %swap3A_36 = arith.constant 192 : index
    %swap3A_37 = tpu.vector_load %arg7[%swap3A_36] {strides = array<i32>} : memref<256xf32, #tpu.memory_space<vmem>>, vector<16xf32>,
    tpu.vector_store %arg7[%swap3A_36], %broadcast_in_dim3A_5 {strides = array<i32>} : memref<256xf32, #tpu.memory_space<vmem>>, vector<16xf32>,
    %swap3A_38 = arith.constant 208 : index
    %swap3A_39 = tpu.vector_load %arg7[%swap3A_38] {strides = array<i32>} : memref<256xf32, #tpu.memory_space<vmem>>, vector<16xf32>,
    tpu.vector_store %arg7[%swap3A_38], %broadcast_in_dim3A_5 {strides = array<i32>} : memref<256xf32, #tpu.memory_space<vmem>>, vector<16xf32>,
    %swap3A_40 = arith.constant 224 : index
    %swap3A_41 = tpu.vector_load %arg7[%swap3A_40] {strides = array<i32>} : memref<256xf32, #tpu.memory_space<vmem>>, vector<16xf32>,
    tpu.vector_store %arg7[%swap3A_40], %broadcast_in_dim3A_5 {strides = array<i32>} : memref<256xf32, #tpu.memory_space<vmem>>, vector<16xf32>,
    %swap3A_42 = arith.constant 240 : index
    %swap3A_43 = tpu.vector_load %arg7[%swap3A_42] {strides = array<i32>} : memref<256xf32, #tpu.memory_space<vmem>>, vector<16xf32>,
    tpu.vector_store %arg7[%swap3A_42], %broadcast_in_dim3A_5 {strides = array<i32>} : memref<256xf32, #tpu.memory_space<vmem>>, vector<16xf32>,
    %shift_right_arithmetic3A = arith.constant 31 : i32
    %shift_right_arithmetic3A_44 = vector.broadcast %shift_right_arithmetic3A : i32 to vector<16xi32>
    %shift_right_arithmetic3A_45 = arith.shrsi %broadcast_in_dim3A_1, %shift_right_arithmetic3A_44 : vector<16xi32>
    %parallel_loop3A = arith.constant 0 : i32
    %parallel_loop3A_46 = arith.constant 576 : i32
    %parallel_loop3A_47 = arith.constant 1 : i32
    %parallel_loop3A_48 = arith.constant 255 : i32
    scf.for %parallel_loop3A_1766 = %parallel_loop3A to %parallel_loop3A_46 step %parallel_loop3A_47  : i32 {
      %parallel_loop3A_1767 = arith.constant 16 : i32
      %parallel_loop3A_1768 = arith.muli %parallel_loop3A_1766, %parallel_loop3A_1767 : i32
      %parallel_loop3A_1769 = arith.index_cast %parallel_loop3A_1768 : i32 to index
      %parallel_loop3A_1770 = tpu.vector_load %arg5[%parallel_loop3A_1769] {strides = array<i32>} : memref<9216xf32, #tpu.memory_space<vmem>>, vector<16xf32>,
      %parallel_loop3A_1771 = vector.bitcast %parallel_loop3A_1770 : vector<16xf32> to vector<16xi32>
      %parallel_loop3A_1772 = arith.constant 23 : i32
      %parallel_loop3A_1773 = vector.broadcast %parallel_loop3A_1772 : i32 to vector<16xi32>
      %parallel_loop3A_1774 = arith.shrsi %parallel_loop3A_1771, %parallel_loop3A_1773 : vector<16xi32>
      %parallel_loop3A_1775 = vector.broadcast %parallel_loop3A_48 : i32 to vector<16xi32>
      %parallel_loop3A_1776 = arith.andi %parallel_loop3A_1774, %parallel_loop3A_1775 : vector<16xi32>
      tpu.vector_store_idx %arg7[%parallel_loop3A_1776], %broadcast_in_dim3A_3 {add = true} : memref<256xf32, #tpu.memory_space<vmem>>[vector<16xi32>], vector<16xf32>,
    } {sc.loop_unroll_factor = 8 : i64, sc.parallel_access}
    %get3A = arith.constant 240 : index
    %get3A_49 = tpu.vector_load %arg7[%get3A] {strides = array<i32>} : memref<256xf32, #tpu.memory_space<vmem>>, vector<16xf32>,
    %rev3A = arith.constant 15 : i32
    %rev3A_50 = vector.broadcast %rev3A : i32 to vector<16xi32>
    %rev3A_51 = tpu.iota {dimensions = array<i32: 0>} : vector<16xi32>
    %rev3A_52 = arith.subi %rev3A_50, %rev3A_51 : vector<16xi32>
    %rev3A_53 = tpu.dynamic_gather %get3A_49[%rev3A_52] in [0] : vector<16xf32>, vector<16xi32> -> vector<16xf32>
    %broadcast_in_dim3A_54 = arith.constant true
    %broadcast_in_dim3A_55 = vector.broadcast %broadcast_in_dim3A_54 : i1 to vector<16xi1>
    %masked_cumsum3A = tpu.scan <sum>, %rev3A_53 masked %broadcast_in_dim3A_55 : vector<16xf32>, vector<16xi1> -> vector<16xf32>
    %rev3A_56 = arith.constant 15 : i32
    %rev3A_57 = vector.broadcast %rev3A_56 : i32 to vector<16xi32>
    %rev3A_58 = tpu.iota {dimensions = array<i32: 0>} : vector<16xi32>
    %rev3A_59 = arith.subi %rev3A_57, %rev3A_58 : vector<16xi32>
    %rev3A_60 = tpu.dynamic_gather %masked_cumsum3A[%rev3A_59] in [0] : vector<16xf32>, vector<16xi32> -> vector<16xf32>
    %add3A_61 = arith.addf %rev3A_60, %broadcast_in_dim3A_5 : vector<16xf32>
    %swap3A_62 = arith.constant 240 : index
    %swap3A_63 = tpu.vector_load %arg8[%swap3A_62] {strides = array<i32>} : memref<256xf32, #tpu.memory_space<vmem>>, vector<16xf32>,
    tpu.vector_store %arg8[%swap3A_62], %add3A_61 {strides = array<i32>} : memref<256xf32, #tpu.memory_space<vmem>>, vector<16xf32>,
    %ge3A = arith.cmpf oge, %add3A_61, %min3A_12 : vector<16xf32>
    %all_reduce_population_count3A = tpu.all_reduce %ge3A {dim = 0 : i64, kind = #tpu.reduction_kind<sum>} : vector<16xi1> -> vector<16xi32>
    %add3A_64 = arith.addi %broadcast_in_dim3A_1, %all_reduce_population_count3A : vector<16xi32>
    %broadcast_in_dim3A_65 = arith.constant 240 : i32
    %broadcast_in_dim3A_66 = vector.broadcast %broadcast_in_dim3A_65 : i32 to vector<16xi32>
    %gather3A_67 = tpu.vector_load_idx %arg8[%broadcast_in_dim3A_66] : memref<256xf32, #tpu.memory_space<vmem>>[vector<16xi32>], vector<16xf32>,
    %get3A_68 = arith.constant 224 : index
    %get3A_69 = tpu.vector_load %arg7[%get3A_68] {strides = array<i32>} : memref<256xf32, #tpu.memory_space<vmem>>, vector<16xf32>,
    %rev3A_70 = arith.constant 15 : i32
    %rev3A_71 = vector.broadcast %rev3A_70 : i32 to vector<16xi32>
    %rev3A_72 = tpu.iota {dimensions = array<i32: 0>} : vector<16xi32>
    %rev3A_73 = arith.subi %rev3A_71, %rev3A_72 : vector<16xi32>
    %rev3A_74 = tpu.dynamic_gather %get3A_69[%rev3A_73] in [0] : vector<16xf32>, vector<16xi32> -> vector<16xf32>
    %broadcast_in_dim3A_75 = arith.constant true
    %broadcast_in_dim3A_76 = vector.broadcast %broadcast_in_dim3A_75 : i1 to vector<16xi1>
    %masked_cumsum3A_77 = tpu.scan <sum>, %rev3A_74 masked %broadcast_in_dim3A_76 : vector<16xf32>, vector<16xi1> -> vector<16xf32>
    %rev3A_78 = arith.constant 15 : i32
    %rev3A_79 = vector.broadcast %rev3A_78 : i32 to vector<16xi32>
    %rev3A_80 = tpu.iota {dimensions = array<i32: 0>} : vector<16xi32>
    %rev3A_81 = arith.subi %rev3A_79, %rev3A_80 : vector<16xi32>
    %rev3A_82 = tpu.dynamic_gather %masked_cumsum3A_77[%rev3A_81] in [0] : vector<16xf32>, vector<16xi32> -> vector<16xf32>
    %add3A_83 = arith.addf %rev3A_82, %gather3A_67 : vector<16xf32>
    %swap3A_84 = arith.constant 224 : index
    %swap3A_85 = tpu.vector_load %arg8[%swap3A_84] {strides = array<i32>} : memref<256xf32, #tpu.memory_space<vmem>>, vector<16xf32>,
    tpu.vector_store %arg8[%swap3A_84], %add3A_83 {strides = array<i32>} : memref<256xf32, #tpu.memory_space<vmem>>, vector<16xf32>,
    %ge3A_86 = arith.cmpf oge, %add3A_83, %min3A_12 : vector<16xf32>
    %all_reduce_population_count3A_87 = tpu.all_reduce %ge3A_86 {dim = 0 : i64, kind = #tpu.reduction_kind<sum>} : vector<16xi1> -> vector<16xi32>
    %add3A_88 = arith.addi %add3A_64, %all_reduce_population_count3A_87 : vector<16xi32>
    %broadcast_in_dim3A_89 = arith.constant 224 : i32
    %broadcast_in_dim3A_90 = vector.broadcast %broadcast_in_dim3A_89 : i32 to vector<16xi32>
    %gather3A_91 = tpu.vector_load_idx %arg8[%broadcast_in_dim3A_90] : memref<256xf32, #tpu.memory_space<vmem>>[vector<16xi32>], vector<16xf32>,
    %get3A_92 = arith.constant 208 : index
    %get3A_93 = tpu.vector_load %arg7[%get3A_92] {strides = array<i32>} : memref<256xf32, #tpu.memory_space<vmem>>, vector<16xf32>,
    %rev3A_94 = arith.constant 15 : i32
    %rev3A_95 = vector.broadcast %rev3A_94 : i32 to vector<16xi32>
    %rev3A_96 = tpu.iota {dimensions = array<i32: 0>} : vector<16xi32>
    %rev3A_97 = arith.subi %rev3A_95, %rev3A_96 : vector<16xi32>
    %rev3A_98 = tpu.dynamic_gather %get3A_93[%rev3A_97] in [0] : vector<16xf32>, vector<16xi32> -> vector<16xf32>
    %broadcast_in_dim3A_99 = arith.constant true
    %broadcast_in_dim3A_100 = vector.broadcast %broadcast_in_dim3A_99 : i1 to vector<16xi1>
    %masked_cumsum3A_101 = tpu.scan <sum>, %rev3A_98 masked %broadcast_in_dim3A_100 : vector<16xf32>, vector<16xi1> -> vector<16xf32>
    %rev3A_102 = arith.constant 15 : i32
    %rev3A_103 = vector.broadcast %rev3A_102 : i32 to vector<16xi32>
    %rev3A_104 = tpu.iota {dimensions = array<i32: 0>} : vector<16xi32>
    %rev3A_105 = arith.subi %rev3A_103, %rev3A_104 : vector<16xi32>
    %rev3A_106 = tpu.dynamic_gather %masked_cumsum3A_101[%rev3A_105] in [0] : vector<16xf32>, vector<16xi32> -> vector<16xf32>
    %add3A_107 = arith.addf %rev3A_106, %gather3A_91 : vector<16xf32>
    %swap3A_108 = arith.constant 208 : index
    %swap3A_109 = tpu.vector_load %arg8[%swap3A_108] {strides = array<i32>} : memref<256xf32, #tpu.memory_space<vmem>>, vector<16xf32>,
    tpu.vector_store %arg8[%swap3A_108], %add3A_107 {strides = array<i32>} : memref<256xf32, #tpu.memory_space<vmem>>, vector<16xf32>,
    %ge3A_110 = arith.cmpf oge, %add3A_107, %min3A_12 : vector<16xf32>
    %all_reduce_population_count3A_111 = tpu.all_reduce %ge3A_110 {dim = 0 : i64, kind = #tpu.reduction_kind<sum>} : vector<16xi1> -> vector<16xi32>
    %add3A_112 = arith.addi %add3A_88, %all_reduce_population_count3A_111 : vector<16xi32>
    %broadcast_in_dim3A_113 = arith.constant 208 : i32
    %broadcast_in_dim3A_114 = vector.broadcast %broadcast_in_dim3A_113 : i32 to vector<16xi32>
    %gather3A_115 = tpu.vector_load_idx %arg8[%broadcast_in_dim3A_114] : memref<256xf32, #tpu.memory_space<vmem>>[vector<16xi32>], vector<16xf32>,
    %get3A_116 = arith.constant 192 : index
    %get3A_117 = tpu.vector_load %arg7[%get3A_116] {strides = array<i32>} : memref<256xf32, #tpu.memory_space<vmem>>, vector<16xf32>,
    %rev3A_118 = arith.constant 15 : i32
    %rev3A_119 = vector.broadcast %rev3A_118 : i32 to vector<16xi32>
    %rev3A_120 = tpu.iota {dimensions = array<i32: 0>} : vector<16xi32>
    %rev3A_121 = arith.subi %rev3A_119, %rev3A_120 : vector<16xi32>
    %rev3A_122 = tpu.dynamic_gather %get3A_117[%rev3A_121] in [0] : vector<16xf32>, vector<16xi32> -> vector<16xf32>
    %broadcast_in_dim3A_123 = arith.constant true
    %broadcast_in_dim3A_124 = vector.broadcast %broadcast_in_dim3A_123 : i1 to vector<16xi1>
    %masked_cumsum3A_125 = tpu.scan <sum>, %rev3A_122 masked %broadcast_in_dim3A_124 : vector<16xf32>, vector<16xi1> -> vector<16xf32>
    %rev3A_126 = arith.constant 15 : i32
    %rev3A_127 = vector.broadcast %rev3A_126 : i32 to vector<16xi32>
    %rev3A_128 = tpu.iota {dimensions = array<i32: 0>} : vector<16xi32>
    %rev3A_129 = arith.subi %rev3A_127, %rev3A_128 : vector<16xi32>
    %rev3A_130 = tpu.dynamic_gather %masked_cumsum3A_125[%rev3A_129] in [0] : vector<16xf32>, vector<16xi32> -> vector<16xf32>
    %add3A_131 = arith.addf %rev3A_130, %gather3A_115 : vector<16xf32>
    %swap3A_132 = arith.constant 192 : index
    %swap3A_133 = tpu.vector_load %arg8[%swap3A_132] {strides = array<i32>} : memref<256xf32, #tpu.memory_space<vmem>>, vector<16xf32>,
    tpu.vector_store %arg8[%swap3A_132], %add3A_131 {strides = array<i32>} : memref<256xf32, #tpu.memory_space<vmem>>, vector<16xf32>,
    %ge3A_134 = arith.cmpf oge, %add3A_131, %min3A_12 : vector<16xf32>
    %all_reduce_population_count3A_135 = tpu.all_reduce %ge3A_134 {dim = 0 : i64, kind = #tpu.reduction_kind<sum>} : vector<16xi1> -> vector<16xi32>
    %add3A_136 = arith.addi %add3A_112, %all_reduce_population_count3A_135 : vector<16xi32>
    %broadcast_in_dim3A_137 = arith.constant 192 : i32
    %broadcast_in_dim3A_138 = vector.broadcast %broadcast_in_dim3A_137 : i32 to vector<16xi32>
    %gather3A_139 = tpu.vector_load_idx %arg8[%broadcast_in_dim3A_138] : memref<256xf32, #tpu.memory_space<vmem>>[vector<16xi32>], vector<16xf32>,
    %get3A_140 = arith.constant 176 : index
    %get3A_141 = tpu.vector_load %arg7[%get3A_140] {strides = array<i32>} : memref<256xf32, #tpu.memory_space<vmem>>, vector<16xf32>,
    %rev3A_142 = arith.constant 15 : i32
    %rev3A_143 = vector.broadcast %rev3A_142 : i32 to vector<16xi32>
    %rev3A_144 = tpu.iota {dimensions = array<i32: 0>} : vector<16xi32>
    %rev3A_145 = arith.subi %rev3A_143, %rev3A_144 : vector<16xi32>
    %rev3A_146 = tpu.dynamic_gather %get3A_141[%rev3A_145] in [0] : vector<16xf32>, vector<16xi32> -> vector<16xf32>
    %broadcast_in_dim3A_147 = arith.constant true
    %broadcast_in_dim3A_148 = vector.broadcast %broadcast_in_dim3A_147 : i1 to vector<16xi1>
    %masked_cumsum3A_149 = tpu.scan <sum>, %rev3A_146 masked %broadcast_in_dim3A_148 : vector<16xf32>, vector<16xi1> -> vector<16xf32>
    %rev3A_150 = arith.constant 15 : i32
    %rev3A_151 = vector.broadcast %rev3A_150 : i32 to vector<16xi32>
    %rev3A_152 = tpu.iota {dimensions = array<i32: 0>} : vector<16xi32>
    %rev3A_153 = arith.subi %rev3A_151, %rev3A_152 : vector<16xi32>
    %rev3A_154 = tpu.dynamic_gather %masked_cumsum3A_149[%rev3A_153] in [0] : vector<16xf32>, vector<16xi32> -> vector<16xf32>
    %add3A_155 = arith.addf %rev3A_154, %gather3A_139 : vector<16xf32>
    %swap3A_156 = arith.constant 176 : index
    %swap3A_157 = tpu.vector_load %arg8[%swap3A_156] {strides = array<i32>} : memref<256xf32, #tpu.memory_space<vmem>>, vector<16xf32>,
    tpu.vector_store %arg8[%swap3A_156], %add3A_155 {strides = array<i32>} : memref<256xf32, #tpu.memory_space<vmem>>, vector<16xf32>,
    %ge3A_158 = arith.cmpf oge, %add3A_155, %min3A_12 : vector<16xf32>
    %all_reduce_population_count3A_159 = tpu.all_reduce %ge3A_158 {dim = 0 : i64, kind = #tpu.reduction_kind<sum>} : vector<16xi1> -> vector<16xi32>
    %add3A_160 = arith.addi %add3A_136, %all_reduce_population_count3A_159 : vector<16xi32>
    %broadcast_in_dim3A_161 = arith.constant 176 : i32
    %broadcast_in_dim3A_162 = vector.broadcast %broadcast_in_dim3A_161 : i32 to vector<16xi32>
    %gather3A_163 = tpu.vector_load_idx %arg8[%broadcast_in_dim3A_162] : memref<256xf32, #tpu.memory_space<vmem>>[vector<16xi32>], vector<16xf32>,
    %get3A_164 = arith.constant 160 : index
    %get3A_165 = tpu.vector_load %arg7[%get3A_164] {strides = array<i32>} : memref<256xf32, #tpu.memory_space<vmem>>, vector<16xf32>,
    %rev3A_166 = arith.constant 15 : i32
    %rev3A_167 = vector.broadcast %rev3A_166 : i32 to vector<16xi32>
    %rev3A_168 = tpu.iota {dimensions = array<i32: 0>} : vector<16xi32>
    %rev3A_169 = arith.subi %rev3A_167, %rev3A_168 : vector<16xi32>
    %rev3A_170 = tpu.dynamic_gather %get3A_165[%rev3A_169] in [0] : vector<16xf32>, vector<16xi32> -> vector<16xf32>
    %broadcast_in_dim3A_171 = arith.constant true
    %broadcast_in_dim3A_172 = vector.broadcast %broadcast_in_dim3A_171 : i1 to vector<16xi1>
    %masked_cumsum3A_173 = tpu.scan <sum>, %rev3A_170 masked %broadcast_in_dim3A_172 : vector<16xf32>, vector<16xi1> -> vector<16xf32>
    %rev3A_174 = arith.constant 15 : i32
    %rev3A_175 = vector.broadcast %rev3A_174 : i32 to vector<16xi32>
    %rev3A_176 = tpu.iota {dimensions = array<i32: 0>} : vector<16xi32>
    %rev3A_177 = arith.subi %rev3A_175, %rev3A_176 : vector<16xi32>
    %rev3A_178 = tpu.dynamic_gather %masked_cumsum3A_173[%rev3A_177] in [0] : vector<16xf32>, vector<16xi32> -> vector<16xf32>
    %add3A_179 = arith.addf %rev3A_178, %gather3A_163 : vector<16xf32>
    %swap3A_180 = arith.constant 160 : index
    %swap3A_181 = tpu.vector_load %arg8[%swap3A_180] {strides = array<i32>} : memref<256xf32, #tpu.memory_space<vmem>>, vector<16xf32>,
    tpu.vector_store %arg8[%swap3A_180], %add3A_179 {strides = array<i32>} : memref<256xf32, #tpu.memory_space<vmem>>, vector<16xf32>,
    %ge3A_182 = arith.cmpf oge, %add3A_179, %min3A_12 : vector<16xf32>
    %all_reduce_population_count3A_183 = tpu.all_reduce %ge3A_182 {dim = 0 : i64, kind = #tpu.reduction_kind<sum>} : vector<16xi1> -> vector<16xi32>
    %add3A_184 = arith.addi %add3A_160, %all_reduce_population_count3A_183 : vector<16xi32>
    %broadcast_in_dim3A_185 = arith.constant 160 : i32
    %broadcast_in_dim3A_186 = vector.broadcast %broadcast_in_dim3A_185 : i32 to vector<16xi32>
    %gather3A_187 = tpu.vector_load_idx %arg8[%broadcast_in_dim3A_186] : memref<256xf32, #tpu.memory_space<vmem>>[vector<16xi32>], vector<16xf32>,
    %get3A_188 = arith.constant 144 : index
    %get3A_189 = tpu.vector_load %arg7[%get3A_188] {strides = array<i32>} : memref<256xf32, #tpu.memory_space<vmem>>, vector<16xf32>,
    %rev3A_190 = arith.constant 15 : i32
    %rev3A_191 = vector.broadcast %rev3A_190 : i32 to vector<16xi32>
    %rev3A_192 = tpu.iota {dimensions = array<i32: 0>} : vector<16xi32>
    %rev3A_193 = arith.subi %rev3A_191, %rev3A_192 : vector<16xi32>
    %rev3A_194 = tpu.dynamic_gather %get3A_189[%rev3A_193] in [0] : vector<16xf32>, vector<16xi32> -> vector<16xf32>
    %broadcast_in_dim3A_195 = arith.constant true
    %broadcast_in_dim3A_196 = vector.broadcast %broadcast_in_dim3A_195 : i1 to vector<16xi1>
    %masked_cumsum3A_197 = tpu.scan <sum>, %rev3A_194 masked %broadcast_in_dim3A_196 : vector<16xf32>, vector<16xi1> -> vector<16xf32>
    %rev3A_198 = arith.constant 15 : i32
    %rev3A_199 = vector.broadcast %rev3A_198 : i32 to vector<16xi32>
    %rev3A_200 = tpu.iota {dimensions = array<i32: 0>} : vector<16xi32>
    %rev3A_201 = arith.subi %rev3A_199, %rev3A_200 : vector<16xi32>
    %rev3A_202 = tpu.dynamic_gather %masked_cumsum3A_197[%rev3A_201] in [0] : vector<16xf32>, vector<16xi32> -> vector<16xf32>
    %add3A_203 = arith.addf %rev3A_202, %gather3A_187 : vector<16xf32>
    %swap3A_204 = arith.constant 144 : index
    %swap3A_205 = tpu.vector_load %arg8[%swap3A_204] {strides = array<i32>} : memref<256xf32, #tpu.memory_space<vmem>>, vector<16xf32>,
    tpu.vector_store %arg8[%swap3A_204], %add3A_203 {strides = array<i32>} : memref<256xf32, #tpu.memory_space<vmem>>, vector<16xf32>,
    %ge3A_206 = arith.cmpf oge, %add3A_203, %min3A_12 : vector<16xf32>
    %all_reduce_population_count3A_207 = tpu.all_reduce %ge3A_206 {dim = 0 : i64, kind = #tpu.reduction_kind<sum>} : vector<16xi1> -> vector<16xi32>
    %add3A_208 = arith.addi %add3A_184, %all_reduce_population_count3A_207 : vector<16xi32>
    %broadcast_in_dim3A_209 = arith.constant 144 : i32
    %broadcast_in_dim3A_210 = vector.broadcast %broadcast_in_dim3A_209 : i32 to vector<16xi32>
    %gather3A_211 = tpu.vector_load_idx %arg8[%broadcast_in_dim3A_210] : memref<256xf32, #tpu.memory_space<vmem>>[vector<16xi32>], vector<16xf32>,
    %get3A_212 = arith.constant 128 : index
    %get3A_213 = tpu.vector_load %arg7[%get3A_212] {strides = array<i32>} : memref<256xf32, #tpu.memory_space<vmem>>, vector<16xf32>,
    %rev3A_214 = arith.constant 15 : i32
    %rev3A_215 = vector.broadcast %rev3A_214 : i32 to vector<16xi32>
    %rev3A_216 = tpu.iota {dimensions = array<i32: 0>} : vector<16xi32>
    %rev3A_217 = arith.subi %rev3A_215, %rev3A_216 : vector<16xi32>
    %rev3A_218 = tpu.dynamic_gather %get3A_213[%rev3A_217] in [0] : vector<16xf32>, vector<16xi32> -> vector<16xf32>
    %broadcast_in_dim3A_219 = arith.constant true
    %broadcast_in_dim3A_220 = vector.broadcast %broadcast_in_dim3A_219 : i1 to vector<16xi1>
    %masked_cumsum3A_221 = tpu.scan <sum>, %rev3A_218 masked %broadcast_in_dim3A_220 : vector<16xf32>, vector<16xi1> -> vector<16xf32>
    %rev3A_222 = arith.constant 15 : i32
    %rev3A_223 = vector.broadcast %rev3A_222 : i32 to vector<16xi32>
    %rev3A_224 = tpu.iota {dimensions = array<i32: 0>} : vector<16xi32>
    %rev3A_225 = arith.subi %rev3A_223, %rev3A_224 : vector<16xi32>
    %rev3A_226 = tpu.dynamic_gather %masked_cumsum3A_221[%rev3A_225] in [0] : vector<16xf32>, vector<16xi32> -> vector<16xf32>
    %add3A_227 = arith.addf %rev3A_226, %gather3A_211 : vector<16xf32>
    %swap3A_228 = arith.constant 128 : index
    %swap3A_229 = tpu.vector_load %arg8[%swap3A_228] {strides = array<i32>} : memref<256xf32, #tpu.memory_space<vmem>>, vector<16xf32>,
    tpu.vector_store %arg8[%swap3A_228], %add3A_227 {strides = array<i32>} : memref<256xf32, #tpu.memory_space<vmem>>, vector<16xf32>,
    %ge3A_230 = arith.cmpf oge, %add3A_227, %min3A_12 : vector<16xf32>
    %all_reduce_population_count3A_231 = tpu.all_reduce %ge3A_230 {dim = 0 : i64, kind = #tpu.reduction_kind<sum>} : vector<16xi1> -> vector<16xi32>
    %add3A_232 = arith.addi %add3A_208, %all_reduce_population_count3A_231 : vector<16xi32>
    %broadcast_in_dim3A_233 = arith.constant 128 : i32
    %broadcast_in_dim3A_234 = vector.broadcast %broadcast_in_dim3A_233 : i32 to vector<16xi32>
    %gather3A_235 = tpu.vector_load_idx %arg8[%broadcast_in_dim3A_234] : memref<256xf32, #tpu.memory_space<vmem>>[vector<16xi32>], vector<16xf32>,
    %get3A_236 = arith.constant 112 : index
    %get3A_237 = tpu.vector_load %arg7[%get3A_236] {strides = array<i32>} : memref<256xf32, #tpu.memory_space<vmem>>, vector<16xf32>,
    %rev3A_238 = arith.constant 15 : i32
    %rev3A_239 = vector.broadcast %rev3A_238 : i32 to vector<16xi32>
    %rev3A_240 = tpu.iota {dimensions = array<i32: 0>} : vector<16xi32>
    %rev3A_241 = arith.subi %rev3A_239, %rev3A_240 : vector<16xi32>
    %rev3A_242 = tpu.dynamic_gather %get3A_237[%rev3A_241] in [0] : vector<16xf32>, vector<16xi32> -> vector<16xf32>
    %broadcast_in_dim3A_243 = arith.constant true
    %broadcast_in_dim3A_244 = vector.broadcast %broadcast_in_dim3A_243 : i1 to vector<16xi1>
    %masked_cumsum3A_245 = tpu.scan <sum>, %rev3A_242 masked %broadcast_in_dim3A_244 : vector<16xf32>, vector<16xi1> -> vector<16xf32>
    %rev3A_246 = arith.constant 15 : i32
    %rev3A_247 = vector.broadcast %rev3A_246 : i32 to vector<16xi32>
    %rev3A_248 = tpu.iota {dimensions = array<i32: 0>} : vector<16xi32>
    %rev3A_249 = arith.subi %rev3A_247, %rev3A_248 : vector<16xi32>
    %rev3A_250 = tpu.dynamic_gather %masked_cumsum3A_245[%rev3A_249] in [0] : vector<16xf32>, vector<16xi32> -> vector<16xf32>
    %add3A_251 = arith.addf %rev3A_250, %gather3A_235 : vector<16xf32>
    %swap3A_252 = arith.constant 112 : index
    %swap3A_253 = tpu.vector_load %arg8[%swap3A_252] {strides = array<i32>} : memref<256xf32, #tpu.memory_space<vmem>>, vector<16xf32>,
    tpu.vector_store %arg8[%swap3A_252], %add3A_251 {strides = array<i32>} : memref<256xf32, #tpu.memory_space<vmem>>, vector<16xf32>,
    %ge3A_254 = arith.cmpf oge, %add3A_251, %min3A_12 : vector<16xf32>
    %all_reduce_population_count3A_255 = tpu.all_reduce %ge3A_254 {dim = 0 : i64, kind = #tpu.reduction_kind<sum>} : vector<16xi1> -> vector<16xi32>
    %add3A_256 = arith.addi %add3A_232, %all_reduce_population_count3A_255 : vector<16xi32>
    %broadcast_in_dim3A_257 = arith.constant 112 : i32
    %broadcast_in_dim3A_258 = vector.broadcast %broadcast_in_dim3A_257 : i32 to vector<16xi32>
    %gather3A_259 = tpu.vector_load_idx %arg8[%broadcast_in_dim3A_258] : memref<256xf32, #tpu.memory_space<vmem>>[vector<16xi32>], vector<16xf32>,
    %get3A_260 = arith.constant 96 : index
    %get3A_261 = tpu.vector_load %arg7[%get3A_260] {strides = array<i32>} : memref<256xf32, #tpu.memory_space<vmem>>, vector<16xf32>,
    %rev3A_262 = arith.constant 15 : i32
    %rev3A_263 = vector.broadcast %rev3A_262 : i32 to vector<16xi32>
    %rev3A_264 = tpu.iota {dimensions = array<i32: 0>} : vector<16xi32>
    %rev3A_265 = arith.subi %rev3A_263, %rev3A_264 : vector<16xi32>
    %rev3A_266 = tpu.dynamic_gather %get3A_261[%rev3A_265] in [0] : vector<16xf32>, vector<16xi32> -> vector<16xf32>
    %broadcast_in_dim3A_267 = arith.constant true
    %broadcast_in_dim3A_268 = vector.broadcast %broadcast_in_dim3A_267 : i1 to vector<16xi1>
    %masked_cumsum3A_269 = tpu.scan <sum>, %rev3A_266 masked %broadcast_in_dim3A_268 : vector<16xf32>, vector<16xi1> -> vector<16xf32>
    %rev3A_270 = arith.constant 15 : i32
    %rev3A_271 = vector.broadcast %rev3A_270 : i32 to vector<16xi32>
    %rev3A_272 = tpu.iota {dimensions = array<i32: 0>} : vector<16xi32>
    %rev3A_273 = arith.subi %rev3A_271, %rev3A_272 : vector<16xi32>
    %rev3A_274 = tpu.dynamic_gather %masked_cumsum3A_269[%rev3A_273] in [0] : vector<16xf32>, vector<16xi32> -> vector<16xf32>
    %add3A_275 = arith.addf %rev3A_274, %gather3A_259 : vector<16xf32>
    %swap3A_276 = arith.constant 96 : index
    %swap3A_277 = tpu.vector_load %arg8[%swap3A_276] {strides = array<i32>} : memref<256xf32, #tpu.memory_space<vmem>>, vector<16xf32>,
    tpu.vector_store %arg8[%swap3A_276], %add3A_275 {strides = array<i32>} : memref<256xf32, #tpu.memory_space<vmem>>, vector<16xf32>,
    %ge3A_278 = arith.cmpf oge, %add3A_275, %min3A_12 : vector<16xf32>
    %all_reduce_population_count3A_279 = tpu.all_reduce %ge3A_278 {dim = 0 : i64, kind = #tpu.reduction_kind<sum>} : vector<16xi1> -> vector<16xi32>
    %add3A_280 = arith.addi %add3A_256, %all_reduce_population_count3A_279 : vector<16xi32>
    %broadcast_in_dim3A_281 = arith.constant 96 : i32
    %broadcast_in_dim3A_282 = vector.broadcast %broadcast_in_dim3A_281 : i32 to vector<16xi32>
    %gather3A_283 = tpu.vector_load_idx %arg8[%broadcast_in_dim3A_282] : memref<256xf32, #tpu.memory_space<vmem>>[vector<16xi32>], vector<16xf32>,
    %get3A_284 = arith.constant 80 : index
    %get3A_285 = tpu.vector_load %arg7[%get3A_284] {strides = array<i32>} : memref<256xf32, #tpu.memory_space<vmem>>, vector<16xf32>,
    %rev3A_286 = arith.constant 15 : i32
    %rev3A_287 = vector.broadcast %rev3A_286 : i32 to vector<16xi32>
    %rev3A_288 = tpu.iota {dimensions = array<i32: 0>} : vector<16xi32>
    %rev3A_289 = arith.subi %rev3A_287, %rev3A_288 : vector<16xi32>
    %rev3A_290 = tpu.dynamic_gather %get3A_285[%rev3A_289] in [0] : vector<16xf32>, vector<16xi32> -> vector<16xf32>
    %broadcast_in_dim3A_291 = arith.constant true
    %broadcast_in_dim3A_292 = vector.broadcast %broadcast_in_dim3A_291 : i1 to vector<16xi1>
    %masked_cumsum3A_293 = tpu.scan <sum>, %rev3A_290 masked %broadcast_in_dim3A_292 : vector<16xf32>, vector<16xi1> -> vector<16xf32>
    %rev3A_294 = arith.constant 15 : i32
    %rev3A_295 = vector.broadcast %rev3A_294 : i32 to vector<16xi32>
    %rev3A_296 = tpu.iota {dimensions = array<i32: 0>} : vector<16xi32>
    %rev3A_297 = arith.subi %rev3A_295, %rev3A_296 : vector<16xi32>
    %rev3A_298 = tpu.dynamic_gather %masked_cumsum3A_293[%rev3A_297] in [0] : vector<16xf32>, vector<16xi32> -> vector<16xf32>
    %add3A_299 = arith.addf %rev3A_298, %gather3A_283 : vector<16xf32>
    %swap3A_300 = arith.constant 80 : index
    %swap3A_301 = tpu.vector_load %arg8[%swap3A_300] {strides = array<i32>} : memref<256xf32, #tpu.memory_space<vmem>>, vector<16xf32>,
    tpu.vector_store %arg8[%swap3A_300], %add3A_299 {strides = array<i32>} : memref<256xf32, #tpu.memory_space<vmem>>, vector<16xf32>,
    %ge3A_302 = arith.cmpf oge, %add3A_299, %min3A_12 : vector<16xf32>
    %all_reduce_population_count3A_303 = tpu.all_reduce %ge3A_302 {dim = 0 : i64, kind = #tpu.reduction_kind<sum>} : vector<16xi1> -> vector<16xi32>
    %add3A_304 = arith.addi %add3A_280, %all_reduce_population_count3A_303 : vector<16xi32>
    %broadcast_in_dim3A_305 = arith.constant 80 : i32
    %broadcast_in_dim3A_306 = vector.broadcast %broadcast_in_dim3A_305 : i32 to vector<16xi32>
    %gather3A_307 = tpu.vector_load_idx %arg8[%broadcast_in_dim3A_306] : memref<256xf32, #tpu.memory_space<vmem>>[vector<16xi32>], vector<16xf32>,
    %get3A_308 = arith.constant 64 : index
    %get3A_309 = tpu.vector_load %arg7[%get3A_308] {strides = array<i32>} : memref<256xf32, #tpu.memory_space<vmem>>, vector<16xf32>,
    %rev3A_310 = arith.constant 15 : i32
    %rev3A_311 = vector.broadcast %rev3A_310 : i32 to vector<16xi32>
    %rev3A_312 = tpu.iota {dimensions = array<i32: 0>} : vector<16xi32>
    %rev3A_313 = arith.subi %rev3A_311, %rev3A_312 : vector<16xi32>
    %rev3A_314 = tpu.dynamic_gather %get3A_309[%rev3A_313] in [0] : vector<16xf32>, vector<16xi32> -> vector<16xf32>
    %broadcast_in_dim3A_315 = arith.constant true
    %broadcast_in_dim3A_316 = vector.broadcast %broadcast_in_dim3A_315 : i1 to vector<16xi1>
    %masked_cumsum3A_317 = tpu.scan <sum>, %rev3A_314 masked %broadcast_in_dim3A_316 : vector<16xf32>, vector<16xi1> -> vector<16xf32>
    %rev3A_318 = arith.constant 15 : i32
    %rev3A_319 = vector.broadcast %rev3A_318 : i32 to vector<16xi32>
    %rev3A_320 = tpu.iota {dimensions = array<i32: 0>} : vector<16xi32>
    %rev3A_321 = arith.subi %rev3A_319, %rev3A_320 : vector<16xi32>
    %rev3A_322 = tpu.dynamic_gather %masked_cumsum3A_317[%rev3A_321] in [0] : vector<16xf32>, vector<16xi32> -> vector<16xf32>
    %add3A_323 = arith.addf %rev3A_322, %gather3A_307 : vector<16xf32>
    %swap3A_324 = arith.constant 64 : index
    %swap3A_325 = tpu.vector_load %arg8[%swap3A_324] {strides = array<i32>} : memref<256xf32, #tpu.memory_space<vmem>>, vector<16xf32>,
    tpu.vector_store %arg8[%swap3A_324], %add3A_323 {strides = array<i32>} : memref<256xf32, #tpu.memory_space<vmem>>, vector<16xf32>,
    %ge3A_326 = arith.cmpf oge, %add3A_323, %min3A_12 : vector<16xf32>
    %all_reduce_population_count3A_327 = tpu.all_reduce %ge3A_326 {dim = 0 : i64, kind = #tpu.reduction_kind<sum>} : vector<16xi1> -> vector<16xi32>
    %add3A_328 = arith.addi %add3A_304, %all_reduce_population_count3A_327 : vector<16xi32>
    %broadcast_in_dim3A_329 = arith.constant 64 : i32
    %broadcast_in_dim3A_330 = vector.broadcast %broadcast_in_dim3A_329 : i32 to vector<16xi32>
    %gather3A_331 = tpu.vector_load_idx %arg8[%broadcast_in_dim3A_330] : memref<256xf32, #tpu.memory_space<vmem>>[vector<16xi32>], vector<16xf32>,
    %get3A_332 = arith.constant 48 : index
    %get3A_333 = tpu.vector_load %arg7[%get3A_332] {strides = array<i32>} : memref<256xf32, #tpu.memory_space<vmem>>, vector<16xf32>,
    %rev3A_334 = arith.constant 15 : i32
    %rev3A_335 = vector.broadcast %rev3A_334 : i32 to vector<16xi32>
    %rev3A_336 = tpu.iota {dimensions = array<i32: 0>} : vector<16xi32>
    %rev3A_337 = arith.subi %rev3A_335, %rev3A_336 : vector<16xi32>
    %rev3A_338 = tpu.dynamic_gather %get3A_333[%rev3A_337] in [0] : vector<16xf32>, vector<16xi32> -> vector<16xf32>
    %broadcast_in_dim3A_339 = arith.constant true
    %broadcast_in_dim3A_340 = vector.broadcast %broadcast_in_dim3A_339 : i1 to vector<16xi1>
    %masked_cumsum3A_341 = tpu.scan <sum>, %rev3A_338 masked %broadcast_in_dim3A_340 : vector<16xf32>, vector<16xi1> -> vector<16xf32>
    %rev3A_342 = arith.constant 15 : i32
    %rev3A_343 = vector.broadcast %rev3A_342 : i32 to vector<16xi32>
    %rev3A_344 = tpu.iota {dimensions = array<i32: 0>} : vector<16xi32>
    %rev3A_345 = arith.subi %rev3A_343, %rev3A_344 : vector<16xi32>
    %rev3A_346 = tpu.dynamic_gather %masked_cumsum3A_341[%rev3A_345] in [0] : vector<16xf32>, vector<16xi32> -> vector<16xf32>
    %add3A_347 = arith.addf %rev3A_346, %gather3A_331 : vector<16xf32>
    %swap3A_348 = arith.constant 48 : index
    %swap3A_349 = tpu.vector_load %arg8[%swap3A_348] {strides = array<i32>} : memref<256xf32, #tpu.memory_space<vmem>>, vector<16xf32>,
    tpu.vector_store %arg8[%swap3A_348], %add3A_347 {strides = array<i32>} : memref<256xf32, #tpu.memory_space<vmem>>, vector<16xf32>,
    %ge3A_350 = arith.cmpf oge, %add3A_347, %min3A_12 : vector<16xf32>
    %all_reduce_population_count3A_351 = tpu.all_reduce %ge3A_350 {dim = 0 : i64, kind = #tpu.reduction_kind<sum>} : vector<16xi1> -> vector<16xi32>
    %add3A_352 = arith.addi %add3A_328, %all_reduce_population_count3A_351 : vector<16xi32>
    %broadcast_in_dim3A_353 = arith.constant 48 : i32
    %broadcast_in_dim3A_354 = vector.broadcast %broadcast_in_dim3A_353 : i32 to vector<16xi32>
    %gather3A_355 = tpu.vector_load_idx %arg8[%broadcast_in_dim3A_354] : memref<256xf32, #tpu.memory_space<vmem>>[vector<16xi32>], vector<16xf32>,
    %get3A_356 = arith.constant 32 : index
    %get3A_357 = tpu.vector_load %arg7[%get3A_356] {strides = array<i32>} : memref<256xf32, #tpu.memory_space<vmem>>, vector<16xf32>,
    %rev3A_358 = arith.constant 15 : i32
    %rev3A_359 = vector.broadcast %rev3A_358 : i32 to vector<16xi32>
    %rev3A_360 = tpu.iota {dimensions = array<i32: 0>} : vector<16xi32>
    %rev3A_361 = arith.subi %rev3A_359, %rev3A_360 : vector<16xi32>
    %rev3A_362 = tpu.dynamic_gather %get3A_357[%rev3A_361] in [0] : vector<16xf32>, vector<16xi32> -> vector<16xf32>
    %broadcast_in_dim3A_363 = arith.constant true
    %broadcast_in_dim3A_364 = vector.broadcast %broadcast_in_dim3A_363 : i1 to vector<16xi1>
    %masked_cumsum3A_365 = tpu.scan <sum>, %rev3A_362 masked %broadcast_in_dim3A_364 : vector<16xf32>, vector<16xi1> -> vector<16xf32>
    %rev3A_366 = arith.constant 15 : i32
    %rev3A_367 = vector.broadcast %rev3A_366 : i32 to vector<16xi32>
    %rev3A_368 = tpu.iota {dimensions = array<i32: 0>} : vector<16xi32>
    %rev3A_369 = arith.subi %rev3A_367, %rev3A_368 : vector<16xi32>
    %rev3A_370 = tpu.dynamic_gather %masked_cumsum3A_365[%rev3A_369] in [0] : vector<16xf32>, vector<16xi32> -> vector<16xf32>
    %add3A_371 = arith.addf %rev3A_370, %gather3A_355 : vector<16xf32>
    %swap3A_372 = arith.constant 32 : index
    %swap3A_373 = tpu.vector_load %arg8[%swap3A_372] {strides = array<i32>} : memref<256xf32, #tpu.memory_space<vmem>>, vector<16xf32>,
    tpu.vector_store %arg8[%swap3A_372], %add3A_371 {strides = array<i32>} : memref<256xf32, #tpu.memory_space<vmem>>, vector<16xf32>,
    %ge3A_374 = arith.cmpf oge, %add3A_371, %min3A_12 : vector<16xf32>
    %all_reduce_population_count3A_375 = tpu.all_reduce %ge3A_374 {dim = 0 : i64, kind = #tpu.reduction_kind<sum>} : vector<16xi1> -> vector<16xi32>
    %add3A_376 = arith.addi %add3A_352, %all_reduce_population_count3A_375 : vector<16xi32>
    %broadcast_in_dim3A_377 = arith.constant 32 : i32
    %broadcast_in_dim3A_378 = vector.broadcast %broadcast_in_dim3A_377 : i32 to vector<16xi32>
    %gather3A_379 = tpu.vector_load_idx %arg8[%broadcast_in_dim3A_378] : memref<256xf32, #tpu.memory_space<vmem>>[vector<16xi32>], vector<16xf32>,
    %get3A_380 = arith.constant 16 : index
    %get3A_381 = tpu.vector_load %arg7[%get3A_380] {strides = array<i32>} : memref<256xf32, #tpu.memory_space<vmem>>, vector<16xf32>,
    %rev3A_382 = arith.constant 15 : i32
    %rev3A_383 = vector.broadcast %rev3A_382 : i32 to vector<16xi32>
    %rev3A_384 = tpu.iota {dimensions = array<i32: 0>} : vector<16xi32>
    %rev3A_385 = arith.subi %rev3A_383, %rev3A_384 : vector<16xi32>
    %rev3A_386 = tpu.dynamic_gather %get3A_381[%rev3A_385] in [0] : vector<16xf32>, vector<16xi32> -> vector<16xf32>
    %broadcast_in_dim3A_387 = arith.constant true
    %broadcast_in_dim3A_388 = vector.broadcast %broadcast_in_dim3A_387 : i1 to vector<16xi1>
    %masked_cumsum3A_389 = tpu.scan <sum>, %rev3A_386 masked %broadcast_in_dim3A_388 : vector<16xf32>, vector<16xi1> -> vector<16xf32>
    %rev3A_390 = arith.constant 15 : i32
    %rev3A_391 = vector.broadcast %rev3A_390 : i32 to vector<16xi32>
    %rev3A_392 = tpu.iota {dimensions = array<i32: 0>} : vector<16xi32>
    %rev3A_393 = arith.subi %rev3A_391, %rev3A_392 : vector<16xi32>
    %rev3A_394 = tpu.dynamic_gather %masked_cumsum3A_389[%rev3A_393] in [0] : vector<16xf32>, vector<16xi32> -> vector<16xf32>
    %add3A_395 = arith.addf %rev3A_394, %gather3A_379 : vector<16xf32>
    %swap3A_396 = arith.constant 16 : index
    %swap3A_397 = tpu.vector_load %arg8[%swap3A_396] {strides = array<i32>} : memref<256xf32, #tpu.memory_space<vmem>>, vector<16xf32>,
    tpu.vector_store %arg8[%swap3A_396], %add3A_395 {strides = array<i32>} : memref<256xf32, #tpu.memory_space<vmem>>, vector<16xf32>,
    %ge3A_398 = arith.cmpf oge, %add3A_395, %min3A_12 : vector<16xf32>
    %all_reduce_population_count3A_399 = tpu.all_reduce %ge3A_398 {dim = 0 : i64, kind = #tpu.reduction_kind<sum>} : vector<16xi1> -> vector<16xi32>
    %add3A_400 = arith.addi %add3A_376, %all_reduce_population_count3A_399 : vector<16xi32>
    %broadcast_in_dim3A_401 = arith.constant 16 : i32
    %broadcast_in_dim3A_402 = vector.broadcast %broadcast_in_dim3A_401 : i32 to vector<16xi32>
    %gather3A_403 = tpu.vector_load_idx %arg8[%broadcast_in_dim3A_402] : memref<256xf32, #tpu.memory_space<vmem>>[vector<16xi32>], vector<16xf32>,
    %get3A_404 = arith.constant 0 : index
    %get3A_405 = tpu.vector_load %arg7[%get3A_404] {strides = array<i32>} : memref<256xf32, #tpu.memory_space<vmem>>, vector<16xf32>,
    %rev3A_406 = arith.constant 15 : i32
    %rev3A_407 = vector.broadcast %rev3A_406 : i32 to vector<16xi32>
    %rev3A_408 = tpu.iota {dimensions = array<i32: 0>} : vector<16xi32>
    %rev3A_409 = arith.subi %rev3A_407, %rev3A_408 : vector<16xi32>
    %rev3A_410 = tpu.dynamic_gather %get3A_405[%rev3A_409] in [0] : vector<16xf32>, vector<16xi32> -> vector<16xf32>
    %broadcast_in_dim3A_411 = arith.constant true
    %broadcast_in_dim3A_412 = vector.broadcast %broadcast_in_dim3A_411 : i1 to vector<16xi1>
    %masked_cumsum3A_413 = tpu.scan <sum>, %rev3A_410 masked %broadcast_in_dim3A_412 : vector<16xf32>, vector<16xi1> -> vector<16xf32>
    %rev3A_414 = arith.constant 15 : i32
    %rev3A_415 = vector.broadcast %rev3A_414 : i32 to vector<16xi32>
    %rev3A_416 = tpu.iota {dimensions = array<i32: 0>} : vector<16xi32>
    %rev3A_417 = arith.subi %rev3A_415, %rev3A_416 : vector<16xi32>
    %rev3A_418 = tpu.dynamic_gather %masked_cumsum3A_413[%rev3A_417] in [0] : vector<16xf32>, vector<16xi32> -> vector<16xf32>
    %add3A_419 = arith.addf %rev3A_418, %gather3A_403 : vector<16xf32>
    %swap3A_420 = arith.constant 0 : index
    %swap3A_421 = tpu.vector_load %arg8[%swap3A_420] {strides = array<i32>} : memref<256xf32, #tpu.memory_space<vmem>>, vector<16xf32>,
    tpu.vector_store %arg8[%swap3A_420], %add3A_419 {strides = array<i32>} : memref<256xf32, #tpu.memory_space<vmem>>, vector<16xf32>,
    %ge3A_422 = arith.cmpf oge, %add3A_419, %min3A_12 : vector<16xf32>
    %all_reduce_population_count3A_423 = tpu.all_reduce %ge3A_422 {dim = 0 : i64, kind = #tpu.reduction_kind<sum>} : vector<16xi1> -> vector<16xi32>
    %add3A_424 = arith.addi %add3A_400, %all_reduce_population_count3A_423 : vector<16xi32>
    %broadcast_in_dim3A_425 = arith.constant 0 : i32
    %broadcast_in_dim3A_426 = vector.broadcast %broadcast_in_dim3A_425 : i32 to vector<16xi32>
    %gather3A_427 = tpu.vector_load_idx %arg8[%broadcast_in_dim3A_426] : memref<256xf32, #tpu.memory_space<vmem>>[vector<16xi32>], vector<16xf32>,
    %sub3A = arith.constant 1 : i32
    %sub3A_428 = vector.broadcast %sub3A : i32 to vector<16xi32>
    %sub3A_429 = arith.subi %add3A_424, %sub3A_428 : vector<16xi32>
    %gather3A_430 = tpu.vector_load_idx %arg7[%sub3A_429] : memref<256xf32, #tpu.memory_space<vmem>>[vector<16xi32>], vector<16xf32>,
    %gather3A_431 = tpu.vector_load_idx %arg8[%sub3A_429] : memref<256xf32, #tpu.memory_space<vmem>>[vector<16xi32>], vector<16xf32>,
    %sub3A_432 = arith.subf %gather3A_431, %gather3A_430 : vector<16xf32>
    %sub3A_433 = arith.subf %min3A_12, %sub3A_432 : vector<16xf32>
    %shift_left3A = arith.constant 23 : i32
    %shift_left3A_434 = vector.broadcast %shift_left3A : i32 to vector<16xi32>
    %shift_left3A_435 = arith.shli %sub3A_429, %shift_left3A_434 : vector<16xi32>
    %or3A = arith.ori %broadcast_in_dim3A_1, %shift_left3A_435 : vector<16xi32>
    %swap3A_436 = arith.constant 0 : index
    %swap3A_437 = tpu.vector_load %arg7[%swap3A_436] {strides = array<i32>} : memref<256xf32, #tpu.memory_space<vmem>>, vector<16xf32>,
    tpu.vector_store %arg7[%swap3A_436], %broadcast_in_dim3A_5 {strides = array<i32>} : memref<256xf32, #tpu.memory_space<vmem>>, vector<16xf32>,
    %swap3A_438 = arith.constant 16 : index
    %swap3A_439 = tpu.vector_load %arg7[%swap3A_438] {strides = array<i32>} : memref<256xf32, #tpu.memory_space<vmem>>, vector<16xf32>,
    tpu.vector_store %arg7[%swap3A_438], %broadcast_in_dim3A_5 {strides = array<i32>} : memref<256xf32, #tpu.memory_space<vmem>>, vector<16xf32>,
    %swap3A_440 = arith.constant 32 : index
    %swap3A_441 = tpu.vector_load %arg7[%swap3A_440] {strides = array<i32>} : memref<256xf32, #tpu.memory_space<vmem>>, vector<16xf32>,
    tpu.vector_store %arg7[%swap3A_440], %broadcast_in_dim3A_5 {strides = array<i32>} : memref<256xf32, #tpu.memory_space<vmem>>, vector<16xf32>,
    %swap3A_442 = arith.constant 48 : index
    %swap3A_443 = tpu.vector_load %arg7[%swap3A_442] {strides = array<i32>} : memref<256xf32, #tpu.memory_space<vmem>>, vector<16xf32>,
    tpu.vector_store %arg7[%swap3A_442], %broadcast_in_dim3A_5 {strides = array<i32>} : memref<256xf32, #tpu.memory_space<vmem>>, vector<16xf32>,
    %swap3A_444 = arith.constant 64 : index
    %swap3A_445 = tpu.vector_load %arg7[%swap3A_444] {strides = array<i32>} : memref<256xf32, #tpu.memory_space<vmem>>, vector<16xf32>,
    tpu.vector_store %arg7[%swap3A_444], %broadcast_in_dim3A_5 {strides = array<i32>} : memref<256xf32, #tpu.memory_space<vmem>>, vector<16xf32>,
    %swap3A_446 = arith.constant 80 : index
    %swap3A_447 = tpu.vector_load %arg7[%swap3A_446] {strides = array<i32>} : memref<256xf32, #tpu.memory_space<vmem>>, vector<16xf32>,
    tpu.vector_store %arg7[%swap3A_446], %broadcast_in_dim3A_5 {strides = array<i32>} : memref<256xf32, #tpu.memory_space<vmem>>, vector<16xf32>,
    %swap3A_448 = arith.constant 96 : index
    %swap3A_449 = tpu.vector_load %arg7[%swap3A_448] {strides = array<i32>} : memref<256xf32, #tpu.memory_space<vmem>>, vector<16xf32>,
    tpu.vector_store %arg7[%swap3A_448], %broadcast_in_dim3A_5 {strides = array<i32>} : memref<256xf32, #tpu.memory_space<vmem>>, vector<16xf32>,
    %swap3A_450 = arith.constant 112 : index
    %swap3A_451 = tpu.vector_load %arg7[%swap3A_450] {strides = array<i32>} : memref<256xf32, #tpu.memory_space<vmem>>, vector<16xf32>,
    tpu.vector_store %arg7[%swap3A_450], %broadcast_in_dim3A_5 {strides = array<i32>} : memref<256xf32, #tpu.memory_space<vmem>>, vector<16xf32>,
    %swap3A_452 = arith.constant 128 : index
    %swap3A_453 = tpu.vector_load %arg7[%swap3A_452] {strides = array<i32>} : memref<256xf32, #tpu.memory_space<vmem>>, vector<16xf32>,
    tpu.vector_store %arg7[%swap3A_452], %broadcast_in_dim3A_5 {strides = array<i32>} : memref<256xf32, #tpu.memory_space<vmem>>, vector<16xf32>,
    %swap3A_454 = arith.constant 144 : index
    %swap3A_455 = tpu.vector_load %arg7[%swap3A_454] {strides = array<i32>} : memref<256xf32, #tpu.memory_space<vmem>>, vector<16xf32>,
    tpu.vector_store %arg7[%swap3A_454], %broadcast_in_dim3A_5 {strides = array<i32>} : memref<256xf32, #tpu.memory_space<vmem>>, vector<16xf32>,
    %swap3A_456 = arith.constant 160 : index
    %swap3A_457 = tpu.vector_load %arg7[%swap3A_456] {strides = array<i32>} : memref<256xf32, #tpu.memory_space<vmem>>, vector<16xf32>,
    tpu.vector_store %arg7[%swap3A_456], %broadcast_in_dim3A_5 {strides = array<i32>} : memref<256xf32, #tpu.memory_space<vmem>>, vector<16xf32>,
    %swap3A_458 = arith.constant 176 : index
    %swap3A_459 = tpu.vector_load %arg7[%swap3A_458] {strides = array<i32>} : memref<256xf32, #tpu.memory_space<vmem>>, vector<16xf32>,
    tpu.vector_store %arg7[%swap3A_458], %broadcast_in_dim3A_5 {strides = array<i32>} : memref<256xf32, #tpu.memory_space<vmem>>, vector<16xf32>,
    %swap3A_460 = arith.constant 192 : index
    %swap3A_461 = tpu.vector_load %arg7[%swap3A_460] {strides = array<i32>} : memref<256xf32, #tpu.memory_space<vmem>>, vector<16xf32>,
    tpu.vector_store %arg7[%swap3A_460], %broadcast_in_dim3A_5 {strides = array<i32>} : memref<256xf32, #tpu.memory_space<vmem>>, vector<16xf32>,
    %swap3A_462 = arith.constant 208 : index
    %swap3A_463 = tpu.vector_load %arg7[%swap3A_462] {strides = array<i32>} : memref<256xf32, #tpu.memory_space<vmem>>, vector<16xf32>,
    tpu.vector_store %arg7[%swap3A_462], %broadcast_in_dim3A_5 {strides = array<i32>} : memref<256xf32, #tpu.memory_space<vmem>>, vector<16xf32>,
    %swap3A_464 = arith.constant 224 : index
    %swap3A_465 = tpu.vector_load %arg7[%swap3A_464] {strides = array<i32>} : memref<256xf32, #tpu.memory_space<vmem>>, vector<16xf32>,
    tpu.vector_store %arg7[%swap3A_464], %broadcast_in_dim3A_5 {strides = array<i32>} : memref<256xf32, #tpu.memory_space<vmem>>, vector<16xf32>,
    %swap3A_466 = arith.constant 240 : index
    %swap3A_467 = tpu.vector_load %arg7[%swap3A_466] {strides = array<i32>} : memref<256xf32, #tpu.memory_space<vmem>>, vector<16xf32>,
    tpu.vector_store %arg7[%swap3A_466], %broadcast_in_dim3A_5 {strides = array<i32>} : memref<256xf32, #tpu.memory_space<vmem>>, vector<16xf32>,
    %shift_right_arithmetic3A_468 = arith.constant 23 : i32
    %shift_right_arithmetic3A_469 = vector.broadcast %shift_right_arithmetic3A_468 : i32 to vector<16xi32>
    %shift_right_arithmetic3A_470 = arith.shrsi %or3A, %shift_right_arithmetic3A_469 : vector<16xi32>
    %parallel_loop3A_471 = arith.constant 0 : i32
    %parallel_loop3A_472 = arith.constant 576 : i32
    %parallel_loop3A_473 = arith.constant 1 : i32
    %parallel_loop3A_474 = arith.constant 255 : i32
    scf.for %parallel_loop3A_1766 = %parallel_loop3A_471 to %parallel_loop3A_472 step %parallel_loop3A_473  : i32 {
      %parallel_loop3A_1767 = arith.constant 16 : i32
      %parallel_loop3A_1768 = arith.muli %parallel_loop3A_1766, %parallel_loop3A_1767 : i32
      %parallel_loop3A_1769 = arith.index_cast %parallel_loop3A_1768 : i32 to index
      %parallel_loop3A_1770 = tpu.vector_load %arg5[%parallel_loop3A_1769] {strides = array<i32>} : memref<9216xf32, #tpu.memory_space<vmem>>, vector<16xf32>,
      %parallel_loop3A_1771 = vector.bitcast %parallel_loop3A_1770 : vector<16xf32> to vector<16xi32>
      %parallel_loop3A_1772 = arith.constant 15 : i32
      %parallel_loop3A_1773 = vector.broadcast %parallel_loop3A_1772 : i32 to vector<16xi32>
      %parallel_loop3A_1774 = arith.shrsi %parallel_loop3A_1771, %parallel_loop3A_1773 : vector<16xi32>
      %parallel_loop3A_1775 = vector.broadcast %parallel_loop3A_474 : i32 to vector<16xi32>
      %parallel_loop3A_1776 = arith.andi %parallel_loop3A_1774, %parallel_loop3A_1775 : vector<16xi32>
      %parallel_loop3A_1777 = arith.constant 23 : i32
      %parallel_loop3A_1778 = vector.broadcast %parallel_loop3A_1777 : i32 to vector<16xi32>
      %parallel_loop3A_1779 = arith.shrsi %parallel_loop3A_1771, %parallel_loop3A_1778 : vector<16xi32>
      %parallel_loop3A_1780 = arith.cmpi eq, %parallel_loop3A_1779, %shift_right_arithmetic3A_470 : vector<16xi32>
      tpu.vector_store_idx %arg7[%parallel_loop3A_1776], %broadcast_in_dim3A_3 masked %parallel_loop3A_1780 {add = true} : memref<256xf32, #tpu.memory_space<vmem>>[vector<16xi32>], vector<16xf32>, vector<16xi1>
    } {sc.loop_unroll_factor = 8 : i64, sc.parallel_access}
    %get3A_475 = arith.constant 240 : index
    %get3A_476 = tpu.vector_load %arg7[%get3A_475] {strides = array<i32>} : memref<256xf32, #tpu.memory_space<vmem>>, vector<16xf32>,
    %rev3A_477 = arith.constant 15 : i32
    %rev3A_478 = vector.broadcast %rev3A_477 : i32 to vector<16xi32>
    %rev3A_479 = tpu.iota {dimensions = array<i32: 0>} : vector<16xi32>
    %rev3A_480 = arith.subi %rev3A_478, %rev3A_479 : vector<16xi32>
    %rev3A_481 = tpu.dynamic_gather %get3A_476[%rev3A_480] in [0] : vector<16xf32>, vector<16xi32> -> vector<16xf32>
    %broadcast_in_dim3A_482 = arith.constant true
    %broadcast_in_dim3A_483 = vector.broadcast %broadcast_in_dim3A_482 : i1 to vector<16xi1>
    %masked_cumsum3A_484 = tpu.scan <sum>, %rev3A_481 masked %broadcast_in_dim3A_483 : vector<16xf32>, vector<16xi1> -> vector<16xf32>
    %rev3A_485 = arith.constant 15 : i32
    %rev3A_486 = vector.broadcast %rev3A_485 : i32 to vector<16xi32>
    %rev3A_487 = tpu.iota {dimensions = array<i32: 0>} : vector<16xi32>
    %rev3A_488 = arith.subi %rev3A_486, %rev3A_487 : vector<16xi32>
    %rev3A_489 = tpu.dynamic_gather %masked_cumsum3A_484[%rev3A_488] in [0] : vector<16xf32>, vector<16xi32> -> vector<16xf32>
    %add3A_490 = arith.addf %rev3A_489, %broadcast_in_dim3A_5 : vector<16xf32>
    %swap3A_491 = arith.constant 240 : index
    %swap3A_492 = tpu.vector_load %arg8[%swap3A_491] {strides = array<i32>} : memref<256xf32, #tpu.memory_space<vmem>>, vector<16xf32>,
    tpu.vector_store %arg8[%swap3A_491], %add3A_490 {strides = array<i32>} : memref<256xf32, #tpu.memory_space<vmem>>, vector<16xf32>,
    %ge3A_493 = arith.cmpf oge, %add3A_490, %sub3A_433 : vector<16xf32>
    %all_reduce_population_count3A_494 = tpu.all_reduce %ge3A_493 {dim = 0 : i64, kind = #tpu.reduction_kind<sum>} : vector<16xi1> -> vector<16xi32>
    %add3A_495 = arith.addi %broadcast_in_dim3A_1, %all_reduce_population_count3A_494 : vector<16xi32>
    %broadcast_in_dim3A_496 = arith.constant 240 : i32
    %broadcast_in_dim3A_497 = vector.broadcast %broadcast_in_dim3A_496 : i32 to vector<16xi32>
    %gather3A_498 = tpu.vector_load_idx %arg8[%broadcast_in_dim3A_497] : memref<256xf32, #tpu.memory_space<vmem>>[vector<16xi32>], vector<16xf32>,
    %get3A_499 = arith.constant 224 : index
    %get3A_500 = tpu.vector_load %arg7[%get3A_499] {strides = array<i32>} : memref<256xf32, #tpu.memory_space<vmem>>, vector<16xf32>,
    %rev3A_501 = arith.constant 15 : i32
    %rev3A_502 = vector.broadcast %rev3A_501 : i32 to vector<16xi32>
    %rev3A_503 = tpu.iota {dimensions = array<i32: 0>} : vector<16xi32>
    %rev3A_504 = arith.subi %rev3A_502, %rev3A_503 : vector<16xi32>
    %rev3A_505 = tpu.dynamic_gather %get3A_500[%rev3A_504] in [0] : vector<16xf32>, vector<16xi32> -> vector<16xf32>
    %broadcast_in_dim3A_506 = arith.constant true
    %broadcast_in_dim3A_507 = vector.broadcast %broadcast_in_dim3A_506 : i1 to vector<16xi1>
    %masked_cumsum3A_508 = tpu.scan <sum>, %rev3A_505 masked %broadcast_in_dim3A_507 : vector<16xf32>, vector<16xi1> -> vector<16xf32>
    %rev3A_509 = arith.constant 15 : i32
    %rev3A_510 = vector.broadcast %rev3A_509 : i32 to vector<16xi32>
    %rev3A_511 = tpu.iota {dimensions = array<i32: 0>} : vector<16xi32>
    %rev3A_512 = arith.subi %rev3A_510, %rev3A_511 : vector<16xi32>
    %rev3A_513 = tpu.dynamic_gather %masked_cumsum3A_508[%rev3A_512] in [0] : vector<16xf32>, vector<16xi32> -> vector<16xf32>
    %add3A_514 = arith.addf %rev3A_513, %gather3A_498 : vector<16xf32>
    %swap3A_515 = arith.constant 224 : index
    %swap3A_516 = tpu.vector_load %arg8[%swap3A_515] {strides = array<i32>} : memref<256xf32, #tpu.memory_space<vmem>>, vector<16xf32>,
    tpu.vector_store %arg8[%swap3A_515], %add3A_514 {strides = array<i32>} : memref<256xf32, #tpu.memory_space<vmem>>, vector<16xf32>,
    %ge3A_517 = arith.cmpf oge, %add3A_514, %sub3A_433 : vector<16xf32>
    %all_reduce_population_count3A_518 = tpu.all_reduce %ge3A_517 {dim = 0 : i64, kind = #tpu.reduction_kind<sum>} : vector<16xi1> -> vector<16xi32>
    %add3A_519 = arith.addi %add3A_495, %all_reduce_population_count3A_518 : vector<16xi32>
    %broadcast_in_dim3A_520 = arith.constant 224 : i32
    %broadcast_in_dim3A_521 = vector.broadcast %broadcast_in_dim3A_520 : i32 to vector<16xi32>
    %gather3A_522 = tpu.vector_load_idx %arg8[%broadcast_in_dim3A_521] : memref<256xf32, #tpu.memory_space<vmem>>[vector<16xi32>], vector<16xf32>,
    %get3A_523 = arith.constant 208 : index
    %get3A_524 = tpu.vector_load %arg7[%get3A_523] {strides = array<i32>} : memref<256xf32, #tpu.memory_space<vmem>>, vector<16xf32>,
    %rev3A_525 = arith.constant 15 : i32
    %rev3A_526 = vector.broadcast %rev3A_525 : i32 to vector<16xi32>
    %rev3A_527 = tpu.iota {dimensions = array<i32: 0>} : vector<16xi32>
    %rev3A_528 = arith.subi %rev3A_526, %rev3A_527 : vector<16xi32>
    %rev3A_529 = tpu.dynamic_gather %get3A_524[%rev3A_528] in [0] : vector<16xf32>, vector<16xi32> -> vector<16xf32>
    %broadcast_in_dim3A_530 = arith.constant true
    %broadcast_in_dim3A_531 = vector.broadcast %broadcast_in_dim3A_530 : i1 to vector<16xi1>
    %masked_cumsum3A_532 = tpu.scan <sum>, %rev3A_529 masked %broadcast_in_dim3A_531 : vector<16xf32>, vector<16xi1> -> vector<16xf32>
    %rev3A_533 = arith.constant 15 : i32
    %rev3A_534 = vector.broadcast %rev3A_533 : i32 to vector<16xi32>
    %rev3A_535 = tpu.iota {dimensions = array<i32: 0>} : vector<16xi32>
    %rev3A_536 = arith.subi %rev3A_534, %rev3A_535 : vector<16xi32>
    %rev3A_537 = tpu.dynamic_gather %masked_cumsum3A_532[%rev3A_536] in [0] : vector<16xf32>, vector<16xi32> -> vector<16xf32>
    %add3A_538 = arith.addf %rev3A_537, %gather3A_522 : vector<16xf32>
    %swap3A_539 = arith.constant 208 : index
    %swap3A_540 = tpu.vector_load %arg8[%swap3A_539] {strides = array<i32>} : memref<256xf32, #tpu.memory_space<vmem>>, vector<16xf32>,
    tpu.vector_store %arg8[%swap3A_539], %add3A_538 {strides = array<i32>} : memref<256xf32, #tpu.memory_space<vmem>>, vector<16xf32>,
    %ge3A_541 = arith.cmpf oge, %add3A_538, %sub3A_433 : vector<16xf32>
    %all_reduce_population_count3A_542 = tpu.all_reduce %ge3A_541 {dim = 0 : i64, kind = #tpu.reduction_kind<sum>} : vector<16xi1> -> vector<16xi32>
    %add3A_543 = arith.addi %add3A_519, %all_reduce_population_count3A_542 : vector<16xi32>
    %broadcast_in_dim3A_544 = arith.constant 208 : i32
    %broadcast_in_dim3A_545 = vector.broadcast %broadcast_in_dim3A_544 : i32 to vector<16xi32>
    %gather3A_546 = tpu.vector_load_idx %arg8[%broadcast_in_dim3A_545] : memref<256xf32, #tpu.memory_space<vmem>>[vector<16xi32>], vector<16xf32>,
    %get3A_547 = arith.constant 192 : index
    %get3A_548 = tpu.vector_load %arg7[%get3A_547] {strides = array<i32>} : memref<256xf32, #tpu.memory_space<vmem>>, vector<16xf32>,
    %rev3A_549 = arith.constant 15 : i32
    %rev3A_550 = vector.broadcast %rev3A_549 : i32 to vector<16xi32>
    %rev3A_551 = tpu.iota {dimensions = array<i32: 0>} : vector<16xi32>
    %rev3A_552 = arith.subi %rev3A_550, %rev3A_551 : vector<16xi32>
    %rev3A_553 = tpu.dynamic_gather %get3A_548[%rev3A_552] in [0] : vector<16xf32>, vector<16xi32> -> vector<16xf32>
    %broadcast_in_dim3A_554 = arith.constant true
    %broadcast_in_dim3A_555 = vector.broadcast %broadcast_in_dim3A_554 : i1 to vector<16xi1>
    %masked_cumsum3A_556 = tpu.scan <sum>, %rev3A_553 masked %broadcast_in_dim3A_555 : vector<16xf32>, vector<16xi1> -> vector<16xf32>
    %rev3A_557 = arith.constant 15 : i32
    %rev3A_558 = vector.broadcast %rev3A_557 : i32 to vector<16xi32>
    %rev3A_559 = tpu.iota {dimensions = array<i32: 0>} : vector<16xi32>
    %rev3A_560 = arith.subi %rev3A_558, %rev3A_559 : vector<16xi32>
    %rev3A_561 = tpu.dynamic_gather %masked_cumsum3A_556[%rev3A_560] in [0] : vector<16xf32>, vector<16xi32> -> vector<16xf32>
    %add3A_562 = arith.addf %rev3A_561, %gather3A_546 : vector<16xf32>
    %swap3A_563 = arith.constant 192 : index
    %swap3A_564 = tpu.vector_load %arg8[%swap3A_563] {strides = array<i32>} : memref<256xf32, #tpu.memory_space<vmem>>, vector<16xf32>,
    tpu.vector_store %arg8[%swap3A_563], %add3A_562 {strides = array<i32>} : memref<256xf32, #tpu.memory_space<vmem>>, vector<16xf32>,
    %ge3A_565 = arith.cmpf oge, %add3A_562, %sub3A_433 : vector<16xf32>
    %all_reduce_population_count3A_566 = tpu.all_reduce %ge3A_565 {dim = 0 : i64, kind = #tpu.reduction_kind<sum>} : vector<16xi1> -> vector<16xi32>
    %add3A_567 = arith.addi %add3A_543, %all_reduce_population_count3A_566 : vector<16xi32>
    %broadcast_in_dim3A_568 = arith.constant 192 : i32
    %broadcast_in_dim3A_569 = vector.broadcast %broadcast_in_dim3A_568 : i32 to vector<16xi32>
    %gather3A_570 = tpu.vector_load_idx %arg8[%broadcast_in_dim3A_569] : memref<256xf32, #tpu.memory_space<vmem>>[vector<16xi32>], vector<16xf32>,
    %get3A_571 = arith.constant 176 : index
    %get3A_572 = tpu.vector_load %arg7[%get3A_571] {strides = array<i32>} : memref<256xf32, #tpu.memory_space<vmem>>, vector<16xf32>,
    %rev3A_573 = arith.constant 15 : i32
    %rev3A_574 = vector.broadcast %rev3A_573 : i32 to vector<16xi32>
    %rev3A_575 = tpu.iota {dimensions = array<i32: 0>} : vector<16xi32>
    %rev3A_576 = arith.subi %rev3A_574, %rev3A_575 : vector<16xi32>
    %rev3A_577 = tpu.dynamic_gather %get3A_572[%rev3A_576] in [0] : vector<16xf32>, vector<16xi32> -> vector<16xf32>
    %broadcast_in_dim3A_578 = arith.constant true
    %broadcast_in_dim3A_579 = vector.broadcast %broadcast_in_dim3A_578 : i1 to vector<16xi1>
    %masked_cumsum3A_580 = tpu.scan <sum>, %rev3A_577 masked %broadcast_in_dim3A_579 : vector<16xf32>, vector<16xi1> -> vector<16xf32>
    %rev3A_581 = arith.constant 15 : i32
    %rev3A_582 = vector.broadcast %rev3A_581 : i32 to vector<16xi32>
    %rev3A_583 = tpu.iota {dimensions = array<i32: 0>} : vector<16xi32>
    %rev3A_584 = arith.subi %rev3A_582, %rev3A_583 : vector<16xi32>
    %rev3A_585 = tpu.dynamic_gather %masked_cumsum3A_580[%rev3A_584] in [0] : vector<16xf32>, vector<16xi32> -> vector<16xf32>
    %add3A_586 = arith.addf %rev3A_585, %gather3A_570 : vector<16xf32>
    %swap3A_587 = arith.constant 176 : index
    %swap3A_588 = tpu.vector_load %arg8[%swap3A_587] {strides = array<i32>} : memref<256xf32, #tpu.memory_space<vmem>>, vector<16xf32>,
    tpu.vector_store %arg8[%swap3A_587], %add3A_586 {strides = array<i32>} : memref<256xf32, #tpu.memory_space<vmem>>, vector<16xf32>,
    %ge3A_589 = arith.cmpf oge, %add3A_586, %sub3A_433 : vector<16xf32>
    %all_reduce_population_count3A_590 = tpu.all_reduce %ge3A_589 {dim = 0 : i64, kind = #tpu.reduction_kind<sum>} : vector<16xi1> -> vector<16xi32>
    %add3A_591 = arith.addi %add3A_567, %all_reduce_population_count3A_590 : vector<16xi32>
    %broadcast_in_dim3A_592 = arith.constant 176 : i32
    %broadcast_in_dim3A_593 = vector.broadcast %broadcast_in_dim3A_592 : i32 to vector<16xi32>
    %gather3A_594 = tpu.vector_load_idx %arg8[%broadcast_in_dim3A_593] : memref<256xf32, #tpu.memory_space<vmem>>[vector<16xi32>], vector<16xf32>,
    %get3A_595 = arith.constant 160 : index
    %get3A_596 = tpu.vector_load %arg7[%get3A_595] {strides = array<i32>} : memref<256xf32, #tpu.memory_space<vmem>>, vector<16xf32>,
    %rev3A_597 = arith.constant 15 : i32
    %rev3A_598 = vector.broadcast %rev3A_597 : i32 to vector<16xi32>
    %rev3A_599 = tpu.iota {dimensions = array<i32: 0>} : vector<16xi32>
    %rev3A_600 = arith.subi %rev3A_598, %rev3A_599 : vector<16xi32>
    %rev3A_601 = tpu.dynamic_gather %get3A_596[%rev3A_600] in [0] : vector<16xf32>, vector<16xi32> -> vector<16xf32>
    %broadcast_in_dim3A_602 = arith.constant true
    %broadcast_in_dim3A_603 = vector.broadcast %broadcast_in_dim3A_602 : i1 to vector<16xi1>
    %masked_cumsum3A_604 = tpu.scan <sum>, %rev3A_601 masked %broadcast_in_dim3A_603 : vector<16xf32>, vector<16xi1> -> vector<16xf32>
    %rev3A_605 = arith.constant 15 : i32
    %rev3A_606 = vector.broadcast %rev3A_605 : i32 to vector<16xi32>
    %rev3A_607 = tpu.iota {dimensions = array<i32: 0>} : vector<16xi32>
    %rev3A_608 = arith.subi %rev3A_606, %rev3A_607 : vector<16xi32>
    %rev3A_609 = tpu.dynamic_gather %masked_cumsum3A_604[%rev3A_608] in [0] : vector<16xf32>, vector<16xi32> -> vector<16xf32>
    %add3A_610 = arith.addf %rev3A_609, %gather3A_594 : vector<16xf32>
    %swap3A_611 = arith.constant 160 : index
    %swap3A_612 = tpu.vector_load %arg8[%swap3A_611] {strides = array<i32>} : memref<256xf32, #tpu.memory_space<vmem>>, vector<16xf32>,
    tpu.vector_store %arg8[%swap3A_611], %add3A_610 {strides = array<i32>} : memref<256xf32, #tpu.memory_space<vmem>>, vector<16xf32>,
    %ge3A_613 = arith.cmpf oge, %add3A_610, %sub3A_433 : vector<16xf32>
    %all_reduce_population_count3A_614 = tpu.all_reduce %ge3A_613 {dim = 0 : i64, kind = #tpu.reduction_kind<sum>} : vector<16xi1> -> vector<16xi32>
    %add3A_615 = arith.addi %add3A_591, %all_reduce_population_count3A_614 : vector<16xi32>
    %broadcast_in_dim3A_616 = arith.constant 160 : i32
    %broadcast_in_dim3A_617 = vector.broadcast %broadcast_in_dim3A_616 : i32 to vector<16xi32>
    %gather3A_618 = tpu.vector_load_idx %arg8[%broadcast_in_dim3A_617] : memref<256xf32, #tpu.memory_space<vmem>>[vector<16xi32>], vector<16xf32>,
    %get3A_619 = arith.constant 144 : index
    %get3A_620 = tpu.vector_load %arg7[%get3A_619] {strides = array<i32>} : memref<256xf32, #tpu.memory_space<vmem>>, vector<16xf32>,
    %rev3A_621 = arith.constant 15 : i32
    %rev3A_622 = vector.broadcast %rev3A_621 : i32 to vector<16xi32>
    %rev3A_623 = tpu.iota {dimensions = array<i32: 0>} : vector<16xi32>
    %rev3A_624 = arith.subi %rev3A_622, %rev3A_623 : vector<16xi32>
    %rev3A_625 = tpu.dynamic_gather %get3A_620[%rev3A_624] in [0] : vector<16xf32>, vector<16xi32> -> vector<16xf32>
    %broadcast_in_dim3A_626 = arith.constant true
    %broadcast_in_dim3A_627 = vector.broadcast %broadcast_in_dim3A_626 : i1 to vector<16xi1>
    %masked_cumsum3A_628 = tpu.scan <sum>, %rev3A_625 masked %broadcast_in_dim3A_627 : vector<16xf32>, vector<16xi1> -> vector<16xf32>
    %rev3A_629 = arith.constant 15 : i32
    %rev3A_630 = vector.broadcast %rev3A_629 : i32 to vector<16xi32>
    %rev3A_631 = tpu.iota {dimensions = array<i32: 0>} : vector<16xi32>
    %rev3A_632 = arith.subi %rev3A_630, %rev3A_631 : vector<16xi32>
    %rev3A_633 = tpu.dynamic_gather %masked_cumsum3A_628[%rev3A_632] in [0] : vector<16xf32>, vector<16xi32> -> vector<16xf32>
    %add3A_634 = arith.addf %rev3A_633, %gather3A_618 : vector<16xf32>
    %swap3A_635 = arith.constant 144 : index
    %swap3A_636 = tpu.vector_load %arg8[%swap3A_635] {strides = array<i32>} : memref<256xf32, #tpu.memory_space<vmem>>, vector<16xf32>,
    tpu.vector_store %arg8[%swap3A_635], %add3A_634 {strides = array<i32>} : memref<256xf32, #tpu.memory_space<vmem>>, vector<16xf32>,
    %ge3A_637 = arith.cmpf oge, %add3A_634, %sub3A_433 : vector<16xf32>
    %all_reduce_population_count3A_638 = tpu.all_reduce %ge3A_637 {dim = 0 : i64, kind = #tpu.reduction_kind<sum>} : vector<16xi1> -> vector<16xi32>
    %add3A_639 = arith.addi %add3A_615, %all_reduce_population_count3A_638 : vector<16xi32>
    %broadcast_in_dim3A_640 = arith.constant 144 : i32
    %broadcast_in_dim3A_641 = vector.broadcast %broadcast_in_dim3A_640 : i32 to vector<16xi32>
    %gather3A_642 = tpu.vector_load_idx %arg8[%broadcast_in_dim3A_641] : memref<256xf32, #tpu.memory_space<vmem>>[vector<16xi32>], vector<16xf32>,
    %get3A_643 = arith.constant 128 : index
    %get3A_644 = tpu.vector_load %arg7[%get3A_643] {strides = array<i32>} : memref<256xf32, #tpu.memory_space<vmem>>, vector<16xf32>,
    %rev3A_645 = arith.constant 15 : i32
    %rev3A_646 = vector.broadcast %rev3A_645 : i32 to vector<16xi32>
    %rev3A_647 = tpu.iota {dimensions = array<i32: 0>} : vector<16xi32>
    %rev3A_648 = arith.subi %rev3A_646, %rev3A_647 : vector<16xi32>
    %rev3A_649 = tpu.dynamic_gather %get3A_644[%rev3A_648] in [0] : vector<16xf32>, vector<16xi32> -> vector<16xf32>
    %broadcast_in_dim3A_650 = arith.constant true
    %broadcast_in_dim3A_651 = vector.broadcast %broadcast_in_dim3A_650 : i1 to vector<16xi1>
    %masked_cumsum3A_652 = tpu.scan <sum>, %rev3A_649 masked %broadcast_in_dim3A_651 : vector<16xf32>, vector<16xi1> -> vector<16xf32>
    %rev3A_653 = arith.constant 15 : i32
    %rev3A_654 = vector.broadcast %rev3A_653 : i32 to vector<16xi32>
    %rev3A_655 = tpu.iota {dimensions = array<i32: 0>} : vector<16xi32>
    %rev3A_656 = arith.subi %rev3A_654, %rev3A_655 : vector<16xi32>
    %rev3A_657 = tpu.dynamic_gather %masked_cumsum3A_652[%rev3A_656] in [0] : vector<16xf32>, vector<16xi32> -> vector<16xf32>
    %add3A_658 = arith.addf %rev3A_657, %gather3A_642 : vector<16xf32>
    %swap3A_659 = arith.constant 128 : index
    %swap3A_660 = tpu.vector_load %arg8[%swap3A_659] {strides = array<i32>} : memref<256xf32, #tpu.memory_space<vmem>>, vector<16xf32>,
    tpu.vector_store %arg8[%swap3A_659], %add3A_658 {strides = array<i32>} : memref<256xf32, #tpu.memory_space<vmem>>, vector<16xf32>,
    %ge3A_661 = arith.cmpf oge, %add3A_658, %sub3A_433 : vector<16xf32>
    %all_reduce_population_count3A_662 = tpu.all_reduce %ge3A_661 {dim = 0 : i64, kind = #tpu.reduction_kind<sum>} : vector<16xi1> -> vector<16xi32>
    %add3A_663 = arith.addi %add3A_639, %all_reduce_population_count3A_662 : vector<16xi32>
    %broadcast_in_dim3A_664 = arith.constant 128 : i32
    %broadcast_in_dim3A_665 = vector.broadcast %broadcast_in_dim3A_664 : i32 to vector<16xi32>
    %gather3A_666 = tpu.vector_load_idx %arg8[%broadcast_in_dim3A_665] : memref<256xf32, #tpu.memory_space<vmem>>[vector<16xi32>], vector<16xf32>,
    %get3A_667 = arith.constant 112 : index
    %get3A_668 = tpu.vector_load %arg7[%get3A_667] {strides = array<i32>} : memref<256xf32, #tpu.memory_space<vmem>>, vector<16xf32>,
    %rev3A_669 = arith.constant 15 : i32
    %rev3A_670 = vector.broadcast %rev3A_669 : i32 to vector<16xi32>
    %rev3A_671 = tpu.iota {dimensions = array<i32: 0>} : vector<16xi32>
    %rev3A_672 = arith.subi %rev3A_670, %rev3A_671 : vector<16xi32>
    %rev3A_673 = tpu.dynamic_gather %get3A_668[%rev3A_672] in [0] : vector<16xf32>, vector<16xi32> -> vector<16xf32>
    %broadcast_in_dim3A_674 = arith.constant true
    %broadcast_in_dim3A_675 = vector.broadcast %broadcast_in_dim3A_674 : i1 to vector<16xi1>
    %masked_cumsum3A_676 = tpu.scan <sum>, %rev3A_673 masked %broadcast_in_dim3A_675 : vector<16xf32>, vector<16xi1> -> vector<16xf32>
    %rev3A_677 = arith.constant 15 : i32
    %rev3A_678 = vector.broadcast %rev3A_677 : i32 to vector<16xi32>
    %rev3A_679 = tpu.iota {dimensions = array<i32: 0>} : vector<16xi32>
    %rev3A_680 = arith.subi %rev3A_678, %rev3A_679 : vector<16xi32>
    %rev3A_681 = tpu.dynamic_gather %masked_cumsum3A_676[%rev3A_680] in [0] : vector<16xf32>, vector<16xi32> -> vector<16xf32>
    %add3A_682 = arith.addf %rev3A_681, %gather3A_666 : vector<16xf32>
    %swap3A_683 = arith.constant 112 : index
    %swap3A_684 = tpu.vector_load %arg8[%swap3A_683] {strides = array<i32>} : memref<256xf32, #tpu.memory_space<vmem>>, vector<16xf32>,
    tpu.vector_store %arg8[%swap3A_683], %add3A_682 {strides = array<i32>} : memref<256xf32, #tpu.memory_space<vmem>>, vector<16xf32>,
    %ge3A_685 = arith.cmpf oge, %add3A_682, %sub3A_433 : vector<16xf32>
    %all_reduce_population_count3A_686 = tpu.all_reduce %ge3A_685 {dim = 0 : i64, kind = #tpu.reduction_kind<sum>} : vector<16xi1> -> vector<16xi32>
    %add3A_687 = arith.addi %add3A_663, %all_reduce_population_count3A_686 : vector<16xi32>
    %broadcast_in_dim3A_688 = arith.constant 112 : i32
    %broadcast_in_dim3A_689 = vector.broadcast %broadcast_in_dim3A_688 : i32 to vector<16xi32>
    %gather3A_690 = tpu.vector_load_idx %arg8[%broadcast_in_dim3A_689] : memref<256xf32, #tpu.memory_space<vmem>>[vector<16xi32>], vector<16xf32>,
    %get3A_691 = arith.constant 96 : index
    %get3A_692 = tpu.vector_load %arg7[%get3A_691] {strides = array<i32>} : memref<256xf32, #tpu.memory_space<vmem>>, vector<16xf32>,
    %rev3A_693 = arith.constant 15 : i32
    %rev3A_694 = vector.broadcast %rev3A_693 : i32 to vector<16xi32>
    %rev3A_695 = tpu.iota {dimensions = array<i32: 0>} : vector<16xi32>
    %rev3A_696 = arith.subi %rev3A_694, %rev3A_695 : vector<16xi32>
    %rev3A_697 = tpu.dynamic_gather %get3A_692[%rev3A_696] in [0] : vector<16xf32>, vector<16xi32> -> vector<16xf32>
    %broadcast_in_dim3A_698 = arith.constant true
    %broadcast_in_dim3A_699 = vector.broadcast %broadcast_in_dim3A_698 : i1 to vector<16xi1>
    %masked_cumsum3A_700 = tpu.scan <sum>, %rev3A_697 masked %broadcast_in_dim3A_699 : vector<16xf32>, vector<16xi1> -> vector<16xf32>
    %rev3A_701 = arith.constant 15 : i32
    %rev3A_702 = vector.broadcast %rev3A_701 : i32 to vector<16xi32>
    %rev3A_703 = tpu.iota {dimensions = array<i32: 0>} : vector<16xi32>
    %rev3A_704 = arith.subi %rev3A_702, %rev3A_703 : vector<16xi32>
    %rev3A_705 = tpu.dynamic_gather %masked_cumsum3A_700[%rev3A_704] in [0] : vector<16xf32>, vector<16xi32> -> vector<16xf32>
    %add3A_706 = arith.addf %rev3A_705, %gather3A_690 : vector<16xf32>
    %swap3A_707 = arith.constant 96 : index
    %swap3A_708 = tpu.vector_load %arg8[%swap3A_707] {strides = array<i32>} : memref<256xf32, #tpu.memory_space<vmem>>, vector<16xf32>,
    tpu.vector_store %arg8[%swap3A_707], %add3A_706 {strides = array<i32>} : memref<256xf32, #tpu.memory_space<vmem>>, vector<16xf32>,
    %ge3A_709 = arith.cmpf oge, %add3A_706, %sub3A_433 : vector<16xf32>
    %all_reduce_population_count3A_710 = tpu.all_reduce %ge3A_709 {dim = 0 : i64, kind = #tpu.reduction_kind<sum>} : vector<16xi1> -> vector<16xi32>
    %add3A_711 = arith.addi %add3A_687, %all_reduce_population_count3A_710 : vector<16xi32>
    %broadcast_in_dim3A_712 = arith.constant 96 : i32
    %broadcast_in_dim3A_713 = vector.broadcast %broadcast_in_dim3A_712 : i32 to vector<16xi32>
    %gather3A_714 = tpu.vector_load_idx %arg8[%broadcast_in_dim3A_713] : memref<256xf32, #tpu.memory_space<vmem>>[vector<16xi32>], vector<16xf32>,
    %get3A_715 = arith.constant 80 : index
    %get3A_716 = tpu.vector_load %arg7[%get3A_715] {strides = array<i32>} : memref<256xf32, #tpu.memory_space<vmem>>, vector<16xf32>,
    %rev3A_717 = arith.constant 15 : i32
    %rev3A_718 = vector.broadcast %rev3A_717 : i32 to vector<16xi32>
    %rev3A_719 = tpu.iota {dimensions = array<i32: 0>} : vector<16xi32>
    %rev3A_720 = arith.subi %rev3A_718, %rev3A_719 : vector<16xi32>
    %rev3A_721 = tpu.dynamic_gather %get3A_716[%rev3A_720] in [0] : vector<16xf32>, vector<16xi32> -> vector<16xf32>
    %broadcast_in_dim3A_722 = arith.constant true
    %broadcast_in_dim3A_723 = vector.broadcast %broadcast_in_dim3A_722 : i1 to vector<16xi1>
    %masked_cumsum3A_724 = tpu.scan <sum>, %rev3A_721 masked %broadcast_in_dim3A_723 : vector<16xf32>, vector<16xi1> -> vector<16xf32>
    %rev3A_725 = arith.constant 15 : i32
    %rev3A_726 = vector.broadcast %rev3A_725 : i32 to vector<16xi32>
    %rev3A_727 = tpu.iota {dimensions = array<i32: 0>} : vector<16xi32>
    %rev3A_728 = arith.subi %rev3A_726, %rev3A_727 : vector<16xi32>
    %rev3A_729 = tpu.dynamic_gather %masked_cumsum3A_724[%rev3A_728] in [0] : vector<16xf32>, vector<16xi32> -> vector<16xf32>
    %add3A_730 = arith.addf %rev3A_729, %gather3A_714 : vector<16xf32>
    %swap3A_731 = arith.constant 80 : index
    %swap3A_732 = tpu.vector_load %arg8[%swap3A_731] {strides = array<i32>} : memref<256xf32, #tpu.memory_space<vmem>>, vector<16xf32>,
    tpu.vector_store %arg8[%swap3A_731], %add3A_730 {strides = array<i32>} : memref<256xf32, #tpu.memory_space<vmem>>, vector<16xf32>,
    %ge3A_733 = arith.cmpf oge, %add3A_730, %sub3A_433 : vector<16xf32>
    %all_reduce_population_count3A_734 = tpu.all_reduce %ge3A_733 {dim = 0 : i64, kind = #tpu.reduction_kind<sum>} : vector<16xi1> -> vector<16xi32>
    %add3A_735 = arith.addi %add3A_711, %all_reduce_population_count3A_734 : vector<16xi32>
    %broadcast_in_dim3A_736 = arith.constant 80 : i32
    %broadcast_in_dim3A_737 = vector.broadcast %broadcast_in_dim3A_736 : i32 to vector<16xi32>
    %gather3A_738 = tpu.vector_load_idx %arg8[%broadcast_in_dim3A_737] : memref<256xf32, #tpu.memory_space<vmem>>[vector<16xi32>], vector<16xf32>,
    %get3A_739 = arith.constant 64 : index
    %get3A_740 = tpu.vector_load %arg7[%get3A_739] {strides = array<i32>} : memref<256xf32, #tpu.memory_space<vmem>>, vector<16xf32>,
    %rev3A_741 = arith.constant 15 : i32
    %rev3A_742 = vector.broadcast %rev3A_741 : i32 to vector<16xi32>
    %rev3A_743 = tpu.iota {dimensions = array<i32: 0>} : vector<16xi32>
    %rev3A_744 = arith.subi %rev3A_742, %rev3A_743 : vector<16xi32>
    %rev3A_745 = tpu.dynamic_gather %get3A_740[%rev3A_744] in [0] : vector<16xf32>, vector<16xi32> -> vector<16xf32>
    %broadcast_in_dim3A_746 = arith.constant true
    %broadcast_in_dim3A_747 = vector.broadcast %broadcast_in_dim3A_746 : i1 to vector<16xi1>
    %masked_cumsum3A_748 = tpu.scan <sum>, %rev3A_745 masked %broadcast_in_dim3A_747 : vector<16xf32>, vector<16xi1> -> vector<16xf32>
    %rev3A_749 = arith.constant 15 : i32
    %rev3A_750 = vector.broadcast %rev3A_749 : i32 to vector<16xi32>
    %rev3A_751 = tpu.iota {dimensions = array<i32: 0>} : vector<16xi32>
    %rev3A_752 = arith.subi %rev3A_750, %rev3A_751 : vector<16xi32>
    %rev3A_753 = tpu.dynamic_gather %masked_cumsum3A_748[%rev3A_752] in [0] : vector<16xf32>, vector<16xi32> -> vector<16xf32>
    %add3A_754 = arith.addf %rev3A_753, %gather3A_738 : vector<16xf32>
    %swap3A_755 = arith.constant 64 : index
    %swap3A_756 = tpu.vector_load %arg8[%swap3A_755] {strides = array<i32>} : memref<256xf32, #tpu.memory_space<vmem>>, vector<16xf32>,
    tpu.vector_store %arg8[%swap3A_755], %add3A_754 {strides = array<i32>} : memref<256xf32, #tpu.memory_space<vmem>>, vector<16xf32>,
    %ge3A_757 = arith.cmpf oge, %add3A_754, %sub3A_433 : vector<16xf32>
    %all_reduce_population_count3A_758 = tpu.all_reduce %ge3A_757 {dim = 0 : i64, kind = #tpu.reduction_kind<sum>} : vector<16xi1> -> vector<16xi32>
    %add3A_759 = arith.addi %add3A_735, %all_reduce_population_count3A_758 : vector<16xi32>
    %broadcast_in_dim3A_760 = arith.constant 64 : i32
    %broadcast_in_dim3A_761 = vector.broadcast %broadcast_in_dim3A_760 : i32 to vector<16xi32>
    %gather3A_762 = tpu.vector_load_idx %arg8[%broadcast_in_dim3A_761] : memref<256xf32, #tpu.memory_space<vmem>>[vector<16xi32>], vector<16xf32>,
    %get3A_763 = arith.constant 48 : index
    %get3A_764 = tpu.vector_load %arg7[%get3A_763] {strides = array<i32>} : memref<256xf32, #tpu.memory_space<vmem>>, vector<16xf32>,
    %rev3A_765 = arith.constant 15 : i32
    %rev3A_766 = vector.broadcast %rev3A_765 : i32 to vector<16xi32>
    %rev3A_767 = tpu.iota {dimensions = array<i32: 0>} : vector<16xi32>
    %rev3A_768 = arith.subi %rev3A_766, %rev3A_767 : vector<16xi32>
    %rev3A_769 = tpu.dynamic_gather %get3A_764[%rev3A_768] in [0] : vector<16xf32>, vector<16xi32> -> vector<16xf32>
    %broadcast_in_dim3A_770 = arith.constant true
    %broadcast_in_dim3A_771 = vector.broadcast %broadcast_in_dim3A_770 : i1 to vector<16xi1>
    %masked_cumsum3A_772 = tpu.scan <sum>, %rev3A_769 masked %broadcast_in_dim3A_771 : vector<16xf32>, vector<16xi1> -> vector<16xf32>
    %rev3A_773 = arith.constant 15 : i32
    %rev3A_774 = vector.broadcast %rev3A_773 : i32 to vector<16xi32>
    %rev3A_775 = tpu.iota {dimensions = array<i32: 0>} : vector<16xi32>
    %rev3A_776 = arith.subi %rev3A_774, %rev3A_775 : vector<16xi32>
    %rev3A_777 = tpu.dynamic_gather %masked_cumsum3A_772[%rev3A_776] in [0] : vector<16xf32>, vector<16xi32> -> vector<16xf32>
    %add3A_778 = arith.addf %rev3A_777, %gather3A_762 : vector<16xf32>
    %swap3A_779 = arith.constant 48 : index
    %swap3A_780 = tpu.vector_load %arg8[%swap3A_779] {strides = array<i32>} : memref<256xf32, #tpu.memory_space<vmem>>, vector<16xf32>,
    tpu.vector_store %arg8[%swap3A_779], %add3A_778 {strides = array<i32>} : memref<256xf32, #tpu.memory_space<vmem>>, vector<16xf32>,
    %ge3A_781 = arith.cmpf oge, %add3A_778, %sub3A_433 : vector<16xf32>
    %all_reduce_population_count3A_782 = tpu.all_reduce %ge3A_781 {dim = 0 : i64, kind = #tpu.reduction_kind<sum>} : vector<16xi1> -> vector<16xi32>
    %add3A_783 = arith.addi %add3A_759, %all_reduce_population_count3A_782 : vector<16xi32>
    %broadcast_in_dim3A_784 = arith.constant 48 : i32
    %broadcast_in_dim3A_785 = vector.broadcast %broadcast_in_dim3A_784 : i32 to vector<16xi32>
    %gather3A_786 = tpu.vector_load_idx %arg8[%broadcast_in_dim3A_785] : memref<256xf32, #tpu.memory_space<vmem>>[vector<16xi32>], vector<16xf32>,
    %get3A_787 = arith.constant 32 : index
    %get3A_788 = tpu.vector_load %arg7[%get3A_787] {strides = array<i32>} : memref<256xf32, #tpu.memory_space<vmem>>, vector<16xf32>,
    %rev3A_789 = arith.constant 15 : i32
    %rev3A_790 = vector.broadcast %rev3A_789 : i32 to vector<16xi32>
    %rev3A_791 = tpu.iota {dimensions = array<i32: 0>} : vector<16xi32>
    %rev3A_792 = arith.subi %rev3A_790, %rev3A_791 : vector<16xi32>
    %rev3A_793 = tpu.dynamic_gather %get3A_788[%rev3A_792] in [0] : vector<16xf32>, vector<16xi32> -> vector<16xf32>
    %broadcast_in_dim3A_794 = arith.constant true
    %broadcast_in_dim3A_795 = vector.broadcast %broadcast_in_dim3A_794 : i1 to vector<16xi1>
    %masked_cumsum3A_796 = tpu.scan <sum>, %rev3A_793 masked %broadcast_in_dim3A_795 : vector<16xf32>, vector<16xi1> -> vector<16xf32>
    %rev3A_797 = arith.constant 15 : i32
    %rev3A_798 = vector.broadcast %rev3A_797 : i32 to vector<16xi32>
    %rev3A_799 = tpu.iota {dimensions = array<i32: 0>} : vector<16xi32>
    %rev3A_800 = arith.subi %rev3A_798, %rev3A_799 : vector<16xi32>
    %rev3A_801 = tpu.dynamic_gather %masked_cumsum3A_796[%rev3A_800] in [0] : vector<16xf32>, vector<16xi32> -> vector<16xf32>
    %add3A_802 = arith.addf %rev3A_801, %gather3A_786 : vector<16xf32>
    %swap3A_803 = arith.constant 32 : index
    %swap3A_804 = tpu.vector_load %arg8[%swap3A_803] {strides = array<i32>} : memref<256xf32, #tpu.memory_space<vmem>>, vector<16xf32>,
    tpu.vector_store %arg8[%swap3A_803], %add3A_802 {strides = array<i32>} : memref<256xf32, #tpu.memory_space<vmem>>, vector<16xf32>,
    %ge3A_805 = arith.cmpf oge, %add3A_802, %sub3A_433 : vector<16xf32>
    %all_reduce_population_count3A_806 = tpu.all_reduce %ge3A_805 {dim = 0 : i64, kind = #tpu.reduction_kind<sum>} : vector<16xi1> -> vector<16xi32>
    %add3A_807 = arith.addi %add3A_783, %all_reduce_population_count3A_806 : vector<16xi32>
    %broadcast_in_dim3A_808 = arith.constant 32 : i32
    %broadcast_in_dim3A_809 = vector.broadcast %broadcast_in_dim3A_808 : i32 to vector<16xi32>
    %gather3A_810 = tpu.vector_load_idx %arg8[%broadcast_in_dim3A_809] : memref<256xf32, #tpu.memory_space<vmem>>[vector<16xi32>], vector<16xf32>,
    %get3A_811 = arith.constant 16 : index
    %get3A_812 = tpu.vector_load %arg7[%get3A_811] {strides = array<i32>} : memref<256xf32, #tpu.memory_space<vmem>>, vector<16xf32>,
    %rev3A_813 = arith.constant 15 : i32
    %rev3A_814 = vector.broadcast %rev3A_813 : i32 to vector<16xi32>
    %rev3A_815 = tpu.iota {dimensions = array<i32: 0>} : vector<16xi32>
    %rev3A_816 = arith.subi %rev3A_814, %rev3A_815 : vector<16xi32>
    %rev3A_817 = tpu.dynamic_gather %get3A_812[%rev3A_816] in [0] : vector<16xf32>, vector<16xi32> -> vector<16xf32>
    %broadcast_in_dim3A_818 = arith.constant true
    %broadcast_in_dim3A_819 = vector.broadcast %broadcast_in_dim3A_818 : i1 to vector<16xi1>
    %masked_cumsum3A_820 = tpu.scan <sum>, %rev3A_817 masked %broadcast_in_dim3A_819 : vector<16xf32>, vector<16xi1> -> vector<16xf32>
    %rev3A_821 = arith.constant 15 : i32
    %rev3A_822 = vector.broadcast %rev3A_821 : i32 to vector<16xi32>
    %rev3A_823 = tpu.iota {dimensions = array<i32: 0>} : vector<16xi32>
    %rev3A_824 = arith.subi %rev3A_822, %rev3A_823 : vector<16xi32>
    %rev3A_825 = tpu.dynamic_gather %masked_cumsum3A_820[%rev3A_824] in [0] : vector<16xf32>, vector<16xi32> -> vector<16xf32>
    %add3A_826 = arith.addf %rev3A_825, %gather3A_810 : vector<16xf32>
    %swap3A_827 = arith.constant 16 : index
    %swap3A_828 = tpu.vector_load %arg8[%swap3A_827] {strides = array<i32>} : memref<256xf32, #tpu.memory_space<vmem>>, vector<16xf32>,
    tpu.vector_store %arg8[%swap3A_827], %add3A_826 {strides = array<i32>} : memref<256xf32, #tpu.memory_space<vmem>>, vector<16xf32>,
    %ge3A_829 = arith.cmpf oge, %add3A_826, %sub3A_433 : vector<16xf32>
    %all_reduce_population_count3A_830 = tpu.all_reduce %ge3A_829 {dim = 0 : i64, kind = #tpu.reduction_kind<sum>} : vector<16xi1> -> vector<16xi32>
    %add3A_831 = arith.addi %add3A_807, %all_reduce_population_count3A_830 : vector<16xi32>
    %broadcast_in_dim3A_832 = arith.constant 16 : i32
    %broadcast_in_dim3A_833 = vector.broadcast %broadcast_in_dim3A_832 : i32 to vector<16xi32>
    %gather3A_834 = tpu.vector_load_idx %arg8[%broadcast_in_dim3A_833] : memref<256xf32, #tpu.memory_space<vmem>>[vector<16xi32>], vector<16xf32>,
    %get3A_835 = arith.constant 0 : index
    %get3A_836 = tpu.vector_load %arg7[%get3A_835] {strides = array<i32>} : memref<256xf32, #tpu.memory_space<vmem>>, vector<16xf32>,
    %rev3A_837 = arith.constant 15 : i32
    %rev3A_838 = vector.broadcast %rev3A_837 : i32 to vector<16xi32>
    %rev3A_839 = tpu.iota {dimensions = array<i32: 0>} : vector<16xi32>
    %rev3A_840 = arith.subi %rev3A_838, %rev3A_839 : vector<16xi32>
    %rev3A_841 = tpu.dynamic_gather %get3A_836[%rev3A_840] in [0] : vector<16xf32>, vector<16xi32> -> vector<16xf32>
    %broadcast_in_dim3A_842 = arith.constant true
    %broadcast_in_dim3A_843 = vector.broadcast %broadcast_in_dim3A_842 : i1 to vector<16xi1>
    %masked_cumsum3A_844 = tpu.scan <sum>, %rev3A_841 masked %broadcast_in_dim3A_843 : vector<16xf32>, vector<16xi1> -> vector<16xf32>
    %rev3A_845 = arith.constant 15 : i32
    %rev3A_846 = vector.broadcast %rev3A_845 : i32 to vector<16xi32>
    %rev3A_847 = tpu.iota {dimensions = array<i32: 0>} : vector<16xi32>
    %rev3A_848 = arith.subi %rev3A_846, %rev3A_847 : vector<16xi32>
    %rev3A_849 = tpu.dynamic_gather %masked_cumsum3A_844[%rev3A_848] in [0] : vector<16xf32>, vector<16xi32> -> vector<16xf32>
    %add3A_850 = arith.addf %rev3A_849, %gather3A_834 : vector<16xf32>
    %swap3A_851 = arith.constant 0 : index
    %swap3A_852 = tpu.vector_load %arg8[%swap3A_851] {strides = array<i32>} : memref<256xf32, #tpu.memory_space<vmem>>, vector<16xf32>,
    tpu.vector_store %arg8[%swap3A_851], %add3A_850 {strides = array<i32>} : memref<256xf32, #tpu.memory_space<vmem>>, vector<16xf32>,
    %ge3A_853 = arith.cmpf oge, %add3A_850, %sub3A_433 : vector<16xf32>
    %all_reduce_population_count3A_854 = tpu.all_reduce %ge3A_853 {dim = 0 : i64, kind = #tpu.reduction_kind<sum>} : vector<16xi1> -> vector<16xi32>
    %add3A_855 = arith.addi %add3A_831, %all_reduce_population_count3A_854 : vector<16xi32>
    %broadcast_in_dim3A_856 = arith.constant 0 : i32
    %broadcast_in_dim3A_857 = vector.broadcast %broadcast_in_dim3A_856 : i32 to vector<16xi32>
    %gather3A_858 = tpu.vector_load_idx %arg8[%broadcast_in_dim3A_857] : memref<256xf32, #tpu.memory_space<vmem>>[vector<16xi32>], vector<16xf32>,
    %sub3A_859 = arith.constant 1 : i32
    %sub3A_860 = vector.broadcast %sub3A_859 : i32 to vector<16xi32>
    %sub3A_861 = arith.subi %add3A_855, %sub3A_860 : vector<16xi32>
    %gather3A_862 = tpu.vector_load_idx %arg7[%sub3A_861] : memref<256xf32, #tpu.memory_space<vmem>>[vector<16xi32>], vector<16xf32>,
    %gather3A_863 = tpu.vector_load_idx %arg8[%sub3A_861] : memref<256xf32, #tpu.memory_space<vmem>>[vector<16xi32>], vector<16xf32>,
    %sub3A_864 = arith.subf %gather3A_863, %gather3A_862 : vector<16xf32>
    %sub3A_865 = arith.subf %sub3A_433, %sub3A_864 : vector<16xf32>
    %shift_left3A_866 = arith.constant 15 : i32
    %shift_left3A_867 = vector.broadcast %shift_left3A_866 : i32 to vector<16xi32>
    %shift_left3A_868 = arith.shli %sub3A_861, %shift_left3A_867 : vector<16xi32>
    %or3A_869 = arith.ori %or3A, %shift_left3A_868 : vector<16xi32>
    %swap3A_870 = arith.constant 0 : index
    %swap3A_871 = tpu.vector_load %arg7[%swap3A_870] {strides = array<i32>} : memref<256xf32, #tpu.memory_space<vmem>>, vector<16xf32>,
    tpu.vector_store %arg7[%swap3A_870], %broadcast_in_dim3A_5 {strides = array<i32>} : memref<256xf32, #tpu.memory_space<vmem>>, vector<16xf32>,
    %swap3A_872 = arith.constant 16 : index
    %swap3A_873 = tpu.vector_load %arg7[%swap3A_872] {strides = array<i32>} : memref<256xf32, #tpu.memory_space<vmem>>, vector<16xf32>,
    tpu.vector_store %arg7[%swap3A_872], %broadcast_in_dim3A_5 {strides = array<i32>} : memref<256xf32, #tpu.memory_space<vmem>>, vector<16xf32>,
    %swap3A_874 = arith.constant 32 : index
    %swap3A_875 = tpu.vector_load %arg7[%swap3A_874] {strides = array<i32>} : memref<256xf32, #tpu.memory_space<vmem>>, vector<16xf32>,
    tpu.vector_store %arg7[%swap3A_874], %broadcast_in_dim3A_5 {strides = array<i32>} : memref<256xf32, #tpu.memory_space<vmem>>, vector<16xf32>,
    %swap3A_876 = arith.constant 48 : index
    %swap3A_877 = tpu.vector_load %arg7[%swap3A_876] {strides = array<i32>} : memref<256xf32, #tpu.memory_space<vmem>>, vector<16xf32>,
    tpu.vector_store %arg7[%swap3A_876], %broadcast_in_dim3A_5 {strides = array<i32>} : memref<256xf32, #tpu.memory_space<vmem>>, vector<16xf32>,
    %swap3A_878 = arith.constant 64 : index
    %swap3A_879 = tpu.vector_load %arg7[%swap3A_878] {strides = array<i32>} : memref<256xf32, #tpu.memory_space<vmem>>, vector<16xf32>,
    tpu.vector_store %arg7[%swap3A_878], %broadcast_in_dim3A_5 {strides = array<i32>} : memref<256xf32, #tpu.memory_space<vmem>>, vector<16xf32>,
    %swap3A_880 = arith.constant 80 : index
    %swap3A_881 = tpu.vector_load %arg7[%swap3A_880] {strides = array<i32>} : memref<256xf32, #tpu.memory_space<vmem>>, vector<16xf32>,
    tpu.vector_store %arg7[%swap3A_880], %broadcast_in_dim3A_5 {strides = array<i32>} : memref<256xf32, #tpu.memory_space<vmem>>, vector<16xf32>,
    %swap3A_882 = arith.constant 96 : index
    %swap3A_883 = tpu.vector_load %arg7[%swap3A_882] {strides = array<i32>} : memref<256xf32, #tpu.memory_space<vmem>>, vector<16xf32>,
    tpu.vector_store %arg7[%swap3A_882], %broadcast_in_dim3A_5 {strides = array<i32>} : memref<256xf32, #tpu.memory_space<vmem>>, vector<16xf32>,
    %swap3A_884 = arith.constant 112 : index
    %swap3A_885 = tpu.vector_load %arg7[%swap3A_884] {strides = array<i32>} : memref<256xf32, #tpu.memory_space<vmem>>, vector<16xf32>,
    tpu.vector_store %arg7[%swap3A_884], %broadcast_in_dim3A_5 {strides = array<i32>} : memref<256xf32, #tpu.memory_space<vmem>>, vector<16xf32>,
    %swap3A_886 = arith.constant 128 : index
    %swap3A_887 = tpu.vector_load %arg7[%swap3A_886] {strides = array<i32>} : memref<256xf32, #tpu.memory_space<vmem>>, vector<16xf32>,
    tpu.vector_store %arg7[%swap3A_886], %broadcast_in_dim3A_5 {strides = array<i32>} : memref<256xf32, #tpu.memory_space<vmem>>, vector<16xf32>,
    %swap3A_888 = arith.constant 144 : index
    %swap3A_889 = tpu.vector_load %arg7[%swap3A_888] {strides = array<i32>} : memref<256xf32, #tpu.memory_space<vmem>>, vector<16xf32>,
    tpu.vector_store %arg7[%swap3A_888], %broadcast_in_dim3A_5 {strides = array<i32>} : memref<256xf32, #tpu.memory_space<vmem>>, vector<16xf32>,
    %swap3A_890 = arith.constant 160 : index
    %swap3A_891 = tpu.vector_load %arg7[%swap3A_890] {strides = array<i32>} : memref<256xf32, #tpu.memory_space<vmem>>, vector<16xf32>,
    tpu.vector_store %arg7[%swap3A_890], %broadcast_in_dim3A_5 {strides = array<i32>} : memref<256xf32, #tpu.memory_space<vmem>>, vector<16xf32>,
    %swap3A_892 = arith.constant 176 : index
    %swap3A_893 = tpu.vector_load %arg7[%swap3A_892] {strides = array<i32>} : memref<256xf32, #tpu.memory_space<vmem>>, vector<16xf32>,
    tpu.vector_store %arg7[%swap3A_892], %broadcast_in_dim3A_5 {strides = array<i32>} : memref<256xf32, #tpu.memory_space<vmem>>, vector<16xf32>,
    %swap3A_894 = arith.constant 192 : index
    %swap3A_895 = tpu.vector_load %arg7[%swap3A_894] {strides = array<i32>} : memref<256xf32, #tpu.memory_space<vmem>>, vector<16xf32>,
    tpu.vector_store %arg7[%swap3A_894], %broadcast_in_dim3A_5 {strides = array<i32>} : memref<256xf32, #tpu.memory_space<vmem>>, vector<16xf32>,
    %swap3A_896 = arith.constant 208 : index
    %swap3A_897 = tpu.vector_load %arg7[%swap3A_896] {strides = array<i32>} : memref<256xf32, #tpu.memory_space<vmem>>, vector<16xf32>,
    tpu.vector_store %arg7[%swap3A_896], %broadcast_in_dim3A_5 {strides = array<i32>} : memref<256xf32, #tpu.memory_space<vmem>>, vector<16xf32>,
    %swap3A_898 = arith.constant 224 : index
    %swap3A_899 = tpu.vector_load %arg7[%swap3A_898] {strides = array<i32>} : memref<256xf32, #tpu.memory_space<vmem>>, vector<16xf32>,
    tpu.vector_store %arg7[%swap3A_898], %broadcast_in_dim3A_5 {strides = array<i32>} : memref<256xf32, #tpu.memory_space<vmem>>, vector<16xf32>,
    %swap3A_900 = arith.constant 240 : index
    %swap3A_901 = tpu.vector_load %arg7[%swap3A_900] {strides = array<i32>} : memref<256xf32, #tpu.memory_space<vmem>>, vector<16xf32>,
    tpu.vector_store %arg7[%swap3A_900], %broadcast_in_dim3A_5 {strides = array<i32>} : memref<256xf32, #tpu.memory_space<vmem>>, vector<16xf32>,
    %shift_right_arithmetic3A_902 = arith.constant 15 : i32
    %shift_right_arithmetic3A_903 = vector.broadcast %shift_right_arithmetic3A_902 : i32 to vector<16xi32>
    %shift_right_arithmetic3A_904 = arith.shrsi %or3A_869, %shift_right_arithmetic3A_903 : vector<16xi32>
    %parallel_loop3A_905 = arith.constant 0 : i32
    %parallel_loop3A_906 = arith.constant 576 : i32
    %parallel_loop3A_907 = arith.constant 1 : i32
    %parallel_loop3A_908 = arith.constant 255 : i32
    scf.for %parallel_loop3A_1766 = %parallel_loop3A_905 to %parallel_loop3A_906 step %parallel_loop3A_907  : i32 {
      %parallel_loop3A_1767 = arith.constant 16 : i32
      %parallel_loop3A_1768 = arith.muli %parallel_loop3A_1766, %parallel_loop3A_1767 : i32
      %parallel_loop3A_1769 = arith.index_cast %parallel_loop3A_1768 : i32 to index
      %parallel_loop3A_1770 = tpu.vector_load %arg5[%parallel_loop3A_1769] {strides = array<i32>} : memref<9216xf32, #tpu.memory_space<vmem>>, vector<16xf32>,
      %parallel_loop3A_1771 = vector.bitcast %parallel_loop3A_1770 : vector<16xf32> to vector<16xi32>
      %parallel_loop3A_1772 = arith.constant 7 : i32
      %parallel_loop3A_1773 = vector.broadcast %parallel_loop3A_1772 : i32 to vector<16xi32>
      %parallel_loop3A_1774 = arith.shrsi %parallel_loop3A_1771, %parallel_loop3A_1773 : vector<16xi32>
      %parallel_loop3A_1775 = vector.broadcast %parallel_loop3A_908 : i32 to vector<16xi32>
      %parallel_loop3A_1776 = arith.andi %parallel_loop3A_1774, %parallel_loop3A_1775 : vector<16xi32>
      %parallel_loop3A_1777 = arith.constant 15 : i32
      %parallel_loop3A_1778 = vector.broadcast %parallel_loop3A_1777 : i32 to vector<16xi32>
      %parallel_loop3A_1779 = arith.shrsi %parallel_loop3A_1771, %parallel_loop3A_1778 : vector<16xi32>
      %parallel_loop3A_1780 = arith.cmpi eq, %parallel_loop3A_1779, %shift_right_arithmetic3A_904 : vector<16xi32>
      tpu.vector_store_idx %arg7[%parallel_loop3A_1776], %broadcast_in_dim3A_3 masked %parallel_loop3A_1780 {add = true} : memref<256xf32, #tpu.memory_space<vmem>>[vector<16xi32>], vector<16xf32>, vector<16xi1>
    } {sc.loop_unroll_factor = 8 : i64, sc.parallel_access}
    %get3A_909 = arith.constant 240 : index
    %get3A_910 = tpu.vector_load %arg7[%get3A_909] {strides = array<i32>} : memref<256xf32, #tpu.memory_space<vmem>>, vector<16xf32>,
    %rev3A_911 = arith.constant 15 : i32
    %rev3A_912 = vector.broadcast %rev3A_911 : i32 to vector<16xi32>
    %rev3A_913 = tpu.iota {dimensions = array<i32: 0>} : vector<16xi32>
    %rev3A_914 = arith.subi %rev3A_912, %rev3A_913 : vector<16xi32>
    %rev3A_915 = tpu.dynamic_gather %get3A_910[%rev3A_914] in [0] : vector<16xf32>, vector<16xi32> -> vector<16xf32>
    %broadcast_in_dim3A_916 = arith.constant true
    %broadcast_in_dim3A_917 = vector.broadcast %broadcast_in_dim3A_916 : i1 to vector<16xi1>
    %masked_cumsum3A_918 = tpu.scan <sum>, %rev3A_915 masked %broadcast_in_dim3A_917 : vector<16xf32>, vector<16xi1> -> vector<16xf32>
    %rev3A_919 = arith.constant 15 : i32
    %rev3A_920 = vector.broadcast %rev3A_919 : i32 to vector<16xi32>
    %rev3A_921 = tpu.iota {dimensions = array<i32: 0>} : vector<16xi32>
    %rev3A_922 = arith.subi %rev3A_920, %rev3A_921 : vector<16xi32>
    %rev3A_923 = tpu.dynamic_gather %masked_cumsum3A_918[%rev3A_922] in [0] : vector<16xf32>, vector<16xi32> -> vector<16xf32>
    %add3A_924 = arith.addf %rev3A_923, %broadcast_in_dim3A_5 : vector<16xf32>
    %swap3A_925 = arith.constant 240 : index
    %swap3A_926 = tpu.vector_load %arg8[%swap3A_925] {strides = array<i32>} : memref<256xf32, #tpu.memory_space<vmem>>, vector<16xf32>,
    tpu.vector_store %arg8[%swap3A_925], %add3A_924 {strides = array<i32>} : memref<256xf32, #tpu.memory_space<vmem>>, vector<16xf32>,
    %ge3A_927 = arith.cmpf oge, %add3A_924, %sub3A_865 : vector<16xf32>
    %all_reduce_population_count3A_928 = tpu.all_reduce %ge3A_927 {dim = 0 : i64, kind = #tpu.reduction_kind<sum>} : vector<16xi1> -> vector<16xi32>
    %add3A_929 = arith.addi %broadcast_in_dim3A_1, %all_reduce_population_count3A_928 : vector<16xi32>
    %broadcast_in_dim3A_930 = arith.constant 240 : i32
    %broadcast_in_dim3A_931 = vector.broadcast %broadcast_in_dim3A_930 : i32 to vector<16xi32>
    %gather3A_932 = tpu.vector_load_idx %arg8[%broadcast_in_dim3A_931] : memref<256xf32, #tpu.memory_space<vmem>>[vector<16xi32>], vector<16xf32>,
    %get3A_933 = arith.constant 224 : index
    %get3A_934 = tpu.vector_load %arg7[%get3A_933] {strides = array<i32>} : memref<256xf32, #tpu.memory_space<vmem>>, vector<16xf32>,
    %rev3A_935 = arith.constant 15 : i32
    %rev3A_936 = vector.broadcast %rev3A_935 : i32 to vector<16xi32>
    %rev3A_937 = tpu.iota {dimensions = array<i32: 0>} : vector<16xi32>
    %rev3A_938 = arith.subi %rev3A_936, %rev3A_937 : vector<16xi32>
    %rev3A_939 = tpu.dynamic_gather %get3A_934[%rev3A_938] in [0] : vector<16xf32>, vector<16xi32> -> vector<16xf32>
    %broadcast_in_dim3A_940 = arith.constant true
    %broadcast_in_dim3A_941 = vector.broadcast %broadcast_in_dim3A_940 : i1 to vector<16xi1>
    %masked_cumsum3A_942 = tpu.scan <sum>, %rev3A_939 masked %broadcast_in_dim3A_941 : vector<16xf32>, vector<16xi1> -> vector<16xf32>
    %rev3A_943 = arith.constant 15 : i32
    %rev3A_944 = vector.broadcast %rev3A_943 : i32 to vector<16xi32>
    %rev3A_945 = tpu.iota {dimensions = array<i32: 0>} : vector<16xi32>
    %rev3A_946 = arith.subi %rev3A_944, %rev3A_945 : vector<16xi32>
    %rev3A_947 = tpu.dynamic_gather %masked_cumsum3A_942[%rev3A_946] in [0] : vector<16xf32>, vector<16xi32> -> vector<16xf32>
    %add3A_948 = arith.addf %rev3A_947, %gather3A_932 : vector<16xf32>
    %swap3A_949 = arith.constant 224 : index
    %swap3A_950 = tpu.vector_load %arg8[%swap3A_949] {strides = array<i32>} : memref<256xf32, #tpu.memory_space<vmem>>, vector<16xf32>,
    tpu.vector_store %arg8[%swap3A_949], %add3A_948 {strides = array<i32>} : memref<256xf32, #tpu.memory_space<vmem>>, vector<16xf32>,
    %ge3A_951 = arith.cmpf oge, %add3A_948, %sub3A_865 : vector<16xf32>
    %all_reduce_population_count3A_952 = tpu.all_reduce %ge3A_951 {dim = 0 : i64, kind = #tpu.reduction_kind<sum>} : vector<16xi1> -> vector<16xi32>
    %add3A_953 = arith.addi %add3A_929, %all_reduce_population_count3A_952 : vector<16xi32>
    %broadcast_in_dim3A_954 = arith.constant 224 : i32
    %broadcast_in_dim3A_955 = vector.broadcast %broadcast_in_dim3A_954 : i32 to vector<16xi32>
    %gather3A_956 = tpu.vector_load_idx %arg8[%broadcast_in_dim3A_955] : memref<256xf32, #tpu.memory_space<vmem>>[vector<16xi32>], vector<16xf32>,
    %get3A_957 = arith.constant 208 : index
    %get3A_958 = tpu.vector_load %arg7[%get3A_957] {strides = array<i32>} : memref<256xf32, #tpu.memory_space<vmem>>, vector<16xf32>,
    %rev3A_959 = arith.constant 15 : i32
    %rev3A_960 = vector.broadcast %rev3A_959 : i32 to vector<16xi32>
    %rev3A_961 = tpu.iota {dimensions = array<i32: 0>} : vector<16xi32>
    %rev3A_962 = arith.subi %rev3A_960, %rev3A_961 : vector<16xi32>
    %rev3A_963 = tpu.dynamic_gather %get3A_958[%rev3A_962] in [0] : vector<16xf32>, vector<16xi32> -> vector<16xf32>
    %broadcast_in_dim3A_964 = arith.constant true
    %broadcast_in_dim3A_965 = vector.broadcast %broadcast_in_dim3A_964 : i1 to vector<16xi1>
    %masked_cumsum3A_966 = tpu.scan <sum>, %rev3A_963 masked %broadcast_in_dim3A_965 : vector<16xf32>, vector<16xi1> -> vector<16xf32>
    %rev3A_967 = arith.constant 15 : i32
    %rev3A_968 = vector.broadcast %rev3A_967 : i32 to vector<16xi32>
    %rev3A_969 = tpu.iota {dimensions = array<i32: 0>} : vector<16xi32>
    %rev3A_970 = arith.subi %rev3A_968, %rev3A_969 : vector<16xi32>
    %rev3A_971 = tpu.dynamic_gather %masked_cumsum3A_966[%rev3A_970] in [0] : vector<16xf32>, vector<16xi32> -> vector<16xf32>
    %add3A_972 = arith.addf %rev3A_971, %gather3A_956 : vector<16xf32>
    %swap3A_973 = arith.constant 208 : index
    %swap3A_974 = tpu.vector_load %arg8[%swap3A_973] {strides = array<i32>} : memref<256xf32, #tpu.memory_space<vmem>>, vector<16xf32>,
    tpu.vector_store %arg8[%swap3A_973], %add3A_972 {strides = array<i32>} : memref<256xf32, #tpu.memory_space<vmem>>, vector<16xf32>,
    %ge3A_975 = arith.cmpf oge, %add3A_972, %sub3A_865 : vector<16xf32>
    %all_reduce_population_count3A_976 = tpu.all_reduce %ge3A_975 {dim = 0 : i64, kind = #tpu.reduction_kind<sum>} : vector<16xi1> -> vector<16xi32>
    %add3A_977 = arith.addi %add3A_953, %all_reduce_population_count3A_976 : vector<16xi32>
    %broadcast_in_dim3A_978 = arith.constant 208 : i32
    %broadcast_in_dim3A_979 = vector.broadcast %broadcast_in_dim3A_978 : i32 to vector<16xi32>
    %gather3A_980 = tpu.vector_load_idx %arg8[%broadcast_in_dim3A_979] : memref<256xf32, #tpu.memory_space<vmem>>[vector<16xi32>], vector<16xf32>,
    %get3A_981 = arith.constant 192 : index
    %get3A_982 = tpu.vector_load %arg7[%get3A_981] {strides = array<i32>} : memref<256xf32, #tpu.memory_space<vmem>>, vector<16xf32>,
    %rev3A_983 = arith.constant 15 : i32
    %rev3A_984 = vector.broadcast %rev3A_983 : i32 to vector<16xi32>
    %rev3A_985 = tpu.iota {dimensions = array<i32: 0>} : vector<16xi32>
    %rev3A_986 = arith.subi %rev3A_984, %rev3A_985 : vector<16xi32>
    %rev3A_987 = tpu.dynamic_gather %get3A_982[%rev3A_986] in [0] : vector<16xf32>, vector<16xi32> -> vector<16xf32>
    %broadcast_in_dim3A_988 = arith.constant true
    %broadcast_in_dim3A_989 = vector.broadcast %broadcast_in_dim3A_988 : i1 to vector<16xi1>
    %masked_cumsum3A_990 = tpu.scan <sum>, %rev3A_987 masked %broadcast_in_dim3A_989 : vector<16xf32>, vector<16xi1> -> vector<16xf32>
    %rev3A_991 = arith.constant 15 : i32
    %rev3A_992 = vector.broadcast %rev3A_991 : i32 to vector<16xi32>
    %rev3A_993 = tpu.iota {dimensions = array<i32: 0>} : vector<16xi32>
    %rev3A_994 = arith.subi %rev3A_992, %rev3A_993 : vector<16xi32>
    %rev3A_995 = tpu.dynamic_gather %masked_cumsum3A_990[%rev3A_994] in [0] : vector<16xf32>, vector<16xi32> -> vector<16xf32>
    %add3A_996 = arith.addf %rev3A_995, %gather3A_980 : vector<16xf32>
    %swap3A_997 = arith.constant 192 : index
    %swap3A_998 = tpu.vector_load %arg8[%swap3A_997] {strides = array<i32>} : memref<256xf32, #tpu.memory_space<vmem>>, vector<16xf32>,
    tpu.vector_store %arg8[%swap3A_997], %add3A_996 {strides = array<i32>} : memref<256xf32, #tpu.memory_space<vmem>>, vector<16xf32>,
    %ge3A_999 = arith.cmpf oge, %add3A_996, %sub3A_865 : vector<16xf32>
    %all_reduce_population_count3A_1000 = tpu.all_reduce %ge3A_999 {dim = 0 : i64, kind = #tpu.reduction_kind<sum>} : vector<16xi1> -> vector<16xi32>
    %add3A_1001 = arith.addi %add3A_977, %all_reduce_population_count3A_1000 : vector<16xi32>
    %broadcast_in_dim3A_1002 = arith.constant 192 : i32
    %broadcast_in_dim3A_1003 = vector.broadcast %broadcast_in_dim3A_1002 : i32 to vector<16xi32>
    %gather3A_1004 = tpu.vector_load_idx %arg8[%broadcast_in_dim3A_1003] : memref<256xf32, #tpu.memory_space<vmem>>[vector<16xi32>], vector<16xf32>,
    %get3A_1005 = arith.constant 176 : index
    %get3A_1006 = tpu.vector_load %arg7[%get3A_1005] {strides = array<i32>} : memref<256xf32, #tpu.memory_space<vmem>>, vector<16xf32>,
    %rev3A_1007 = arith.constant 15 : i32
    %rev3A_1008 = vector.broadcast %rev3A_1007 : i32 to vector<16xi32>
    %rev3A_1009 = tpu.iota {dimensions = array<i32: 0>} : vector<16xi32>
    %rev3A_1010 = arith.subi %rev3A_1008, %rev3A_1009 : vector<16xi32>
    %rev3A_1011 = tpu.dynamic_gather %get3A_1006[%rev3A_1010] in [0] : vector<16xf32>, vector<16xi32> -> vector<16xf32>
    %broadcast_in_dim3A_1012 = arith.constant true
    %broadcast_in_dim3A_1013 = vector.broadcast %broadcast_in_dim3A_1012 : i1 to vector<16xi1>
    %masked_cumsum3A_1014 = tpu.scan <sum>, %rev3A_1011 masked %broadcast_in_dim3A_1013 : vector<16xf32>, vector<16xi1> -> vector<16xf32>
    %rev3A_1015 = arith.constant 15 : i32
    %rev3A_1016 = vector.broadcast %rev3A_1015 : i32 to vector<16xi32>
    %rev3A_1017 = tpu.iota {dimensions = array<i32: 0>} : vector<16xi32>
    %rev3A_1018 = arith.subi %rev3A_1016, %rev3A_1017 : vector<16xi32>
    %rev3A_1019 = tpu.dynamic_gather %masked_cumsum3A_1014[%rev3A_1018] in [0] : vector<16xf32>, vector<16xi32> -> vector<16xf32>
    %add3A_1020 = arith.addf %rev3A_1019, %gather3A_1004 : vector<16xf32>
    %swap3A_1021 = arith.constant 176 : index
    %swap3A_1022 = tpu.vector_load %arg8[%swap3A_1021] {strides = array<i32>} : memref<256xf32, #tpu.memory_space<vmem>>, vector<16xf32>,
    tpu.vector_store %arg8[%swap3A_1021], %add3A_1020 {strides = array<i32>} : memref<256xf32, #tpu.memory_space<vmem>>, vector<16xf32>,
    %ge3A_1023 = arith.cmpf oge, %add3A_1020, %sub3A_865 : vector<16xf32>
    %all_reduce_population_count3A_1024 = tpu.all_reduce %ge3A_1023 {dim = 0 : i64, kind = #tpu.reduction_kind<sum>} : vector<16xi1> -> vector<16xi32>
    %add3A_1025 = arith.addi %add3A_1001, %all_reduce_population_count3A_1024 : vector<16xi32>
    %broadcast_in_dim3A_1026 = arith.constant 176 : i32
    %broadcast_in_dim3A_1027 = vector.broadcast %broadcast_in_dim3A_1026 : i32 to vector<16xi32>
    %gather3A_1028 = tpu.vector_load_idx %arg8[%broadcast_in_dim3A_1027] : memref<256xf32, #tpu.memory_space<vmem>>[vector<16xi32>], vector<16xf32>,
    %get3A_1029 = arith.constant 160 : index
    %get3A_1030 = tpu.vector_load %arg7[%get3A_1029] {strides = array<i32>} : memref<256xf32, #tpu.memory_space<vmem>>, vector<16xf32>,
    %rev3A_1031 = arith.constant 15 : i32
    %rev3A_1032 = vector.broadcast %rev3A_1031 : i32 to vector<16xi32>
    %rev3A_1033 = tpu.iota {dimensions = array<i32: 0>} : vector<16xi32>
    %rev3A_1034 = arith.subi %rev3A_1032, %rev3A_1033 : vector<16xi32>
    %rev3A_1035 = tpu.dynamic_gather %get3A_1030[%rev3A_1034] in [0] : vector<16xf32>, vector<16xi32> -> vector<16xf32>
    %broadcast_in_dim3A_1036 = arith.constant true
    %broadcast_in_dim3A_1037 = vector.broadcast %broadcast_in_dim3A_1036 : i1 to vector<16xi1>
    %masked_cumsum3A_1038 = tpu.scan <sum>, %rev3A_1035 masked %broadcast_in_dim3A_1037 : vector<16xf32>, vector<16xi1> -> vector<16xf32>
    %rev3A_1039 = arith.constant 15 : i32
    %rev3A_1040 = vector.broadcast %rev3A_1039 : i32 to vector<16xi32>
    %rev3A_1041 = tpu.iota {dimensions = array<i32: 0>} : vector<16xi32>
    %rev3A_1042 = arith.subi %rev3A_1040, %rev3A_1041 : vector<16xi32>
    %rev3A_1043 = tpu.dynamic_gather %masked_cumsum3A_1038[%rev3A_1042] in [0] : vector<16xf32>, vector<16xi32> -> vector<16xf32>
    %add3A_1044 = arith.addf %rev3A_1043, %gather3A_1028 : vector<16xf32>
    %swap3A_1045 = arith.constant 160 : index
    %swap3A_1046 = tpu.vector_load %arg8[%swap3A_1045] {strides = array<i32>} : memref<256xf32, #tpu.memory_space<vmem>>, vector<16xf32>,
    tpu.vector_store %arg8[%swap3A_1045], %add3A_1044 {strides = array<i32>} : memref<256xf32, #tpu.memory_space<vmem>>, vector<16xf32>,
    %ge3A_1047 = arith.cmpf oge, %add3A_1044, %sub3A_865 : vector<16xf32>
    %all_reduce_population_count3A_1048 = tpu.all_reduce %ge3A_1047 {dim = 0 : i64, kind = #tpu.reduction_kind<sum>} : vector<16xi1> -> vector<16xi32>
    %add3A_1049 = arith.addi %add3A_1025, %all_reduce_population_count3A_1048 : vector<16xi32>
    %broadcast_in_dim3A_1050 = arith.constant 160 : i32
    %broadcast_in_dim3A_1051 = vector.broadcast %broadcast_in_dim3A_1050 : i32 to vector<16xi32>
    %gather3A_1052 = tpu.vector_load_idx %arg8[%broadcast_in_dim3A_1051] : memref<256xf32, #tpu.memory_space<vmem>>[vector<16xi32>], vector<16xf32>,
    %get3A_1053 = arith.constant 144 : index
    %get3A_1054 = tpu.vector_load %arg7[%get3A_1053] {strides = array<i32>} : memref<256xf32, #tpu.memory_space<vmem>>, vector<16xf32>,
    %rev3A_1055 = arith.constant 15 : i32
    %rev3A_1056 = vector.broadcast %rev3A_1055 : i32 to vector<16xi32>
    %rev3A_1057 = tpu.iota {dimensions = array<i32: 0>} : vector<16xi32>
    %rev3A_1058 = arith.subi %rev3A_1056, %rev3A_1057 : vector<16xi32>
    %rev3A_1059 = tpu.dynamic_gather %get3A_1054[%rev3A_1058] in [0] : vector<16xf32>, vector<16xi32> -> vector<16xf32>
    %broadcast_in_dim3A_1060 = arith.constant true
    %broadcast_in_dim3A_1061 = vector.broadcast %broadcast_in_dim3A_1060 : i1 to vector<16xi1>
    %masked_cumsum3A_1062 = tpu.scan <sum>, %rev3A_1059 masked %broadcast_in_dim3A_1061 : vector<16xf32>, vector<16xi1> -> vector<16xf32>
    %rev3A_1063 = arith.constant 15 : i32
    %rev3A_1064 = vector.broadcast %rev3A_1063 : i32 to vector<16xi32>
    %rev3A_1065 = tpu.iota {dimensions = array<i32: 0>} : vector<16xi32>
    %rev3A_1066 = arith.subi %rev3A_1064, %rev3A_1065 : vector<16xi32>
    %rev3A_1067 = tpu.dynamic_gather %masked_cumsum3A_1062[%rev3A_1066] in [0] : vector<16xf32>, vector<16xi32> -> vector<16xf32>
    %add3A_1068 = arith.addf %rev3A_1067, %gather3A_1052 : vector<16xf32>
    %swap3A_1069 = arith.constant 144 : index
    %swap3A_1070 = tpu.vector_load %arg8[%swap3A_1069] {strides = array<i32>} : memref<256xf32, #tpu.memory_space<vmem>>, vector<16xf32>,
    tpu.vector_store %arg8[%swap3A_1069], %add3A_1068 {strides = array<i32>} : memref<256xf32, #tpu.memory_space<vmem>>, vector<16xf32>,
    %ge3A_1071 = arith.cmpf oge, %add3A_1068, %sub3A_865 : vector<16xf32>
    %all_reduce_population_count3A_1072 = tpu.all_reduce %ge3A_1071 {dim = 0 : i64, kind = #tpu.reduction_kind<sum>} : vector<16xi1> -> vector<16xi32>
    %add3A_1073 = arith.addi %add3A_1049, %all_reduce_population_count3A_1072 : vector<16xi32>
    %broadcast_in_dim3A_1074 = arith.constant 144 : i32
    %broadcast_in_dim3A_1075 = vector.broadcast %broadcast_in_dim3A_1074 : i32 to vector<16xi32>
    %gather3A_1076 = tpu.vector_load_idx %arg8[%broadcast_in_dim3A_1075] : memref<256xf32, #tpu.memory_space<vmem>>[vector<16xi32>], vector<16xf32>,
    %get3A_1077 = arith.constant 128 : index
    %get3A_1078 = tpu.vector_load %arg7[%get3A_1077] {strides = array<i32>} : memref<256xf32, #tpu.memory_space<vmem>>, vector<16xf32>,
    %rev3A_1079 = arith.constant 15 : i32
    %rev3A_1080 = vector.broadcast %rev3A_1079 : i32 to vector<16xi32>
    %rev3A_1081 = tpu.iota {dimensions = array<i32: 0>} : vector<16xi32>
    %rev3A_1082 = arith.subi %rev3A_1080, %rev3A_1081 : vector<16xi32>
    %rev3A_1083 = tpu.dynamic_gather %get3A_1078[%rev3A_1082] in [0] : vector<16xf32>, vector<16xi32> -> vector<16xf32>
    %broadcast_in_dim3A_1084 = arith.constant true
    %broadcast_in_dim3A_1085 = vector.broadcast %broadcast_in_dim3A_1084 : i1 to vector<16xi1>
    %masked_cumsum3A_1086 = tpu.scan <sum>, %rev3A_1083 masked %broadcast_in_dim3A_1085 : vector<16xf32>, vector<16xi1> -> vector<16xf32>
    %rev3A_1087 = arith.constant 15 : i32
    %rev3A_1088 = vector.broadcast %rev3A_1087 : i32 to vector<16xi32>
    %rev3A_1089 = tpu.iota {dimensions = array<i32: 0>} : vector<16xi32>
    %rev3A_1090 = arith.subi %rev3A_1088, %rev3A_1089 : vector<16xi32>
    %rev3A_1091 = tpu.dynamic_gather %masked_cumsum3A_1086[%rev3A_1090] in [0] : vector<16xf32>, vector<16xi32> -> vector<16xf32>
    %add3A_1092 = arith.addf %rev3A_1091, %gather3A_1076 : vector<16xf32>
    %swap3A_1093 = arith.constant 128 : index
    %swap3A_1094 = tpu.vector_load %arg8[%swap3A_1093] {strides = array<i32>} : memref<256xf32, #tpu.memory_space<vmem>>, vector<16xf32>,
    tpu.vector_store %arg8[%swap3A_1093], %add3A_1092 {strides = array<i32>} : memref<256xf32, #tpu.memory_space<vmem>>, vector<16xf32>,
    %ge3A_1095 = arith.cmpf oge, %add3A_1092, %sub3A_865 : vector<16xf32>
    %all_reduce_population_count3A_1096 = tpu.all_reduce %ge3A_1095 {dim = 0 : i64, kind = #tpu.reduction_kind<sum>} : vector<16xi1> -> vector<16xi32>
    %add3A_1097 = arith.addi %add3A_1073, %all_reduce_population_count3A_1096 : vector<16xi32>
    %broadcast_in_dim3A_1098 = arith.constant 128 : i32
    %broadcast_in_dim3A_1099 = vector.broadcast %broadcast_in_dim3A_1098 : i32 to vector<16xi32>
    %gather3A_1100 = tpu.vector_load_idx %arg8[%broadcast_in_dim3A_1099] : memref<256xf32, #tpu.memory_space<vmem>>[vector<16xi32>], vector<16xf32>,
    %get3A_1101 = arith.constant 112 : index
    %get3A_1102 = tpu.vector_load %arg7[%get3A_1101] {strides = array<i32>} : memref<256xf32, #tpu.memory_space<vmem>>, vector<16xf32>,
    %rev3A_1103 = arith.constant 15 : i32
    %rev3A_1104 = vector.broadcast %rev3A_1103 : i32 to vector<16xi32>
    %rev3A_1105 = tpu.iota {dimensions = array<i32: 0>} : vector<16xi32>
    %rev3A_1106 = arith.subi %rev3A_1104, %rev3A_1105 : vector<16xi32>
    %rev3A_1107 = tpu.dynamic_gather %get3A_1102[%rev3A_1106] in [0] : vector<16xf32>, vector<16xi32> -> vector<16xf32>
    %broadcast_in_dim3A_1108 = arith.constant true
    %broadcast_in_dim3A_1109 = vector.broadcast %broadcast_in_dim3A_1108 : i1 to vector<16xi1>
    %masked_cumsum3A_1110 = tpu.scan <sum>, %rev3A_1107 masked %broadcast_in_dim3A_1109 : vector<16xf32>, vector<16xi1> -> vector<16xf32>
    %rev3A_1111 = arith.constant 15 : i32
    %rev3A_1112 = vector.broadcast %rev3A_1111 : i32 to vector<16xi32>
    %rev3A_1113 = tpu.iota {dimensions = array<i32: 0>} : vector<16xi32>
    %rev3A_1114 = arith.subi %rev3A_1112, %rev3A_1113 : vector<16xi32>
    %rev3A_1115 = tpu.dynamic_gather %masked_cumsum3A_1110[%rev3A_1114] in [0] : vector<16xf32>, vector<16xi32> -> vector<16xf32>
    %add3A_1116 = arith.addf %rev3A_1115, %gather3A_1100 : vector<16xf32>
    %swap3A_1117 = arith.constant 112 : index
    %swap3A_1118 = tpu.vector_load %arg8[%swap3A_1117] {strides = array<i32>} : memref<256xf32, #tpu.memory_space<vmem>>, vector<16xf32>,
    tpu.vector_store %arg8[%swap3A_1117], %add3A_1116 {strides = array<i32>} : memref<256xf32, #tpu.memory_space<vmem>>, vector<16xf32>,
    %ge3A_1119 = arith.cmpf oge, %add3A_1116, %sub3A_865 : vector<16xf32>
    %all_reduce_population_count3A_1120 = tpu.all_reduce %ge3A_1119 {dim = 0 : i64, kind = #tpu.reduction_kind<sum>} : vector<16xi1> -> vector<16xi32>
    %add3A_1121 = arith.addi %add3A_1097, %all_reduce_population_count3A_1120 : vector<16xi32>
    %broadcast_in_dim3A_1122 = arith.constant 112 : i32
    %broadcast_in_dim3A_1123 = vector.broadcast %broadcast_in_dim3A_1122 : i32 to vector<16xi32>
    %gather3A_1124 = tpu.vector_load_idx %arg8[%broadcast_in_dim3A_1123] : memref<256xf32, #tpu.memory_space<vmem>>[vector<16xi32>], vector<16xf32>,
    %get3A_1125 = arith.constant 96 : index
    %get3A_1126 = tpu.vector_load %arg7[%get3A_1125] {strides = array<i32>} : memref<256xf32, #tpu.memory_space<vmem>>, vector<16xf32>,
    %rev3A_1127 = arith.constant 15 : i32
    %rev3A_1128 = vector.broadcast %rev3A_1127 : i32 to vector<16xi32>
    %rev3A_1129 = tpu.iota {dimensions = array<i32: 0>} : vector<16xi32>
    %rev3A_1130 = arith.subi %rev3A_1128, %rev3A_1129 : vector<16xi32>
    %rev3A_1131 = tpu.dynamic_gather %get3A_1126[%rev3A_1130] in [0] : vector<16xf32>, vector<16xi32> -> vector<16xf32>
    %broadcast_in_dim3A_1132 = arith.constant true
    %broadcast_in_dim3A_1133 = vector.broadcast %broadcast_in_dim3A_1132 : i1 to vector<16xi1>
    %masked_cumsum3A_1134 = tpu.scan <sum>, %rev3A_1131 masked %broadcast_in_dim3A_1133 : vector<16xf32>, vector<16xi1> -> vector<16xf32>
    %rev3A_1135 = arith.constant 15 : i32
    %rev3A_1136 = vector.broadcast %rev3A_1135 : i32 to vector<16xi32>
    %rev3A_1137 = tpu.iota {dimensions = array<i32: 0>} : vector<16xi32>
    %rev3A_1138 = arith.subi %rev3A_1136, %rev3A_1137 : vector<16xi32>
    %rev3A_1139 = tpu.dynamic_gather %masked_cumsum3A_1134[%rev3A_1138] in [0] : vector<16xf32>, vector<16xi32> -> vector<16xf32>
    %add3A_1140 = arith.addf %rev3A_1139, %gather3A_1124 : vector<16xf32>
    %swap3A_1141 = arith.constant 96 : index
    %swap3A_1142 = tpu.vector_load %arg8[%swap3A_1141] {strides = array<i32>} : memref<256xf32, #tpu.memory_space<vmem>>, vector<16xf32>,
    tpu.vector_store %arg8[%swap3A_1141], %add3A_1140 {strides = array<i32>} : memref<256xf32, #tpu.memory_space<vmem>>, vector<16xf32>,
    %ge3A_1143 = arith.cmpf oge, %add3A_1140, %sub3A_865 : vector<16xf32>
    %all_reduce_population_count3A_1144 = tpu.all_reduce %ge3A_1143 {dim = 0 : i64, kind = #tpu.reduction_kind<sum>} : vector<16xi1> -> vector<16xi32>
    %add3A_1145 = arith.addi %add3A_1121, %all_reduce_population_count3A_1144 : vector<16xi32>
    %broadcast_in_dim3A_1146 = arith.constant 96 : i32
    %broadcast_in_dim3A_1147 = vector.broadcast %broadcast_in_dim3A_1146 : i32 to vector<16xi32>
    %gather3A_1148 = tpu.vector_load_idx %arg8[%broadcast_in_dim3A_1147] : memref<256xf32, #tpu.memory_space<vmem>>[vector<16xi32>], vector<16xf32>,
    %get3A_1149 = arith.constant 80 : index
    %get3A_1150 = tpu.vector_load %arg7[%get3A_1149] {strides = array<i32>} : memref<256xf32, #tpu.memory_space<vmem>>, vector<16xf32>,
    %rev3A_1151 = arith.constant 15 : i32
    %rev3A_1152 = vector.broadcast %rev3A_1151 : i32 to vector<16xi32>
    %rev3A_1153 = tpu.iota {dimensions = array<i32: 0>} : vector<16xi32>
    %rev3A_1154 = arith.subi %rev3A_1152, %rev3A_1153 : vector<16xi32>
    %rev3A_1155 = tpu.dynamic_gather %get3A_1150[%rev3A_1154] in [0] : vector<16xf32>, vector<16xi32> -> vector<16xf32>
    %broadcast_in_dim3A_1156 = arith.constant true
    %broadcast_in_dim3A_1157 = vector.broadcast %broadcast_in_dim3A_1156 : i1 to vector<16xi1>
    %masked_cumsum3A_1158 = tpu.scan <sum>, %rev3A_1155 masked %broadcast_in_dim3A_1157 : vector<16xf32>, vector<16xi1> -> vector<16xf32>
    %rev3A_1159 = arith.constant 15 : i32
    %rev3A_1160 = vector.broadcast %rev3A_1159 : i32 to vector<16xi32>
    %rev3A_1161 = tpu.iota {dimensions = array<i32: 0>} : vector<16xi32>
    %rev3A_1162 = arith.subi %rev3A_1160, %rev3A_1161 : vector<16xi32>
    %rev3A_1163 = tpu.dynamic_gather %masked_cumsum3A_1158[%rev3A_1162] in [0] : vector<16xf32>, vector<16xi32> -> vector<16xf32>
    %add3A_1164 = arith.addf %rev3A_1163, %gather3A_1148 : vector<16xf32>
    %swap3A_1165 = arith.constant 80 : index
    %swap3A_1166 = tpu.vector_load %arg8[%swap3A_1165] {strides = array<i32>} : memref<256xf32, #tpu.memory_space<vmem>>, vector<16xf32>,
    tpu.vector_store %arg8[%swap3A_1165], %add3A_1164 {strides = array<i32>} : memref<256xf32, #tpu.memory_space<vmem>>, vector<16xf32>,
    %ge3A_1167 = arith.cmpf oge, %add3A_1164, %sub3A_865 : vector<16xf32>
    %all_reduce_population_count3A_1168 = tpu.all_reduce %ge3A_1167 {dim = 0 : i64, kind = #tpu.reduction_kind<sum>} : vector<16xi1> -> vector<16xi32>
    %add3A_1169 = arith.addi %add3A_1145, %all_reduce_population_count3A_1168 : vector<16xi32>
    %broadcast_in_dim3A_1170 = arith.constant 80 : i32
    %broadcast_in_dim3A_1171 = vector.broadcast %broadcast_in_dim3A_1170 : i32 to vector<16xi32>
    %gather3A_1172 = tpu.vector_load_idx %arg8[%broadcast_in_dim3A_1171] : memref<256xf32, #tpu.memory_space<vmem>>[vector<16xi32>], vector<16xf32>,
    %get3A_1173 = arith.constant 64 : index
    %get3A_1174 = tpu.vector_load %arg7[%get3A_1173] {strides = array<i32>} : memref<256xf32, #tpu.memory_space<vmem>>, vector<16xf32>,
    %rev3A_1175 = arith.constant 15 : i32
    %rev3A_1176 = vector.broadcast %rev3A_1175 : i32 to vector<16xi32>
    %rev3A_1177 = tpu.iota {dimensions = array<i32: 0>} : vector<16xi32>
    %rev3A_1178 = arith.subi %rev3A_1176, %rev3A_1177 : vector<16xi32>
    %rev3A_1179 = tpu.dynamic_gather %get3A_1174[%rev3A_1178] in [0] : vector<16xf32>, vector<16xi32> -> vector<16xf32>
    %broadcast_in_dim3A_1180 = arith.constant true
    %broadcast_in_dim3A_1181 = vector.broadcast %broadcast_in_dim3A_1180 : i1 to vector<16xi1>
    %masked_cumsum3A_1182 = tpu.scan <sum>, %rev3A_1179 masked %broadcast_in_dim3A_1181 : vector<16xf32>, vector<16xi1> -> vector<16xf32>
    %rev3A_1183 = arith.constant 15 : i32
    %rev3A_1184 = vector.broadcast %rev3A_1183 : i32 to vector<16xi32>
    %rev3A_1185 = tpu.iota {dimensions = array<i32: 0>} : vector<16xi32>
    %rev3A_1186 = arith.subi %rev3A_1184, %rev3A_1185 : vector<16xi32>
    %rev3A_1187 = tpu.dynamic_gather %masked_cumsum3A_1182[%rev3A_1186] in [0] : vector<16xf32>, vector<16xi32> -> vector<16xf32>
    %add3A_1188 = arith.addf %rev3A_1187, %gather3A_1172 : vector<16xf32>
    %swap3A_1189 = arith.constant 64 : index
    %swap3A_1190 = tpu.vector_load %arg8[%swap3A_1189] {strides = array<i32>} : memref<256xf32, #tpu.memory_space<vmem>>, vector<16xf32>,
    tpu.vector_store %arg8[%swap3A_1189], %add3A_1188 {strides = array<i32>} : memref<256xf32, #tpu.memory_space<vmem>>, vector<16xf32>,
    %ge3A_1191 = arith.cmpf oge, %add3A_1188, %sub3A_865 : vector<16xf32>
    %all_reduce_population_count3A_1192 = tpu.all_reduce %ge3A_1191 {dim = 0 : i64, kind = #tpu.reduction_kind<sum>} : vector<16xi1> -> vector<16xi32>
    %add3A_1193 = arith.addi %add3A_1169, %all_reduce_population_count3A_1192 : vector<16xi32>
    %broadcast_in_dim3A_1194 = arith.constant 64 : i32
    %broadcast_in_dim3A_1195 = vector.broadcast %broadcast_in_dim3A_1194 : i32 to vector<16xi32>
    %gather3A_1196 = tpu.vector_load_idx %arg8[%broadcast_in_dim3A_1195] : memref<256xf32, #tpu.memory_space<vmem>>[vector<16xi32>], vector<16xf32>,
    %get3A_1197 = arith.constant 48 : index
    %get3A_1198 = tpu.vector_load %arg7[%get3A_1197] {strides = array<i32>} : memref<256xf32, #tpu.memory_space<vmem>>, vector<16xf32>,
    %rev3A_1199 = arith.constant 15 : i32
    %rev3A_1200 = vector.broadcast %rev3A_1199 : i32 to vector<16xi32>
    %rev3A_1201 = tpu.iota {dimensions = array<i32: 0>} : vector<16xi32>
    %rev3A_1202 = arith.subi %rev3A_1200, %rev3A_1201 : vector<16xi32>
    %rev3A_1203 = tpu.dynamic_gather %get3A_1198[%rev3A_1202] in [0] : vector<16xf32>, vector<16xi32> -> vector<16xf32>
    %broadcast_in_dim3A_1204 = arith.constant true
    %broadcast_in_dim3A_1205 = vector.broadcast %broadcast_in_dim3A_1204 : i1 to vector<16xi1>
    %masked_cumsum3A_1206 = tpu.scan <sum>, %rev3A_1203 masked %broadcast_in_dim3A_1205 : vector<16xf32>, vector<16xi1> -> vector<16xf32>
    %rev3A_1207 = arith.constant 15 : i32
    %rev3A_1208 = vector.broadcast %rev3A_1207 : i32 to vector<16xi32>
    %rev3A_1209 = tpu.iota {dimensions = array<i32: 0>} : vector<16xi32>
    %rev3A_1210 = arith.subi %rev3A_1208, %rev3A_1209 : vector<16xi32>
    %rev3A_1211 = tpu.dynamic_gather %masked_cumsum3A_1206[%rev3A_1210] in [0] : vector<16xf32>, vector<16xi32> -> vector<16xf32>
    %add3A_1212 = arith.addf %rev3A_1211, %gather3A_1196 : vector<16xf32>
    %swap3A_1213 = arith.constant 48 : index
    %swap3A_1214 = tpu.vector_load %arg8[%swap3A_1213] {strides = array<i32>} : memref<256xf32, #tpu.memory_space<vmem>>, vector<16xf32>,
    tpu.vector_store %arg8[%swap3A_1213], %add3A_1212 {strides = array<i32>} : memref<256xf32, #tpu.memory_space<vmem>>, vector<16xf32>,
    %ge3A_1215 = arith.cmpf oge, %add3A_1212, %sub3A_865 : vector<16xf32>
    %all_reduce_population_count3A_1216 = tpu.all_reduce %ge3A_1215 {dim = 0 : i64, kind = #tpu.reduction_kind<sum>} : vector<16xi1> -> vector<16xi32>
    %add3A_1217 = arith.addi %add3A_1193, %all_reduce_population_count3A_1216 : vector<16xi32>
    %broadcast_in_dim3A_1218 = arith.constant 48 : i32
    %broadcast_in_dim3A_1219 = vector.broadcast %broadcast_in_dim3A_1218 : i32 to vector<16xi32>
    %gather3A_1220 = tpu.vector_load_idx %arg8[%broadcast_in_dim3A_1219] : memref<256xf32, #tpu.memory_space<vmem>>[vector<16xi32>], vector<16xf32>,
    %get3A_1221 = arith.constant 32 : index
    %get3A_1222 = tpu.vector_load %arg7[%get3A_1221] {strides = array<i32>} : memref<256xf32, #tpu.memory_space<vmem>>, vector<16xf32>,
    %rev3A_1223 = arith.constant 15 : i32
    %rev3A_1224 = vector.broadcast %rev3A_1223 : i32 to vector<16xi32>
    %rev3A_1225 = tpu.iota {dimensions = array<i32: 0>} : vector<16xi32>
    %rev3A_1226 = arith.subi %rev3A_1224, %rev3A_1225 : vector<16xi32>
    %rev3A_1227 = tpu.dynamic_gather %get3A_1222[%rev3A_1226] in [0] : vector<16xf32>, vector<16xi32> -> vector<16xf32>
    %broadcast_in_dim3A_1228 = arith.constant true
    %broadcast_in_dim3A_1229 = vector.broadcast %broadcast_in_dim3A_1228 : i1 to vector<16xi1>
    %masked_cumsum3A_1230 = tpu.scan <sum>, %rev3A_1227 masked %broadcast_in_dim3A_1229 : vector<16xf32>, vector<16xi1> -> vector<16xf32>
    %rev3A_1231 = arith.constant 15 : i32
    %rev3A_1232 = vector.broadcast %rev3A_1231 : i32 to vector<16xi32>
    %rev3A_1233 = tpu.iota {dimensions = array<i32: 0>} : vector<16xi32>
    %rev3A_1234 = arith.subi %rev3A_1232, %rev3A_1233 : vector<16xi32>
    %rev3A_1235 = tpu.dynamic_gather %masked_cumsum3A_1230[%rev3A_1234] in [0] : vector<16xf32>, vector<16xi32> -> vector<16xf32>
    %add3A_1236 = arith.addf %rev3A_1235, %gather3A_1220 : vector<16xf32>
    %swap3A_1237 = arith.constant 32 : index
    %swap3A_1238 = tpu.vector_load %arg8[%swap3A_1237] {strides = array<i32>} : memref<256xf32, #tpu.memory_space<vmem>>, vector<16xf32>,
    tpu.vector_store %arg8[%swap3A_1237], %add3A_1236 {strides = array<i32>} : memref<256xf32, #tpu.memory_space<vmem>>, vector<16xf32>,
    %ge3A_1239 = arith.cmpf oge, %add3A_1236, %sub3A_865 : vector<16xf32>
    %all_reduce_population_count3A_1240 = tpu.all_reduce %ge3A_1239 {dim = 0 : i64, kind = #tpu.reduction_kind<sum>} : vector<16xi1> -> vector<16xi32>
    %add3A_1241 = arith.addi %add3A_1217, %all_reduce_population_count3A_1240 : vector<16xi32>
    %broadcast_in_dim3A_1242 = arith.constant 32 : i32
    %broadcast_in_dim3A_1243 = vector.broadcast %broadcast_in_dim3A_1242 : i32 to vector<16xi32>
    %gather3A_1244 = tpu.vector_load_idx %arg8[%broadcast_in_dim3A_1243] : memref<256xf32, #tpu.memory_space<vmem>>[vector<16xi32>], vector<16xf32>,
    %get3A_1245 = arith.constant 16 : index
    %get3A_1246 = tpu.vector_load %arg7[%get3A_1245] {strides = array<i32>} : memref<256xf32, #tpu.memory_space<vmem>>, vector<16xf32>,
    %rev3A_1247 = arith.constant 15 : i32
    %rev3A_1248 = vector.broadcast %rev3A_1247 : i32 to vector<16xi32>
    %rev3A_1249 = tpu.iota {dimensions = array<i32: 0>} : vector<16xi32>
    %rev3A_1250 = arith.subi %rev3A_1248, %rev3A_1249 : vector<16xi32>
    %rev3A_1251 = tpu.dynamic_gather %get3A_1246[%rev3A_1250] in [0] : vector<16xf32>, vector<16xi32> -> vector<16xf32>
    %broadcast_in_dim3A_1252 = arith.constant true
    %broadcast_in_dim3A_1253 = vector.broadcast %broadcast_in_dim3A_1252 : i1 to vector<16xi1>
    %masked_cumsum3A_1254 = tpu.scan <sum>, %rev3A_1251 masked %broadcast_in_dim3A_1253 : vector<16xf32>, vector<16xi1> -> vector<16xf32>
    %rev3A_1255 = arith.constant 15 : i32
    %rev3A_1256 = vector.broadcast %rev3A_1255 : i32 to vector<16xi32>
    %rev3A_1257 = tpu.iota {dimensions = array<i32: 0>} : vector<16xi32>
    %rev3A_1258 = arith.subi %rev3A_1256, %rev3A_1257 : vector<16xi32>
    %rev3A_1259 = tpu.dynamic_gather %masked_cumsum3A_1254[%rev3A_1258] in [0] : vector<16xf32>, vector<16xi32> -> vector<16xf32>
    %add3A_1260 = arith.addf %rev3A_1259, %gather3A_1244 : vector<16xf32>
    %swap3A_1261 = arith.constant 16 : index
    %swap3A_1262 = tpu.vector_load %arg8[%swap3A_1261] {strides = array<i32>} : memref<256xf32, #tpu.memory_space<vmem>>, vector<16xf32>,
    tpu.vector_store %arg8[%swap3A_1261], %add3A_1260 {strides = array<i32>} : memref<256xf32, #tpu.memory_space<vmem>>, vector<16xf32>,
    %ge3A_1263 = arith.cmpf oge, %add3A_1260, %sub3A_865 : vector<16xf32>
    %all_reduce_population_count3A_1264 = tpu.all_reduce %ge3A_1263 {dim = 0 : i64, kind = #tpu.reduction_kind<sum>} : vector<16xi1> -> vector<16xi32>
    %add3A_1265 = arith.addi %add3A_1241, %all_reduce_population_count3A_1264 : vector<16xi32>
    %broadcast_in_dim3A_1266 = arith.constant 16 : i32
    %broadcast_in_dim3A_1267 = vector.broadcast %broadcast_in_dim3A_1266 : i32 to vector<16xi32>
    %gather3A_1268 = tpu.vector_load_idx %arg8[%broadcast_in_dim3A_1267] : memref<256xf32, #tpu.memory_space<vmem>>[vector<16xi32>], vector<16xf32>,
    %get3A_1269 = arith.constant 0 : index
    %get3A_1270 = tpu.vector_load %arg7[%get3A_1269] {strides = array<i32>} : memref<256xf32, #tpu.memory_space<vmem>>, vector<16xf32>,
    %rev3A_1271 = arith.constant 15 : i32
    %rev3A_1272 = vector.broadcast %rev3A_1271 : i32 to vector<16xi32>
    %rev3A_1273 = tpu.iota {dimensions = array<i32: 0>} : vector<16xi32>
    %rev3A_1274 = arith.subi %rev3A_1272, %rev3A_1273 : vector<16xi32>
    %rev3A_1275 = tpu.dynamic_gather %get3A_1270[%rev3A_1274] in [0] : vector<16xf32>, vector<16xi32> -> vector<16xf32>
    %broadcast_in_dim3A_1276 = arith.constant true
    %broadcast_in_dim3A_1277 = vector.broadcast %broadcast_in_dim3A_1276 : i1 to vector<16xi1>
    %masked_cumsum3A_1278 = tpu.scan <sum>, %rev3A_1275 masked %broadcast_in_dim3A_1277 : vector<16xf32>, vector<16xi1> -> vector<16xf32>
    %rev3A_1279 = arith.constant 15 : i32
    %rev3A_1280 = vector.broadcast %rev3A_1279 : i32 to vector<16xi32>
    %rev3A_1281 = tpu.iota {dimensions = array<i32: 0>} : vector<16xi32>
    %rev3A_1282 = arith.subi %rev3A_1280, %rev3A_1281 : vector<16xi32>
    %rev3A_1283 = tpu.dynamic_gather %masked_cumsum3A_1278[%rev3A_1282] in [0] : vector<16xf32>, vector<16xi32> -> vector<16xf32>
    %add3A_1284 = arith.addf %rev3A_1283, %gather3A_1268 : vector<16xf32>
    %swap3A_1285 = arith.constant 0 : index
    %swap3A_1286 = tpu.vector_load %arg8[%swap3A_1285] {strides = array<i32>} : memref<256xf32, #tpu.memory_space<vmem>>, vector<16xf32>,
    tpu.vector_store %arg8[%swap3A_1285], %add3A_1284 {strides = array<i32>} : memref<256xf32, #tpu.memory_space<vmem>>, vector<16xf32>,
    %ge3A_1287 = arith.cmpf oge, %add3A_1284, %sub3A_865 : vector<16xf32>
    %all_reduce_population_count3A_1288 = tpu.all_reduce %ge3A_1287 {dim = 0 : i64, kind = #tpu.reduction_kind<sum>} : vector<16xi1> -> vector<16xi32>
    %add3A_1289 = arith.addi %add3A_1265, %all_reduce_population_count3A_1288 : vector<16xi32>
    %broadcast_in_dim3A_1290 = arith.constant 0 : i32
    %broadcast_in_dim3A_1291 = vector.broadcast %broadcast_in_dim3A_1290 : i32 to vector<16xi32>
    %gather3A_1292 = tpu.vector_load_idx %arg8[%broadcast_in_dim3A_1291] : memref<256xf32, #tpu.memory_space<vmem>>[vector<16xi32>], vector<16xf32>,
    %sub3A_1293 = arith.constant 1 : i32
    %sub3A_1294 = vector.broadcast %sub3A_1293 : i32 to vector<16xi32>
    %sub3A_1295 = arith.subi %add3A_1289, %sub3A_1294 : vector<16xi32>
    %gather3A_1296 = tpu.vector_load_idx %arg7[%sub3A_1295] : memref<256xf32, #tpu.memory_space<vmem>>[vector<16xi32>], vector<16xf32>,
    %gather3A_1297 = tpu.vector_load_idx %arg8[%sub3A_1295] : memref<256xf32, #tpu.memory_space<vmem>>[vector<16xi32>], vector<16xf32>,
    %sub3A_1298 = arith.subf %gather3A_1297, %gather3A_1296 : vector<16xf32>
    %sub3A_1299 = arith.subf %sub3A_865, %sub3A_1298 : vector<16xf32>
    %shift_left3A_1300 = arith.constant 7 : i32
    %shift_left3A_1301 = vector.broadcast %shift_left3A_1300 : i32 to vector<16xi32>
    %shift_left3A_1302 = arith.shli %sub3A_1295, %shift_left3A_1301 : vector<16xi32>
    %or3A_1303 = arith.ori %or3A_869, %shift_left3A_1302 : vector<16xi32>
    %swap3A_1304 = arith.constant 0 : index
    %swap3A_1305 = tpu.vector_load %arg7[%swap3A_1304] {strides = array<i32>} : memref<256xf32, #tpu.memory_space<vmem>>, vector<16xf32>,
    tpu.vector_store %arg7[%swap3A_1304], %broadcast_in_dim3A_5 {strides = array<i32>} : memref<256xf32, #tpu.memory_space<vmem>>, vector<16xf32>,
    %swap3A_1306 = arith.constant 16 : index
    %swap3A_1307 = tpu.vector_load %arg7[%swap3A_1306] {strides = array<i32>} : memref<256xf32, #tpu.memory_space<vmem>>, vector<16xf32>,
    tpu.vector_store %arg7[%swap3A_1306], %broadcast_in_dim3A_5 {strides = array<i32>} : memref<256xf32, #tpu.memory_space<vmem>>, vector<16xf32>,
    %swap3A_1308 = arith.constant 32 : index
    %swap3A_1309 = tpu.vector_load %arg7[%swap3A_1308] {strides = array<i32>} : memref<256xf32, #tpu.memory_space<vmem>>, vector<16xf32>,
    tpu.vector_store %arg7[%swap3A_1308], %broadcast_in_dim3A_5 {strides = array<i32>} : memref<256xf32, #tpu.memory_space<vmem>>, vector<16xf32>,
    %swap3A_1310 = arith.constant 48 : index
    %swap3A_1311 = tpu.vector_load %arg7[%swap3A_1310] {strides = array<i32>} : memref<256xf32, #tpu.memory_space<vmem>>, vector<16xf32>,
    tpu.vector_store %arg7[%swap3A_1310], %broadcast_in_dim3A_5 {strides = array<i32>} : memref<256xf32, #tpu.memory_space<vmem>>, vector<16xf32>,
    %swap3A_1312 = arith.constant 64 : index
    %swap3A_1313 = tpu.vector_load %arg7[%swap3A_1312] {strides = array<i32>} : memref<256xf32, #tpu.memory_space<vmem>>, vector<16xf32>,
    tpu.vector_store %arg7[%swap3A_1312], %broadcast_in_dim3A_5 {strides = array<i32>} : memref<256xf32, #tpu.memory_space<vmem>>, vector<16xf32>,
    %swap3A_1314 = arith.constant 80 : index
    %swap3A_1315 = tpu.vector_load %arg7[%swap3A_1314] {strides = array<i32>} : memref<256xf32, #tpu.memory_space<vmem>>, vector<16xf32>,
    tpu.vector_store %arg7[%swap3A_1314], %broadcast_in_dim3A_5 {strides = array<i32>} : memref<256xf32, #tpu.memory_space<vmem>>, vector<16xf32>,
    %swap3A_1316 = arith.constant 96 : index
    %swap3A_1317 = tpu.vector_load %arg7[%swap3A_1316] {strides = array<i32>} : memref<256xf32, #tpu.memory_space<vmem>>, vector<16xf32>,
    tpu.vector_store %arg7[%swap3A_1316], %broadcast_in_dim3A_5 {strides = array<i32>} : memref<256xf32, #tpu.memory_space<vmem>>, vector<16xf32>,
    %swap3A_1318 = arith.constant 112 : index
    %swap3A_1319 = tpu.vector_load %arg7[%swap3A_1318] {strides = array<i32>} : memref<256xf32, #tpu.memory_space<vmem>>, vector<16xf32>,
    tpu.vector_store %arg7[%swap3A_1318], %broadcast_in_dim3A_5 {strides = array<i32>} : memref<256xf32, #tpu.memory_space<vmem>>, vector<16xf32>,
    %swap3A_1320 = arith.constant 128 : index
    %swap3A_1321 = tpu.vector_load %arg7[%swap3A_1320] {strides = array<i32>} : memref<256xf32, #tpu.memory_space<vmem>>, vector<16xf32>,
    tpu.vector_store %arg7[%swap3A_1320], %broadcast_in_dim3A_5 {strides = array<i32>} : memref<256xf32, #tpu.memory_space<vmem>>, vector<16xf32>,
    %swap3A_1322 = arith.constant 144 : index
    %swap3A_1323 = tpu.vector_load %arg7[%swap3A_1322] {strides = array<i32>} : memref<256xf32, #tpu.memory_space<vmem>>, vector<16xf32>,
    tpu.vector_store %arg7[%swap3A_1322], %broadcast_in_dim3A_5 {strides = array<i32>} : memref<256xf32, #tpu.memory_space<vmem>>, vector<16xf32>,
    %swap3A_1324 = arith.constant 160 : index
    %swap3A_1325 = tpu.vector_load %arg7[%swap3A_1324] {strides = array<i32>} : memref<256xf32, #tpu.memory_space<vmem>>, vector<16xf32>,
    tpu.vector_store %arg7[%swap3A_1324], %broadcast_in_dim3A_5 {strides = array<i32>} : memref<256xf32, #tpu.memory_space<vmem>>, vector<16xf32>,
    %swap3A_1326 = arith.constant 176 : index
    %swap3A_1327 = tpu.vector_load %arg7[%swap3A_1326] {strides = array<i32>} : memref<256xf32, #tpu.memory_space<vmem>>, vector<16xf32>,
    tpu.vector_store %arg7[%swap3A_1326], %broadcast_in_dim3A_5 {strides = array<i32>} : memref<256xf32, #tpu.memory_space<vmem>>, vector<16xf32>,
    %swap3A_1328 = arith.constant 192 : index
    %swap3A_1329 = tpu.vector_load %arg7[%swap3A_1328] {strides = array<i32>} : memref<256xf32, #tpu.memory_space<vmem>>, vector<16xf32>,
    tpu.vector_store %arg7[%swap3A_1328], %broadcast_in_dim3A_5 {strides = array<i32>} : memref<256xf32, #tpu.memory_space<vmem>>, vector<16xf32>,
    %swap3A_1330 = arith.constant 208 : index
    %swap3A_1331 = tpu.vector_load %arg7[%swap3A_1330] {strides = array<i32>} : memref<256xf32, #tpu.memory_space<vmem>>, vector<16xf32>,
    tpu.vector_store %arg7[%swap3A_1330], %broadcast_in_dim3A_5 {strides = array<i32>} : memref<256xf32, #tpu.memory_space<vmem>>, vector<16xf32>,
    %swap3A_1332 = arith.constant 224 : index
    %swap3A_1333 = tpu.vector_load %arg7[%swap3A_1332] {strides = array<i32>} : memref<256xf32, #tpu.memory_space<vmem>>, vector<16xf32>,
    tpu.vector_store %arg7[%swap3A_1332], %broadcast_in_dim3A_5 {strides = array<i32>} : memref<256xf32, #tpu.memory_space<vmem>>, vector<16xf32>,
    %swap3A_1334 = arith.constant 240 : index
    %swap3A_1335 = tpu.vector_load %arg7[%swap3A_1334] {strides = array<i32>} : memref<256xf32, #tpu.memory_space<vmem>>, vector<16xf32>,
    tpu.vector_store %arg7[%swap3A_1334], %broadcast_in_dim3A_5 {strides = array<i32>} : memref<256xf32, #tpu.memory_space<vmem>>, vector<16xf32>,
    %shift_right_arithmetic3A_1336 = arith.constant 7 : i32
    %shift_right_arithmetic3A_1337 = vector.broadcast %shift_right_arithmetic3A_1336 : i32 to vector<16xi32>
    %shift_right_arithmetic3A_1338 = arith.shrsi %or3A_1303, %shift_right_arithmetic3A_1337 : vector<16xi32>
    %parallel_loop3A_1339 = arith.constant 0 : i32
    %parallel_loop3A_1340 = arith.constant 576 : i32
    %parallel_loop3A_1341 = arith.constant 1 : i32
    %parallel_loop3A_1342 = arith.constant 127 : i32
    scf.for %parallel_loop3A_1766 = %parallel_loop3A_1339 to %parallel_loop3A_1340 step %parallel_loop3A_1341  : i32 {
      %parallel_loop3A_1767 = arith.constant 16 : i32
      %parallel_loop3A_1768 = arith.muli %parallel_loop3A_1766, %parallel_loop3A_1767 : i32
      %parallel_loop3A_1769 = arith.index_cast %parallel_loop3A_1768 : i32 to index
      %parallel_loop3A_1770 = tpu.vector_load %arg5[%parallel_loop3A_1769] {strides = array<i32>} : memref<9216xf32, #tpu.memory_space<vmem>>, vector<16xf32>,
      %parallel_loop3A_1771 = vector.bitcast %parallel_loop3A_1770 : vector<16xf32> to vector<16xi32>
      %parallel_loop3A_1772 = arith.constant 0 : i32
      %parallel_loop3A_1773 = vector.broadcast %parallel_loop3A_1772 : i32 to vector<16xi32>
      %parallel_loop3A_1774 = arith.shrsi %parallel_loop3A_1771, %parallel_loop3A_1773 : vector<16xi32>
      %parallel_loop3A_1775 = vector.broadcast %parallel_loop3A_1342 : i32 to vector<16xi32>
      %parallel_loop3A_1776 = arith.andi %parallel_loop3A_1774, %parallel_loop3A_1775 : vector<16xi32>
      %parallel_loop3A_1777 = arith.constant 7 : i32
      %parallel_loop3A_1778 = vector.broadcast %parallel_loop3A_1777 : i32 to vector<16xi32>
      %parallel_loop3A_1779 = arith.shrsi %parallel_loop3A_1771, %parallel_loop3A_1778 : vector<16xi32>
      %parallel_loop3A_1780 = arith.cmpi eq, %parallel_loop3A_1779, %shift_right_arithmetic3A_1338 : vector<16xi32>
      tpu.vector_store_idx %arg7[%parallel_loop3A_1776], %broadcast_in_dim3A_3 masked %parallel_loop3A_1780 {add = true} : memref<256xf32, #tpu.memory_space<vmem>>[vector<16xi32>], vector<16xf32>, vector<16xi1>
    } {sc.loop_unroll_factor = 8 : i64, sc.parallel_access}
    %get3A_1343 = arith.constant 240 : index
    %get3A_1344 = tpu.vector_load %arg7[%get3A_1343] {strides = array<i32>} : memref<256xf32, #tpu.memory_space<vmem>>, vector<16xf32>,
    %rev3A_1345 = arith.constant 15 : i32
    %rev3A_1346 = vector.broadcast %rev3A_1345 : i32 to vector<16xi32>
    %rev3A_1347 = tpu.iota {dimensions = array<i32: 0>} : vector<16xi32>
    %rev3A_1348 = arith.subi %rev3A_1346, %rev3A_1347 : vector<16xi32>
    %rev3A_1349 = tpu.dynamic_gather %get3A_1344[%rev3A_1348] in [0] : vector<16xf32>, vector<16xi32> -> vector<16xf32>
    %broadcast_in_dim3A_1350 = arith.constant true
    %broadcast_in_dim3A_1351 = vector.broadcast %broadcast_in_dim3A_1350 : i1 to vector<16xi1>
    %masked_cumsum3A_1352 = tpu.scan <sum>, %rev3A_1349 masked %broadcast_in_dim3A_1351 : vector<16xf32>, vector<16xi1> -> vector<16xf32>
    %rev3A_1353 = arith.constant 15 : i32
    %rev3A_1354 = vector.broadcast %rev3A_1353 : i32 to vector<16xi32>
    %rev3A_1355 = tpu.iota {dimensions = array<i32: 0>} : vector<16xi32>
    %rev3A_1356 = arith.subi %rev3A_1354, %rev3A_1355 : vector<16xi32>
    %rev3A_1357 = tpu.dynamic_gather %masked_cumsum3A_1352[%rev3A_1356] in [0] : vector<16xf32>, vector<16xi32> -> vector<16xf32>
    %add3A_1358 = arith.addf %rev3A_1357, %broadcast_in_dim3A_5 : vector<16xf32>
    %swap3A_1359 = arith.constant 240 : index
    %swap3A_1360 = tpu.vector_load %arg8[%swap3A_1359] {strides = array<i32>} : memref<256xf32, #tpu.memory_space<vmem>>, vector<16xf32>,
    tpu.vector_store %arg8[%swap3A_1359], %add3A_1358 {strides = array<i32>} : memref<256xf32, #tpu.memory_space<vmem>>, vector<16xf32>,
    %ge3A_1361 = arith.cmpf oge, %add3A_1358, %sub3A_1299 : vector<16xf32>
    %all_reduce_population_count3A_1362 = tpu.all_reduce %ge3A_1361 {dim = 0 : i64, kind = #tpu.reduction_kind<sum>} : vector<16xi1> -> vector<16xi32>
    %add3A_1363 = arith.addi %broadcast_in_dim3A_1, %all_reduce_population_count3A_1362 : vector<16xi32>
    %broadcast_in_dim3A_1364 = arith.constant 240 : i32
    %broadcast_in_dim3A_1365 = vector.broadcast %broadcast_in_dim3A_1364 : i32 to vector<16xi32>
    %gather3A_1366 = tpu.vector_load_idx %arg8[%broadcast_in_dim3A_1365] : memref<256xf32, #tpu.memory_space<vmem>>[vector<16xi32>], vector<16xf32>,
    %get3A_1367 = arith.constant 224 : index
    %get3A_1368 = tpu.vector_load %arg7[%get3A_1367] {strides = array<i32>} : memref<256xf32, #tpu.memory_space<vmem>>, vector<16xf32>,
    %rev3A_1369 = arith.constant 15 : i32
    %rev3A_1370 = vector.broadcast %rev3A_1369 : i32 to vector<16xi32>
    %rev3A_1371 = tpu.iota {dimensions = array<i32: 0>} : vector<16xi32>
    %rev3A_1372 = arith.subi %rev3A_1370, %rev3A_1371 : vector<16xi32>
    %rev3A_1373 = tpu.dynamic_gather %get3A_1368[%rev3A_1372] in [0] : vector<16xf32>, vector<16xi32> -> vector<16xf32>
    %broadcast_in_dim3A_1374 = arith.constant true
    %broadcast_in_dim3A_1375 = vector.broadcast %broadcast_in_dim3A_1374 : i1 to vector<16xi1>
    %masked_cumsum3A_1376 = tpu.scan <sum>, %rev3A_1373 masked %broadcast_in_dim3A_1375 : vector<16xf32>, vector<16xi1> -> vector<16xf32>
    %rev3A_1377 = arith.constant 15 : i32
    %rev3A_1378 = vector.broadcast %rev3A_1377 : i32 to vector<16xi32>
    %rev3A_1379 = tpu.iota {dimensions = array<i32: 0>} : vector<16xi32>
    %rev3A_1380 = arith.subi %rev3A_1378, %rev3A_1379 : vector<16xi32>
    %rev3A_1381 = tpu.dynamic_gather %masked_cumsum3A_1376[%rev3A_1380] in [0] : vector<16xf32>, vector<16xi32> -> vector<16xf32>
    %add3A_1382 = arith.addf %rev3A_1381, %gather3A_1366 : vector<16xf32>
    %swap3A_1383 = arith.constant 224 : index
    %swap3A_1384 = tpu.vector_load %arg8[%swap3A_1383] {strides = array<i32>} : memref<256xf32, #tpu.memory_space<vmem>>, vector<16xf32>,
    tpu.vector_store %arg8[%swap3A_1383], %add3A_1382 {strides = array<i32>} : memref<256xf32, #tpu.memory_space<vmem>>, vector<16xf32>,
    %ge3A_1385 = arith.cmpf oge, %add3A_1382, %sub3A_1299 : vector<16xf32>
    %all_reduce_population_count3A_1386 = tpu.all_reduce %ge3A_1385 {dim = 0 : i64, kind = #tpu.reduction_kind<sum>} : vector<16xi1> -> vector<16xi32>
    %add3A_1387 = arith.addi %add3A_1363, %all_reduce_population_count3A_1386 : vector<16xi32>
    %broadcast_in_dim3A_1388 = arith.constant 224 : i32
    %broadcast_in_dim3A_1389 = vector.broadcast %broadcast_in_dim3A_1388 : i32 to vector<16xi32>
    %gather3A_1390 = tpu.vector_load_idx %arg8[%broadcast_in_dim3A_1389] : memref<256xf32, #tpu.memory_space<vmem>>[vector<16xi32>], vector<16xf32>,
    %get3A_1391 = arith.constant 208 : index
    %get3A_1392 = tpu.vector_load %arg7[%get3A_1391] {strides = array<i32>} : memref<256xf32, #tpu.memory_space<vmem>>, vector<16xf32>,
    %rev3A_1393 = arith.constant 15 : i32
    %rev3A_1394 = vector.broadcast %rev3A_1393 : i32 to vector<16xi32>
    %rev3A_1395 = tpu.iota {dimensions = array<i32: 0>} : vector<16xi32>
    %rev3A_1396 = arith.subi %rev3A_1394, %rev3A_1395 : vector<16xi32>
    %rev3A_1397 = tpu.dynamic_gather %get3A_1392[%rev3A_1396] in [0] : vector<16xf32>, vector<16xi32> -> vector<16xf32>
    %broadcast_in_dim3A_1398 = arith.constant true
    %broadcast_in_dim3A_1399 = vector.broadcast %broadcast_in_dim3A_1398 : i1 to vector<16xi1>
    %masked_cumsum3A_1400 = tpu.scan <sum>, %rev3A_1397 masked %broadcast_in_dim3A_1399 : vector<16xf32>, vector<16xi1> -> vector<16xf32>
    %rev3A_1401 = arith.constant 15 : i32
    %rev3A_1402 = vector.broadcast %rev3A_1401 : i32 to vector<16xi32>
    %rev3A_1403 = tpu.iota {dimensions = array<i32: 0>} : vector<16xi32>
    %rev3A_1404 = arith.subi %rev3A_1402, %rev3A_1403 : vector<16xi32>
    %rev3A_1405 = tpu.dynamic_gather %masked_cumsum3A_1400[%rev3A_1404] in [0] : vector<16xf32>, vector<16xi32> -> vector<16xf32>
    %add3A_1406 = arith.addf %rev3A_1405, %gather3A_1390 : vector<16xf32>
    %swap3A_1407 = arith.constant 208 : index
    %swap3A_1408 = tpu.vector_load %arg8[%swap3A_1407] {strides = array<i32>} : memref<256xf32, #tpu.memory_space<vmem>>, vector<16xf32>,
    tpu.vector_store %arg8[%swap3A_1407], %add3A_1406 {strides = array<i32>} : memref<256xf32, #tpu.memory_space<vmem>>, vector<16xf32>,
    %ge3A_1409 = arith.cmpf oge, %add3A_1406, %sub3A_1299 : vector<16xf32>
    %all_reduce_population_count3A_1410 = tpu.all_reduce %ge3A_1409 {dim = 0 : i64, kind = #tpu.reduction_kind<sum>} : vector<16xi1> -> vector<16xi32>
    %add3A_1411 = arith.addi %add3A_1387, %all_reduce_population_count3A_1410 : vector<16xi32>
    %broadcast_in_dim3A_1412 = arith.constant 208 : i32
    %broadcast_in_dim3A_1413 = vector.broadcast %broadcast_in_dim3A_1412 : i32 to vector<16xi32>
    %gather3A_1414 = tpu.vector_load_idx %arg8[%broadcast_in_dim3A_1413] : memref<256xf32, #tpu.memory_space<vmem>>[vector<16xi32>], vector<16xf32>,
    %get3A_1415 = arith.constant 192 : index
    %get3A_1416 = tpu.vector_load %arg7[%get3A_1415] {strides = array<i32>} : memref<256xf32, #tpu.memory_space<vmem>>, vector<16xf32>,
    %rev3A_1417 = arith.constant 15 : i32
    %rev3A_1418 = vector.broadcast %rev3A_1417 : i32 to vector<16xi32>
    %rev3A_1419 = tpu.iota {dimensions = array<i32: 0>} : vector<16xi32>
    %rev3A_1420 = arith.subi %rev3A_1418, %rev3A_1419 : vector<16xi32>
    %rev3A_1421 = tpu.dynamic_gather %get3A_1416[%rev3A_1420] in [0] : vector<16xf32>, vector<16xi32> -> vector<16xf32>
    %broadcast_in_dim3A_1422 = arith.constant true
    %broadcast_in_dim3A_1423 = vector.broadcast %broadcast_in_dim3A_1422 : i1 to vector<16xi1>
    %masked_cumsum3A_1424 = tpu.scan <sum>, %rev3A_1421 masked %broadcast_in_dim3A_1423 : vector<16xf32>, vector<16xi1> -> vector<16xf32>
    %rev3A_1425 = arith.constant 15 : i32
    %rev3A_1426 = vector.broadcast %rev3A_1425 : i32 to vector<16xi32>
    %rev3A_1427 = tpu.iota {dimensions = array<i32: 0>} : vector<16xi32>
    %rev3A_1428 = arith.subi %rev3A_1426, %rev3A_1427 : vector<16xi32>
    %rev3A_1429 = tpu.dynamic_gather %masked_cumsum3A_1424[%rev3A_1428] in [0] : vector<16xf32>, vector<16xi32> -> vector<16xf32>
    %add3A_1430 = arith.addf %rev3A_1429, %gather3A_1414 : vector<16xf32>
    %swap3A_1431 = arith.constant 192 : index
    %swap3A_1432 = tpu.vector_load %arg8[%swap3A_1431] {strides = array<i32>} : memref<256xf32, #tpu.memory_space<vmem>>, vector<16xf32>,
    tpu.vector_store %arg8[%swap3A_1431], %add3A_1430 {strides = array<i32>} : memref<256xf32, #tpu.memory_space<vmem>>, vector<16xf32>,
    %ge3A_1433 = arith.cmpf oge, %add3A_1430, %sub3A_1299 : vector<16xf32>
    %all_reduce_population_count3A_1434 = tpu.all_reduce %ge3A_1433 {dim = 0 : i64, kind = #tpu.reduction_kind<sum>} : vector<16xi1> -> vector<16xi32>
    %add3A_1435 = arith.addi %add3A_1411, %all_reduce_population_count3A_1434 : vector<16xi32>
    %broadcast_in_dim3A_1436 = arith.constant 192 : i32
    %broadcast_in_dim3A_1437 = vector.broadcast %broadcast_in_dim3A_1436 : i32 to vector<16xi32>
    %gather3A_1438 = tpu.vector_load_idx %arg8[%broadcast_in_dim3A_1437] : memref<256xf32, #tpu.memory_space<vmem>>[vector<16xi32>], vector<16xf32>,
    %get3A_1439 = arith.constant 176 : index
    %get3A_1440 = tpu.vector_load %arg7[%get3A_1439] {strides = array<i32>} : memref<256xf32, #tpu.memory_space<vmem>>, vector<16xf32>,
    %rev3A_1441 = arith.constant 15 : i32
    %rev3A_1442 = vector.broadcast %rev3A_1441 : i32 to vector<16xi32>
    %rev3A_1443 = tpu.iota {dimensions = array<i32: 0>} : vector<16xi32>
    %rev3A_1444 = arith.subi %rev3A_1442, %rev3A_1443 : vector<16xi32>
    %rev3A_1445 = tpu.dynamic_gather %get3A_1440[%rev3A_1444] in [0] : vector<16xf32>, vector<16xi32> -> vector<16xf32>
    %broadcast_in_dim3A_1446 = arith.constant true
    %broadcast_in_dim3A_1447 = vector.broadcast %broadcast_in_dim3A_1446 : i1 to vector<16xi1>
    %masked_cumsum3A_1448 = tpu.scan <sum>, %rev3A_1445 masked %broadcast_in_dim3A_1447 : vector<16xf32>, vector<16xi1> -> vector<16xf32>
    %rev3A_1449 = arith.constant 15 : i32
    %rev3A_1450 = vector.broadcast %rev3A_1449 : i32 to vector<16xi32>
    %rev3A_1451 = tpu.iota {dimensions = array<i32: 0>} : vector<16xi32>
    %rev3A_1452 = arith.subi %rev3A_1450, %rev3A_1451 : vector<16xi32>
    %rev3A_1453 = tpu.dynamic_gather %masked_cumsum3A_1448[%rev3A_1452] in [0] : vector<16xf32>, vector<16xi32> -> vector<16xf32>
    %add3A_1454 = arith.addf %rev3A_1453, %gather3A_1438 : vector<16xf32>
    %swap3A_1455 = arith.constant 176 : index
    %swap3A_1456 = tpu.vector_load %arg8[%swap3A_1455] {strides = array<i32>} : memref<256xf32, #tpu.memory_space<vmem>>, vector<16xf32>,
    tpu.vector_store %arg8[%swap3A_1455], %add3A_1454 {strides = array<i32>} : memref<256xf32, #tpu.memory_space<vmem>>, vector<16xf32>,
    %ge3A_1457 = arith.cmpf oge, %add3A_1454, %sub3A_1299 : vector<16xf32>
    %all_reduce_population_count3A_1458 = tpu.all_reduce %ge3A_1457 {dim = 0 : i64, kind = #tpu.reduction_kind<sum>} : vector<16xi1> -> vector<16xi32>
    %add3A_1459 = arith.addi %add3A_1435, %all_reduce_population_count3A_1458 : vector<16xi32>
    %broadcast_in_dim3A_1460 = arith.constant 176 : i32
    %broadcast_in_dim3A_1461 = vector.broadcast %broadcast_in_dim3A_1460 : i32 to vector<16xi32>
    %gather3A_1462 = tpu.vector_load_idx %arg8[%broadcast_in_dim3A_1461] : memref<256xf32, #tpu.memory_space<vmem>>[vector<16xi32>], vector<16xf32>,
    %get3A_1463 = arith.constant 160 : index
    %get3A_1464 = tpu.vector_load %arg7[%get3A_1463] {strides = array<i32>} : memref<256xf32, #tpu.memory_space<vmem>>, vector<16xf32>,
    %rev3A_1465 = arith.constant 15 : i32
    %rev3A_1466 = vector.broadcast %rev3A_1465 : i32 to vector<16xi32>
    %rev3A_1467 = tpu.iota {dimensions = array<i32: 0>} : vector<16xi32>
    %rev3A_1468 = arith.subi %rev3A_1466, %rev3A_1467 : vector<16xi32>
    %rev3A_1469 = tpu.dynamic_gather %get3A_1464[%rev3A_1468] in [0] : vector<16xf32>, vector<16xi32> -> vector<16xf32>
    %broadcast_in_dim3A_1470 = arith.constant true
    %broadcast_in_dim3A_1471 = vector.broadcast %broadcast_in_dim3A_1470 : i1 to vector<16xi1>
    %masked_cumsum3A_1472 = tpu.scan <sum>, %rev3A_1469 masked %broadcast_in_dim3A_1471 : vector<16xf32>, vector<16xi1> -> vector<16xf32>
    %rev3A_1473 = arith.constant 15 : i32
    %rev3A_1474 = vector.broadcast %rev3A_1473 : i32 to vector<16xi32>
    %rev3A_1475 = tpu.iota {dimensions = array<i32: 0>} : vector<16xi32>
    %rev3A_1476 = arith.subi %rev3A_1474, %rev3A_1475 : vector<16xi32>
    %rev3A_1477 = tpu.dynamic_gather %masked_cumsum3A_1472[%rev3A_1476] in [0] : vector<16xf32>, vector<16xi32> -> vector<16xf32>
    %add3A_1478 = arith.addf %rev3A_1477, %gather3A_1462 : vector<16xf32>
    %swap3A_1479 = arith.constant 160 : index
    %swap3A_1480 = tpu.vector_load %arg8[%swap3A_1479] {strides = array<i32>} : memref<256xf32, #tpu.memory_space<vmem>>, vector<16xf32>,
    tpu.vector_store %arg8[%swap3A_1479], %add3A_1478 {strides = array<i32>} : memref<256xf32, #tpu.memory_space<vmem>>, vector<16xf32>,
    %ge3A_1481 = arith.cmpf oge, %add3A_1478, %sub3A_1299 : vector<16xf32>
    %all_reduce_population_count3A_1482 = tpu.all_reduce %ge3A_1481 {dim = 0 : i64, kind = #tpu.reduction_kind<sum>} : vector<16xi1> -> vector<16xi32>
    %add3A_1483 = arith.addi %add3A_1459, %all_reduce_population_count3A_1482 : vector<16xi32>
    %broadcast_in_dim3A_1484 = arith.constant 160 : i32
    %broadcast_in_dim3A_1485 = vector.broadcast %broadcast_in_dim3A_1484 : i32 to vector<16xi32>
    %gather3A_1486 = tpu.vector_load_idx %arg8[%broadcast_in_dim3A_1485] : memref<256xf32, #tpu.memory_space<vmem>>[vector<16xi32>], vector<16xf32>,
    %get3A_1487 = arith.constant 144 : index
    %get3A_1488 = tpu.vector_load %arg7[%get3A_1487] {strides = array<i32>} : memref<256xf32, #tpu.memory_space<vmem>>, vector<16xf32>,
    %rev3A_1489 = arith.constant 15 : i32
    %rev3A_1490 = vector.broadcast %rev3A_1489 : i32 to vector<16xi32>
    %rev3A_1491 = tpu.iota {dimensions = array<i32: 0>} : vector<16xi32>
    %rev3A_1492 = arith.subi %rev3A_1490, %rev3A_1491 : vector<16xi32>
    %rev3A_1493 = tpu.dynamic_gather %get3A_1488[%rev3A_1492] in [0] : vector<16xf32>, vector<16xi32> -> vector<16xf32>
    %broadcast_in_dim3A_1494 = arith.constant true
    %broadcast_in_dim3A_1495 = vector.broadcast %broadcast_in_dim3A_1494 : i1 to vector<16xi1>
    %masked_cumsum3A_1496 = tpu.scan <sum>, %rev3A_1493 masked %broadcast_in_dim3A_1495 : vector<16xf32>, vector<16xi1> -> vector<16xf32>
    %rev3A_1497 = arith.constant 15 : i32
    %rev3A_1498 = vector.broadcast %rev3A_1497 : i32 to vector<16xi32>
    %rev3A_1499 = tpu.iota {dimensions = array<i32: 0>} : vector<16xi32>
    %rev3A_1500 = arith.subi %rev3A_1498, %rev3A_1499 : vector<16xi32>
    %rev3A_1501 = tpu.dynamic_gather %masked_cumsum3A_1496[%rev3A_1500] in [0] : vector<16xf32>, vector<16xi32> -> vector<16xf32>
    %add3A_1502 = arith.addf %rev3A_1501, %gather3A_1486 : vector<16xf32>
    %swap3A_1503 = arith.constant 144 : index
    %swap3A_1504 = tpu.vector_load %arg8[%swap3A_1503] {strides = array<i32>} : memref<256xf32, #tpu.memory_space<vmem>>, vector<16xf32>,
    tpu.vector_store %arg8[%swap3A_1503], %add3A_1502 {strides = array<i32>} : memref<256xf32, #tpu.memory_space<vmem>>, vector<16xf32>,
    %ge3A_1505 = arith.cmpf oge, %add3A_1502, %sub3A_1299 : vector<16xf32>
    %all_reduce_population_count3A_1506 = tpu.all_reduce %ge3A_1505 {dim = 0 : i64, kind = #tpu.reduction_kind<sum>} : vector<16xi1> -> vector<16xi32>
    %add3A_1507 = arith.addi %add3A_1483, %all_reduce_population_count3A_1506 : vector<16xi32>
    %broadcast_in_dim3A_1508 = arith.constant 144 : i32
    %broadcast_in_dim3A_1509 = vector.broadcast %broadcast_in_dim3A_1508 : i32 to vector<16xi32>
    %gather3A_1510 = tpu.vector_load_idx %arg8[%broadcast_in_dim3A_1509] : memref<256xf32, #tpu.memory_space<vmem>>[vector<16xi32>], vector<16xf32>,
    %get3A_1511 = arith.constant 128 : index
    %get3A_1512 = tpu.vector_load %arg7[%get3A_1511] {strides = array<i32>} : memref<256xf32, #tpu.memory_space<vmem>>, vector<16xf32>,
    %rev3A_1513 = arith.constant 15 : i32
    %rev3A_1514 = vector.broadcast %rev3A_1513 : i32 to vector<16xi32>
    %rev3A_1515 = tpu.iota {dimensions = array<i32: 0>} : vector<16xi32>
    %rev3A_1516 = arith.subi %rev3A_1514, %rev3A_1515 : vector<16xi32>
    %rev3A_1517 = tpu.dynamic_gather %get3A_1512[%rev3A_1516] in [0] : vector<16xf32>, vector<16xi32> -> vector<16xf32>
    %broadcast_in_dim3A_1518 = arith.constant true
    %broadcast_in_dim3A_1519 = vector.broadcast %broadcast_in_dim3A_1518 : i1 to vector<16xi1>
    %masked_cumsum3A_1520 = tpu.scan <sum>, %rev3A_1517 masked %broadcast_in_dim3A_1519 : vector<16xf32>, vector<16xi1> -> vector<16xf32>
    %rev3A_1521 = arith.constant 15 : i32
    %rev3A_1522 = vector.broadcast %rev3A_1521 : i32 to vector<16xi32>
    %rev3A_1523 = tpu.iota {dimensions = array<i32: 0>} : vector<16xi32>
    %rev3A_1524 = arith.subi %rev3A_1522, %rev3A_1523 : vector<16xi32>
    %rev3A_1525 = tpu.dynamic_gather %masked_cumsum3A_1520[%rev3A_1524] in [0] : vector<16xf32>, vector<16xi32> -> vector<16xf32>
    %add3A_1526 = arith.addf %rev3A_1525, %gather3A_1510 : vector<16xf32>
    %swap3A_1527 = arith.constant 128 : index
    %swap3A_1528 = tpu.vector_load %arg8[%swap3A_1527] {strides = array<i32>} : memref<256xf32, #tpu.memory_space<vmem>>, vector<16xf32>,
    tpu.vector_store %arg8[%swap3A_1527], %add3A_1526 {strides = array<i32>} : memref<256xf32, #tpu.memory_space<vmem>>, vector<16xf32>,
    %ge3A_1529 = arith.cmpf oge, %add3A_1526, %sub3A_1299 : vector<16xf32>
    %all_reduce_population_count3A_1530 = tpu.all_reduce %ge3A_1529 {dim = 0 : i64, kind = #tpu.reduction_kind<sum>} : vector<16xi1> -> vector<16xi32>
    %add3A_1531 = arith.addi %add3A_1507, %all_reduce_population_count3A_1530 : vector<16xi32>
    %broadcast_in_dim3A_1532 = arith.constant 128 : i32
    %broadcast_in_dim3A_1533 = vector.broadcast %broadcast_in_dim3A_1532 : i32 to vector<16xi32>
    %gather3A_1534 = tpu.vector_load_idx %arg8[%broadcast_in_dim3A_1533] : memref<256xf32, #tpu.memory_space<vmem>>[vector<16xi32>], vector<16xf32>,
    %get3A_1535 = arith.constant 112 : index
    %get3A_1536 = tpu.vector_load %arg7[%get3A_1535] {strides = array<i32>} : memref<256xf32, #tpu.memory_space<vmem>>, vector<16xf32>,
    %rev3A_1537 = arith.constant 15 : i32
    %rev3A_1538 = vector.broadcast %rev3A_1537 : i32 to vector<16xi32>
    %rev3A_1539 = tpu.iota {dimensions = array<i32: 0>} : vector<16xi32>
    %rev3A_1540 = arith.subi %rev3A_1538, %rev3A_1539 : vector<16xi32>
    %rev3A_1541 = tpu.dynamic_gather %get3A_1536[%rev3A_1540] in [0] : vector<16xf32>, vector<16xi32> -> vector<16xf32>
    %broadcast_in_dim3A_1542 = arith.constant true
    %broadcast_in_dim3A_1543 = vector.broadcast %broadcast_in_dim3A_1542 : i1 to vector<16xi1>
    %masked_cumsum3A_1544 = tpu.scan <sum>, %rev3A_1541 masked %broadcast_in_dim3A_1543 : vector<16xf32>, vector<16xi1> -> vector<16xf32>
    %rev3A_1545 = arith.constant 15 : i32
    %rev3A_1546 = vector.broadcast %rev3A_1545 : i32 to vector<16xi32>
    %rev3A_1547 = tpu.iota {dimensions = array<i32: 0>} : vector<16xi32>
    %rev3A_1548 = arith.subi %rev3A_1546, %rev3A_1547 : vector<16xi32>
    %rev3A_1549 = tpu.dynamic_gather %masked_cumsum3A_1544[%rev3A_1548] in [0] : vector<16xf32>, vector<16xi32> -> vector<16xf32>
    %add3A_1550 = arith.addf %rev3A_1549, %gather3A_1534 : vector<16xf32>
    %swap3A_1551 = arith.constant 112 : index
    %swap3A_1552 = tpu.vector_load %arg8[%swap3A_1551] {strides = array<i32>} : memref<256xf32, #tpu.memory_space<vmem>>, vector<16xf32>,
    tpu.vector_store %arg8[%swap3A_1551], %add3A_1550 {strides = array<i32>} : memref<256xf32, #tpu.memory_space<vmem>>, vector<16xf32>,
    %ge3A_1553 = arith.cmpf oge, %add3A_1550, %sub3A_1299 : vector<16xf32>
    %all_reduce_population_count3A_1554 = tpu.all_reduce %ge3A_1553 {dim = 0 : i64, kind = #tpu.reduction_kind<sum>} : vector<16xi1> -> vector<16xi32>
    %add3A_1555 = arith.addi %add3A_1531, %all_reduce_population_count3A_1554 : vector<16xi32>
    %broadcast_in_dim3A_1556 = arith.constant 112 : i32
    %broadcast_in_dim3A_1557 = vector.broadcast %broadcast_in_dim3A_1556 : i32 to vector<16xi32>
    %gather3A_1558 = tpu.vector_load_idx %arg8[%broadcast_in_dim3A_1557] : memref<256xf32, #tpu.memory_space<vmem>>[vector<16xi32>], vector<16xf32>,
    %get3A_1559 = arith.constant 96 : index
    %get3A_1560 = tpu.vector_load %arg7[%get3A_1559] {strides = array<i32>} : memref<256xf32, #tpu.memory_space<vmem>>, vector<16xf32>,
    %rev3A_1561 = arith.constant 15 : i32
    %rev3A_1562 = vector.broadcast %rev3A_1561 : i32 to vector<16xi32>
    %rev3A_1563 = tpu.iota {dimensions = array<i32: 0>} : vector<16xi32>
    %rev3A_1564 = arith.subi %rev3A_1562, %rev3A_1563 : vector<16xi32>
    %rev3A_1565 = tpu.dynamic_gather %get3A_1560[%rev3A_1564] in [0] : vector<16xf32>, vector<16xi32> -> vector<16xf32>
    %broadcast_in_dim3A_1566 = arith.constant true
    %broadcast_in_dim3A_1567 = vector.broadcast %broadcast_in_dim3A_1566 : i1 to vector<16xi1>
    %masked_cumsum3A_1568 = tpu.scan <sum>, %rev3A_1565 masked %broadcast_in_dim3A_1567 : vector<16xf32>, vector<16xi1> -> vector<16xf32>
    %rev3A_1569 = arith.constant 15 : i32
    %rev3A_1570 = vector.broadcast %rev3A_1569 : i32 to vector<16xi32>
    %rev3A_1571 = tpu.iota {dimensions = array<i32: 0>} : vector<16xi32>
    %rev3A_1572 = arith.subi %rev3A_1570, %rev3A_1571 : vector<16xi32>
    %rev3A_1573 = tpu.dynamic_gather %masked_cumsum3A_1568[%rev3A_1572] in [0] : vector<16xf32>, vector<16xi32> -> vector<16xf32>
    %add3A_1574 = arith.addf %rev3A_1573, %gather3A_1558 : vector<16xf32>
    %swap3A_1575 = arith.constant 96 : index
    %swap3A_1576 = tpu.vector_load %arg8[%swap3A_1575] {strides = array<i32>} : memref<256xf32, #tpu.memory_space<vmem>>, vector<16xf32>,
    tpu.vector_store %arg8[%swap3A_1575], %add3A_1574 {strides = array<i32>} : memref<256xf32, #tpu.memory_space<vmem>>, vector<16xf32>,
    %ge3A_1577 = arith.cmpf oge, %add3A_1574, %sub3A_1299 : vector<16xf32>
    %all_reduce_population_count3A_1578 = tpu.all_reduce %ge3A_1577 {dim = 0 : i64, kind = #tpu.reduction_kind<sum>} : vector<16xi1> -> vector<16xi32>
    %add3A_1579 = arith.addi %add3A_1555, %all_reduce_population_count3A_1578 : vector<16xi32>
    %broadcast_in_dim3A_1580 = arith.constant 96 : i32
    %broadcast_in_dim3A_1581 = vector.broadcast %broadcast_in_dim3A_1580 : i32 to vector<16xi32>
    %gather3A_1582 = tpu.vector_load_idx %arg8[%broadcast_in_dim3A_1581] : memref<256xf32, #tpu.memory_space<vmem>>[vector<16xi32>], vector<16xf32>,
    %get3A_1583 = arith.constant 80 : index
    %get3A_1584 = tpu.vector_load %arg7[%get3A_1583] {strides = array<i32>} : memref<256xf32, #tpu.memory_space<vmem>>, vector<16xf32>,
    %rev3A_1585 = arith.constant 15 : i32
    %rev3A_1586 = vector.broadcast %rev3A_1585 : i32 to vector<16xi32>
    %rev3A_1587 = tpu.iota {dimensions = array<i32: 0>} : vector<16xi32>
    %rev3A_1588 = arith.subi %rev3A_1586, %rev3A_1587 : vector<16xi32>
    %rev3A_1589 = tpu.dynamic_gather %get3A_1584[%rev3A_1588] in [0] : vector<16xf32>, vector<16xi32> -> vector<16xf32>
    %broadcast_in_dim3A_1590 = arith.constant true
    %broadcast_in_dim3A_1591 = vector.broadcast %broadcast_in_dim3A_1590 : i1 to vector<16xi1>
    %masked_cumsum3A_1592 = tpu.scan <sum>, %rev3A_1589 masked %broadcast_in_dim3A_1591 : vector<16xf32>, vector<16xi1> -> vector<16xf32>
    %rev3A_1593 = arith.constant 15 : i32
    %rev3A_1594 = vector.broadcast %rev3A_1593 : i32 to vector<16xi32>
    %rev3A_1595 = tpu.iota {dimensions = array<i32: 0>} : vector<16xi32>
    %rev3A_1596 = arith.subi %rev3A_1594, %rev3A_1595 : vector<16xi32>
    %rev3A_1597 = tpu.dynamic_gather %masked_cumsum3A_1592[%rev3A_1596] in [0] : vector<16xf32>, vector<16xi32> -> vector<16xf32>
    %add3A_1598 = arith.addf %rev3A_1597, %gather3A_1582 : vector<16xf32>
    %swap3A_1599 = arith.constant 80 : index
    %swap3A_1600 = tpu.vector_load %arg8[%swap3A_1599] {strides = array<i32>} : memref<256xf32, #tpu.memory_space<vmem>>, vector<16xf32>,
    tpu.vector_store %arg8[%swap3A_1599], %add3A_1598 {strides = array<i32>} : memref<256xf32, #tpu.memory_space<vmem>>, vector<16xf32>,
    %ge3A_1601 = arith.cmpf oge, %add3A_1598, %sub3A_1299 : vector<16xf32>
    %all_reduce_population_count3A_1602 = tpu.all_reduce %ge3A_1601 {dim = 0 : i64, kind = #tpu.reduction_kind<sum>} : vector<16xi1> -> vector<16xi32>
    %add3A_1603 = arith.addi %add3A_1579, %all_reduce_population_count3A_1602 : vector<16xi32>
    %broadcast_in_dim3A_1604 = arith.constant 80 : i32
    %broadcast_in_dim3A_1605 = vector.broadcast %broadcast_in_dim3A_1604 : i32 to vector<16xi32>
    %gather3A_1606 = tpu.vector_load_idx %arg8[%broadcast_in_dim3A_1605] : memref<256xf32, #tpu.memory_space<vmem>>[vector<16xi32>], vector<16xf32>,
    %get3A_1607 = arith.constant 64 : index
    %get3A_1608 = tpu.vector_load %arg7[%get3A_1607] {strides = array<i32>} : memref<256xf32, #tpu.memory_space<vmem>>, vector<16xf32>,
    %rev3A_1609 = arith.constant 15 : i32
    %rev3A_1610 = vector.broadcast %rev3A_1609 : i32 to vector<16xi32>
    %rev3A_1611 = tpu.iota {dimensions = array<i32: 0>} : vector<16xi32>
    %rev3A_1612 = arith.subi %rev3A_1610, %rev3A_1611 : vector<16xi32>
    %rev3A_1613 = tpu.dynamic_gather %get3A_1608[%rev3A_1612] in [0] : vector<16xf32>, vector<16xi32> -> vector<16xf32>
    %broadcast_in_dim3A_1614 = arith.constant true
    %broadcast_in_dim3A_1615 = vector.broadcast %broadcast_in_dim3A_1614 : i1 to vector<16xi1>
    %masked_cumsum3A_1616 = tpu.scan <sum>, %rev3A_1613 masked %broadcast_in_dim3A_1615 : vector<16xf32>, vector<16xi1> -> vector<16xf32>
    %rev3A_1617 = arith.constant 15 : i32
    %rev3A_1618 = vector.broadcast %rev3A_1617 : i32 to vector<16xi32>
    %rev3A_1619 = tpu.iota {dimensions = array<i32: 0>} : vector<16xi32>
    %rev3A_1620 = arith.subi %rev3A_1618, %rev3A_1619 : vector<16xi32>
    %rev3A_1621 = tpu.dynamic_gather %masked_cumsum3A_1616[%rev3A_1620] in [0] : vector<16xf32>, vector<16xi32> -> vector<16xf32>
    %add3A_1622 = arith.addf %rev3A_1621, %gather3A_1606 : vector<16xf32>
    %swap3A_1623 = arith.constant 64 : index
    %swap3A_1624 = tpu.vector_load %arg8[%swap3A_1623] {strides = array<i32>} : memref<256xf32, #tpu.memory_space<vmem>>, vector<16xf32>,
    tpu.vector_store %arg8[%swap3A_1623], %add3A_1622 {strides = array<i32>} : memref<256xf32, #tpu.memory_space<vmem>>, vector<16xf32>,
    %ge3A_1625 = arith.cmpf oge, %add3A_1622, %sub3A_1299 : vector<16xf32>
    %all_reduce_population_count3A_1626 = tpu.all_reduce %ge3A_1625 {dim = 0 : i64, kind = #tpu.reduction_kind<sum>} : vector<16xi1> -> vector<16xi32>
    %add3A_1627 = arith.addi %add3A_1603, %all_reduce_population_count3A_1626 : vector<16xi32>
    %broadcast_in_dim3A_1628 = arith.constant 64 : i32
    %broadcast_in_dim3A_1629 = vector.broadcast %broadcast_in_dim3A_1628 : i32 to vector<16xi32>
    %gather3A_1630 = tpu.vector_load_idx %arg8[%broadcast_in_dim3A_1629] : memref<256xf32, #tpu.memory_space<vmem>>[vector<16xi32>], vector<16xf32>,
    %get3A_1631 = arith.constant 48 : index
    %get3A_1632 = tpu.vector_load %arg7[%get3A_1631] {strides = array<i32>} : memref<256xf32, #tpu.memory_space<vmem>>, vector<16xf32>,
    %rev3A_1633 = arith.constant 15 : i32
    %rev3A_1634 = vector.broadcast %rev3A_1633 : i32 to vector<16xi32>
    %rev3A_1635 = tpu.iota {dimensions = array<i32: 0>} : vector<16xi32>
    %rev3A_1636 = arith.subi %rev3A_1634, %rev3A_1635 : vector<16xi32>
    %rev3A_1637 = tpu.dynamic_gather %get3A_1632[%rev3A_1636] in [0] : vector<16xf32>, vector<16xi32> -> vector<16xf32>
    %broadcast_in_dim3A_1638 = arith.constant true
    %broadcast_in_dim3A_1639 = vector.broadcast %broadcast_in_dim3A_1638 : i1 to vector<16xi1>
    %masked_cumsum3A_1640 = tpu.scan <sum>, %rev3A_1637 masked %broadcast_in_dim3A_1639 : vector<16xf32>, vector<16xi1> -> vector<16xf32>
    %rev3A_1641 = arith.constant 15 : i32
    %rev3A_1642 = vector.broadcast %rev3A_1641 : i32 to vector<16xi32>
    %rev3A_1643 = tpu.iota {dimensions = array<i32: 0>} : vector<16xi32>
    %rev3A_1644 = arith.subi %rev3A_1642, %rev3A_1643 : vector<16xi32>
    %rev3A_1645 = tpu.dynamic_gather %masked_cumsum3A_1640[%rev3A_1644] in [0] : vector<16xf32>, vector<16xi32> -> vector<16xf32>
    %add3A_1646 = arith.addf %rev3A_1645, %gather3A_1630 : vector<16xf32>
    %swap3A_1647 = arith.constant 48 : index
    %swap3A_1648 = tpu.vector_load %arg8[%swap3A_1647] {strides = array<i32>} : memref<256xf32, #tpu.memory_space<vmem>>, vector<16xf32>,
    tpu.vector_store %arg8[%swap3A_1647], %add3A_1646 {strides = array<i32>} : memref<256xf32, #tpu.memory_space<vmem>>, vector<16xf32>,
    %ge3A_1649 = arith.cmpf oge, %add3A_1646, %sub3A_1299 : vector<16xf32>
    %all_reduce_population_count3A_1650 = tpu.all_reduce %ge3A_1649 {dim = 0 : i64, kind = #tpu.reduction_kind<sum>} : vector<16xi1> -> vector<16xi32>
    %add3A_1651 = arith.addi %add3A_1627, %all_reduce_population_count3A_1650 : vector<16xi32>
    %broadcast_in_dim3A_1652 = arith.constant 48 : i32
    %broadcast_in_dim3A_1653 = vector.broadcast %broadcast_in_dim3A_1652 : i32 to vector<16xi32>
    %gather3A_1654 = tpu.vector_load_idx %arg8[%broadcast_in_dim3A_1653] : memref<256xf32, #tpu.memory_space<vmem>>[vector<16xi32>], vector<16xf32>,
    %get3A_1655 = arith.constant 32 : index
    %get3A_1656 = tpu.vector_load %arg7[%get3A_1655] {strides = array<i32>} : memref<256xf32, #tpu.memory_space<vmem>>, vector<16xf32>,
    %rev3A_1657 = arith.constant 15 : i32
    %rev3A_1658 = vector.broadcast %rev3A_1657 : i32 to vector<16xi32>
    %rev3A_1659 = tpu.iota {dimensions = array<i32: 0>} : vector<16xi32>
    %rev3A_1660 = arith.subi %rev3A_1658, %rev3A_1659 : vector<16xi32>
    %rev3A_1661 = tpu.dynamic_gather %get3A_1656[%rev3A_1660] in [0] : vector<16xf32>, vector<16xi32> -> vector<16xf32>
    %broadcast_in_dim3A_1662 = arith.constant true
    %broadcast_in_dim3A_1663 = vector.broadcast %broadcast_in_dim3A_1662 : i1 to vector<16xi1>
    %masked_cumsum3A_1664 = tpu.scan <sum>, %rev3A_1661 masked %broadcast_in_dim3A_1663 : vector<16xf32>, vector<16xi1> -> vector<16xf32>
    %rev3A_1665 = arith.constant 15 : i32
    %rev3A_1666 = vector.broadcast %rev3A_1665 : i32 to vector<16xi32>
    %rev3A_1667 = tpu.iota {dimensions = array<i32: 0>} : vector<16xi32>
    %rev3A_1668 = arith.subi %rev3A_1666, %rev3A_1667 : vector<16xi32>
    %rev3A_1669 = tpu.dynamic_gather %masked_cumsum3A_1664[%rev3A_1668] in [0] : vector<16xf32>, vector<16xi32> -> vector<16xf32>
    %add3A_1670 = arith.addf %rev3A_1669, %gather3A_1654 : vector<16xf32>
    %swap3A_1671 = arith.constant 32 : index
    %swap3A_1672 = tpu.vector_load %arg8[%swap3A_1671] {strides = array<i32>} : memref<256xf32, #tpu.memory_space<vmem>>, vector<16xf32>,
    tpu.vector_store %arg8[%swap3A_1671], %add3A_1670 {strides = array<i32>} : memref<256xf32, #tpu.memory_space<vmem>>, vector<16xf32>,
    %ge3A_1673 = arith.cmpf oge, %add3A_1670, %sub3A_1299 : vector<16xf32>
    %all_reduce_population_count3A_1674 = tpu.all_reduce %ge3A_1673 {dim = 0 : i64, kind = #tpu.reduction_kind<sum>} : vector<16xi1> -> vector<16xi32>
    %add3A_1675 = arith.addi %add3A_1651, %all_reduce_population_count3A_1674 : vector<16xi32>
    %broadcast_in_dim3A_1676 = arith.constant 32 : i32
    %broadcast_in_dim3A_1677 = vector.broadcast %broadcast_in_dim3A_1676 : i32 to vector<16xi32>
    %gather3A_1678 = tpu.vector_load_idx %arg8[%broadcast_in_dim3A_1677] : memref<256xf32, #tpu.memory_space<vmem>>[vector<16xi32>], vector<16xf32>,
    %get3A_1679 = arith.constant 16 : index
    %get3A_1680 = tpu.vector_load %arg7[%get3A_1679] {strides = array<i32>} : memref<256xf32, #tpu.memory_space<vmem>>, vector<16xf32>,
    %rev3A_1681 = arith.constant 15 : i32
    %rev3A_1682 = vector.broadcast %rev3A_1681 : i32 to vector<16xi32>
    %rev3A_1683 = tpu.iota {dimensions = array<i32: 0>} : vector<16xi32>
    %rev3A_1684 = arith.subi %rev3A_1682, %rev3A_1683 : vector<16xi32>
    %rev3A_1685 = tpu.dynamic_gather %get3A_1680[%rev3A_1684] in [0] : vector<16xf32>, vector<16xi32> -> vector<16xf32>
    %broadcast_in_dim3A_1686 = arith.constant true
    %broadcast_in_dim3A_1687 = vector.broadcast %broadcast_in_dim3A_1686 : i1 to vector<16xi1>
    %masked_cumsum3A_1688 = tpu.scan <sum>, %rev3A_1685 masked %broadcast_in_dim3A_1687 : vector<16xf32>, vector<16xi1> -> vector<16xf32>
    %rev3A_1689 = arith.constant 15 : i32
    %rev3A_1690 = vector.broadcast %rev3A_1689 : i32 to vector<16xi32>
    %rev3A_1691 = tpu.iota {dimensions = array<i32: 0>} : vector<16xi32>
    %rev3A_1692 = arith.subi %rev3A_1690, %rev3A_1691 : vector<16xi32>
    %rev3A_1693 = tpu.dynamic_gather %masked_cumsum3A_1688[%rev3A_1692] in [0] : vector<16xf32>, vector<16xi32> -> vector<16xf32>
    %add3A_1694 = arith.addf %rev3A_1693, %gather3A_1678 : vector<16xf32>
    %swap3A_1695 = arith.constant 16 : index
    %swap3A_1696 = tpu.vector_load %arg8[%swap3A_1695] {strides = array<i32>} : memref<256xf32, #tpu.memory_space<vmem>>, vector<16xf32>,
    tpu.vector_store %arg8[%swap3A_1695], %add3A_1694 {strides = array<i32>} : memref<256xf32, #tpu.memory_space<vmem>>, vector<16xf32>,
    %ge3A_1697 = arith.cmpf oge, %add3A_1694, %sub3A_1299 : vector<16xf32>
    %all_reduce_population_count3A_1698 = tpu.all_reduce %ge3A_1697 {dim = 0 : i64, kind = #tpu.reduction_kind<sum>} : vector<16xi1> -> vector<16xi32>
    %add3A_1699 = arith.addi %add3A_1675, %all_reduce_population_count3A_1698 : vector<16xi32>
    %broadcast_in_dim3A_1700 = arith.constant 16 : i32
    %broadcast_in_dim3A_1701 = vector.broadcast %broadcast_in_dim3A_1700 : i32 to vector<16xi32>
    %gather3A_1702 = tpu.vector_load_idx %arg8[%broadcast_in_dim3A_1701] : memref<256xf32, #tpu.memory_space<vmem>>[vector<16xi32>], vector<16xf32>,
    %get3A_1703 = arith.constant 0 : index
    %get3A_1704 = tpu.vector_load %arg7[%get3A_1703] {strides = array<i32>} : memref<256xf32, #tpu.memory_space<vmem>>, vector<16xf32>,
    %rev3A_1705 = arith.constant 15 : i32
    %rev3A_1706 = vector.broadcast %rev3A_1705 : i32 to vector<16xi32>
    %rev3A_1707 = tpu.iota {dimensions = array<i32: 0>} : vector<16xi32>
    %rev3A_1708 = arith.subi %rev3A_1706, %rev3A_1707 : vector<16xi32>
    %rev3A_1709 = tpu.dynamic_gather %get3A_1704[%rev3A_1708] in [0] : vector<16xf32>, vector<16xi32> -> vector<16xf32>
    %broadcast_in_dim3A_1710 = arith.constant true
    %broadcast_in_dim3A_1711 = vector.broadcast %broadcast_in_dim3A_1710 : i1 to vector<16xi1>
    %masked_cumsum3A_1712 = tpu.scan <sum>, %rev3A_1709 masked %broadcast_in_dim3A_1711 : vector<16xf32>, vector<16xi1> -> vector<16xf32>
    %rev3A_1713 = arith.constant 15 : i32
    %rev3A_1714 = vector.broadcast %rev3A_1713 : i32 to vector<16xi32>
    %rev3A_1715 = tpu.iota {dimensions = array<i32: 0>} : vector<16xi32>
    %rev3A_1716 = arith.subi %rev3A_1714, %rev3A_1715 : vector<16xi32>
    %rev3A_1717 = tpu.dynamic_gather %masked_cumsum3A_1712[%rev3A_1716] in [0] : vector<16xf32>, vector<16xi32> -> vector<16xf32>
    %add3A_1718 = arith.addf %rev3A_1717, %gather3A_1702 : vector<16xf32>
    %swap3A_1719 = arith.constant 0 : index
    %swap3A_1720 = tpu.vector_load %arg8[%swap3A_1719] {strides = array<i32>} : memref<256xf32, #tpu.memory_space<vmem>>, vector<16xf32>,
    tpu.vector_store %arg8[%swap3A_1719], %add3A_1718 {strides = array<i32>} : memref<256xf32, #tpu.memory_space<vmem>>, vector<16xf32>,
    %ge3A_1721 = arith.cmpf oge, %add3A_1718, %sub3A_1299 : vector<16xf32>
    %all_reduce_population_count3A_1722 = tpu.all_reduce %ge3A_1721 {dim = 0 : i64, kind = #tpu.reduction_kind<sum>} : vector<16xi1> -> vector<16xi32>
    %add3A_1723 = arith.addi %add3A_1699, %all_reduce_population_count3A_1722 : vector<16xi32>
    %broadcast_in_dim3A_1724 = arith.constant 0 : i32
    %broadcast_in_dim3A_1725 = vector.broadcast %broadcast_in_dim3A_1724 : i32 to vector<16xi32>
    %gather3A_1726 = tpu.vector_load_idx %arg8[%broadcast_in_dim3A_1725] : memref<256xf32, #tpu.memory_space<vmem>>[vector<16xi32>], vector<16xf32>,
    %sub3A_1727 = arith.constant 1 : i32
    %sub3A_1728 = vector.broadcast %sub3A_1727 : i32 to vector<16xi32>
    %sub3A_1729 = arith.subi %add3A_1723, %sub3A_1728 : vector<16xi32>
    %gather3A_1730 = tpu.vector_load_idx %arg7[%sub3A_1729] : memref<256xf32, #tpu.memory_space<vmem>>[vector<16xi32>], vector<16xf32>,
    %gather3A_1731 = tpu.vector_load_idx %arg8[%sub3A_1729] : memref<256xf32, #tpu.memory_space<vmem>>[vector<16xi32>], vector<16xf32>,
    %sub3A_1732 = arith.subf %gather3A_1731, %gather3A_1730 : vector<16xf32>
    %sub3A_1733 = arith.subf %sub3A_1299, %sub3A_1732 : vector<16xf32>
    %shift_left3A_1734 = arith.constant 0 : i32
    %shift_left3A_1735 = vector.broadcast %shift_left3A_1734 : i32 to vector<16xi32>
    %shift_left3A_1736 = arith.shli %sub3A_1729, %shift_left3A_1735 : vector<16xi32>
    %or3A_1737 = arith.ori %or3A_1303, %shift_left3A_1736 : vector<16xi32>
    %bitcast3A = vector.bitcast %or3A_1737 : vector<16xi32> to vector<16xf32>
    %parallel_loop3A_1738 = arith.constant 0 : i32
    %parallel_loop3A_1739 = arith.constant 576 : i32
    %parallel_loop3A_1740 = arith.constant 1 : i32
    %parallel_loop3A_1741:2 = scf.for %parallel_loop3A_1766 = %parallel_loop3A_1738 to %parallel_loop3A_1739 step %parallel_loop3A_1740 iter_args(%parallel_loop3A_1767 = %broadcast_in_dim3A_5, %parallel_loop3A_1768 = %broadcast_in_dim3A_5) -> (vector<16xf32>, vector<16xf32>)  : i32 {
      %parallel_loop3A_1769 = arith.constant 16 : i32
      %parallel_loop3A_1770 = arith.muli %parallel_loop3A_1766, %parallel_loop3A_1769 : i32
      %parallel_loop3A_1771 = arith.index_cast %parallel_loop3A_1770 : i32 to index
      %parallel_loop3A_1772 = tpu.vector_load %arg5[%parallel_loop3A_1771] {strides = array<i32>} : memref<9216xf32, #tpu.memory_space<vmem>>, vector<16xf32>,
      %parallel_loop3A_1773 = arith.cmpf ogt, %parallel_loop3A_1772, %bitcast3A : vector<16xf32>
      %parallel_loop3A_1774 = arith.constant 0.000000e+00 : f32
      %parallel_loop3A_1775 = vector.broadcast %parallel_loop3A_1774 : f32 to vector<16xf32>
      %parallel_loop3A_1776 = arith.select %parallel_loop3A_1773, %parallel_loop3A_1772, %parallel_loop3A_1775 : vector<16xi1>, vector<16xf32>
      %parallel_loop3A_1777 = arith.addf %parallel_loop3A_1767, %parallel_loop3A_1776 : vector<16xf32>
      %parallel_loop3A_1778 = arith.constant 1.000000e+00 : f32
      %parallel_loop3A_1779 = arith.constant 0.000000e+00 : f32
      %parallel_loop3A_1780 = vector.broadcast %parallel_loop3A_1778 : f32 to vector<16xf32>
      %parallel_loop3A_1781 = vector.broadcast %parallel_loop3A_1779 : f32 to vector<16xf32>
      %parallel_loop3A_1782 = arith.select %parallel_loop3A_1773, %parallel_loop3A_1780, %parallel_loop3A_1781 : vector<16xi1>, vector<16xf32>
      %parallel_loop3A_1783 = arith.addf %parallel_loop3A_1768, %parallel_loop3A_1782 : vector<16xf32>
      scf.yield %parallel_loop3A_1777, %parallel_loop3A_1783 : vector<16xf32>, vector<16xf32>
    } {sc.loop_unroll_factor = 8 : i64, sc.parallel_access}
    %broadcast_in_dim3A_1742 = arith.constant true
    %broadcast_in_dim3A_1743 = vector.broadcast %broadcast_in_dim3A_1742 : i1 to vector<16xi1>
    %masked_cumsum3A_1744 = tpu.scan <sum>, %parallel_loop3A_1741#0 masked %broadcast_in_dim3A_1743 : vector<16xf32>, vector<16xi1> -> vector<16xf32>
    %swap3A_1745 = arith.constant 0 : index
    %swap3A_1746 = tpu.vector_load %arg9[%swap3A_1745] {strides = array<i32>} : memref<16xf32, #tpu.memory_space<vmem>>, vector<16xf32>,
    tpu.vector_store %arg9[%swap3A_1745], %masked_cumsum3A_1744 {strides = array<i32>} : memref<16xf32, #tpu.memory_space<vmem>>, vector<16xf32>,
    %broadcast_in_dim3A_1747 = arith.constant 15 : i32
    %broadcast_in_dim3A_1748 = vector.broadcast %broadcast_in_dim3A_1747 : i32 to vector<16xi32>
    %gather3A_1749 = tpu.vector_load_idx %arg9[%broadcast_in_dim3A_1748] : memref<16xf32, #tpu.memory_space<vmem>>[vector<16xi32>], vector<16xf32>,
    %broadcast_in_dim3A_1750 = arith.constant true
    %broadcast_in_dim3A_1751 = vector.broadcast %broadcast_in_dim3A_1750 : i1 to vector<16xi1>
    %masked_cumsum3A_1752 = tpu.scan <sum>, %parallel_loop3A_1741#1 masked %broadcast_in_dim3A_1751 : vector<16xf32>, vector<16xi1> -> vector<16xf32>
    %swap3A_1753 = arith.constant 0 : index
    %swap3A_1754 = tpu.vector_load %arg9[%swap3A_1753] {strides = array<i32>} : memref<16xf32, #tpu.memory_space<vmem>>, vector<16xf32>,
    tpu.vector_store %arg9[%swap3A_1753], %masked_cumsum3A_1752 {strides = array<i32>} : memref<16xf32, #tpu.memory_space<vmem>>, vector<16xf32>,
    %broadcast_in_dim3A_1755 = arith.constant 15 : i32
    %broadcast_in_dim3A_1756 = vector.broadcast %broadcast_in_dim3A_1755 : i32 to vector<16xi32>
    %gather3A_1757 = tpu.vector_load_idx %arg9[%broadcast_in_dim3A_1756] : memref<16xf32, #tpu.memory_space<vmem>>[vector<16xi32>], vector<16xf32>,
    %sub3A_1758 = arith.subf %min3A_12, %gather3A_1757 : vector<16xf32>
    %mul3A_1759 = arith.mulf %sub3A_1758, %bitcast3A : vector<16xf32>
    %add3A_1760 = arith.addf %gather3A_1749, %mul3A_1759 : vector<16xf32>
    %eq3A = arith.constant 0 : i32
    %eq3A_1761 = vector.broadcast %eq3A : i32 to vector<16xi32>
    %eq3A_1762 = arith.cmpi eq, %iota3A, %eq3A_1761 : vector<16xi32>
    %jit3A = arith.constant 0.000000e+00 : f32
    %broadcast_in_dim3A_1763 = vector.broadcast %jit3A : f32 to vector<16xf32>
    %select_n3A = arith.select %eq3A_1762, %add3A_1760, %broadcast_in_dim3A_1763 : vector<16xi1>, vector<16xf32>
    %swap3A_1764 = arith.constant 0 : index
    %swap3A_1765 = tpu.vector_load %arg9[%swap3A_1764] {strides = array<i32>} : memref<16xf32, #tpu.memory_space<vmem>>, vector<16xf32>,
    tpu.vector_store %arg9[%swap3A_1764], %select_n3A {strides = array<i32>} : memref<16xf32, #tpu.memory_space<vmem>>, vector<16xf32>,
    "tpu.region"() ({
      %run_scoped3A = tpu.sem_alloc : memref<!tpu.dma_semaphore, #tpu.memory_space<semaphore_mem>>
      %dma_start3A = arith.constant 0 : i32
      %dma_start3A_1766 = tpu.memref_slice %arg4[%add3A, %dma_start3A] : memref<32x16xf32, #tpu.memory_space<hbm>> -> memref<1x16xf32, #tpu.memory_space<hbm>>
      %dma_start3A_1767 = tpu.memref_squeeze %dma_start3A_1766 : memref<1x16xf32, #tpu.memory_space<hbm>> -> memref<16xf32, #tpu.memory_space<hbm>>
      %dma_start3A_1768 = arith.constant 0 : i32
      %dma_start3A_1769 = tpu.memref_slice %arg4[%add3A, %dma_start3A_1768] : memref<32x16xf32, #tpu.memory_space<hbm>> -> memref<1x16xf32, #tpu.memory_space<hbm>>
      %dma_start3A_1770 = tpu.memref_squeeze %dma_start3A_1769 : memref<1x16xf32, #tpu.memory_space<hbm>> -> memref<16xf32, #tpu.memory_space<hbm>>
      tpu.enqueue_dma source(%arg9 : memref<16xf32, #tpu.memory_space<vmem>>) target(%dma_start3A_1770 : memref<16xf32, #tpu.memory_space<hbm>>) target_semaphore(%run_scoped3A : memref<!tpu.dma_semaphore, #tpu.memory_space<semaphore_mem>>)
      %dma_wait3A = arith.constant 0 : i32
      %dma_wait3A_1771 = tpu.memref_slice %arg4[%add3A, %dma_wait3A] : memref<32x16xf32, #tpu.memory_space<hbm>> -> memref<1x16xf32, #tpu.memory_space<hbm>>
      %dma_wait3A_1772 = tpu.memref_squeeze %dma_wait3A_1771 : memref<1x16xf32, #tpu.memory_space<hbm>> -> memref<16xf32, #tpu.memory_space<hbm>>
      %dma_wait3A_1773 = arith.constant 0 : i32
      %dma_wait3A_1774 = tpu.memref_slice %arg4[%add3A, %dma_wait3A_1773] : memref<32x16xf32, #tpu.memory_space<hbm>> -> memref<1x16xf32, #tpu.memory_space<hbm>>
      %dma_wait3A_1775 = tpu.memref_squeeze %dma_wait3A_1774 : memref<1x16xf32, #tpu.memory_space<hbm>> -> memref<16xf32, #tpu.memory_space<hbm>>
      tpu.wait_dma2 semaphore(%run_scoped3A : memref<!tpu.dma_semaphore, #tpu.memory_space<semaphore_mem>>) src(%arg9 : memref<16xf32, #tpu.memory_space<vmem>>) dst(%dma_wait3A_1775 : memref<16xf32, #tpu.memory_space<hbm>>)
      tpu.yield
    }) : () -> ()
    return
  }
}

module attributes {stable_mosaic.version = 14 : i64} {
  func.func @_match_body(%arg0: i32, %arg1: memref<1x1x12x5xf32, #tpu.memory_space<vmem>>, %arg2: memref<4x8x1152xf32, #tpu.memory_space<vmem>>, %arg3: memref<1x9x8x1152xf32, #tpu.memory_space<vmem>>, %arg4: memref<1x4x8x1152xf32, #tpu.memory_space<vmem>>, %arg5: memref<1x8x1152xf32, #tpu.memory_space<vmem>>, %arg6: memref<1x1x128xf32, #tpu.memory_space<vmem>>) attributes {dimension_semantics = [#tpu.dimension_semantics<arbitrary>], iteration_bounds = array<i64: 32>, scalar_prefetch = 0 : i64, scratch_operands = 0 : i64, tpu.core_type = #tpu.core_type<tc>, window_params = [{transform_indices = @transform_0, window_bounds = array<i64: 1, 1, 12, 5>}, {pipeline_mode = #tpu.pipeline_mode<synchronous>, transform_indices = @transform_1, window_bounds = array<i64: 4, 8, 1152>}, {transform_indices = @transform_2, window_bounds = array<i64: 1, 9, 8, 1152>}, {transform_indices = @transform_3, window_bounds = array<i64: 1, 4, 8, 1152>}, {transform_indices = @transform_4, window_bounds = array<i64: 1, 8, 1152>}, {transform_indices = @transform_5, window_bounds = array<i64: 1, 1, 128>}]} {
    %iota3A = tpu.iota {dimensions = array<i32: 0>} : vector<8x1152xi32>
    %mul3A = arith.constant 1152 : i32
    %mul3A_0 = vector.broadcast %mul3A : i32 to vector<8x1152xi32>
    %mul3A_1 = arith.muli %iota3A, %mul3A_0 : vector<8x1152xi32>
    %iota3A_2 = tpu.iota {dimensions = array<i32: 1>} : vector<8x1152xi32>
    %add3A = arith.addi %mul3A_1, %iota3A_2 : vector<8x1152xi32>
    %get3A = arith.constant 0 : index
    %get3A_3 = arith.constant 0 : index
    %get3A_4 = arith.constant 0 : index
    %get3A_5 = vector.load %arg2[%get3A, %get3A_3, %get3A_4] : memref<4x8x1152xf32, #tpu.memory_space<vmem>>, vector<1x8x1152xf32>
    %get3A_6 = vector.shape_cast %get3A_5 : vector<1x8x1152xf32> to vector<8x1152xf32>
    %get3A_7 = arith.constant 1 : index
    %get3A_8 = arith.constant 0 : index
    %get3A_9 = arith.constant 0 : index
    %get3A_10 = vector.load %arg2[%get3A_7, %get3A_8, %get3A_9] : memref<4x8x1152xf32, #tpu.memory_space<vmem>>, vector<1x8x1152xf32>
    %get3A_11 = vector.shape_cast %get3A_10 : vector<1x8x1152xf32> to vector<8x1152xf32>
    %get3A_12 = arith.constant 2 : index
    %get3A_13 = arith.constant 0 : index
    %get3A_14 = arith.constant 0 : index
    %get3A_15 = vector.load %arg2[%get3A_12, %get3A_13, %get3A_14] : memref<4x8x1152xf32, #tpu.memory_space<vmem>>, vector<1x8x1152xf32>
    %get3A_16 = vector.shape_cast %get3A_15 : vector<1x8x1152xf32> to vector<8x1152xf32>
    %get3A_17 = arith.constant 3 : index
    %get3A_18 = arith.constant 0 : index
    %get3A_19 = arith.constant 0 : index
    %get3A_20 = vector.load %arg2[%get3A_17, %get3A_18, %get3A_19] : memref<4x8x1152xf32, #tpu.memory_space<vmem>>, vector<1x8x1152xf32>
    %get3A_21 = vector.shape_cast %get3A_20 : vector<1x8x1152xf32> to vector<8x1152xf32>
    %div3A = arith.constant 2.000000e+00 : f32
    %div3A_22 = vector.broadcast %div3A : f32 to vector<8x1152xf32>
    %div3A_23 = arith.divf %get3A_16, %div3A_22 : vector<8x1152xf32>
    %sub3A = arith.subf %get3A_6, %div3A_23 : vector<8x1152xf32>
    %div3A_24 = arith.constant 2.000000e+00 : f32
    %div3A_25 = vector.broadcast %div3A_24 : f32 to vector<8x1152xf32>
    %div3A_26 = arith.divf %get3A_21, %div3A_25 : vector<8x1152xf32>
    %sub3A_27 = arith.subf %get3A_11, %div3A_26 : vector<8x1152xf32>
    %div3A_28 = arith.constant 2.000000e+00 : f32
    %div3A_29 = vector.broadcast %div3A_28 : f32 to vector<8x1152xf32>
    %div3A_30 = arith.divf %get3A_16, %div3A_29 : vector<8x1152xf32>
    %add3A_31 = arith.addf %get3A_6, %div3A_30 : vector<8x1152xf32>
    %div3A_32 = arith.constant 2.000000e+00 : f32
    %div3A_33 = vector.broadcast %div3A_32 : f32 to vector<8x1152xf32>
    %div3A_34 = arith.divf %get3A_21, %div3A_33 : vector<8x1152xf32>
    %add3A_35 = arith.addf %get3A_11, %div3A_34 : vector<8x1152xf32>
    %sub3A_36 = arith.subf %add3A_31, %sub3A : vector<8x1152xf32>
    %sub3A_37 = arith.subf %add3A_35, %sub3A_27 : vector<8x1152xf32>
    %mul3A_38 = arith.mulf %sub3A_36, %sub3A_37 : vector<8x1152xf32>
    %get3A_39 = arith.constant 0 : index
    %get3A_40 = arith.constant 0 : index
    %get3A_41 = arith.constant 0 : index
    %get3A_42 = arith.constant 0 : index
    %get3A_43 = vector.load %arg1[%get3A_39, %get3A_40, %get3A_41, %get3A_42] : memref<1x1x12x5xf32, #tpu.memory_space<vmem>>, vector<1x1x1x1xf32>
    %get3A_44 = vector.extract %get3A_43[0, 0, 0, 0] : f32 from vector<1x1x1x1xf32>
    %get3A_45 = arith.constant 0 : index
    %get3A_46 = arith.constant 0 : index
    %get3A_47 = arith.constant 0 : index
    %get3A_48 = arith.constant 1 : index
    %get3A_49 = vector.load %arg1[%get3A_45, %get3A_46, %get3A_47, %get3A_48] : memref<1x1x12x5xf32, #tpu.memory_space<vmem>>, vector<1x1x1x1xf32>
    %get3A_50 = vector.extract %get3A_49[0, 0, 0, 0] : f32 from vector<1x1x1x1xf32>
    %get3A_51 = arith.constant 0 : index
    %get3A_52 = arith.constant 0 : index
    %get3A_53 = arith.constant 0 : index
    %get3A_54 = arith.constant 2 : index
    %get3A_55 = vector.load %arg1[%get3A_51, %get3A_52, %get3A_53, %get3A_54] : memref<1x1x12x5xf32, #tpu.memory_space<vmem>>, vector<1x1x1x1xf32>
    %get3A_56 = vector.extract %get3A_55[0, 0, 0, 0] : f32 from vector<1x1x1x1xf32>
    %get3A_57 = arith.constant 0 : index
    %get3A_58 = arith.constant 0 : index
    %get3A_59 = arith.constant 0 : index
    %get3A_60 = arith.constant 3 : index
    %get3A_61 = vector.load %arg1[%get3A_57, %get3A_58, %get3A_59, %get3A_60] : memref<1x1x12x5xf32, #tpu.memory_space<vmem>>, vector<1x1x1x1xf32>
    %get3A_62 = vector.extract %get3A_61[0, 0, 0, 0] : f32 from vector<1x1x1x1xf32>
    %get3A_63 = arith.constant 0 : index
    %get3A_64 = arith.constant 0 : index
    %get3A_65 = arith.constant 0 : index
    %get3A_66 = arith.constant 4 : index
    %get3A_67 = vector.load %arg1[%get3A_63, %get3A_64, %get3A_65, %get3A_66] : memref<1x1x12x5xf32, #tpu.memory_space<vmem>>, vector<1x1x1x1xf32>
    %get3A_68 = vector.extract %get3A_67[0, 0, 0, 0] : f32 from vector<1x1x1x1xf32>
    %get3A_69 = arith.constant 0 : index
    %get3A_70 = arith.constant 0 : index
    %get3A_71 = arith.constant 1 : index
    %get3A_72 = arith.constant 0 : index
    %get3A_73 = vector.load %arg1[%get3A_69, %get3A_70, %get3A_71, %get3A_72] : memref<1x1x12x5xf32, #tpu.memory_space<vmem>>, vector<1x1x1x1xf32>
    %get3A_74 = vector.extract %get3A_73[0, 0, 0, 0] : f32 from vector<1x1x1x1xf32>
    %get3A_75 = arith.constant 0 : index
    %get3A_76 = arith.constant 0 : index
    %get3A_77 = arith.constant 1 : index
    %get3A_78 = arith.constant 1 : index
    %get3A_79 = vector.load %arg1[%get3A_75, %get3A_76, %get3A_77, %get3A_78] : memref<1x1x12x5xf32, #tpu.memory_space<vmem>>, vector<1x1x1x1xf32>
    %get3A_80 = vector.extract %get3A_79[0, 0, 0, 0] : f32 from vector<1x1x1x1xf32>
    %get3A_81 = arith.constant 0 : index
    %get3A_82 = arith.constant 0 : index
    %get3A_83 = arith.constant 1 : index
    %get3A_84 = arith.constant 2 : index
    %get3A_85 = vector.load %arg1[%get3A_81, %get3A_82, %get3A_83, %get3A_84] : memref<1x1x12x5xf32, #tpu.memory_space<vmem>>, vector<1x1x1x1xf32>
    %get3A_86 = vector.extract %get3A_85[0, 0, 0, 0] : f32 from vector<1x1x1x1xf32>
    %get3A_87 = arith.constant 0 : index
    %get3A_88 = arith.constant 0 : index
    %get3A_89 = arith.constant 1 : index
    %get3A_90 = arith.constant 3 : index
    %get3A_91 = vector.load %arg1[%get3A_87, %get3A_88, %get3A_89, %get3A_90] : memref<1x1x12x5xf32, #tpu.memory_space<vmem>>, vector<1x1x1x1xf32>
    %get3A_92 = vector.extract %get3A_91[0, 0, 0, 0] : f32 from vector<1x1x1x1xf32>
    %get3A_93 = arith.constant 0 : index
    %get3A_94 = arith.constant 0 : index
    %get3A_95 = arith.constant 1 : index
    %get3A_96 = arith.constant 4 : index
    %get3A_97 = vector.load %arg1[%get3A_93, %get3A_94, %get3A_95, %get3A_96] : memref<1x1x12x5xf32, #tpu.memory_space<vmem>>, vector<1x1x1x1xf32>
    %get3A_98 = vector.extract %get3A_97[0, 0, 0, 0] : f32 from vector<1x1x1x1xf32>
    %get3A_99 = arith.constant 0 : index
    %get3A_100 = arith.constant 0 : index
    %get3A_101 = arith.constant 2 : index
    %get3A_102 = arith.constant 0 : index
    %get3A_103 = vector.load %arg1[%get3A_99, %get3A_100, %get3A_101, %get3A_102] : memref<1x1x12x5xf32, #tpu.memory_space<vmem>>, vector<1x1x1x1xf32>
    %get3A_104 = vector.extract %get3A_103[0, 0, 0, 0] : f32 from vector<1x1x1x1xf32>
    %get3A_105 = arith.constant 0 : index
    %get3A_106 = arith.constant 0 : index
    %get3A_107 = arith.constant 2 : index
    %get3A_108 = arith.constant 1 : index
    %get3A_109 = vector.load %arg1[%get3A_105, %get3A_106, %get3A_107, %get3A_108] : memref<1x1x12x5xf32, #tpu.memory_space<vmem>>, vector<1x1x1x1xf32>
    %get3A_110 = vector.extract %get3A_109[0, 0, 0, 0] : f32 from vector<1x1x1x1xf32>
    %get3A_111 = arith.constant 0 : index
    %get3A_112 = arith.constant 0 : index
    %get3A_113 = arith.constant 2 : index
    %get3A_114 = arith.constant 2 : index
    %get3A_115 = vector.load %arg1[%get3A_111, %get3A_112, %get3A_113, %get3A_114] : memref<1x1x12x5xf32, #tpu.memory_space<vmem>>, vector<1x1x1x1xf32>
    %get3A_116 = vector.extract %get3A_115[0, 0, 0, 0] : f32 from vector<1x1x1x1xf32>
    %get3A_117 = arith.constant 0 : index
    %get3A_118 = arith.constant 0 : index
    %get3A_119 = arith.constant 2 : index
    %get3A_120 = arith.constant 3 : index
    %get3A_121 = vector.load %arg1[%get3A_117, %get3A_118, %get3A_119, %get3A_120] : memref<1x1x12x5xf32, #tpu.memory_space<vmem>>, vector<1x1x1x1xf32>
    %get3A_122 = vector.extract %get3A_121[0, 0, 0, 0] : f32 from vector<1x1x1x1xf32>
    %get3A_123 = arith.constant 0 : index
    %get3A_124 = arith.constant 0 : index
    %get3A_125 = arith.constant 2 : index
    %get3A_126 = arith.constant 4 : index
    %get3A_127 = vector.load %arg1[%get3A_123, %get3A_124, %get3A_125, %get3A_126] : memref<1x1x12x5xf32, #tpu.memory_space<vmem>>, vector<1x1x1x1xf32>
    %get3A_128 = vector.extract %get3A_127[0, 0, 0, 0] : f32 from vector<1x1x1x1xf32>
    %get3A_129 = arith.constant 0 : index
    %get3A_130 = arith.constant 0 : index
    %get3A_131 = arith.constant 3 : index
    %get3A_132 = arith.constant 0 : index
    %get3A_133 = vector.load %arg1[%get3A_129, %get3A_130, %get3A_131, %get3A_132] : memref<1x1x12x5xf32, #tpu.memory_space<vmem>>, vector<1x1x1x1xf32>
    %get3A_134 = vector.extract %get3A_133[0, 0, 0, 0] : f32 from vector<1x1x1x1xf32>
    %get3A_135 = arith.constant 0 : index
    %get3A_136 = arith.constant 0 : index
    %get3A_137 = arith.constant 3 : index
    %get3A_138 = arith.constant 1 : index
    %get3A_139 = vector.load %arg1[%get3A_135, %get3A_136, %get3A_137, %get3A_138] : memref<1x1x12x5xf32, #tpu.memory_space<vmem>>, vector<1x1x1x1xf32>
    %get3A_140 = vector.extract %get3A_139[0, 0, 0, 0] : f32 from vector<1x1x1x1xf32>
    %get3A_141 = arith.constant 0 : index
    %get3A_142 = arith.constant 0 : index
    %get3A_143 = arith.constant 3 : index
    %get3A_144 = arith.constant 2 : index
    %get3A_145 = vector.load %arg1[%get3A_141, %get3A_142, %get3A_143, %get3A_144] : memref<1x1x12x5xf32, #tpu.memory_space<vmem>>, vector<1x1x1x1xf32>
    %get3A_146 = vector.extract %get3A_145[0, 0, 0, 0] : f32 from vector<1x1x1x1xf32>
    %get3A_147 = arith.constant 0 : index
    %get3A_148 = arith.constant 0 : index
    %get3A_149 = arith.constant 3 : index
    %get3A_150 = arith.constant 3 : index
    %get3A_151 = vector.load %arg1[%get3A_147, %get3A_148, %get3A_149, %get3A_150] : memref<1x1x12x5xf32, #tpu.memory_space<vmem>>, vector<1x1x1x1xf32>
    %get3A_152 = vector.extract %get3A_151[0, 0, 0, 0] : f32 from vector<1x1x1x1xf32>
    %get3A_153 = arith.constant 0 : index
    %get3A_154 = arith.constant 0 : index
    %get3A_155 = arith.constant 3 : index
    %get3A_156 = arith.constant 4 : index
    %get3A_157 = vector.load %arg1[%get3A_153, %get3A_154, %get3A_155, %get3A_156] : memref<1x1x12x5xf32, #tpu.memory_space<vmem>>, vector<1x1x1x1xf32>
    %get3A_158 = vector.extract %get3A_157[0, 0, 0, 0] : f32 from vector<1x1x1x1xf32>
    %get3A_159 = arith.constant 0 : index
    %get3A_160 = arith.constant 0 : index
    %get3A_161 = arith.constant 4 : index
    %get3A_162 = arith.constant 0 : index
    %get3A_163 = vector.load %arg1[%get3A_159, %get3A_160, %get3A_161, %get3A_162] : memref<1x1x12x5xf32, #tpu.memory_space<vmem>>, vector<1x1x1x1xf32>
    %get3A_164 = vector.extract %get3A_163[0, 0, 0, 0] : f32 from vector<1x1x1x1xf32>
    %get3A_165 = arith.constant 0 : index
    %get3A_166 = arith.constant 0 : index
    %get3A_167 = arith.constant 4 : index
    %get3A_168 = arith.constant 1 : index
    %get3A_169 = vector.load %arg1[%get3A_165, %get3A_166, %get3A_167, %get3A_168] : memref<1x1x12x5xf32, #tpu.memory_space<vmem>>, vector<1x1x1x1xf32>
    %get3A_170 = vector.extract %get3A_169[0, 0, 0, 0] : f32 from vector<1x1x1x1xf32>
    %get3A_171 = arith.constant 0 : index
    %get3A_172 = arith.constant 0 : index
    %get3A_173 = arith.constant 4 : index
    %get3A_174 = arith.constant 2 : index
    %get3A_175 = vector.load %arg1[%get3A_171, %get3A_172, %get3A_173, %get3A_174] : memref<1x1x12x5xf32, #tpu.memory_space<vmem>>, vector<1x1x1x1xf32>
    %get3A_176 = vector.extract %get3A_175[0, 0, 0, 0] : f32 from vector<1x1x1x1xf32>
    %get3A_177 = arith.constant 0 : index
    %get3A_178 = arith.constant 0 : index
    %get3A_179 = arith.constant 4 : index
    %get3A_180 = arith.constant 3 : index
    %get3A_181 = vector.load %arg1[%get3A_177, %get3A_178, %get3A_179, %get3A_180] : memref<1x1x12x5xf32, #tpu.memory_space<vmem>>, vector<1x1x1x1xf32>
    %get3A_182 = vector.extract %get3A_181[0, 0, 0, 0] : f32 from vector<1x1x1x1xf32>
    %get3A_183 = arith.constant 0 : index
    %get3A_184 = arith.constant 0 : index
    %get3A_185 = arith.constant 4 : index
    %get3A_186 = arith.constant 4 : index
    %get3A_187 = vector.load %arg1[%get3A_183, %get3A_184, %get3A_185, %get3A_186] : memref<1x1x12x5xf32, #tpu.memory_space<vmem>>, vector<1x1x1x1xf32>
    %get3A_188 = vector.extract %get3A_187[0, 0, 0, 0] : f32 from vector<1x1x1x1xf32>
    %get3A_189 = arith.constant 0 : index
    %get3A_190 = arith.constant 0 : index
    %get3A_191 = arith.constant 5 : index
    %get3A_192 = arith.constant 0 : index
    %get3A_193 = vector.load %arg1[%get3A_189, %get3A_190, %get3A_191, %get3A_192] : memref<1x1x12x5xf32, #tpu.memory_space<vmem>>, vector<1x1x1x1xf32>
    %get3A_194 = vector.extract %get3A_193[0, 0, 0, 0] : f32 from vector<1x1x1x1xf32>
    %get3A_195 = arith.constant 0 : index
    %get3A_196 = arith.constant 0 : index
    %get3A_197 = arith.constant 5 : index
    %get3A_198 = arith.constant 1 : index
    %get3A_199 = vector.load %arg1[%get3A_195, %get3A_196, %get3A_197, %get3A_198] : memref<1x1x12x5xf32, #tpu.memory_space<vmem>>, vector<1x1x1x1xf32>
    %get3A_200 = vector.extract %get3A_199[0, 0, 0, 0] : f32 from vector<1x1x1x1xf32>
    %get3A_201 = arith.constant 0 : index
    %get3A_202 = arith.constant 0 : index
    %get3A_203 = arith.constant 5 : index
    %get3A_204 = arith.constant 2 : index
    %get3A_205 = vector.load %arg1[%get3A_201, %get3A_202, %get3A_203, %get3A_204] : memref<1x1x12x5xf32, #tpu.memory_space<vmem>>, vector<1x1x1x1xf32>
    %get3A_206 = vector.extract %get3A_205[0, 0, 0, 0] : f32 from vector<1x1x1x1xf32>
    %get3A_207 = arith.constant 0 : index
    %get3A_208 = arith.constant 0 : index
    %get3A_209 = arith.constant 5 : index
    %get3A_210 = arith.constant 3 : index
    %get3A_211 = vector.load %arg1[%get3A_207, %get3A_208, %get3A_209, %get3A_210] : memref<1x1x12x5xf32, #tpu.memory_space<vmem>>, vector<1x1x1x1xf32>
    %get3A_212 = vector.extract %get3A_211[0, 0, 0, 0] : f32 from vector<1x1x1x1xf32>
    %get3A_213 = arith.constant 0 : index
    %get3A_214 = arith.constant 0 : index
    %get3A_215 = arith.constant 5 : index
    %get3A_216 = arith.constant 4 : index
    %get3A_217 = vector.load %arg1[%get3A_213, %get3A_214, %get3A_215, %get3A_216] : memref<1x1x12x5xf32, #tpu.memory_space<vmem>>, vector<1x1x1x1xf32>
    %get3A_218 = vector.extract %get3A_217[0, 0, 0, 0] : f32 from vector<1x1x1x1xf32>
    %get3A_219 = arith.constant 0 : index
    %get3A_220 = arith.constant 0 : index
    %get3A_221 = arith.constant 6 : index
    %get3A_222 = arith.constant 0 : index
    %get3A_223 = vector.load %arg1[%get3A_219, %get3A_220, %get3A_221, %get3A_222] : memref<1x1x12x5xf32, #tpu.memory_space<vmem>>, vector<1x1x1x1xf32>
    %get3A_224 = vector.extract %get3A_223[0, 0, 0, 0] : f32 from vector<1x1x1x1xf32>
    %get3A_225 = arith.constant 0 : index
    %get3A_226 = arith.constant 0 : index
    %get3A_227 = arith.constant 6 : index
    %get3A_228 = arith.constant 1 : index
    %get3A_229 = vector.load %arg1[%get3A_225, %get3A_226, %get3A_227, %get3A_228] : memref<1x1x12x5xf32, #tpu.memory_space<vmem>>, vector<1x1x1x1xf32>
    %get3A_230 = vector.extract %get3A_229[0, 0, 0, 0] : f32 from vector<1x1x1x1xf32>
    %get3A_231 = arith.constant 0 : index
    %get3A_232 = arith.constant 0 : index
    %get3A_233 = arith.constant 6 : index
    %get3A_234 = arith.constant 2 : index
    %get3A_235 = vector.load %arg1[%get3A_231, %get3A_232, %get3A_233, %get3A_234] : memref<1x1x12x5xf32, #tpu.memory_space<vmem>>, vector<1x1x1x1xf32>
    %get3A_236 = vector.extract %get3A_235[0, 0, 0, 0] : f32 from vector<1x1x1x1xf32>
    %get3A_237 = arith.constant 0 : index
    %get3A_238 = arith.constant 0 : index
    %get3A_239 = arith.constant 6 : index
    %get3A_240 = arith.constant 3 : index
    %get3A_241 = vector.load %arg1[%get3A_237, %get3A_238, %get3A_239, %get3A_240] : memref<1x1x12x5xf32, #tpu.memory_space<vmem>>, vector<1x1x1x1xf32>
    %get3A_242 = vector.extract %get3A_241[0, 0, 0, 0] : f32 from vector<1x1x1x1xf32>
    %get3A_243 = arith.constant 0 : index
    %get3A_244 = arith.constant 0 : index
    %get3A_245 = arith.constant 6 : index
    %get3A_246 = arith.constant 4 : index
    %get3A_247 = vector.load %arg1[%get3A_243, %get3A_244, %get3A_245, %get3A_246] : memref<1x1x12x5xf32, #tpu.memory_space<vmem>>, vector<1x1x1x1xf32>
    %get3A_248 = vector.extract %get3A_247[0, 0, 0, 0] : f32 from vector<1x1x1x1xf32>
    %get3A_249 = arith.constant 0 : index
    %get3A_250 = arith.constant 0 : index
    %get3A_251 = arith.constant 7 : index
    %get3A_252 = arith.constant 0 : index
    %get3A_253 = vector.load %arg1[%get3A_249, %get3A_250, %get3A_251, %get3A_252] : memref<1x1x12x5xf32, #tpu.memory_space<vmem>>, vector<1x1x1x1xf32>
    %get3A_254 = vector.extract %get3A_253[0, 0, 0, 0] : f32 from vector<1x1x1x1xf32>
    %get3A_255 = arith.constant 0 : index
    %get3A_256 = arith.constant 0 : index
    %get3A_257 = arith.constant 7 : index
    %get3A_258 = arith.constant 1 : index
    %get3A_259 = vector.load %arg1[%get3A_255, %get3A_256, %get3A_257, %get3A_258] : memref<1x1x12x5xf32, #tpu.memory_space<vmem>>, vector<1x1x1x1xf32>
    %get3A_260 = vector.extract %get3A_259[0, 0, 0, 0] : f32 from vector<1x1x1x1xf32>
    %get3A_261 = arith.constant 0 : index
    %get3A_262 = arith.constant 0 : index
    %get3A_263 = arith.constant 7 : index
    %get3A_264 = arith.constant 2 : index
    %get3A_265 = vector.load %arg1[%get3A_261, %get3A_262, %get3A_263, %get3A_264] : memref<1x1x12x5xf32, #tpu.memory_space<vmem>>, vector<1x1x1x1xf32>
    %get3A_266 = vector.extract %get3A_265[0, 0, 0, 0] : f32 from vector<1x1x1x1xf32>
    %get3A_267 = arith.constant 0 : index
    %get3A_268 = arith.constant 0 : index
    %get3A_269 = arith.constant 7 : index
    %get3A_270 = arith.constant 3 : index
    %get3A_271 = vector.load %arg1[%get3A_267, %get3A_268, %get3A_269, %get3A_270] : memref<1x1x12x5xf32, #tpu.memory_space<vmem>>, vector<1x1x1x1xf32>
    %get3A_272 = vector.extract %get3A_271[0, 0, 0, 0] : f32 from vector<1x1x1x1xf32>
    %get3A_273 = arith.constant 0 : index
    %get3A_274 = arith.constant 0 : index
    %get3A_275 = arith.constant 7 : index
    %get3A_276 = arith.constant 4 : index
    %get3A_277 = vector.load %arg1[%get3A_273, %get3A_274, %get3A_275, %get3A_276] : memref<1x1x12x5xf32, #tpu.memory_space<vmem>>, vector<1x1x1x1xf32>
    %get3A_278 = vector.extract %get3A_277[0, 0, 0, 0] : f32 from vector<1x1x1x1xf32>
    %get3A_279 = arith.constant 0 : index
    %get3A_280 = arith.constant 0 : index
    %get3A_281 = arith.constant 8 : index
    %get3A_282 = arith.constant 0 : index
    %get3A_283 = vector.load %arg1[%get3A_279, %get3A_280, %get3A_281, %get3A_282] : memref<1x1x12x5xf32, #tpu.memory_space<vmem>>, vector<1x1x1x1xf32>
    %get3A_284 = vector.extract %get3A_283[0, 0, 0, 0] : f32 from vector<1x1x1x1xf32>
    %get3A_285 = arith.constant 0 : index
    %get3A_286 = arith.constant 0 : index
    %get3A_287 = arith.constant 8 : index
    %get3A_288 = arith.constant 1 : index
    %get3A_289 = vector.load %arg1[%get3A_285, %get3A_286, %get3A_287, %get3A_288] : memref<1x1x12x5xf32, #tpu.memory_space<vmem>>, vector<1x1x1x1xf32>
    %get3A_290 = vector.extract %get3A_289[0, 0, 0, 0] : f32 from vector<1x1x1x1xf32>
    %get3A_291 = arith.constant 0 : index
    %get3A_292 = arith.constant 0 : index
    %get3A_293 = arith.constant 8 : index
    %get3A_294 = arith.constant 2 : index
    %get3A_295 = vector.load %arg1[%get3A_291, %get3A_292, %get3A_293, %get3A_294] : memref<1x1x12x5xf32, #tpu.memory_space<vmem>>, vector<1x1x1x1xf32>
    %get3A_296 = vector.extract %get3A_295[0, 0, 0, 0] : f32 from vector<1x1x1x1xf32>
    %get3A_297 = arith.constant 0 : index
    %get3A_298 = arith.constant 0 : index
    %get3A_299 = arith.constant 8 : index
    %get3A_300 = arith.constant 3 : index
    %get3A_301 = vector.load %arg1[%get3A_297, %get3A_298, %get3A_299, %get3A_300] : memref<1x1x12x5xf32, #tpu.memory_space<vmem>>, vector<1x1x1x1xf32>
    %get3A_302 = vector.extract %get3A_301[0, 0, 0, 0] : f32 from vector<1x1x1x1xf32>
    %get3A_303 = arith.constant 0 : index
    %get3A_304 = arith.constant 0 : index
    %get3A_305 = arith.constant 8 : index
    %get3A_306 = arith.constant 4 : index
    %get3A_307 = vector.load %arg1[%get3A_303, %get3A_304, %get3A_305, %get3A_306] : memref<1x1x12x5xf32, #tpu.memory_space<vmem>>, vector<1x1x1x1xf32>
    %get3A_308 = vector.extract %get3A_307[0, 0, 0, 0] : f32 from vector<1x1x1x1xf32>
    %get3A_309 = arith.constant 0 : index
    %get3A_310 = arith.constant 0 : index
    %get3A_311 = arith.constant 9 : index
    %get3A_312 = arith.constant 0 : index
    %get3A_313 = vector.load %arg1[%get3A_309, %get3A_310, %get3A_311, %get3A_312] : memref<1x1x12x5xf32, #tpu.memory_space<vmem>>, vector<1x1x1x1xf32>
    %get3A_314 = vector.extract %get3A_313[0, 0, 0, 0] : f32 from vector<1x1x1x1xf32>
    %get3A_315 = arith.constant 0 : index
    %get3A_316 = arith.constant 0 : index
    %get3A_317 = arith.constant 9 : index
    %get3A_318 = arith.constant 1 : index
    %get3A_319 = vector.load %arg1[%get3A_315, %get3A_316, %get3A_317, %get3A_318] : memref<1x1x12x5xf32, #tpu.memory_space<vmem>>, vector<1x1x1x1xf32>
    %get3A_320 = vector.extract %get3A_319[0, 0, 0, 0] : f32 from vector<1x1x1x1xf32>
    %get3A_321 = arith.constant 0 : index
    %get3A_322 = arith.constant 0 : index
    %get3A_323 = arith.constant 9 : index
    %get3A_324 = arith.constant 2 : index
    %get3A_325 = vector.load %arg1[%get3A_321, %get3A_322, %get3A_323, %get3A_324] : memref<1x1x12x5xf32, #tpu.memory_space<vmem>>, vector<1x1x1x1xf32>
    %get3A_326 = vector.extract %get3A_325[0, 0, 0, 0] : f32 from vector<1x1x1x1xf32>
    %get3A_327 = arith.constant 0 : index
    %get3A_328 = arith.constant 0 : index
    %get3A_329 = arith.constant 9 : index
    %get3A_330 = arith.constant 3 : index
    %get3A_331 = vector.load %arg1[%get3A_327, %get3A_328, %get3A_329, %get3A_330] : memref<1x1x12x5xf32, #tpu.memory_space<vmem>>, vector<1x1x1x1xf32>
    %get3A_332 = vector.extract %get3A_331[0, 0, 0, 0] : f32 from vector<1x1x1x1xf32>
    %get3A_333 = arith.constant 0 : index
    %get3A_334 = arith.constant 0 : index
    %get3A_335 = arith.constant 9 : index
    %get3A_336 = arith.constant 4 : index
    %get3A_337 = vector.load %arg1[%get3A_333, %get3A_334, %get3A_335, %get3A_336] : memref<1x1x12x5xf32, #tpu.memory_space<vmem>>, vector<1x1x1x1xf32>
    %get3A_338 = vector.extract %get3A_337[0, 0, 0, 0] : f32 from vector<1x1x1x1xf32>
    %get3A_339 = arith.constant 0 : index
    %get3A_340 = arith.constant 0 : index
    %get3A_341 = arith.constant 10 : index
    %get3A_342 = arith.constant 0 : index
    %get3A_343 = vector.load %arg1[%get3A_339, %get3A_340, %get3A_341, %get3A_342] : memref<1x1x12x5xf32, #tpu.memory_space<vmem>>, vector<1x1x1x1xf32>
    %get3A_344 = vector.extract %get3A_343[0, 0, 0, 0] : f32 from vector<1x1x1x1xf32>
    %get3A_345 = arith.constant 0 : index
    %get3A_346 = arith.constant 0 : index
    %get3A_347 = arith.constant 10 : index
    %get3A_348 = arith.constant 1 : index
    %get3A_349 = vector.load %arg1[%get3A_345, %get3A_346, %get3A_347, %get3A_348] : memref<1x1x12x5xf32, #tpu.memory_space<vmem>>, vector<1x1x1x1xf32>
    %get3A_350 = vector.extract %get3A_349[0, 0, 0, 0] : f32 from vector<1x1x1x1xf32>
    %get3A_351 = arith.constant 0 : index
    %get3A_352 = arith.constant 0 : index
    %get3A_353 = arith.constant 10 : index
    %get3A_354 = arith.constant 2 : index
    %get3A_355 = vector.load %arg1[%get3A_351, %get3A_352, %get3A_353, %get3A_354] : memref<1x1x12x5xf32, #tpu.memory_space<vmem>>, vector<1x1x1x1xf32>
    %get3A_356 = vector.extract %get3A_355[0, 0, 0, 0] : f32 from vector<1x1x1x1xf32>
    %get3A_357 = arith.constant 0 : index
    %get3A_358 = arith.constant 0 : index
    %get3A_359 = arith.constant 10 : index
    %get3A_360 = arith.constant 3 : index
    %get3A_361 = vector.load %arg1[%get3A_357, %get3A_358, %get3A_359, %get3A_360] : memref<1x1x12x5xf32, #tpu.memory_space<vmem>>, vector<1x1x1x1xf32>
    %get3A_362 = vector.extract %get3A_361[0, 0, 0, 0] : f32 from vector<1x1x1x1xf32>
    %get3A_363 = arith.constant 0 : index
    %get3A_364 = arith.constant 0 : index
    %get3A_365 = arith.constant 10 : index
    %get3A_366 = arith.constant 4 : index
    %get3A_367 = vector.load %arg1[%get3A_363, %get3A_364, %get3A_365, %get3A_366] : memref<1x1x12x5xf32, #tpu.memory_space<vmem>>, vector<1x1x1x1xf32>
    %get3A_368 = vector.extract %get3A_367[0, 0, 0, 0] : f32 from vector<1x1x1x1xf32>
    %get3A_369 = arith.constant 0 : index
    %get3A_370 = arith.constant 0 : index
    %get3A_371 = arith.constant 11 : index
    %get3A_372 = arith.constant 0 : index
    %get3A_373 = vector.load %arg1[%get3A_369, %get3A_370, %get3A_371, %get3A_372] : memref<1x1x12x5xf32, #tpu.memory_space<vmem>>, vector<1x1x1x1xf32>
    %get3A_374 = vector.extract %get3A_373[0, 0, 0, 0] : f32 from vector<1x1x1x1xf32>
    %get3A_375 = arith.constant 0 : index
    %get3A_376 = arith.constant 0 : index
    %get3A_377 = arith.constant 11 : index
    %get3A_378 = arith.constant 1 : index
    %get3A_379 = vector.load %arg1[%get3A_375, %get3A_376, %get3A_377, %get3A_378] : memref<1x1x12x5xf32, #tpu.memory_space<vmem>>, vector<1x1x1x1xf32>
    %get3A_380 = vector.extract %get3A_379[0, 0, 0, 0] : f32 from vector<1x1x1x1xf32>
    %get3A_381 = arith.constant 0 : index
    %get3A_382 = arith.constant 0 : index
    %get3A_383 = arith.constant 11 : index
    %get3A_384 = arith.constant 2 : index
    %get3A_385 = vector.load %arg1[%get3A_381, %get3A_382, %get3A_383, %get3A_384] : memref<1x1x12x5xf32, #tpu.memory_space<vmem>>, vector<1x1x1x1xf32>
    %get3A_386 = vector.extract %get3A_385[0, 0, 0, 0] : f32 from vector<1x1x1x1xf32>
    %get3A_387 = arith.constant 0 : index
    %get3A_388 = arith.constant 0 : index
    %get3A_389 = arith.constant 11 : index
    %get3A_390 = arith.constant 3 : index
    %get3A_391 = vector.load %arg1[%get3A_387, %get3A_388, %get3A_389, %get3A_390] : memref<1x1x12x5xf32, #tpu.memory_space<vmem>>, vector<1x1x1x1xf32>
    %get3A_392 = vector.extract %get3A_391[0, 0, 0, 0] : f32 from vector<1x1x1x1xf32>
    %get3A_393 = arith.constant 0 : index
    %get3A_394 = arith.constant 0 : index
    %get3A_395 = arith.constant 11 : index
    %get3A_396 = arith.constant 4 : index
    %get3A_397 = vector.load %arg1[%get3A_393, %get3A_394, %get3A_395, %get3A_396] : memref<1x1x12x5xf32, #tpu.memory_space<vmem>>, vector<1x1x1x1xf32>
    %get3A_398 = vector.extract %get3A_397[0, 0, 0, 0] : f32 from vector<1x1x1x1xf32>
    %get3A_399 = arith.constant 0 : index
    %get3A_400 = arith.constant 0 : index
    %get3A_401 = arith.constant 0 : index
    %get3A_402 = arith.constant 0 : index
    %get3A_403 = vector.load %arg1[%get3A_399, %get3A_400, %get3A_401, %get3A_402] : memref<1x1x12x5xf32, #tpu.memory_space<vmem>>, vector<1x1x12x5xf32>
    %get3A_404 = vector.shape_cast %get3A_403 : vector<1x1x12x5xf32> to vector<12x5xf32>
    %slice3A = vector.extract_strided_slice %get3A_404 {offsets = [0, 0], sizes = [12, 1], strides = [1, 1]} : vector<12x5xf32> to vector<12x1xf32>
    %squeeze3A = vector.shape_cast %slice3A : vector<12x1xf32> to vector<12xf32>
    %reshape3A = vector.shape_cast %squeeze3A : vector<12xf32> to vector<12x1x1xf32>
    %get3A_405 = arith.constant 0 : index
    %get3A_406 = arith.constant 0 : index
    %get3A_407 = arith.constant 0 : index
    %get3A_408 = arith.constant 0 : index
    %get3A_409 = vector.load %arg1[%get3A_405, %get3A_406, %get3A_407, %get3A_408] : memref<1x1x12x5xf32, #tpu.memory_space<vmem>>, vector<1x1x12x5xf32>
    %get3A_410 = vector.shape_cast %get3A_409 : vector<1x1x12x5xf32> to vector<12x5xf32>
    %slice3A_411 = vector.extract_strided_slice %get3A_410 {offsets = [0, 1], sizes = [12, 1], strides = [1, 1]} : vector<12x5xf32> to vector<12x1xf32>
    %squeeze3A_412 = vector.shape_cast %slice3A_411 : vector<12x1xf32> to vector<12xf32>
    %reshape3A_413 = vector.shape_cast %squeeze3A_412 : vector<12xf32> to vector<12x1x1xf32>
    %get3A_414 = arith.constant 0 : index
    %get3A_415 = arith.constant 0 : index
    %get3A_416 = arith.constant 0 : index
    %get3A_417 = arith.constant 0 : index
    %get3A_418 = vector.load %arg1[%get3A_414, %get3A_415, %get3A_416, %get3A_417] : memref<1x1x12x5xf32, #tpu.memory_space<vmem>>, vector<1x1x12x5xf32>
    %get3A_419 = vector.shape_cast %get3A_418 : vector<1x1x12x5xf32> to vector<12x5xf32>
    %slice3A_420 = vector.extract_strided_slice %get3A_419 {offsets = [0, 2], sizes = [12, 1], strides = [1, 1]} : vector<12x5xf32> to vector<12x1xf32>
    %squeeze3A_421 = vector.shape_cast %slice3A_420 : vector<12x1xf32> to vector<12xf32>
    %reshape3A_422 = vector.shape_cast %squeeze3A_421 : vector<12xf32> to vector<12x1x1xf32>
    %get3A_423 = arith.constant 0 : index
    %get3A_424 = arith.constant 0 : index
    %get3A_425 = arith.constant 0 : index
    %get3A_426 = arith.constant 0 : index
    %get3A_427 = vector.load %arg1[%get3A_423, %get3A_424, %get3A_425, %get3A_426] : memref<1x1x12x5xf32, #tpu.memory_space<vmem>>, vector<1x1x12x5xf32>
    %get3A_428 = vector.shape_cast %get3A_427 : vector<1x1x12x5xf32> to vector<12x5xf32>
    %slice3A_429 = vector.extract_strided_slice %get3A_428 {offsets = [0, 3], sizes = [12, 1], strides = [1, 1]} : vector<12x5xf32> to vector<12x1xf32>
    %squeeze3A_430 = vector.shape_cast %slice3A_429 : vector<12x1xf32> to vector<12xf32>
    %reshape3A_431 = vector.shape_cast %squeeze3A_430 : vector<12xf32> to vector<12x1x1xf32>
    %broadcast_in_dim3A = vector.shape_cast %sub3A : vector<8x1152xf32> to vector<1x8x1152xf32>
    %max3A = vector.broadcast %reshape3A : vector<12x1x1xf32> to vector<12x8x1152xf32>
    %max3A_432 = vector.broadcast %broadcast_in_dim3A : vector<1x8x1152xf32> to vector<12x8x1152xf32>
    %max3A_433 = arith.maximumf %max3A, %max3A_432 : vector<12x8x1152xf32>
    %broadcast_in_dim3A_434 = vector.shape_cast %sub3A_27 : vector<8x1152xf32> to vector<1x8x1152xf32>
    %max3A_435 = vector.broadcast %reshape3A_413 : vector<12x1x1xf32> to vector<12x8x1152xf32>
    %max3A_436 = vector.broadcast %broadcast_in_dim3A_434 : vector<1x8x1152xf32> to vector<12x8x1152xf32>
    %max3A_437 = arith.maximumf %max3A_435, %max3A_436 : vector<12x8x1152xf32>
    %broadcast_in_dim3A_438 = vector.shape_cast %add3A_31 : vector<8x1152xf32> to vector<1x8x1152xf32>
    %min3A = vector.broadcast %reshape3A_422 : vector<12x1x1xf32> to vector<12x8x1152xf32>
    %min3A_439 = vector.broadcast %broadcast_in_dim3A_438 : vector<1x8x1152xf32> to vector<12x8x1152xf32>
    %min3A_440 = arith.minimumf %min3A, %min3A_439 : vector<12x8x1152xf32>
    %broadcast_in_dim3A_441 = vector.shape_cast %add3A_35 : vector<8x1152xf32> to vector<1x8x1152xf32>
    %min3A_442 = vector.broadcast %reshape3A_431 : vector<12x1x1xf32> to vector<12x8x1152xf32>
    %min3A_443 = vector.broadcast %broadcast_in_dim3A_441 : vector<1x8x1152xf32> to vector<12x8x1152xf32>
    %min3A_444 = arith.minimumf %min3A_442, %min3A_443 : vector<12x8x1152xf32>
    %sub3A_445 = arith.subf %min3A_440, %max3A_433 : vector<12x8x1152xf32>
    %jit3A = arith.constant 0.000000e+00 : f32
    %max3A_446 = vector.broadcast %jit3A : f32 to vector<12x8x1152xf32>
    %max3A_447 = arith.maximumf %max3A_446, %sub3A_445 : vector<12x8x1152xf32>
    %sub3A_448 = arith.subf %min3A_444, %max3A_437 : vector<12x8x1152xf32>
    %jit3A_449 = arith.constant 0.000000e+00 : f32
    %max3A_450 = vector.broadcast %jit3A_449 : f32 to vector<12x8x1152xf32>
    %max3A_451 = arith.maximumf %max3A_450, %sub3A_448 : vector<12x8x1152xf32>
    %mul3A_452 = arith.mulf %max3A_447, %max3A_451 : vector<12x8x1152xf32>
    %sub3A_453 = arith.subf %reshape3A_422, %reshape3A : vector<12x1x1xf32>
    %sub3A_454 = arith.subf %reshape3A_431, %reshape3A_413 : vector<12x1x1xf32>
    %mul3A_455 = arith.mulf %sub3A_453, %sub3A_454 : vector<12x1x1xf32>
    %broadcast_in_dim3A_456 = vector.shape_cast %mul3A_38 : vector<8x1152xf32> to vector<1x8x1152xf32>
    %add3A_457 = vector.broadcast %mul3A_455 : vector<12x1x1xf32> to vector<12x8x1152xf32>
    %add3A_458 = vector.broadcast %broadcast_in_dim3A_456 : vector<1x8x1152xf32> to vector<12x8x1152xf32>
    %add3A_459 = arith.addf %add3A_457, %add3A_458 : vector<12x8x1152xf32>
    %sub3A_460 = arith.subf %add3A_459, %mul3A_452 : vector<12x8x1152xf32>
    %div3A_461 = arith.divf %mul3A_452, %sub3A_460 : vector<12x8x1152xf32>
    %reduce_max3A = arith.constant dense<0xFF800000> : vector<12x1152xf32>
    %reduce_max3A_462 = vector.multi_reduction <maximumf>, %div3A_461, %reduce_max3A [1] : vector<12x8x1152xf32> to vector<12x1152xf32>
    %reduce_max3A_463 = arith.constant dense<0xFF800000> : vector<12xf32>
    %reduce_max3A_464 = vector.multi_reduction <maximumf>, %reduce_max3A_462, %reduce_max3A_463 [1] : vector<12x1152xf32> to vector<12xf32>
    %broadcast_in_dim3A_465 = vector.shape_cast %reduce_max3A_464 : vector<12xf32> to vector<12x1x1xf32>
    %eq3A = vector.broadcast %broadcast_in_dim3A_465 : vector<12x1x1xf32> to vector<12x8x1152xf32>
    %eq3A_466 = arith.cmpf oeq, %div3A_461, %eq3A : vector<12x8x1152xf32>
    %broadcast_in_dim3A_467 = vector.shape_cast %add3A : vector<8x1152xi32> to vector<1x8x1152xi32>
    %jit3A_468 = arith.constant 1073741824 : i32
    %broadcast_in_dim3A_469 = vector.shape_cast %broadcast_in_dim3A_467 : vector<1x8x1152xi32> to vector<1x8x1152xi32>
    %broadcast_in_dim3A_470 = vector.broadcast %broadcast_in_dim3A_469 : vector<1x8x1152xi32> to vector<12x8x1152xi32>
    %broadcast_in_dim3A_471 = vector.broadcast %jit3A_468 : i32 to vector<12x8x1152xi32>
    %select_n3A = arith.select %eq3A_466, %broadcast_in_dim3A_470, %broadcast_in_dim3A_471 : vector<12x8x1152xi1>, vector<12x8x1152xi32>
    %reduce_min3A = arith.constant dense<2147483647> : vector<12x1152xi32>
    %reduce_min3A_472 = vector.multi_reduction <minsi>, %select_n3A, %reduce_min3A [1] : vector<12x8x1152xi32> to vector<12x1152xi32>
    %reduce_min3A_473 = arith.constant dense<2147483647> : vector<12xi32>
    %reduce_min3A_474 = vector.multi_reduction <minsi>, %reduce_min3A_472, %reduce_min3A_473 [1] : vector<12x1152xi32> to vector<12xi32>
    %iota3A_475 = tpu.iota {dimensions = array<i32: 0>} : vector<12x8x1152xi32>
    %broadcast_in_dim3A_476 = vector.shape_cast %add3A : vector<8x1152xi32> to vector<1x8x1152xi32>
    %broadcast_in_dim3A_477 = vector.shape_cast %reduce_min3A_474 : vector<12xi32> to vector<12x1x1xi32>
    %eq3A_478 = vector.broadcast %broadcast_in_dim3A_476 : vector<1x8x1152xi32> to vector<12x8x1152xi32>
    %eq3A_479 = vector.broadcast %broadcast_in_dim3A_477 : vector<12x1x1xi32> to vector<12x8x1152xi32>
    %eq3A_480 = arith.cmpi eq, %eq3A_478, %eq3A_479 : vector<12x8x1152xi32>
    %jit3A_481 = arith.constant -1 : i32
    %broadcast_in_dim3A_482 = vector.broadcast %jit3A_481 : i32 to vector<12x8x1152xi32>
    %select_n3A_483 = arith.select %eq3A_480, %iota3A_475, %broadcast_in_dim3A_482 : vector<12x8x1152xi1>, vector<12x8x1152xi32>
    %reduce_max3A_484 = arith.constant dense<-2147483648> : vector<8x1152xi32>
    %reduce_max3A_485 = vector.multi_reduction <maxsi>, %select_n3A_483, %reduce_max3A_484 [0] : vector<12x8x1152xi32> to vector<8x1152xi32>
    %slice3A_486 = vector.extract_strided_slice %div3A_461 {offsets = [0, 0, 0], sizes = [1, 8, 1152], strides = [1, 1, 1]} : vector<12x8x1152xf32> to vector<1x8x1152xf32>
    %squeeze3A_487 = vector.shape_cast %slice3A_486 : vector<1x8x1152xf32> to vector<8x1152xf32>
    %broadcast_in_dim3A_488 = arith.constant 0 : i32
    %broadcast_in_dim3A_489 = vector.broadcast %broadcast_in_dim3A_488 : i32 to vector<8x1152xi32>
    %slice3A_490 = vector.extract_strided_slice %div3A_461 {offsets = [1, 0, 0], sizes = [1, 8, 1152], strides = [1, 1, 1]} : vector<12x8x1152xf32> to vector<1x8x1152xf32>
    %squeeze3A_491 = vector.shape_cast %slice3A_490 : vector<1x8x1152xf32> to vector<8x1152xf32>
    %gt3A = arith.cmpf ogt, %squeeze3A_491, %squeeze3A_487 : vector<8x1152xf32>
    %select_n3A_492 = arith.select %gt3A, %squeeze3A_491, %squeeze3A_487 : vector<8x1152xi1>, vector<8x1152xf32>
    %jit3A_493 = arith.constant 1 : i32
    %broadcast_in_dim3A_494 = vector.broadcast %jit3A_493 : i32 to vector<8x1152xi32>
    %select_n3A_495 = arith.select %gt3A, %broadcast_in_dim3A_494, %broadcast_in_dim3A_489 : vector<8x1152xi1>, vector<8x1152xi32>
    %slice3A_496 = vector.extract_strided_slice %div3A_461 {offsets = [2, 0, 0], sizes = [1, 8, 1152], strides = [1, 1, 1]} : vector<12x8x1152xf32> to vector<1x8x1152xf32>
    %squeeze3A_497 = vector.shape_cast %slice3A_496 : vector<1x8x1152xf32> to vector<8x1152xf32>
    %gt3A_498 = arith.cmpf ogt, %squeeze3A_497, %select_n3A_492 : vector<8x1152xf32>
    %select_n3A_499 = arith.select %gt3A_498, %squeeze3A_497, %select_n3A_492 : vector<8x1152xi1>, vector<8x1152xf32>
    %jit3A_500 = arith.constant 2 : i32
    %broadcast_in_dim3A_501 = vector.broadcast %jit3A_500 : i32 to vector<8x1152xi32>
    %select_n3A_502 = arith.select %gt3A_498, %broadcast_in_dim3A_501, %select_n3A_495 : vector<8x1152xi1>, vector<8x1152xi32>
    %slice3A_503 = vector.extract_strided_slice %div3A_461 {offsets = [3, 0, 0], sizes = [1, 8, 1152], strides = [1, 1, 1]} : vector<12x8x1152xf32> to vector<1x8x1152xf32>
    %squeeze3A_504 = vector.shape_cast %slice3A_503 : vector<1x8x1152xf32> to vector<8x1152xf32>
    %gt3A_505 = arith.cmpf ogt, %squeeze3A_504, %select_n3A_499 : vector<8x1152xf32>
    %select_n3A_506 = arith.select %gt3A_505, %squeeze3A_504, %select_n3A_499 : vector<8x1152xi1>, vector<8x1152xf32>
    %jit3A_507 = arith.constant 3 : i32
    %broadcast_in_dim3A_508 = vector.broadcast %jit3A_507 : i32 to vector<8x1152xi32>
    %select_n3A_509 = arith.select %gt3A_505, %broadcast_in_dim3A_508, %select_n3A_502 : vector<8x1152xi1>, vector<8x1152xi32>
    %slice3A_510 = vector.extract_strided_slice %div3A_461 {offsets = [4, 0, 0], sizes = [1, 8, 1152], strides = [1, 1, 1]} : vector<12x8x1152xf32> to vector<1x8x1152xf32>
    %squeeze3A_511 = vector.shape_cast %slice3A_510 : vector<1x8x1152xf32> to vector<8x1152xf32>
    %gt3A_512 = arith.cmpf ogt, %squeeze3A_511, %select_n3A_506 : vector<8x1152xf32>
    %select_n3A_513 = arith.select %gt3A_512, %squeeze3A_511, %select_n3A_506 : vector<8x1152xi1>, vector<8x1152xf32>
    %jit3A_514 = arith.constant 4 : i32
    %broadcast_in_dim3A_515 = vector.broadcast %jit3A_514 : i32 to vector<8x1152xi32>
    %select_n3A_516 = arith.select %gt3A_512, %broadcast_in_dim3A_515, %select_n3A_509 : vector<8x1152xi1>, vector<8x1152xi32>
    %slice3A_517 = vector.extract_strided_slice %div3A_461 {offsets = [5, 0, 0], sizes = [1, 8, 1152], strides = [1, 1, 1]} : vector<12x8x1152xf32> to vector<1x8x1152xf32>
    %squeeze3A_518 = vector.shape_cast %slice3A_517 : vector<1x8x1152xf32> to vector<8x1152xf32>
    %gt3A_519 = arith.cmpf ogt, %squeeze3A_518, %select_n3A_513 : vector<8x1152xf32>
    %select_n3A_520 = arith.select %gt3A_519, %squeeze3A_518, %select_n3A_513 : vector<8x1152xi1>, vector<8x1152xf32>
    %jit3A_521 = arith.constant 5 : i32
    %broadcast_in_dim3A_522 = vector.broadcast %jit3A_521 : i32 to vector<8x1152xi32>
    %select_n3A_523 = arith.select %gt3A_519, %broadcast_in_dim3A_522, %select_n3A_516 : vector<8x1152xi1>, vector<8x1152xi32>
    %slice3A_524 = vector.extract_strided_slice %div3A_461 {offsets = [6, 0, 0], sizes = [1, 8, 1152], strides = [1, 1, 1]} : vector<12x8x1152xf32> to vector<1x8x1152xf32>
    %squeeze3A_525 = vector.shape_cast %slice3A_524 : vector<1x8x1152xf32> to vector<8x1152xf32>
    %gt3A_526 = arith.cmpf ogt, %squeeze3A_525, %select_n3A_520 : vector<8x1152xf32>
    %select_n3A_527 = arith.select %gt3A_526, %squeeze3A_525, %select_n3A_520 : vector<8x1152xi1>, vector<8x1152xf32>
    %jit3A_528 = arith.constant 6 : i32
    %broadcast_in_dim3A_529 = vector.broadcast %jit3A_528 : i32 to vector<8x1152xi32>
    %select_n3A_530 = arith.select %gt3A_526, %broadcast_in_dim3A_529, %select_n3A_523 : vector<8x1152xi1>, vector<8x1152xi32>
    %slice3A_531 = vector.extract_strided_slice %div3A_461 {offsets = [7, 0, 0], sizes = [1, 8, 1152], strides = [1, 1, 1]} : vector<12x8x1152xf32> to vector<1x8x1152xf32>
    %squeeze3A_532 = vector.shape_cast %slice3A_531 : vector<1x8x1152xf32> to vector<8x1152xf32>
    %gt3A_533 = arith.cmpf ogt, %squeeze3A_532, %select_n3A_527 : vector<8x1152xf32>
    %select_n3A_534 = arith.select %gt3A_533, %squeeze3A_532, %select_n3A_527 : vector<8x1152xi1>, vector<8x1152xf32>
    %jit3A_535 = arith.constant 7 : i32
    %broadcast_in_dim3A_536 = vector.broadcast %jit3A_535 : i32 to vector<8x1152xi32>
    %select_n3A_537 = arith.select %gt3A_533, %broadcast_in_dim3A_536, %select_n3A_530 : vector<8x1152xi1>, vector<8x1152xi32>
    %slice3A_538 = vector.extract_strided_slice %div3A_461 {offsets = [8, 0, 0], sizes = [1, 8, 1152], strides = [1, 1, 1]} : vector<12x8x1152xf32> to vector<1x8x1152xf32>
    %squeeze3A_539 = vector.shape_cast %slice3A_538 : vector<1x8x1152xf32> to vector<8x1152xf32>
    %gt3A_540 = arith.cmpf ogt, %squeeze3A_539, %select_n3A_534 : vector<8x1152xf32>
    %select_n3A_541 = arith.select %gt3A_540, %squeeze3A_539, %select_n3A_534 : vector<8x1152xi1>, vector<8x1152xf32>
    %jit3A_542 = arith.constant 8 : i32
    %broadcast_in_dim3A_543 = vector.broadcast %jit3A_542 : i32 to vector<8x1152xi32>
    %select_n3A_544 = arith.select %gt3A_540, %broadcast_in_dim3A_543, %select_n3A_537 : vector<8x1152xi1>, vector<8x1152xi32>
    %slice3A_545 = vector.extract_strided_slice %div3A_461 {offsets = [9, 0, 0], sizes = [1, 8, 1152], strides = [1, 1, 1]} : vector<12x8x1152xf32> to vector<1x8x1152xf32>
    %squeeze3A_546 = vector.shape_cast %slice3A_545 : vector<1x8x1152xf32> to vector<8x1152xf32>
    %gt3A_547 = arith.cmpf ogt, %squeeze3A_546, %select_n3A_541 : vector<8x1152xf32>
    %select_n3A_548 = arith.select %gt3A_547, %squeeze3A_546, %select_n3A_541 : vector<8x1152xi1>, vector<8x1152xf32>
    %jit3A_549 = arith.constant 9 : i32
    %broadcast_in_dim3A_550 = vector.broadcast %jit3A_549 : i32 to vector<8x1152xi32>
    %select_n3A_551 = arith.select %gt3A_547, %broadcast_in_dim3A_550, %select_n3A_544 : vector<8x1152xi1>, vector<8x1152xi32>
    %slice3A_552 = vector.extract_strided_slice %div3A_461 {offsets = [10, 0, 0], sizes = [1, 8, 1152], strides = [1, 1, 1]} : vector<12x8x1152xf32> to vector<1x8x1152xf32>
    %squeeze3A_553 = vector.shape_cast %slice3A_552 : vector<1x8x1152xf32> to vector<8x1152xf32>
    %gt3A_554 = arith.cmpf ogt, %squeeze3A_553, %select_n3A_548 : vector<8x1152xf32>
    %select_n3A_555 = arith.select %gt3A_554, %squeeze3A_553, %select_n3A_548 : vector<8x1152xi1>, vector<8x1152xf32>
    %jit3A_556 = arith.constant 10 : i32
    %broadcast_in_dim3A_557 = vector.broadcast %jit3A_556 : i32 to vector<8x1152xi32>
    %select_n3A_558 = arith.select %gt3A_554, %broadcast_in_dim3A_557, %select_n3A_551 : vector<8x1152xi1>, vector<8x1152xi32>
    %slice3A_559 = vector.extract_strided_slice %div3A_461 {offsets = [11, 0, 0], sizes = [1, 8, 1152], strides = [1, 1, 1]} : vector<12x8x1152xf32> to vector<1x8x1152xf32>
    %squeeze3A_560 = vector.shape_cast %slice3A_559 : vector<1x8x1152xf32> to vector<8x1152xf32>
    %gt3A_561 = arith.cmpf ogt, %squeeze3A_560, %select_n3A_555 : vector<8x1152xf32>
    %select_n3A_562 = arith.select %gt3A_561, %squeeze3A_560, %select_n3A_555 : vector<8x1152xi1>, vector<8x1152xf32>
    %jit3A_563 = arith.constant 11 : i32
    %broadcast_in_dim3A_564 = vector.broadcast %jit3A_563 : i32 to vector<8x1152xi32>
    %select_n3A_565 = arith.select %gt3A_561, %broadcast_in_dim3A_564, %select_n3A_558 : vector<8x1152xi1>, vector<8x1152xi32>
    %ge3A = arith.constant 0 : i32
    %ge3A_566 = vector.broadcast %ge3A : i32 to vector<8x1152xi32>
    %ge3A_567 = arith.cmpi sge, %reduce_max3A_485, %ge3A_566 : vector<8x1152xi32>
    %jit3A_568 = arith.constant 2.000000e+00 : f32
    %broadcast_in_dim3A_569 = vector.broadcast %jit3A_568 : f32 to vector<8x1152xf32>
    %select_n3A_570 = arith.select %ge3A_567, %broadcast_in_dim3A_569, %select_n3A_562 : vector<8x1152xi1>, vector<8x1152xf32>
    %select_n3A_571 = arith.select %ge3A_567, %reduce_max3A_485, %select_n3A_565 : vector<8x1152xi1>, vector<8x1152xi32>
    %broadcast_in_dim3A_572 = vector.broadcast %get3A_68 : f32 to vector<8x1152xf32>
    %broadcast_in_dim3A_573 = vector.broadcast %get3A_44 : f32 to vector<8x1152xf32>
    %broadcast_in_dim3A_574 = vector.broadcast %get3A_50 : f32 to vector<8x1152xf32>
    %broadcast_in_dim3A_575 = vector.broadcast %get3A_56 : f32 to vector<8x1152xf32>
    %broadcast_in_dim3A_576 = vector.broadcast %get3A_62 : f32 to vector<8x1152xf32>
    %eq3A_577 = arith.constant 1 : i32
    %eq3A_578 = vector.broadcast %eq3A_577 : i32 to vector<8x1152xi32>
    %eq3A_579 = arith.cmpi eq, %select_n3A_571, %eq3A_578 : vector<8x1152xi32>
    %broadcast_in_dim3A_580 = vector.broadcast %get3A_98 : f32 to vector<8x1152xf32>
    %select_n3A_581 = arith.select %eq3A_579, %broadcast_in_dim3A_580, %broadcast_in_dim3A_572 : vector<8x1152xi1>, vector<8x1152xf32>
    %broadcast_in_dim3A_582 = vector.broadcast %get3A_74 : f32 to vector<8x1152xf32>
    %select_n3A_583 = arith.select %eq3A_579, %broadcast_in_dim3A_582, %broadcast_in_dim3A_573 : vector<8x1152xi1>, vector<8x1152xf32>
    %broadcast_in_dim3A_584 = vector.broadcast %get3A_80 : f32 to vector<8x1152xf32>
    %select_n3A_585 = arith.select %eq3A_579, %broadcast_in_dim3A_584, %broadcast_in_dim3A_574 : vector<8x1152xi1>, vector<8x1152xf32>
    %broadcast_in_dim3A_586 = vector.broadcast %get3A_86 : f32 to vector<8x1152xf32>
    %select_n3A_587 = arith.select %eq3A_579, %broadcast_in_dim3A_586, %broadcast_in_dim3A_575 : vector<8x1152xi1>, vector<8x1152xf32>
    %broadcast_in_dim3A_588 = vector.broadcast %get3A_92 : f32 to vector<8x1152xf32>
    %select_n3A_589 = arith.select %eq3A_579, %broadcast_in_dim3A_588, %broadcast_in_dim3A_576 : vector<8x1152xi1>, vector<8x1152xf32>
    %eq3A_590 = arith.constant 2 : i32
    %eq3A_591 = vector.broadcast %eq3A_590 : i32 to vector<8x1152xi32>
    %eq3A_592 = arith.cmpi eq, %select_n3A_571, %eq3A_591 : vector<8x1152xi32>
    %broadcast_in_dim3A_593 = vector.broadcast %get3A_128 : f32 to vector<8x1152xf32>
    %select_n3A_594 = arith.select %eq3A_592, %broadcast_in_dim3A_593, %select_n3A_581 : vector<8x1152xi1>, vector<8x1152xf32>
    %broadcast_in_dim3A_595 = vector.broadcast %get3A_104 : f32 to vector<8x1152xf32>
    %select_n3A_596 = arith.select %eq3A_592, %broadcast_in_dim3A_595, %select_n3A_583 : vector<8x1152xi1>, vector<8x1152xf32>
    %broadcast_in_dim3A_597 = vector.broadcast %get3A_110 : f32 to vector<8x1152xf32>
    %select_n3A_598 = arith.select %eq3A_592, %broadcast_in_dim3A_597, %select_n3A_585 : vector<8x1152xi1>, vector<8x1152xf32>
    %broadcast_in_dim3A_599 = vector.broadcast %get3A_116 : f32 to vector<8x1152xf32>
    %select_n3A_600 = arith.select %eq3A_592, %broadcast_in_dim3A_599, %select_n3A_587 : vector<8x1152xi1>, vector<8x1152xf32>
    %broadcast_in_dim3A_601 = vector.broadcast %get3A_122 : f32 to vector<8x1152xf32>
    %select_n3A_602 = arith.select %eq3A_592, %broadcast_in_dim3A_601, %select_n3A_589 : vector<8x1152xi1>, vector<8x1152xf32>
    %eq3A_603 = arith.constant 3 : i32
    %eq3A_604 = vector.broadcast %eq3A_603 : i32 to vector<8x1152xi32>
    %eq3A_605 = arith.cmpi eq, %select_n3A_571, %eq3A_604 : vector<8x1152xi32>
    %broadcast_in_dim3A_606 = vector.broadcast %get3A_158 : f32 to vector<8x1152xf32>
    %select_n3A_607 = arith.select %eq3A_605, %broadcast_in_dim3A_606, %select_n3A_594 : vector<8x1152xi1>, vector<8x1152xf32>
    %broadcast_in_dim3A_608 = vector.broadcast %get3A_134 : f32 to vector<8x1152xf32>
    %select_n3A_609 = arith.select %eq3A_605, %broadcast_in_dim3A_608, %select_n3A_596 : vector<8x1152xi1>, vector<8x1152xf32>
    %broadcast_in_dim3A_610 = vector.broadcast %get3A_140 : f32 to vector<8x1152xf32>
    %select_n3A_611 = arith.select %eq3A_605, %broadcast_in_dim3A_610, %select_n3A_598 : vector<8x1152xi1>, vector<8x1152xf32>
    %broadcast_in_dim3A_612 = vector.broadcast %get3A_146 : f32 to vector<8x1152xf32>
    %select_n3A_613 = arith.select %eq3A_605, %broadcast_in_dim3A_612, %select_n3A_600 : vector<8x1152xi1>, vector<8x1152xf32>
    %broadcast_in_dim3A_614 = vector.broadcast %get3A_152 : f32 to vector<8x1152xf32>
    %select_n3A_615 = arith.select %eq3A_605, %broadcast_in_dim3A_614, %select_n3A_602 : vector<8x1152xi1>, vector<8x1152xf32>
    %eq3A_616 = arith.constant 4 : i32
    %eq3A_617 = vector.broadcast %eq3A_616 : i32 to vector<8x1152xi32>
    %eq3A_618 = arith.cmpi eq, %select_n3A_571, %eq3A_617 : vector<8x1152xi32>
    %broadcast_in_dim3A_619 = vector.broadcast %get3A_188 : f32 to vector<8x1152xf32>
    %select_n3A_620 = arith.select %eq3A_618, %broadcast_in_dim3A_619, %select_n3A_607 : vector<8x1152xi1>, vector<8x1152xf32>
    %broadcast_in_dim3A_621 = vector.broadcast %get3A_164 : f32 to vector<8x1152xf32>
    %select_n3A_622 = arith.select %eq3A_618, %broadcast_in_dim3A_621, %select_n3A_609 : vector<8x1152xi1>, vector<8x1152xf32>
    %broadcast_in_dim3A_623 = vector.broadcast %get3A_170 : f32 to vector<8x1152xf32>
    %select_n3A_624 = arith.select %eq3A_618, %broadcast_in_dim3A_623, %select_n3A_611 : vector<8x1152xi1>, vector<8x1152xf32>
    %broadcast_in_dim3A_625 = vector.broadcast %get3A_176 : f32 to vector<8x1152xf32>
    %select_n3A_626 = arith.select %eq3A_618, %broadcast_in_dim3A_625, %select_n3A_613 : vector<8x1152xi1>, vector<8x1152xf32>
    %broadcast_in_dim3A_627 = vector.broadcast %get3A_182 : f32 to vector<8x1152xf32>
    %select_n3A_628 = arith.select %eq3A_618, %broadcast_in_dim3A_627, %select_n3A_615 : vector<8x1152xi1>, vector<8x1152xf32>
    %eq3A_629 = arith.constant 5 : i32
    %eq3A_630 = vector.broadcast %eq3A_629 : i32 to vector<8x1152xi32>
    %eq3A_631 = arith.cmpi eq, %select_n3A_571, %eq3A_630 : vector<8x1152xi32>
    %broadcast_in_dim3A_632 = vector.broadcast %get3A_218 : f32 to vector<8x1152xf32>
    %select_n3A_633 = arith.select %eq3A_631, %broadcast_in_dim3A_632, %select_n3A_620 : vector<8x1152xi1>, vector<8x1152xf32>
    %broadcast_in_dim3A_634 = vector.broadcast %get3A_194 : f32 to vector<8x1152xf32>
    %select_n3A_635 = arith.select %eq3A_631, %broadcast_in_dim3A_634, %select_n3A_622 : vector<8x1152xi1>, vector<8x1152xf32>
    %broadcast_in_dim3A_636 = vector.broadcast %get3A_200 : f32 to vector<8x1152xf32>
    %select_n3A_637 = arith.select %eq3A_631, %broadcast_in_dim3A_636, %select_n3A_624 : vector<8x1152xi1>, vector<8x1152xf32>
    %broadcast_in_dim3A_638 = vector.broadcast %get3A_206 : f32 to vector<8x1152xf32>
    %select_n3A_639 = arith.select %eq3A_631, %broadcast_in_dim3A_638, %select_n3A_626 : vector<8x1152xi1>, vector<8x1152xf32>
    %broadcast_in_dim3A_640 = vector.broadcast %get3A_212 : f32 to vector<8x1152xf32>
    %select_n3A_641 = arith.select %eq3A_631, %broadcast_in_dim3A_640, %select_n3A_628 : vector<8x1152xi1>, vector<8x1152xf32>
    %eq3A_642 = arith.constant 6 : i32
    %eq3A_643 = vector.broadcast %eq3A_642 : i32 to vector<8x1152xi32>
    %eq3A_644 = arith.cmpi eq, %select_n3A_571, %eq3A_643 : vector<8x1152xi32>
    %broadcast_in_dim3A_645 = vector.broadcast %get3A_248 : f32 to vector<8x1152xf32>
    %select_n3A_646 = arith.select %eq3A_644, %broadcast_in_dim3A_645, %select_n3A_633 : vector<8x1152xi1>, vector<8x1152xf32>
    %broadcast_in_dim3A_647 = vector.broadcast %get3A_224 : f32 to vector<8x1152xf32>
    %select_n3A_648 = arith.select %eq3A_644, %broadcast_in_dim3A_647, %select_n3A_635 : vector<8x1152xi1>, vector<8x1152xf32>
    %broadcast_in_dim3A_649 = vector.broadcast %get3A_230 : f32 to vector<8x1152xf32>
    %select_n3A_650 = arith.select %eq3A_644, %broadcast_in_dim3A_649, %select_n3A_637 : vector<8x1152xi1>, vector<8x1152xf32>
    %broadcast_in_dim3A_651 = vector.broadcast %get3A_236 : f32 to vector<8x1152xf32>
    %select_n3A_652 = arith.select %eq3A_644, %broadcast_in_dim3A_651, %select_n3A_639 : vector<8x1152xi1>, vector<8x1152xf32>
    %broadcast_in_dim3A_653 = vector.broadcast %get3A_242 : f32 to vector<8x1152xf32>
    %select_n3A_654 = arith.select %eq3A_644, %broadcast_in_dim3A_653, %select_n3A_641 : vector<8x1152xi1>, vector<8x1152xf32>
    %eq3A_655 = arith.constant 7 : i32
    %eq3A_656 = vector.broadcast %eq3A_655 : i32 to vector<8x1152xi32>
    %eq3A_657 = arith.cmpi eq, %select_n3A_571, %eq3A_656 : vector<8x1152xi32>
    %broadcast_in_dim3A_658 = vector.broadcast %get3A_278 : f32 to vector<8x1152xf32>
    %select_n3A_659 = arith.select %eq3A_657, %broadcast_in_dim3A_658, %select_n3A_646 : vector<8x1152xi1>, vector<8x1152xf32>
    %broadcast_in_dim3A_660 = vector.broadcast %get3A_254 : f32 to vector<8x1152xf32>
    %select_n3A_661 = arith.select %eq3A_657, %broadcast_in_dim3A_660, %select_n3A_648 : vector<8x1152xi1>, vector<8x1152xf32>
    %broadcast_in_dim3A_662 = vector.broadcast %get3A_260 : f32 to vector<8x1152xf32>
    %select_n3A_663 = arith.select %eq3A_657, %broadcast_in_dim3A_662, %select_n3A_650 : vector<8x1152xi1>, vector<8x1152xf32>
    %broadcast_in_dim3A_664 = vector.broadcast %get3A_266 : f32 to vector<8x1152xf32>
    %select_n3A_665 = arith.select %eq3A_657, %broadcast_in_dim3A_664, %select_n3A_652 : vector<8x1152xi1>, vector<8x1152xf32>
    %broadcast_in_dim3A_666 = vector.broadcast %get3A_272 : f32 to vector<8x1152xf32>
    %select_n3A_667 = arith.select %eq3A_657, %broadcast_in_dim3A_666, %select_n3A_654 : vector<8x1152xi1>, vector<8x1152xf32>
    %eq3A_668 = arith.constant 8 : i32
    %eq3A_669 = vector.broadcast %eq3A_668 : i32 to vector<8x1152xi32>
    %eq3A_670 = arith.cmpi eq, %select_n3A_571, %eq3A_669 : vector<8x1152xi32>
    %broadcast_in_dim3A_671 = vector.broadcast %get3A_308 : f32 to vector<8x1152xf32>
    %select_n3A_672 = arith.select %eq3A_670, %broadcast_in_dim3A_671, %select_n3A_659 : vector<8x1152xi1>, vector<8x1152xf32>
    %broadcast_in_dim3A_673 = vector.broadcast %get3A_284 : f32 to vector<8x1152xf32>
    %select_n3A_674 = arith.select %eq3A_670, %broadcast_in_dim3A_673, %select_n3A_661 : vector<8x1152xi1>, vector<8x1152xf32>
    %broadcast_in_dim3A_675 = vector.broadcast %get3A_290 : f32 to vector<8x1152xf32>
    %select_n3A_676 = arith.select %eq3A_670, %broadcast_in_dim3A_675, %select_n3A_663 : vector<8x1152xi1>, vector<8x1152xf32>
    %broadcast_in_dim3A_677 = vector.broadcast %get3A_296 : f32 to vector<8x1152xf32>
    %select_n3A_678 = arith.select %eq3A_670, %broadcast_in_dim3A_677, %select_n3A_665 : vector<8x1152xi1>, vector<8x1152xf32>
    %broadcast_in_dim3A_679 = vector.broadcast %get3A_302 : f32 to vector<8x1152xf32>
    %select_n3A_680 = arith.select %eq3A_670, %broadcast_in_dim3A_679, %select_n3A_667 : vector<8x1152xi1>, vector<8x1152xf32>
    %eq3A_681 = arith.constant 9 : i32
    %eq3A_682 = vector.broadcast %eq3A_681 : i32 to vector<8x1152xi32>
    %eq3A_683 = arith.cmpi eq, %select_n3A_571, %eq3A_682 : vector<8x1152xi32>
    %broadcast_in_dim3A_684 = vector.broadcast %get3A_338 : f32 to vector<8x1152xf32>
    %select_n3A_685 = arith.select %eq3A_683, %broadcast_in_dim3A_684, %select_n3A_672 : vector<8x1152xi1>, vector<8x1152xf32>
    %broadcast_in_dim3A_686 = vector.broadcast %get3A_314 : f32 to vector<8x1152xf32>
    %select_n3A_687 = arith.select %eq3A_683, %broadcast_in_dim3A_686, %select_n3A_674 : vector<8x1152xi1>, vector<8x1152xf32>
    %broadcast_in_dim3A_688 = vector.broadcast %get3A_320 : f32 to vector<8x1152xf32>
    %select_n3A_689 = arith.select %eq3A_683, %broadcast_in_dim3A_688, %select_n3A_676 : vector<8x1152xi1>, vector<8x1152xf32>
    %broadcast_in_dim3A_690 = vector.broadcast %get3A_326 : f32 to vector<8x1152xf32>
    %select_n3A_691 = arith.select %eq3A_683, %broadcast_in_dim3A_690, %select_n3A_678 : vector<8x1152xi1>, vector<8x1152xf32>
    %broadcast_in_dim3A_692 = vector.broadcast %get3A_332 : f32 to vector<8x1152xf32>
    %select_n3A_693 = arith.select %eq3A_683, %broadcast_in_dim3A_692, %select_n3A_680 : vector<8x1152xi1>, vector<8x1152xf32>
    %eq3A_694 = arith.constant 10 : i32
    %eq3A_695 = vector.broadcast %eq3A_694 : i32 to vector<8x1152xi32>
    %eq3A_696 = arith.cmpi eq, %select_n3A_571, %eq3A_695 : vector<8x1152xi32>
    %broadcast_in_dim3A_697 = vector.broadcast %get3A_368 : f32 to vector<8x1152xf32>
    %select_n3A_698 = arith.select %eq3A_696, %broadcast_in_dim3A_697, %select_n3A_685 : vector<8x1152xi1>, vector<8x1152xf32>
    %broadcast_in_dim3A_699 = vector.broadcast %get3A_344 : f32 to vector<8x1152xf32>
    %select_n3A_700 = arith.select %eq3A_696, %broadcast_in_dim3A_699, %select_n3A_687 : vector<8x1152xi1>, vector<8x1152xf32>
    %broadcast_in_dim3A_701 = vector.broadcast %get3A_350 : f32 to vector<8x1152xf32>
    %select_n3A_702 = arith.select %eq3A_696, %broadcast_in_dim3A_701, %select_n3A_689 : vector<8x1152xi1>, vector<8x1152xf32>
    %broadcast_in_dim3A_703 = vector.broadcast %get3A_356 : f32 to vector<8x1152xf32>
    %select_n3A_704 = arith.select %eq3A_696, %broadcast_in_dim3A_703, %select_n3A_691 : vector<8x1152xi1>, vector<8x1152xf32>
    %broadcast_in_dim3A_705 = vector.broadcast %get3A_362 : f32 to vector<8x1152xf32>
    %select_n3A_706 = arith.select %eq3A_696, %broadcast_in_dim3A_705, %select_n3A_693 : vector<8x1152xi1>, vector<8x1152xf32>
    %eq3A_707 = arith.constant 11 : i32
    %eq3A_708 = vector.broadcast %eq3A_707 : i32 to vector<8x1152xi32>
    %eq3A_709 = arith.cmpi eq, %select_n3A_571, %eq3A_708 : vector<8x1152xi32>
    %broadcast_in_dim3A_710 = vector.broadcast %get3A_398 : f32 to vector<8x1152xf32>
    %select_n3A_711 = arith.select %eq3A_709, %broadcast_in_dim3A_710, %select_n3A_698 : vector<8x1152xi1>, vector<8x1152xf32>
    %broadcast_in_dim3A_712 = vector.broadcast %get3A_374 : f32 to vector<8x1152xf32>
    %select_n3A_713 = arith.select %eq3A_709, %broadcast_in_dim3A_712, %select_n3A_700 : vector<8x1152xi1>, vector<8x1152xf32>
    %broadcast_in_dim3A_714 = vector.broadcast %get3A_380 : f32 to vector<8x1152xf32>
    %select_n3A_715 = arith.select %eq3A_709, %broadcast_in_dim3A_714, %select_n3A_702 : vector<8x1152xi1>, vector<8x1152xf32>
    %broadcast_in_dim3A_716 = vector.broadcast %get3A_386 : f32 to vector<8x1152xf32>
    %select_n3A_717 = arith.select %eq3A_709, %broadcast_in_dim3A_716, %select_n3A_704 : vector<8x1152xi1>, vector<8x1152xf32>
    %broadcast_in_dim3A_718 = vector.broadcast %get3A_392 : f32 to vector<8x1152xf32>
    %select_n3A_719 = arith.select %eq3A_709, %broadcast_in_dim3A_718, %select_n3A_706 : vector<8x1152xi1>, vector<8x1152xf32>
    %lt3A = arith.constant 5.000000e-01 : f32
    %lt3A_720 = vector.broadcast %lt3A : f32 to vector<8x1152xf32>
    %lt3A_721 = arith.cmpf olt, %select_n3A_570, %lt3A_720 : vector<8x1152xf32>
    %convert_element_type3A = arith.fptosi %select_n3A_711 : vector<8x1152xf32> to vector<8x1152xi32>
    %add3A_722 = arith.constant 1 : i32
    %add3A_723 = vector.broadcast %add3A_722 : i32 to vector<8x1152xi32>
    %add3A_724 = arith.addi %convert_element_type3A, %add3A_723 : vector<8x1152xi32>
    %jit3A_725 = arith.constant 0 : i32
    %broadcast_in_dim3A_726 = vector.broadcast %jit3A_725 : i32 to vector<8x1152xi32>
    %select_n3A_727 = arith.select %lt3A_721, %broadcast_in_dim3A_726, %add3A_724 : vector<8x1152xi1>, vector<8x1152xi32>
    %gt3A_728 = arith.constant 0 : i32
    %gt3A_729 = vector.broadcast %gt3A_728 : i32 to vector<8x1152xi32>
    %gt3A_730 = arith.cmpi sgt, %select_n3A_727, %gt3A_729 : vector<8x1152xi32>
    %min3A_731 = arith.constant 1.000000e+00 : f32
    %min3A_732 = vector.broadcast %min3A_731 : f32 to vector<8x1152xf32>
    %min3A_733 = arith.minimumf %select_n3A_570, %min3A_732 : vector<8x1152xf32>
    %add3A_734 = arith.addf %select_n3A_713, %select_n3A_717 : vector<8x1152xf32>
    %div3A_735 = arith.constant 2.000000e+00 : f32
    %div3A_736 = vector.broadcast %div3A_735 : f32 to vector<8x1152xf32>
    %div3A_737 = arith.divf %add3A_734, %div3A_736 : vector<8x1152xf32>
    %sub3A_738 = arith.subf %div3A_737, %get3A_6 : vector<8x1152xf32>
    %mul3A_739 = arith.constant 1.000000e-01 : f32
    %mul3A_740 = vector.broadcast %mul3A_739 : f32 to vector<8x1152xf32>
    %mul3A_741 = arith.mulf %mul3A_740, %get3A_16 : vector<8x1152xf32>
    %div3A_742 = arith.divf %sub3A_738, %mul3A_741 : vector<8x1152xf32>
    %add3A_743 = arith.addf %select_n3A_715, %select_n3A_719 : vector<8x1152xf32>
    %div3A_744 = arith.constant 2.000000e+00 : f32
    %div3A_745 = vector.broadcast %div3A_744 : f32 to vector<8x1152xf32>
    %div3A_746 = arith.divf %add3A_743, %div3A_745 : vector<8x1152xf32>
    %sub3A_747 = arith.subf %div3A_746, %get3A_11 : vector<8x1152xf32>
    %mul3A_748 = arith.constant 1.000000e-01 : f32
    %mul3A_749 = vector.broadcast %mul3A_748 : f32 to vector<8x1152xf32>
    %mul3A_750 = arith.mulf %mul3A_749, %get3A_21 : vector<8x1152xf32>
    %div3A_751 = arith.divf %sub3A_747, %mul3A_750 : vector<8x1152xf32>
    %sub3A_752 = arith.subf %select_n3A_717, %select_n3A_713 : vector<8x1152xf32>
    %div3A_753 = arith.divf %sub3A_752, %get3A_16 : vector<8x1152xf32>
    %log3A = math.log %div3A_753 : vector<8x1152xf32>
    %div3A_754 = arith.constant 2.000000e-01 : f32
    %div3A_755 = vector.broadcast %div3A_754 : f32 to vector<8x1152xf32>
    %div3A_756 = arith.divf %log3A, %div3A_755 : vector<8x1152xf32>
    %sub3A_757 = arith.subf %select_n3A_719, %select_n3A_715 : vector<8x1152xf32>
    %div3A_758 = arith.divf %sub3A_757, %get3A_21 : vector<8x1152xf32>
    %log3A_759 = math.log %div3A_758 : vector<8x1152xf32>
    %div3A_760 = arith.constant 2.000000e-01 : f32
    %div3A_761 = vector.broadcast %div3A_760 : f32 to vector<8x1152xf32>
    %div3A_762 = arith.divf %log3A_759, %div3A_761 : vector<8x1152xf32>
    %broadcast_in_dim3A_763 = arith.constant 0.000000e+00 : f32
    %broadcast_in_dim3A_764 = vector.broadcast %broadcast_in_dim3A_763 : f32 to vector<8x1152xf32>
    %get3A_765 = arith.constant 0 : index
    %get3A_766 = arith.constant 0 : index
    %get3A_767 = arith.constant 0 : index
    %get3A_768 = arith.constant 0 : index
    %get3A_769 = vector.load %arg4[%get3A_765, %get3A_766, %get3A_767, %get3A_768] : memref<1x4x8x1152xf32, #tpu.memory_space<vmem>>, vector<1x1x8x1152xf32>
    %get3A_770 = vector.shape_cast %get3A_769 : vector<1x1x8x1152xf32> to vector<8x1152xf32>
    %sub3A_771 = arith.subf %get3A_770, %div3A_742 : vector<8x1152xf32>
    %abs3A = math.absf %sub3A_771 : vector<8x1152xf32>
    %lt3A_772 = arith.constant 1.000000e+00 : f32
    %lt3A_773 = vector.broadcast %lt3A_772 : f32 to vector<8x1152xf32>
    %lt3A_774 = arith.cmpf olt, %abs3A, %lt3A_773 : vector<8x1152xf32>
    %mul3A_775 = arith.constant 5.000000e-01 : f32
    %mul3A_776 = vector.broadcast %mul3A_775 : f32 to vector<8x1152xf32>
    %mul3A_777 = arith.mulf %mul3A_776, %abs3A : vector<8x1152xf32>
    %mul3A_778 = arith.mulf %mul3A_777, %abs3A : vector<8x1152xf32>
    %sub3A_779 = arith.constant 5.000000e-01 : f32
    %sub3A_780 = vector.broadcast %sub3A_779 : f32 to vector<8x1152xf32>
    %sub3A_781 = arith.subf %abs3A, %sub3A_780 : vector<8x1152xf32>
    %select_n3A_782 = arith.select %lt3A_774, %mul3A_778, %sub3A_781 : vector<8x1152xi1>, vector<8x1152xf32>
    %select_n3A_783 = arith.select %gt3A_730, %select_n3A_782, %broadcast_in_dim3A_764 : vector<8x1152xi1>, vector<8x1152xf32>
    %reduce_sum3A = vector.shape_cast %select_n3A_783 : vector<8x1152xf32> to vector<1x8x1152xf32>
    %reduce_sum3A_784 = arith.constant dense<0.000000e+00> : vector<1xf32>
    %reduce_sum3A_785 = vector.multi_reduction <add>, %reduce_sum3A, %reduce_sum3A_784 [1, 2] : vector<1x8x1152xf32> to vector<1xf32>
    %reduce_sum3A_786 = vector.shape_cast %reduce_sum3A_785 : vector<1xf32> to vector<1x1x1xf32>
    %reduce_sum3A_787 = vector.extract %reduce_sum3A_786[0, 0, 0] : f32 from vector<1x1x1xf32>
    %get3A_788 = arith.constant 0 : index
    %get3A_789 = arith.constant 1 : index
    %get3A_790 = arith.constant 0 : index
    %get3A_791 = arith.constant 0 : index
    %get3A_792 = vector.load %arg4[%get3A_788, %get3A_789, %get3A_790, %get3A_791] : memref<1x4x8x1152xf32, #tpu.memory_space<vmem>>, vector<1x1x8x1152xf32>
    %get3A_793 = vector.shape_cast %get3A_792 : vector<1x1x8x1152xf32> to vector<8x1152xf32>
    %sub3A_794 = arith.subf %get3A_793, %div3A_751 : vector<8x1152xf32>
    %abs3A_795 = math.absf %sub3A_794 : vector<8x1152xf32>
    %lt3A_796 = arith.constant 1.000000e+00 : f32
    %lt3A_797 = vector.broadcast %lt3A_796 : f32 to vector<8x1152xf32>
    %lt3A_798 = arith.cmpf olt, %abs3A_795, %lt3A_797 : vector<8x1152xf32>
    %mul3A_799 = arith.constant 5.000000e-01 : f32
    %mul3A_800 = vector.broadcast %mul3A_799 : f32 to vector<8x1152xf32>
    %mul3A_801 = arith.mulf %mul3A_800, %abs3A_795 : vector<8x1152xf32>
    %mul3A_802 = arith.mulf %mul3A_801, %abs3A_795 : vector<8x1152xf32>
    %sub3A_803 = arith.constant 5.000000e-01 : f32
    %sub3A_804 = vector.broadcast %sub3A_803 : f32 to vector<8x1152xf32>
    %sub3A_805 = arith.subf %abs3A_795, %sub3A_804 : vector<8x1152xf32>
    %select_n3A_806 = arith.select %lt3A_798, %mul3A_802, %sub3A_805 : vector<8x1152xi1>, vector<8x1152xf32>
    %select_n3A_807 = arith.select %gt3A_730, %select_n3A_806, %broadcast_in_dim3A_764 : vector<8x1152xi1>, vector<8x1152xf32>
    %reduce_sum3A_808 = vector.shape_cast %select_n3A_807 : vector<8x1152xf32> to vector<1x8x1152xf32>
    %reduce_sum3A_809 = arith.constant dense<0.000000e+00> : vector<1xf32>
    %reduce_sum3A_810 = vector.multi_reduction <add>, %reduce_sum3A_808, %reduce_sum3A_809 [1, 2] : vector<1x8x1152xf32> to vector<1xf32>
    %reduce_sum3A_811 = vector.shape_cast %reduce_sum3A_810 : vector<1xf32> to vector<1x1x1xf32>
    %reduce_sum3A_812 = vector.extract %reduce_sum3A_811[0, 0, 0] : f32 from vector<1x1x1xf32>
    %add3A_813 = arith.addf %reduce_sum3A_787, %reduce_sum3A_812 : f32
    %get3A_814 = arith.constant 0 : index
    %get3A_815 = arith.constant 2 : index
    %get3A_816 = arith.constant 0 : index
    %get3A_817 = arith.constant 0 : index
    %get3A_818 = vector.load %arg4[%get3A_814, %get3A_815, %get3A_816, %get3A_817] : memref<1x4x8x1152xf32, #tpu.memory_space<vmem>>, vector<1x1x8x1152xf32>
    %get3A_819 = vector.shape_cast %get3A_818 : vector<1x1x8x1152xf32> to vector<8x1152xf32>
    %sub3A_820 = arith.subf %get3A_819, %div3A_756 : vector<8x1152xf32>
    %abs3A_821 = math.absf %sub3A_820 : vector<8x1152xf32>
    %lt3A_822 = arith.constant 1.000000e+00 : f32
    %lt3A_823 = vector.broadcast %lt3A_822 : f32 to vector<8x1152xf32>
    %lt3A_824 = arith.cmpf olt, %abs3A_821, %lt3A_823 : vector<8x1152xf32>
    %mul3A_825 = arith.constant 5.000000e-01 : f32
    %mul3A_826 = vector.broadcast %mul3A_825 : f32 to vector<8x1152xf32>
    %mul3A_827 = arith.mulf %mul3A_826, %abs3A_821 : vector<8x1152xf32>
    %mul3A_828 = arith.mulf %mul3A_827, %abs3A_821 : vector<8x1152xf32>
    %sub3A_829 = arith.constant 5.000000e-01 : f32
    %sub3A_830 = vector.broadcast %sub3A_829 : f32 to vector<8x1152xf32>
    %sub3A_831 = arith.subf %abs3A_821, %sub3A_830 : vector<8x1152xf32>
    %select_n3A_832 = arith.select %lt3A_824, %mul3A_828, %sub3A_831 : vector<8x1152xi1>, vector<8x1152xf32>
    %select_n3A_833 = arith.select %gt3A_730, %select_n3A_832, %broadcast_in_dim3A_764 : vector<8x1152xi1>, vector<8x1152xf32>
    %reduce_sum3A_834 = vector.shape_cast %select_n3A_833 : vector<8x1152xf32> to vector<1x8x1152xf32>
    %reduce_sum3A_835 = arith.constant dense<0.000000e+00> : vector<1xf32>
    %reduce_sum3A_836 = vector.multi_reduction <add>, %reduce_sum3A_834, %reduce_sum3A_835 [1, 2] : vector<1x8x1152xf32> to vector<1xf32>
    %reduce_sum3A_837 = vector.shape_cast %reduce_sum3A_836 : vector<1xf32> to vector<1x1x1xf32>
    %reduce_sum3A_838 = vector.extract %reduce_sum3A_837[0, 0, 0] : f32 from vector<1x1x1xf32>
    %add3A_839 = arith.addf %add3A_813, %reduce_sum3A_838 : f32
    %get3A_840 = arith.constant 0 : index
    %get3A_841 = arith.constant 3 : index
    %get3A_842 = arith.constant 0 : index
    %get3A_843 = arith.constant 0 : index
    %get3A_844 = vector.load %arg4[%get3A_840, %get3A_841, %get3A_842, %get3A_843] : memref<1x4x8x1152xf32, #tpu.memory_space<vmem>>, vector<1x1x8x1152xf32>
    %get3A_845 = vector.shape_cast %get3A_844 : vector<1x1x8x1152xf32> to vector<8x1152xf32>
    %sub3A_846 = arith.subf %get3A_845, %div3A_762 : vector<8x1152xf32>
    %abs3A_847 = math.absf %sub3A_846 : vector<8x1152xf32>
    %lt3A_848 = arith.constant 1.000000e+00 : f32
    %lt3A_849 = vector.broadcast %lt3A_848 : f32 to vector<8x1152xf32>
    %lt3A_850 = arith.cmpf olt, %abs3A_847, %lt3A_849 : vector<8x1152xf32>
    %mul3A_851 = arith.constant 5.000000e-01 : f32
    %mul3A_852 = vector.broadcast %mul3A_851 : f32 to vector<8x1152xf32>
    %mul3A_853 = arith.mulf %mul3A_852, %abs3A_847 : vector<8x1152xf32>
    %mul3A_854 = arith.mulf %mul3A_853, %abs3A_847 : vector<8x1152xf32>
    %sub3A_855 = arith.constant 5.000000e-01 : f32
    %sub3A_856 = vector.broadcast %sub3A_855 : f32 to vector<8x1152xf32>
    %sub3A_857 = arith.subf %abs3A_847, %sub3A_856 : vector<8x1152xf32>
    %select_n3A_858 = arith.select %lt3A_850, %mul3A_854, %sub3A_857 : vector<8x1152xi1>, vector<8x1152xf32>
    %select_n3A_859 = arith.select %gt3A_730, %select_n3A_858, %broadcast_in_dim3A_764 : vector<8x1152xi1>, vector<8x1152xf32>
    %reduce_sum3A_860 = vector.shape_cast %select_n3A_859 : vector<8x1152xf32> to vector<1x8x1152xf32>
    %reduce_sum3A_861 = arith.constant dense<0.000000e+00> : vector<1xf32>
    %reduce_sum3A_862 = vector.multi_reduction <add>, %reduce_sum3A_860, %reduce_sum3A_861 [1, 2] : vector<1x8x1152xf32> to vector<1xf32>
    %reduce_sum3A_863 = vector.shape_cast %reduce_sum3A_862 : vector<1xf32> to vector<1x1x1xf32>
    %reduce_sum3A_864 = vector.extract %reduce_sum3A_863[0, 0, 0] : f32 from vector<1x1x1xf32>
    %add3A_865 = arith.addf %add3A_839, %reduce_sum3A_864 : f32
    %get3A_866 = arith.constant 0 : index
    %get3A_867 = arith.constant 0 : index
    %get3A_868 = arith.constant 0 : index
    %get3A_869 = arith.constant 0 : index
    %get3A_870 = vector.load %arg3[%get3A_866, %get3A_867, %get3A_868, %get3A_869] : memref<1x9x8x1152xf32, #tpu.memory_space<vmem>>, vector<1x1x8x1152xf32>
    %get3A_871 = vector.shape_cast %get3A_870 : vector<1x1x8x1152xf32> to vector<8x1152xf32>
    %get3A_872 = arith.constant 0 : index
    %get3A_873 = arith.constant 1 : index
    %get3A_874 = arith.constant 0 : index
    %get3A_875 = arith.constant 0 : index
    %get3A_876 = vector.load %arg3[%get3A_872, %get3A_873, %get3A_874, %get3A_875] : memref<1x9x8x1152xf32, #tpu.memory_space<vmem>>, vector<1x1x8x1152xf32>
    %get3A_877 = vector.shape_cast %get3A_876 : vector<1x1x8x1152xf32> to vector<8x1152xf32>
    %get3A_878 = arith.constant 0 : index
    %get3A_879 = arith.constant 2 : index
    %get3A_880 = arith.constant 0 : index
    %get3A_881 = arith.constant 0 : index
    %get3A_882 = vector.load %arg3[%get3A_878, %get3A_879, %get3A_880, %get3A_881] : memref<1x9x8x1152xf32, #tpu.memory_space<vmem>>, vector<1x1x8x1152xf32>
    %get3A_883 = vector.shape_cast %get3A_882 : vector<1x1x8x1152xf32> to vector<8x1152xf32>
    %get3A_884 = arith.constant 0 : index
    %get3A_885 = arith.constant 3 : index
    %get3A_886 = arith.constant 0 : index
    %get3A_887 = arith.constant 0 : index
    %get3A_888 = vector.load %arg3[%get3A_884, %get3A_885, %get3A_886, %get3A_887] : memref<1x9x8x1152xf32, #tpu.memory_space<vmem>>, vector<1x1x8x1152xf32>
    %get3A_889 = vector.shape_cast %get3A_888 : vector<1x1x8x1152xf32> to vector<8x1152xf32>
    %get3A_890 = arith.constant 0 : index
    %get3A_891 = arith.constant 4 : index
    %get3A_892 = arith.constant 0 : index
    %get3A_893 = arith.constant 0 : index
    %get3A_894 = vector.load %arg3[%get3A_890, %get3A_891, %get3A_892, %get3A_893] : memref<1x9x8x1152xf32, #tpu.memory_space<vmem>>, vector<1x1x8x1152xf32>
    %get3A_895 = vector.shape_cast %get3A_894 : vector<1x1x8x1152xf32> to vector<8x1152xf32>
    %get3A_896 = arith.constant 0 : index
    %get3A_897 = arith.constant 5 : index
    %get3A_898 = arith.constant 0 : index
    %get3A_899 = arith.constant 0 : index
    %get3A_900 = vector.load %arg3[%get3A_896, %get3A_897, %get3A_898, %get3A_899] : memref<1x9x8x1152xf32, #tpu.memory_space<vmem>>, vector<1x1x8x1152xf32>
    %get3A_901 = vector.shape_cast %get3A_900 : vector<1x1x8x1152xf32> to vector<8x1152xf32>
    %get3A_902 = arith.constant 0 : index
    %get3A_903 = arith.constant 6 : index
    %get3A_904 = arith.constant 0 : index
    %get3A_905 = arith.constant 0 : index
    %get3A_906 = vector.load %arg3[%get3A_902, %get3A_903, %get3A_904, %get3A_905] : memref<1x9x8x1152xf32, #tpu.memory_space<vmem>>, vector<1x1x8x1152xf32>
    %get3A_907 = vector.shape_cast %get3A_906 : vector<1x1x8x1152xf32> to vector<8x1152xf32>
    %get3A_908 = arith.constant 0 : index
    %get3A_909 = arith.constant 7 : index
    %get3A_910 = arith.constant 0 : index
    %get3A_911 = arith.constant 0 : index
    %get3A_912 = vector.load %arg3[%get3A_908, %get3A_909, %get3A_910, %get3A_911] : memref<1x9x8x1152xf32, #tpu.memory_space<vmem>>, vector<1x1x8x1152xf32>
    %get3A_913 = vector.shape_cast %get3A_912 : vector<1x1x8x1152xf32> to vector<8x1152xf32>
    %get3A_914 = arith.constant 0 : index
    %get3A_915 = arith.constant 8 : index
    %get3A_916 = arith.constant 0 : index
    %get3A_917 = arith.constant 0 : index
    %get3A_918 = vector.load %arg3[%get3A_914, %get3A_915, %get3A_916, %get3A_917] : memref<1x9x8x1152xf32, #tpu.memory_space<vmem>>, vector<1x1x8x1152xf32>
    %get3A_919 = vector.shape_cast %get3A_918 : vector<1x1x8x1152xf32> to vector<8x1152xf32>
    %max3A_920 = arith.maximumf %get3A_871, %get3A_877 : vector<8x1152xf32>
    %max3A_921 = arith.maximumf %max3A_920, %get3A_883 : vector<8x1152xf32>
    %max3A_922 = arith.maximumf %max3A_921, %get3A_889 : vector<8x1152xf32>
    %max3A_923 = arith.maximumf %max3A_922, %get3A_895 : vector<8x1152xf32>
    %max3A_924 = arith.maximumf %max3A_923, %get3A_901 : vector<8x1152xf32>
    %max3A_925 = arith.maximumf %max3A_924, %get3A_907 : vector<8x1152xf32>
    %max3A_926 = arith.maximumf %max3A_925, %get3A_913 : vector<8x1152xf32>
    %max3A_927 = arith.maximumf %max3A_926, %get3A_919 : vector<8x1152xf32>
    %sub3A_928 = arith.subf %get3A_871, %max3A_927 : vector<8x1152xf32>
    %exp3A = math.exp %sub3A_928 : vector<8x1152xf32>
    %sub3A_929 = arith.subf %get3A_877, %max3A_927 : vector<8x1152xf32>
    %exp3A_930 = math.exp %sub3A_929 : vector<8x1152xf32>
    %add3A_931 = arith.addf %exp3A, %exp3A_930 : vector<8x1152xf32>
    %sub3A_932 = arith.subf %get3A_883, %max3A_927 : vector<8x1152xf32>
    %exp3A_933 = math.exp %sub3A_932 : vector<8x1152xf32>
    %add3A_934 = arith.addf %add3A_931, %exp3A_933 : vector<8x1152xf32>
    %sub3A_935 = arith.subf %get3A_889, %max3A_927 : vector<8x1152xf32>
    %exp3A_936 = math.exp %sub3A_935 : vector<8x1152xf32>
    %add3A_937 = arith.addf %add3A_934, %exp3A_936 : vector<8x1152xf32>
    %sub3A_938 = arith.subf %get3A_895, %max3A_927 : vector<8x1152xf32>
    %exp3A_939 = math.exp %sub3A_938 : vector<8x1152xf32>
    %add3A_940 = arith.addf %add3A_937, %exp3A_939 : vector<8x1152xf32>
    %sub3A_941 = arith.subf %get3A_901, %max3A_927 : vector<8x1152xf32>
    %exp3A_942 = math.exp %sub3A_941 : vector<8x1152xf32>
    %add3A_943 = arith.addf %add3A_940, %exp3A_942 : vector<8x1152xf32>
    %sub3A_944 = arith.subf %get3A_907, %max3A_927 : vector<8x1152xf32>
    %exp3A_945 = math.exp %sub3A_944 : vector<8x1152xf32>
    %add3A_946 = arith.addf %add3A_943, %exp3A_945 : vector<8x1152xf32>
    %sub3A_947 = arith.subf %get3A_913, %max3A_927 : vector<8x1152xf32>
    %exp3A_948 = math.exp %sub3A_947 : vector<8x1152xf32>
    %add3A_949 = arith.addf %add3A_946, %exp3A_948 : vector<8x1152xf32>
    %sub3A_950 = arith.subf %get3A_919, %max3A_927 : vector<8x1152xf32>
    %exp3A_951 = math.exp %sub3A_950 : vector<8x1152xf32>
    %add3A_952 = arith.addf %add3A_949, %exp3A_951 : vector<8x1152xf32>
    %log3A_953 = math.log %add3A_952 : vector<8x1152xf32>
    %add3A_954 = arith.addf %max3A_927, %log3A_953 : vector<8x1152xf32>
    %lt3A_955 = arith.constant 8732 : i32
    %lt3A_956 = vector.broadcast %lt3A_955 : i32 to vector<8x1152xi32>
    %lt3A_957 = arith.cmpi slt, %add3A, %lt3A_956 : vector<8x1152xi32>
    %not3A = arith.constant dense<true> : vector<8x1152xi1>
    %not3A_958 = arith.xori %gt3A_730, %not3A : vector<8x1152xi1>
    %and3A = arith.andi %lt3A_957, %not3A_958 : vector<8x1152xi1>
    %sub3A_959 = arith.subf %add3A_954, %get3A_871 : vector<8x1152xf32>
    %select_n3A_960 = arith.select %and3A, %sub3A_959, %broadcast_in_dim3A_764 : vector<8x1152xi1>, vector<8x1152xf32>
    %swap3A = arith.constant 0 : index
    %swap3A_961 = arith.constant 0 : index
    %swap3A_962 = arith.constant 0 : index
    %swap3A_963 = vector.load %arg5[%swap3A, %swap3A_961, %swap3A_962] : memref<1x8x1152xf32, #tpu.memory_space<vmem>>, vector<1x8x1152xf32>
    %swap3A_964 = vector.shape_cast %swap3A_963 : vector<1x8x1152xf32> to vector<8x1152xf32>
    %swap3A_965 = vector.shape_cast %select_n3A_960 : vector<8x1152xf32> to vector<1x8x1152xf32>
    tpu.vector_store %arg5[%swap3A, %swap3A_961, %swap3A_962], %swap3A_965 {strides = array<i32>} : memref<1x8x1152xf32, #tpu.memory_space<vmem>>, vector<1x8x1152xf32>,
    %eq3A_966 = arith.constant 1 : i32
    %eq3A_967 = vector.broadcast %eq3A_966 : i32 to vector<8x1152xi32>
    %eq3A_968 = arith.cmpi eq, %select_n3A_727, %eq3A_967 : vector<8x1152xi32>
    %select_n3A_969 = arith.select %eq3A_968, %get3A_877, %get3A_871 : vector<8x1152xi1>, vector<8x1152xf32>
    %eq3A_970 = arith.constant 2 : i32
    %eq3A_971 = vector.broadcast %eq3A_970 : i32 to vector<8x1152xi32>
    %eq3A_972 = arith.cmpi eq, %select_n3A_727, %eq3A_971 : vector<8x1152xi32>
    %select_n3A_973 = arith.select %eq3A_972, %get3A_883, %select_n3A_969 : vector<8x1152xi1>, vector<8x1152xf32>
    %eq3A_974 = arith.constant 3 : i32
    %eq3A_975 = vector.broadcast %eq3A_974 : i32 to vector<8x1152xi32>
    %eq3A_976 = arith.cmpi eq, %select_n3A_727, %eq3A_975 : vector<8x1152xi32>
    %select_n3A_977 = arith.select %eq3A_976, %get3A_889, %select_n3A_973 : vector<8x1152xi1>, vector<8x1152xf32>
    %eq3A_978 = arith.constant 4 : i32
    %eq3A_979 = vector.broadcast %eq3A_978 : i32 to vector<8x1152xi32>
    %eq3A_980 = arith.cmpi eq, %select_n3A_727, %eq3A_979 : vector<8x1152xi32>
    %select_n3A_981 = arith.select %eq3A_980, %get3A_895, %select_n3A_977 : vector<8x1152xi1>, vector<8x1152xf32>
    %eq3A_982 = arith.constant 5 : i32
    %eq3A_983 = vector.broadcast %eq3A_982 : i32 to vector<8x1152xi32>
    %eq3A_984 = arith.cmpi eq, %select_n3A_727, %eq3A_983 : vector<8x1152xi32>
    %select_n3A_985 = arith.select %eq3A_984, %get3A_901, %select_n3A_981 : vector<8x1152xi1>, vector<8x1152xf32>
    %eq3A_986 = arith.constant 6 : i32
    %eq3A_987 = vector.broadcast %eq3A_986 : i32 to vector<8x1152xi32>
    %eq3A_988 = arith.cmpi eq, %select_n3A_727, %eq3A_987 : vector<8x1152xi32>
    %select_n3A_989 = arith.select %eq3A_988, %get3A_907, %select_n3A_985 : vector<8x1152xi1>, vector<8x1152xf32>
    %eq3A_990 = arith.constant 7 : i32
    %eq3A_991 = vector.broadcast %eq3A_990 : i32 to vector<8x1152xi32>
    %eq3A_992 = arith.cmpi eq, %select_n3A_727, %eq3A_991 : vector<8x1152xi32>
    %select_n3A_993 = arith.select %eq3A_992, %get3A_913, %select_n3A_989 : vector<8x1152xi1>, vector<8x1152xf32>
    %eq3A_994 = arith.constant 8 : i32
    %eq3A_995 = vector.broadcast %eq3A_994 : i32 to vector<8x1152xi32>
    %eq3A_996 = arith.cmpi eq, %select_n3A_727, %eq3A_995 : vector<8x1152xi32>
    %select_n3A_997 = arith.select %eq3A_996, %get3A_919, %select_n3A_993 : vector<8x1152xi1>, vector<8x1152xf32>
    %le3A = arith.constant 1 : i32
    %le3A_998 = vector.broadcast %le3A : i32 to vector<8x1152xi32>
    %le3A_999 = arith.cmpi sle, %select_n3A_727, %le3A_998 : vector<8x1152xi32>
    %jit3A_1000 = arith.constant 5.000000e-01 : f32
    %jit3A_1001 = arith.constant 1.000000e+00 : f32
    %broadcast_in_dim3A_1002 = vector.broadcast %jit3A_1000 : f32 to vector<8x1152xf32>
    %broadcast_in_dim3A_1003 = vector.broadcast %jit3A_1001 : f32 to vector<8x1152xf32>
    %select_n3A_1004 = arith.select %le3A_999, %broadcast_in_dim3A_1002, %broadcast_in_dim3A_1003 : vector<8x1152xi1>, vector<8x1152xf32>
    %mul3A_1005 = arith.mulf %min3A_733, %select_n3A_1004 : vector<8x1152xf32>
    %sub3A_1006 = arith.subf %add3A_954, %select_n3A_997 : vector<8x1152xf32>
    %mul3A_1007 = arith.mulf %mul3A_1005, %sub3A_1006 : vector<8x1152xf32>
    %select_n3A_1008 = arith.select %gt3A_730, %mul3A_1007, %broadcast_in_dim3A_764 : vector<8x1152xi1>, vector<8x1152xf32>
    %reduce_sum3A_1009 = vector.shape_cast %select_n3A_1008 : vector<8x1152xf32> to vector<1x8x1152xf32>
    %reduce_sum3A_1010 = arith.constant dense<0.000000e+00> : vector<1xf32>
    %reduce_sum3A_1011 = vector.multi_reduction <add>, %reduce_sum3A_1009, %reduce_sum3A_1010 [1, 2] : vector<1x8x1152xf32> to vector<1xf32>
    %reduce_sum3A_1012 = vector.shape_cast %reduce_sum3A_1011 : vector<1xf32> to vector<1x1x1xf32>
    %reduce_sum3A_1013 = vector.extract %reduce_sum3A_1012[0, 0, 0] : f32 from vector<1x1x1xf32>
    %convert_element_type3A_1014 = arith.extui %gt3A_730 : vector<8x1152xi1> to vector<8x1152xi32>
    %reduce_sum3A_1015 = vector.shape_cast %convert_element_type3A_1014 : vector<8x1152xi32> to vector<1x8x1152xi32>
    %reduce_sum3A_1016 = arith.constant dense<0> : vector<1xi32>
    %reduce_sum3A_1017 = vector.multi_reduction <add>, %reduce_sum3A_1015, %reduce_sum3A_1016 [1, 2] : vector<1x8x1152xi32> to vector<1xi32>
    %reduce_sum3A_1018 = vector.shape_cast %reduce_sum3A_1017 : vector<1xi32> to vector<1x1x1xi32>
    %reduce_sum3A_1019 = vector.extract %reduce_sum3A_1018[0, 0, 0] : i32 from vector<1x1x1xi32>
    %iota3A_1020 = tpu.iota {dimensions = array<i32: 1>} : vector<1x128xi32>
    %eq3A_1021 = arith.constant 0 : i32
    %eq3A_1022 = vector.broadcast %eq3A_1021 : i32 to vector<1x128xi32>
    %eq3A_1023 = arith.cmpi eq, %iota3A_1020, %eq3A_1022 : vector<1x128xi32>
    %eq3A_1024 = arith.constant 1 : i32
    %eq3A_1025 = vector.broadcast %eq3A_1024 : i32 to vector<1x128xi32>
    %eq3A_1026 = arith.cmpi eq, %iota3A_1020, %eq3A_1025 : vector<1x128xi32>
    %eq3A_1027 = arith.constant 2 : i32
    %eq3A_1028 = vector.broadcast %eq3A_1027 : i32 to vector<1x128xi32>
    %eq3A_1029 = arith.cmpi eq, %iota3A_1020, %eq3A_1028 : vector<1x128xi32>
    %convert_element_type3A_1030 = arith.sitofp %reduce_sum3A_1019 : i32 to f32
    %jit3A_1031 = arith.constant 0.000000e+00 : f32
    %broadcast_in_dim3A_1032 = vector.broadcast %convert_element_type3A_1030 : f32 to vector<1x128xf32>
    %broadcast_in_dim3A_1033 = vector.broadcast %jit3A_1031 : f32 to vector<1x128xf32>
    %select_n3A_1034 = arith.select %eq3A_1029, %broadcast_in_dim3A_1032, %broadcast_in_dim3A_1033 : vector<1x128xi1>, vector<1x128xf32>
    %broadcast_in_dim3A_1035 = vector.broadcast %add3A_865 : f32 to vector<1x128xf32>
    %select_n3A_1036 = arith.select %eq3A_1026, %broadcast_in_dim3A_1035, %select_n3A_1034 : vector<1x128xi1>, vector<1x128xf32>
    %broadcast_in_dim3A_1037 = vector.broadcast %reduce_sum3A_1013 : f32 to vector<1x128xf32>
    %select_n3A_1038 = arith.select %eq3A_1023, %broadcast_in_dim3A_1037, %select_n3A_1036 : vector<1x128xi1>, vector<1x128xf32>
    %swap3A_1039 = arith.constant 0 : index
    %swap3A_1040 = arith.constant 0 : index
    %swap3A_1041 = arith.constant 0 : index
    %swap3A_1042 = vector.load %arg6[%swap3A_1039, %swap3A_1040, %swap3A_1041] : memref<1x1x128xf32, #tpu.memory_space<vmem>>, vector<1x1x128xf32>
    %swap3A_1043 = vector.shape_cast %swap3A_1042 : vector<1x1x128xf32> to vector<1x128xf32>
    %swap3A_1044 = vector.shape_cast %select_n3A_1038 : vector<1x128xf32> to vector<1x1x128xf32>
    tpu.vector_store %arg6[%swap3A_1039, %swap3A_1040, %swap3A_1041], %swap3A_1044 {strides = array<i32>} : memref<1x1x128xf32, #tpu.memory_space<vmem>>, vector<1x1x128xf32>,
    return
  }
  func.func @transform_0(%arg0: i32) -> (i32, i32, i32, i32) {
    %c0_i32 = arith.constant 0 : i32
    %c0_i32_0 = arith.constant 0 : i32
    %c0_i32_1 = arith.constant 0 : i32
    %c0_i32_2 = arith.constant 0 : i32
    return %arg0, %c0_i32, %c0_i32_0, %c0_i32_1 : i32, i32, i32, i32
  }
  func.func @transform_1(%arg0: i32) -> (i32, i32, i32) {
    %c0_i32 = arith.constant 0 : i32
    %c0_i32_0 = arith.constant 0 : i32
    %c0_i32_1 = arith.constant 0 : i32
    %c0_i32_2 = arith.constant 0 : i32
    return %c0_i32, %c0_i32_0, %c0_i32_1 : i32, i32, i32
  }
  func.func @transform_2(%arg0: i32) -> (i32, i32, i32, i32) {
    %c0_i32 = arith.constant 0 : i32
    %c0_i32_0 = arith.constant 0 : i32
    %c0_i32_1 = arith.constant 0 : i32
    %c0_i32_2 = arith.constant 0 : i32
    return %arg0, %c0_i32, %c0_i32_0, %c0_i32_1 : i32, i32, i32, i32
  }
  func.func @transform_3(%arg0: i32) -> (i32, i32, i32, i32) {
    %c0_i32 = arith.constant 0 : i32
    %c0_i32_0 = arith.constant 0 : i32
    %c0_i32_1 = arith.constant 0 : i32
    %c0_i32_2 = arith.constant 0 : i32
    return %arg0, %c0_i32, %c0_i32_0, %c0_i32_1 : i32, i32, i32, i32
  }
  func.func @transform_4(%arg0: i32) -> (i32, i32, i32) {
    %c0_i32 = arith.constant 0 : i32
    %c0_i32_0 = arith.constant 0 : i32
    %c0_i32_1 = arith.constant 0 : i32
    return %arg0, %c0_i32, %c0_i32_0 : i32, i32, i32
  }
  func.func @transform_5(%arg0: i32) -> (i32, i32, i32) {
    %c0_i32 = arith.constant 0 : i32
    %c0_i32_0 = arith.constant 0 : i32
    %c0_i32_1 = arith.constant 0 : i32
    return %arg0, %c0_i32, %c0_i32_0 : i32, i32, i32
  }
}

module attributes {stable_mosaic.version = 14 : i64} {
  func.func @_combine_body(%arg0: memref<32x1x128xf32, #tpu.memory_space<vmem>>, %arg1: memref<32x16xf32, #tpu.memory_space<vmem>>, %arg2: memref<1x128xf32, #tpu.memory_space<vmem>>) attributes {dimension_semantics = [], scalar_prefetch = 0 : i64, scratch_operands = 0 : i64, tpu.core_type = #tpu.core_type<tc>} {
    %get3A = arith.constant 0 : index
    %get3A_0 = arith.constant 0 : index
    %get3A_1 = arith.constant 0 : index
    %get3A_2 = vector.load %arg0[%get3A, %get3A_0, %get3A_1] : memref<32x1x128xf32, #tpu.memory_space<vmem>>, vector<32x1x1xf32>
    %get3A_3 = vector.shape_cast %get3A_2 : vector<32x1x1xf32> to vector<32xf32>
    %reduce_sum3A = vector.shape_cast %get3A_3 : vector<32xf32> to vector<1x32xf32>
    %reduce_sum3A_4 = arith.constant dense<0.000000e+00> : vector<1xf32>
    %reduce_sum3A_5 = vector.multi_reduction <add>, %reduce_sum3A, %reduce_sum3A_4 [1] : vector<1x32xf32> to vector<1xf32>
    %reduce_sum3A_6 = vector.shape_cast %reduce_sum3A_5 : vector<1xf32> to vector<1x1xf32>
    %reduce_sum3A_7 = vector.extract %reduce_sum3A_6[0, 0] : f32 from vector<1x1xf32>
    %get3A_8 = arith.constant 0 : index
    %get3A_9 = arith.constant 0 : index
    %get3A_10 = arith.constant 1 : index
    %get3A_11 = vector.load %arg0[%get3A_8, %get3A_9, %get3A_10] : memref<32x1x128xf32, #tpu.memory_space<vmem>>, vector<32x1x1xf32>
    %get3A_12 = vector.shape_cast %get3A_11 : vector<32x1x1xf32> to vector<32xf32>
    %reduce_sum3A_13 = vector.shape_cast %get3A_12 : vector<32xf32> to vector<1x32xf32>
    %reduce_sum3A_14 = arith.constant dense<0.000000e+00> : vector<1xf32>
    %reduce_sum3A_15 = vector.multi_reduction <add>, %reduce_sum3A_13, %reduce_sum3A_14 [1] : vector<1x32xf32> to vector<1xf32>
    %reduce_sum3A_16 = vector.shape_cast %reduce_sum3A_15 : vector<1xf32> to vector<1x1xf32>
    %reduce_sum3A_17 = vector.extract %reduce_sum3A_16[0, 0] : f32 from vector<1x1xf32>
    %get3A_18 = arith.constant 0 : index
    %get3A_19 = arith.constant 0 : index
    %get3A_20 = arith.constant 2 : index
    %get3A_21 = vector.load %arg0[%get3A_18, %get3A_19, %get3A_20] : memref<32x1x128xf32, #tpu.memory_space<vmem>>, vector<32x1x1xf32>
    %get3A_22 = vector.shape_cast %get3A_21 : vector<32x1x1xf32> to vector<32xf32>
    %reduce_sum3A_23 = vector.shape_cast %get3A_22 : vector<32xf32> to vector<1x32xf32>
    %reduce_sum3A_24 = arith.constant dense<0.000000e+00> : vector<1xf32>
    %reduce_sum3A_25 = vector.multi_reduction <add>, %reduce_sum3A_23, %reduce_sum3A_24 [1] : vector<1x32xf32> to vector<1xf32>
    %reduce_sum3A_26 = vector.shape_cast %reduce_sum3A_25 : vector<1xf32> to vector<1x1xf32>
    %reduce_sum3A_27 = vector.extract %reduce_sum3A_26[0, 0] : f32 from vector<1x1xf32>
    %get3A_28 = arith.constant 0 : index
    %get3A_29 = arith.constant 0 : index
    %get3A_30 = vector.load %arg1[%get3A_28, %get3A_29] : memref<32x16xf32, #tpu.memory_space<vmem>>, vector<32x1xf32>
    %get3A_31 = vector.shape_cast %get3A_30 : vector<32x1xf32> to vector<32xf32>
    %reduce_sum3A_32 = vector.shape_cast %get3A_31 : vector<32xf32> to vector<1x32xf32>
    %reduce_sum3A_33 = arith.constant dense<0.000000e+00> : vector<1xf32>
    %reduce_sum3A_34 = vector.multi_reduction <add>, %reduce_sum3A_32, %reduce_sum3A_33 [1] : vector<1x32xf32> to vector<1xf32>
    %reduce_sum3A_35 = vector.shape_cast %reduce_sum3A_34 : vector<1xf32> to vector<1x1xf32>
    %reduce_sum3A_36 = vector.extract %reduce_sum3A_35[0, 0] : f32 from vector<1x1xf32>
    %mul3A = arith.constant 5.000000e-01 : f32
    %mul3A_37 = arith.mulf %mul3A, %reduce_sum3A_36 : f32
    %add3A = arith.addf %reduce_sum3A_7, %mul3A_37 : f32
    %gt3A = arith.constant 0.000000e+00 : f32
    %gt3A_38 = arith.cmpf ogt, %reduce_sum3A_27, %gt3A : f32
    %jit3A = arith.constant 3.200000e+01 : f32
    %select_n3A = arith.select %gt3A_38, %reduce_sum3A_27, %jit3A : f32
    %iota3A = tpu.iota {dimensions = array<i32: 1>} : vector<1x128xi32>
    %eq3A = arith.constant 0 : i32
    %eq3A_39 = vector.broadcast %eq3A : i32 to vector<1x128xi32>
    %eq3A_40 = arith.cmpi eq, %iota3A, %eq3A_39 : vector<1x128xi32>
    %div3A = arith.divf %add3A, %select_n3A : f32
    %eq3A_41 = arith.constant 1 : i32
    %eq3A_42 = vector.broadcast %eq3A_41 : i32 to vector<1x128xi32>
    %eq3A_43 = arith.cmpi eq, %iota3A, %eq3A_42 : vector<1x128xi32>
    %div3A_44 = arith.divf %reduce_sum3A_17, %select_n3A : f32
    %jit3A_45 = arith.constant 0.000000e+00 : f32
    %broadcast_in_dim3A = vector.broadcast %div3A_44 : f32 to vector<1x128xf32>
    %broadcast_in_dim3A_46 = vector.broadcast %jit3A_45 : f32 to vector<1x128xf32>
    %select_n3A_47 = arith.select %eq3A_43, %broadcast_in_dim3A, %broadcast_in_dim3A_46 : vector<1x128xi1>, vector<1x128xf32>
    %broadcast_in_dim3A_48 = vector.broadcast %div3A : f32 to vector<1x128xf32>
    %select_n3A_49 = arith.select %eq3A_40, %broadcast_in_dim3A_48, %select_n3A_47 : vector<1x128xi1>, vector<1x128xf32>
    %swap3A = arith.constant 0 : index
    %swap3A_50 = arith.constant 0 : index
    %swap3A_51 = vector.load %arg2[%swap3A, %swap3A_50] : memref<1x128xf32, #tpu.memory_space<vmem>>, vector<1x128xf32>
    tpu.vector_store %arg2[%swap3A, %swap3A_50], %select_n3A_49 {strides = array<i32>} : memref<1x128xf32, #tpu.memory_space<vmem>>, vector<1x128xf32>,
    return
  }
}

</mosaic_0001>

<sc_bundles>
// kernel: kernel.5.cloned.1.call-start
scs
__scs_entry_jumppad:
0x0: {  	(pc) =	sbr.rel $0x88, $3  }
0x1: {  	(tag) =	ssettag $0x0;
	lr =	simm.s32 $0x1  }
0x2: {  	[smem:$0x3F9D] =	sst lr;
	_ =	strace $0xD0000000  }
0x3: {  	_ = 	snop  }
0x4: {  	_ = 	snop  }
0x5: {  	_ = 	snop  }
0x6: {  	_ = 	snop  }
0x7: {  	_ = 	snop  }
__scs_overlays_trampoline_lowered:
0x8: {  	[smem:$0x3FAC] =	sst s0  }
0x9: {  	[smem:$0x3FAD] =	sst s1  }
0xa: {  	[smem:$0x3FAE] =	sst s2  }
0xb: {  	[smem:$0x3FAF] =	sst s3  }
0xc: {  	[smem:$0x3FB0] =	sst s4  }
0xd: {  	[smem:$0x3FB1] =	sst s5  }
0xe: {  	[smem:$0x3FB2] =	sst s6  }
0xf: {  	[smem:$0x3FB3] =	sst s7  }
0x10: {  	[smem:$0x3FB4] =	sst s8  }
0x11: {  	[smem:$0x3FB5] =	sst s9;
	s0 =	simm.s32 @!p0 $0x0  }
0x12: {  	s1 =	sld [smem:$0x3F9B];
	s0 =	simm.s32 @p0 $0x1  }
0x13: {  	[smem:$0x3FB6] =	sst s0;
	s0 =	simm.s32 @!p1 $0x0  }
0x14: {  	s2 =	sld [smem:$0x3F9A];
	s0 =	simm.s32 @p1 $0x1  }
0x15: {  	[smem:$0x3FB7] =	sst s0;
	s0 =	simm.s32 @!p2 $0x0  }
0x16: {  	s3 =	sld [smem:$0x3FDB];
	s0 =	simm.s32 @p2 $0x1  }
0x17: {  	s4 =	simm.s32 $0x1BF5;
	[smem:$0x3FB9] =	sst s0  }
0x18: {  	s0 =	sld [smem:$0x3F9C];
	_ =	swait.ge [sflag:s4], $0x0  }
0x19: {  	s7 =	sld [smem:$0x3F9D]  }
0x1a: {  	s8 =	sadd.s32 $0xFFFFE003, lr  }
0x1b: {  	s9 =	sadd.s32 $0xFFFFFEF7, lr;
	s5 =	simm.s32 $0xFFFFFFFF;
	p2 =	slt.u32 s8, $0xFFFFF086  }
0x1c: {  	p1 =	slt.u32 s9, $0xF7A;
	s5 =	simm.s32 @!p2 $0x0  }
0x1d: {  	s5 =	simm.s32 @p1 $0x1;
	p0 =	seq.s32 s7, s2  }
0x1e: {  	s7 =	smul.u32 @!p0 $0xF7A, s2;
	p2 =	seq.s32 @!p0 s5, $0x0  }
0x1f: {  	s9 =	smul.u32 $0xF7A, s1;
	s8 =	simm.s32 @!p0 $0x1BF5;
	p2 =	por !p2, p0  }
0x20: {  	[sflag:s8] =	ssyncset.s32 @!p0 $0xFFFFF086;
	s6 =	sadd.s32 @!p0 s3, s7;
	s7 =	simm.s32 @!p0 $0x108  }
0x21: {  	s3 =	sadd.s32 s3, s9;
	s6 =	sadd.s32 @!p0 $0x88, s6;
	s7 =	simm.s32 @p2 $0x1082  }
0x22: {  	[simem:s7], [sflag:s8] =	dma.local @!p0 [hbm:s6], $0xF7A  }
0x23: {  	s9 =	sor.u32 $0xD0000000, s2;
	s6 =	simm.s32 $0x108;
	_ =	swait.ge @!p0 [sflag:s8], $0x0  }
0x24: {  	s3 =	sadd.s32 $0x88, s3;
	s6 =	simm.s32 @!p1 $0x1082;
	[sflag:s4] =	ssyncset.s32 $0xFFFFF086  }
0x25: {  	[simem:s6], [sflag:s4] =	dma.local [hbm:s3], $0xF7A  }
0x26: {  	[smem:$0x3F9D] =	sst s1;
	(tag) =	ssettag s2;
	_ =	strace s9  }
0x27: {  	s1 =	sld [smem:$0x3FAD]  }
0x28: {  	s2 =	sld [smem:$0x3FAE]  }
0x29: {  	s4 =	sld [smem:$0x3FB0]  }
0x2a: {  	p0 =	seq.s32 s5, $0x0;
	s5 =	sld [smem:$0x3FB1]  }
0x2b: {  	s6 =	sld [smem:$0x3FB2]  }
0x2c: {  	s7 =	sld [smem:$0x3FB3]  }
0x2d: {  	s3 =	simm.s32 $0x108;
	s8 =	sld [smem:$0x3FB4]  }
0x2e: {  	s3 =	simm.s32 @!p0 $0x1082;
	s9 =	sld [smem:$0x3FB5]  }
0x2f: {  	lr =	sadd.s32 s0, s3;
	s0 =	sld [smem:$0x3FAC]  }
0x30: {  	s3 =	sld [smem:$0x3FAF]  }
0x31: {  	[smem:$0x3FB8] =	sst s10  }
0x32: {  	s10 =	sld [smem:$0x3FB6];
	_ =	sdelay $0x3  }
0x33: {  	p0 =	seq.s32 s10, $0x1;
	s10 =	sld [smem:$0x3FB8];
	_ =	sdelay $0x3  }
0x34: {  	[smem:$0x3FB8] =	sst s10  }
0x35: {  	s10 =	sld [smem:$0x3FB7];
	_ =	sdelay $0x3  }
0x36: {  	p1 =	seq.s32 s10, $0x1;
	s10 =	sld [smem:$0x3FB8];
	_ =	sdelay $0x3  }
0x37: {  	[smem:$0x3FB8] =	sst s10  }
0x38: {  	s10 =	sld [smem:$0x3FB9]  }
0x39: {  	_ = 	snop;
	(pc) =	sbr.ind lr, $3  }
0x3a: {  	_ = 	snop  }
0x3b: {  	_ = 	snop  }
0x3c: {  	p2 =	seq.s32 s10, $0x1;
	s10 =	sld [smem:$0x3FB8]  }
0x3d: {  	_ =	shalt  }
0x3e: {  	_ =	shalt  }
0x3f: {  	_ =	shalt  }
0x40: {  	_ =	shalt  }
0x41: {  	_ =	shalt  }
0x42: {  	_ =	shalt  }
0x43: {  	_ =	shalt  }
0x44: {  	_ =	shalt  }
0x45: {  	_ =	shalt  }
0x46: {  	_ =	shalt  }
0x47: {  	_ =	shalt  }
0x48: {  	_ =	shalt  }
0x49: {  	_ =	shalt  }
0x4a: {  	_ =	shalt  }
0x4b: {  	_ =	shalt  }
0x4c: {  	_ =	shalt  }
0x4d: {  	_ =	shalt  }
0x4e: {  	_ =	shalt  }
0x4f: {  	_ =	shalt  }
0x50: {  	_ =	shalt  }
0x51: {  	_ =	shalt  }
0x52: {  	_ =	shalt  }
0x53: {  	_ =	shalt  }
0x54: {  	_ =	shalt  }
0x55: {  	_ =	shalt  }
0x56: {  	_ =	shalt  }
0x57: {  	_ =	shalt  }
0x58: {  	_ =	shalt  }
0x59: {  	_ =	shalt  }
0x5a: {  	_ =	shalt  }
0x5b: {  	_ =	shalt  }
0x5c: {  	_ =	shalt  }
0x5d: {  	_ =	shalt  }
0x5e: {  	_ =	shalt  }
0x5f: {  	_ =	shalt  }
0x60: {  	_ =	shalt  }
0x61: {  	_ =	shalt  }
0x62: {  	_ =	shalt  }
0x63: {  	_ =	shalt  }
0x64: {  	_ =	shalt  }
0x65: {  	_ =	shalt  }
0x66: {  	_ =	shalt  }
0x67: {  	_ =	shalt  }
0x68: {  	_ =	shalt  }
0x69: {  	_ =	shalt  }
0x6a: {  	_ =	shalt  }
0x6b: {  	_ =	shalt  }
0x6c: {  	_ =	shalt  }
0x6d: {  	_ =	shalt  }
0x6e: {  	_ =	shalt  }
0x6f: {  	_ =	shalt  }
0x70: {  	_ =	shalt  }
0x71: {  	_ =	shalt  }
0x72: {  	_ =	shalt  }
0x73: {  	_ =	shalt  }
0x74: {  	_ =	shalt  }
0x75: {  	_ =	shalt  }
0x76: {  	_ =	shalt  }
0x77: {  	_ =	shalt  }
0x78: {  	_ =	shalt  }
0x79: {  	_ =	shalt  }
0x7a: {  	_ =	shalt  }
0x7b: {  	_ =	shalt  }
0x7c: {  	_ =	shalt  }
0x7d: {  	_ =	shalt  }
0x7e: {  	_ =	shalt  }
0x7f: {  	_ =	shalt  }
0x80: {  	_ =	shalt  }
0x81: {  	_ =	shalt  }
0x82: {  	_ =	shalt  }
0x83: {  	_ =	shalt  }
0x84: {  	_ =	shalt  }
0x85: {  	_ =	shalt  }
0x86: {  	_ =	shalt  }
0x87: {  	_ =	shalt  }
.Lfunc_end0:
.L_simem_size_0:
called_computation_lowered:
.L_overlay_start_0:
0x88: {  	s2 =	sld [smem:$0x3FD9]  }
0x89: {  	s3 =	sld [smem:$0x3FFE];
	_ =	sdelay $0x1  }
0x8a: {  	s1 =	srdreg.scid  }
0x8b: {  	s0 =	sand.u32 $0x1, s1  }
0x8c: {  	s16 =	sshll.u32 s0, $0xA;
	s2 =	sadd.s32 s3, s2  }
0x8d: {  	s2 =	sadd.s32 s2, s16  }
0x8e: {  	[smem:$0x3FC4] =	sst s2  }
0x8f: {  	_ = 	snop  }
0x90: {  	(tm) =	ssettm $0x1  }
0x91: {  	s17 =	sld [smem:$0x3FFB];
	_ =	sdelay $0x3  }
0x92: {  	_ =	strace s17  }
0x93: {  	s2 =	sld [smem:$0x3FFC];
	_ =	sdelay $0x3  }
0x94: {  	_ =	strace s2  }
0x95: {  	s2 =	sld [smem:$0x3FFD];
	_ =	sdelay $0x3  }
0x96: {  	_ =	strace s2  }
0x97: {  	_ =	strace $0x8FFFFFFF  }
0x98: {  	s18 =	sld [smem:$0x3FDB];
	_ =	sdelay $0x1  }
0x99: {  	s19 =	simm.s32 $_scs_section_size  }
0x9a: {  	s4 =	simm.s32 $_size__tile_overlayer_lowered;
	s5 =	simm.s32 $_tile_overlayer_lowered  }
0x9b: {  	s22 =	simm.s32 $0x1BFF;
	s21 =	sshll.u32 s5, $0x1;
	s2 =	sadd.s32 s19, s18  }
0x9c: {  	s6 =	simm.s32 $0x0;
	s20 =	sshll.u32 s4, $0x1;
	s4 =	sadd.s32 s21, s2  }
0x9d: {  	[timem:s6], [sflag:s22] =	dma.local [hbm:s4], s20  }
0x9e: {  	_ =	swait.ge [sflag:s22], s20  }
0x9f: {  	s3 =	ssub.s32 $0x0, s20;
	[sflag:s22] =	ssyncset.done $0x0  }
0xa0: {  	[sflag:s22] =	ssyncadd.s32 s3;
	_ =	sdelay $0x1  }
0xa1: {  	s23 =	simm.s32 $0x1B8B  }
0xa2: {  	_ =	swait.ge [sflag:s23], $0x1  }
0xa3: {  	[sflag:s23] =	ssyncset.done $0x0  }
0xa4: {  	s25 =	simm.s32 $0x1B8E;
	s24 =	sld [smem:$0x3FFE];
	[sflag:s23] =	ssyncadd.s32 $0xFFFFFFFF  }
0xa5: {  	s26 =	simm.s32 $execute0_lowered;
	[smem:$0x3FD2] =	sst s25  }
0xa6: {  	s4 =	sshll.u32 s26, $0x1;
	_ =	strace $0x80000046;
	[dreg:$0x1] =	wrdreg $0xFFFFFFFF  }
0xa7: {  	s28 =	simm.s32 $_size_execute0_lowered;
	s2 =	sadd.s32 s2, s4;
	[dreg:$0x0] =	wrdreg $0x0  }
0xa8: {  	s4 =	sshll.u32 s28, $0x1;
	[dreg:$0x2] =	wrdreg s2  }
0xa9: {  	[dreg:$0x3] =	wrdreg s4  }
0xaa: {  	[dreg:$0x4] =	wrdreg $0xC0  }
0xab: {  	_ =	task [dreg:s6], $0x5FFFF  }
0xac: {  	[dreg:$0x1] =	wrdreg $0xFFFFFFFF  }
0xad: {  	[dreg:$0x0] =	wrdreg $0x60  }
0xae: {  	[dreg:$0x2] =	wrdreg s24  }
0xaf: {  	[dreg:$0x3] =	wrdreg $0x9  }
0xb0: {  	_ =	task.clear_ibuf [dreg:s6], $0x4FFFF;
	_ =	strace $0x90000046  }
0xb1: {  	s29 =	simm.s32 $0x9;
	_ =	strace $0x80000048  }
0xb2: {  	_ =	swait.ge [sflag:s29], $0x1  }
0xb3: {  	[sflag:s29] =	ssyncadd.s32 $0xFFFFFFFF  }
0xb4: {  	_ =	strace $0x90000048  }
0xb5: {  	_ =	sfence  }
0xb6: {  	s30 =	sld [smem:$0x0];
	_ =	sdelay $0x2  }
0xb7: {  	s31 =	sshll.u32 s1, $0xD;
	s1 =	sshrl.u32 s1, $0x2  }
0xb8: {  	s3 =	sand.u32 $0x4000, s31;
	s1 =	sadd.s32 s1, s30  }
0xb9: {  	s0 =	sor.u32 s3, s0;
	s1 =	sshll.u32 s1, $0x11  }
0xba: {  	s0 =	sor.u32 s1, s0  }
0xbb: {  	s0 =	sadd.s32 $0x8F2B, s0  }
0xbc: {  	[sflag:s0] =	ssyncadd.remote.s32 $0x1  }
0xbd: {  	_ =	sfence.sel $0xFFFF  }
0xbe: {  	[dreg:$0x0] =	wrdreg $0xFFFFFFFF;
	(pc) =	sbr.abs _section_cstart, $3  }
0xbf: {  	[dreg:$0x1] =	wrdreg $0xFFFFFFFF  }
0xc0: {  	_ =	task.clear_ibuf [dreg:s6], $0x2FFFF;
	_ =	strace $0x9FFFFFFF  }
0xc1: {  	(tm) =	ssettm $0x7FFFFFFF  }
tec
execute0_lowered:
.L_overlay_start_1:
0x0: {  	(tag) =	ssettag $0x1  }
0x1: {  	s1 =	srdreg.scid;
	s0 =	stileid.u32  }
0x2: {  	s6 =	rddreg [dreg:$0x0];
	s2 =	simm.s32 $0x0;
	s9 =	simm.s32 $0x1  }
0x3: {  	s10 =	simm.s32 $0x2400;
	s11 =	simm.s32 $0x2480;
	s12 =	simm.s32 $0x2580  }
0x4: {  	s13 =	simm.s32 $0x2680;
	s14 =	simm.s32 $0x0;
	s3 =	sand.u32 $0x1, s1  }
0x5: {  	s29 =	sshll.u32 s0, $0x1;
	s5 =	sshrl.u32 s0, $0x2;
	s1 =	rddreg [dreg:$0x1]  }
0x6: {  	v0 =	vlaneseq.u32;
	[smem:$0x7FF] =	sst s2;
	s4 =	sor.u32 s3, s29;
	s8 =	smul.u32 $0x12000, s5  }
0x7: {  	v1 =	vimm.f32 $0.0e+00;
	v2 =	vimm.f32 $1.000000000e+00;
	v4 =	vimm.s32 $0xF0;
	_ =	strace $0x80000047;
	s5 =	sshll.u32 s5, $0xA;
	s3 =	ssub.s32 $0x2, s3  }
0x8: {  	v5 =	vimm.s32 $0xE0;
	v6 =	vimm.s32 $0xD0;
	v7 =	vimm.s32 $0xC0;
	s7 =	sshll.u32 s4, $0x7;
	s4 =	sshll.u32 s4, $0x4;
	s30 =	sshrl.u32 s3, $0x1  }
0x9: {  	v8 =	vimm.s32 $0xB0;
	v9 =	vimm.s32 $0xA0;
	v10 =	vimm.s32 $0x90;
	s7 =	sand.u32 $0x380, s7;
	s4 =	sadd.s32 s4, s6;
	s31 =	ssub.s32 s3, s30  }
0xa: {  	v11 =	vimm.s32 $0x80;
	v12 =	vimm.s32 $0x70;
	v13 =	vimm.s32 $0x60;
	s8 =	sor.u32 s8, s7;
	s5 =	sor.u32 s5, s7;
	s4 =	sadd.s32 $0x1A00, s4  }
0xb: {  	v14 =	vimm.s32 $0x50;
	v15 =	vimm.s32 $0x40;
	v3 =	vmul.u32 $0xFFFFFFFF, v0;
	s7 =	simm.s32 $0x80;
	s8 =	sshrl.u32 s8, $0x3;
	s5 =	sshrl.u32 s5, $0x3  }
0xc: {  	v16 =	vimm.s32 $0x30;
	v17 =	vimm.s32 $0x20;
	v18 =	vimm.s32 $0x10;
	s8 =	sadd.s32 s8, s6;
	s5 =	sadd.s32 s5, s6;
	s6 =	smax.u32 s31, $0x1  }
0xd: {  	v19 =	vimm.s32 $0xF;
	v0 =	vimm.s32 $0x2;
	v3 =	vadd.s32 $0xF, v3;
	s3 =	sadd.s32 $0x1C00, s8;
	s5 =	sadd.s32 $0xAC00, s5;
	s8 =	simm.s32 $0x400  }
.LBB2_1:
0xe: {  	[tilespmem:s2], [sflag:$0x1] =	stream.strided.gather [hbm4b:s3+s7], $0x2400, s8, s7, $0x38;
	[tilespmem:$0x2700] =	vst v63  }
0xf: {  	_ =	swait.ge [sflag:s9], $0x2400  }
0x10: {  	[sflag:s9] =	ssyncset.done $0x0  }
0x11: {  	[sflag:s9] =	ssyncadd.s32 $0xFFFFDC00  }
0x12: {  	[tilespmem:s10], [sflag:$0x1] =	stream.linear.gather [hbm4b:s4+s2], $0x80, $0x38;
	[tilespmem:$0x2700] =	vst v63  }
0x13: {  	_ =	swait.ge [sflag:s9], $0x80  }
0x14: {  	[sflag:s9] =	ssyncset.done $0x0  }
0x15: {  	[sflag:s9] =	ssyncadd.s32 $0xFFFFFF80  }
0x16: {  	v20 =	vld.idx.msk [tilespmem:v0+s10+$0x0], $0xffff;
	[tilespmem:$0x2480] =	vst v1  }
0x17: {  	[tilespmem:$0x2490] =	vst v1  }
0x18: {  	[tilespmem:$0x24A0] =	vst v1  }
0x19: {  	[tilespmem:$0x24B0] =	vst v1  }
0x1a: {  	[tilespmem:$0x24C0] =	vst v1  }
0x1b: {  	[tilespmem:$0x24D0] =	vst v1  }
0x1c: {  	[tilespmem:$0x24E0] =	vst v1  }
0x1d: {  	[tilespmem:$0x24F0] =	vst v1  }
0x1e: {  	[tilespmem:$0x2500] =	vst v1  }
0x1f: {  	[tilespmem:$0x2510] =	vst v1  }
0x20: {  	[tilespmem:$0x2520] =	vst v1  }
0x21: {  	[tilespmem:$0x2530] =	vst v1  }
0x22: {  	[tilespmem:$0x2540] =	vst v1  }
0x23: {  	[tilespmem:$0x2550] =	vst v1  }
0x24: {  	[tilespmem:$0x2560] =	vst v1  }
0x25: {  	s15 =	simm.s32 $0x40;
	[tilespmem:$0x2570] =	vst v1  }
0x26: {  	v21 =	vld [tilespmem:s15+$0x30]  }
0x27: {  	v22 =	vld [tilespmem:s15+$0xFFFFFFD0]  }
0x28: {  	v23 =	vld [tilespmem:s15+$0xFFFFFFE0]  }
0x29: {  	v24 =	vld [tilespmem:s15+$0xFFFFFFF0]  }
0x2a: {  	v25 =	vld [tilespmem:s15+$0x0]  }
0x2b: {  	v21 =	vshrl.u32 v21, $0x17  }
0x2c: {  	v22 =	vshrl.u32 v22, $0x17;
	v21 =	vand.u32 $0xFF, v21  }
0x2d: {  	v26 =	vld [tilespmem:s15+$0x10];
	v23 =	vshrl.u32 v23, $0x17;
	v22 =	vand.u32 $0xFF, v22  }
0x2e: {  	v27 =	vld [tilespmem:s15+$0x20];
	v24 =	vshrl.u32 v24, $0x17;
	v23 =	vand.u32 $0xFF, v23  }
0x2f: {  	v28 =	vld [tilespmem:s15+$0xFFFFFFC0];
	v25 =	vshrl.u32 v25, $0x17;
	v24 =	vand.u32 $0xFF, v24  }
0x30: {  	v25 =	vand.u32 $0xFF, v25  }
0x31: {  	[tilespmem:v21+s11+$0x0] =	vst.idx.add.f32.msk $0xffff, v2  }
0x32: {  	[tilespmem:v22+s11+$0x0] =	vst.idx.add.f32.msk $0xffff, v2  }
0x33: {  	[tilespmem:v23+s11+$0x0] =	vst.idx.add.f32.msk $0xffff, v2  }
0x34: {  	v21 =	vshrl.u32 v26, $0x17;
	v22 =	vshrl.u32 v27, $0x17;
	v23 =	vshrl.u32 v28, $0x17;
	[tilespmem:v24+s11+$0x0] =	vst.idx.add.f32.msk $0xffff, v2  }
0x35: {  	s16 =	simm.s32 $0xC0;
	s15 =	simm.s32 $0x0;
	[tilespmem:v25+s11+$0x0] =	vst.idx.add.f32.msk $0xffff, v2;
	v21 =	vand.u32 $0xFF, v21;
	v22 =	vand.u32 $0xFF, v22;
	v23 =	vand.u32 $0xFF, v23  }
.LBB2_2:
0x36: {  	v24 =	vld [tilespmem:s16+$0x30];
	s15 =	sadd.s32 $0x8, s15  }
0x37: {  	v25 =	vld [tilespmem:s16+$0xFFFFFFD0];
	p0 =	slt.u32 s15, $0x238  }
0x38: {  	v26 =	vld [tilespmem:s16+$0xFFFFFFE0]  }
0x39: {  	v27 =	vld [tilespmem:s16+$0xFFFFFFF0]  }
0x3a: {  	v28 =	vld [tilespmem:s16+$0x0]  }
0x3b: {  	v29 =	vld [tilespmem:s16+$0x10];
	v24 =	vshrl.u32 v24, $0x17  }
0x3c: {  	v25 =	vshrl.u32 v25, $0x17;
	v30 =	vld [tilespmem:s16+$0x20];
	v24 =	vand.u32 $0xFF, v24  }
0x3d: {  	v31 =	vld [tilespmem:s16+$0xFFFFFFC0];
	v25 =	vand.u32 $0xFF, v25;
	v26 =	vshrl.u32 v26, $0x17  }
0x3e: {  	v26 =	vand.u32 $0xFF, v26;
	v27 =	vshrl.u32 v27, $0x17;
	[tilespmem:v23+s11+$0x0] =	vst.idx.add.f32.msk $0xffff, v2  }
0x3f: {  	v27 =	vand.u32 $0xFF, v27;
	v23 =	vshrl.u32 v28, $0x17;
	[tilespmem:v21+s11+$0x0] =	vst.idx.add.f32.msk $0xffff, v2  }
0x40: {  	v28 =	vand.u32 $0xFF, v23;
	v21 =	vshrl.u32 v29, $0x17;
	[tilespmem:v22+s11+$0x0] =	vst.idx.add.f32.msk $0xffff, v2  }
.Ltmp0:
0x41: {  	v21 =	vand.u32 $0xFF, v21;
	v22 =	vshrl.u32 v30, $0x17;
	[tilespmem:v24+s11+$0x0] =	vst.idx.add.f32.msk $0xffff, v2;
	(pc) =	sbr.rel @p0 .LBB2_2-.Ltmp0, $4  }
0x42: {  	v23 =	vshrl.u32 v31, $0x17;
	[tilespmem:v25+s11+$0x0] =	vst.idx.add.f32.msk $0xffff, v2;
	v22 =	vand.u32 $0xFF, v22  }
0x43: {  	v23 =	vand.u32 $0xFF, v23;
	[tilespmem:v26+s11+$0x0] =	vst.idx.add.f32.msk $0xffff, v2  }
0x44: {  	[tilespmem:v27+s11+$0x0] =	vst.idx.add.f32.msk $0xffff, v2  }
0x45: {  	s16 =	sadd.s32 $0x80, s16;
	[tilespmem:v28+s11+$0x0] =	vst.idx.add.f32.msk $0xffff, v2  }
0x46: {  	_ =	sdelay $0x3  }
0x47: {  	[tilespmem:v23+s11+$0x0] =	vst.idx.add.f32.msk $0xffff, v2  }
0x48: {  	[tilespmem:v21+s11+$0x0] =	vst.idx.add.f32.msk $0xffff, v2  }
0x49: {  	[tilespmem:v22+s11+$0x0] =	vst.idx.add.f32.msk $0xffff, v2  }
0x4a: {  	v21 =	vld [tilespmem:$0x2570];
	_ =	sdelay $0x4  }
0x4b: {  	v21 =	vperm.xlane v21, v3;
	_ =	sdelay $0x1  }
0x4c: {  	(xrf2) =	vadd.scan.msk.f32 $0xffff, v21  }
0x4d: {  	v21 =	vld [tilespmem:$0x2560];
	_ =	sdelay $0x4  }
0x4e: {  	v21 =	vperm.xlane v21, v3;
	_ =	sdelay $0x1  }
0x4f: {  	(xrf2) =	vadd.scan.msk.f32 $0xffff, v21;
	v21 =	vld [tilespmem:$0x2550];
	_ =	sdelay $0x1  }
0x50: {  	v22, _, _ =	vpop (xrf2)  }
0x51: {  	v22 =	vperm.xlane v22, v3;
	_ =	sdelay $0x1  }
0x52: {  	v21 =	vperm.xlane v21, v3;
	v23 =	vadd.f32 $0.0e+00, v22;
	_ =	sdelay $0x1  }
0x53: {  	(xrf2) =	vadd.scan.msk.f32 $0xffff, v21;
	v21 =	vld [tilespmem:$0x2540];
	[tilespmem:$0x2670] =	vst v23  }
0x54: {  	v23 =	vld.idx.msk [tilespmem:v4+s12+$0x0], $0xffff;
	_ =	sdelay $0x1  }
0x55: {  	v24, _, _ =	vpop (xrf2)  }
0x56: {  	v24 =	vperm.xlane v24, v3;
	_ =	sdelay $0x1  }
0x57: {  	v21 =	vperm.xlane v21, v3;
	v23 =	vadd.f32 v24, v23;
	_ =	sdelay $0x1  }
0x58: {  	(xrf2) =	vadd.scan.msk.f32 $0xffff, v21;
	v21 =	vld [tilespmem:$0x2530];
	[tilespmem:$0x2660] =	vst v23  }
0x59: {  	v24 =	vld.idx.msk [tilespmem:v5+s12+$0x0], $0xffff;
	_ =	sdelay $0x1  }
0x5a: {  	v25, _, _ =	vpop (xrf2)  }
0x5b: {  	v25 =	vperm.xlane v25, v3;
	_ =	sdelay $0x1  }
0x5c: {  	v21 =	vperm.xlane v21, v3;
	v24 =	vadd.f32 v25, v24;
	_ =	sdelay $0x1  }
0x5d: {  	(xrf2) =	vadd.scan.msk.f32 $0xffff, v21;
	v21 =	vld [tilespmem:$0x2520];
	[tilespmem:$0x2650] =	vst v24  }
0x5e: {  	v25 =	vld.idx.msk [tilespmem:v6+s12+$0x0], $0xffff;
	_ =	sdelay $0x1  }
0x5f: {  	v26, _, _ =	vpop (xrf2)  }
0x60: {  	v26 =	vperm.xlane v26, v3;
	_ =	sdelay $0x1  }
0x61: {  	v21 =	vperm.xlane v21, v3;
	v25 =	vadd.f32 v26, v25;
	_ =	sdelay $0x1  }
0x62: {  	(xrf2) =	vadd.scan.msk.f32 $0xffff, v21;
	v21 =	vld [tilespmem:$0x2510];
	[tilespmem:$0x2640] =	vst v25  }
0x63: {  	v26 =	vld.idx.msk [tilespmem:v7+s12+$0x0], $0xffff;
	_ =	sdelay $0x1  }
0x64: {  	v27, _, _ =	vpop (xrf2)  }
0x65: {  	v27 =	vperm.xlane v27, v3;
	_ =	sdelay $0x1  }
0x66: {  	v21 =	vperm.xlane v21, v3;
	v26 =	vadd.f32 v27, v26;
	_ =	sdelay $0x1  }
0x67: {  	(xrf2) =	vadd.scan.msk.f32 $0xffff, v21;
	v21 =	vld [tilespmem:$0x2500];
	[tilespmem:$0x2630] =	vst v26  }
0x68: {  	v27 =	vld.idx.msk [tilespmem:v8+s12+$0x0], $0xffff;
	_ =	sdelay $0x1  }
0x69: {  	v28, _, _ =	vpop (xrf2)  }
0x6a: {  	v28 =	vperm.xlane v28, v3;
	_ =	sdelay $0x1  }
0x6b: {  	v21 =	vperm.xlane v21, v3;
	v27 =	vadd.f32 v28, v27;
	_ =	sdelay $0x1  }
0x6c: {  	(xrf2) =	vadd.scan.msk.f32 $0xffff, v21;
	v21 =	vld [tilespmem:$0x24F0];
	[tilespmem:$0x2620] =	vst v27  }
0x6d: {  	v28 =	vld.idx.msk [tilespmem:v9+s12+$0x0], $0xffff;
	_ =	sdelay $0x1  }
0x6e: {  	v29, _, _ =	vpop (xrf2)  }
0x6f: {  	v29 =	vperm.xlane v29, v3;
	_ =	sdelay $0x1  }
0x70: {  	v21 =	vperm.xlane v21, v3;
	v28 =	vadd.f32 v29, v28;
	_ =	sdelay $0x1  }
0x71: {  	(xrf2) =	vadd.scan.msk.f32 $0xffff, v21;
	v21 =	vld [tilespmem:$0x24E0];
	[tilespmem:$0x2610] =	vst v28  }
0x72: {  	v29 =	vld.idx.msk [tilespmem:v10+s12+$0x0], $0xffff;
	_ =	sdelay $0x1  }
0x73: {  	v30, _, _ =	vpop (xrf2)  }
0x74: {  	v30 =	vperm.xlane v30, v3;
	_ =	sdelay $0x1  }
0x75: {  	v21 =	vperm.xlane v21, v3;
	v29 =	vadd.f32 v30, v29;
	_ =	sdelay $0x1  }
0x76: {  	(xrf2) =	vadd.scan.msk.f32 $0xffff, v21;
	v21 =	vld [tilespmem:$0x24D0];
	[tilespmem:$0x2600] =	vst v29  }
0x77: {  	v30 =	vld.idx.msk [tilespmem:v11+s12+$0x0], $0xffff;
	_ =	sdelay $0x1  }
0x78: {  	v31, _, _ =	vpop (xrf2)  }
0x79: {  	v31 =	vperm.xlane v31, v3;
	_ =	sdelay $0x1  }
0x7a: {  	v21 =	vperm.xlane v21, v3;
	v30 =	vadd.f32 v31, v30;
	_ =	sdelay $0x1  }
0x7b: {  	(xrf2) =	vadd.scan.msk.f32 $0xffff, v21;
	v21 =	vld [tilespmem:$0x24C0];
	[tilespmem:$0x25F0] =	vst v30  }
0x7c: {  	v31 =	vld.idx.msk [tilespmem:v12+s12+$0x0], $0xffff;
	_ =	sdelay $0x1  }
0x7d: {  	v32, _, _ =	vpop (xrf2)  }
0x7e: {  	v32 =	vperm.xlane v32, v3;
	_ =	sdelay $0x1  }
0x7f: {  	v21 =	vperm.xlane v21, v3;
	v31 =	vadd.f32 v32, v31;
	_ =	sdelay $0x1  }
0x80: {  	(xrf2) =	vadd.scan.msk.f32 $0xffff, v21;
	v21 =	vld [tilespmem:$0x24B0];
	[tilespmem:$0x25E0] =	vst v31  }
0x81: {  	v56 =	vld.idx.msk [tilespmem:v13+s12+$0x0], $0xffff;
	_ =	sdelay $0x1  }
0x82: {  	v33, _, _ =	vpop (xrf2)  }
0x83: {  	v33 =	vperm.xlane v33, v3;
	_ =	sdelay $0x1  }
0x84: {  	v21 =	vperm.xlane v21, v3;
	v32 =	vadd.f32 v33, v56;
	_ =	sdelay $0x1  }
0x85: {  	(xrf2) =	vadd.scan.msk.f32 $0xffff, v21;
	v21 =	vld [tilespmem:$0x24A0];
	[tilespmem:$0x25D0] =	vst v32  }
0x86: {  	v57 =	vld.idx.msk [tilespmem:v14+s12+$0x0], $0xffff;
	_ =	sdelay $0x1  }
0x87: {  	v34, _, _ =	vpop (xrf2)  }
0x88: {  	v34 =	vperm.xlane v34, v3;
	_ =	sdelay $0x1  }
0x89: {  	v21 =	vperm.xlane v21, v3;
	v33 =	vadd.f32 v34, v57;
	_ =	sdelay $0x1  }
0x8a: {  	(xrf2) =	vadd.scan.msk.f32 $0xffff, v21;
	v21 =	vld [tilespmem:$0x2490];
	[tilespmem:$0x25C0] =	vst v33  }
0x8b: {  	v58 =	vld.idx.msk [tilespmem:v15+s12+$0x0], $0xffff;
	_ =	sdelay $0x1  }
0x8c: {  	v35, _, _ =	vpop (xrf2)  }
0x8d: {  	v35 =	vperm.xlane v35, v3;
	_ =	sdelay $0x1  }
0x8e: {  	v21 =	vperm.xlane v21, v3;
	v34 =	vadd.f32 v35, v58;
	_ =	sdelay $0x1  }
0x8f: {  	(xrf2) =	vadd.scan.msk.f32 $0xffff, v21;
	v21 =	vld [tilespmem:$0x2480];
	[tilespmem:$0x25B0] =	vst v34  }
0x90: {  	v59 =	vld.idx.msk [tilespmem:v16+s12+$0x0], $0xffff;
	_ =	sdelay $0x1  }
0x91: {  	v36, _, _ =	vpop (xrf2)  }
0x92: {  	v36 =	vperm.xlane v36, v3  }
0x93: {  	v20 =	vmul.f32 $3.000000000e+00, v20  }
0x94: {  	v21 =	vperm.xlane v21, v3;
	v35 =	vadd.f32 v36, v59  }
0x95: {  	v20 =	vmin.f32 v20, $8.731000000e+03  }
0x96: {  	vm0 =	vge.f32 v22, v20;
	(xrf2) =	vadd.scan.msk.f32 $0xffff, v21;
	[tilespmem:$0x25A0] =	vst v35  }
0x97: {  	v22 =	vmpcnt.ones.xlane vm0;
	vm0 =	vge.f32 v23, v20;
	vm1 =	vge.f32 v25, v20;
	v23 =	vld.idx.msk [tilespmem:v17+s12+$0x0], $0xffff  }
0x98: {  	v60 =	vmpcnt.ones.xlane vm1  }
0x99: {  	vm1 =	vge.f32 v27, v20;
	v21 =	vmpcnt.ones.xlane vm0;
	vm0 =	vge.f32 v24, v20;
	v24, _, _ =	vpop (xrf2)  }
0x9a: {  	v25 =	vmpcnt.ones.xlane vm0;
	vm0 =	vge.f32 v26, v20;
	v24 =	vperm.xlane v24, v3  }
0x9b: {  	v27 =	vmpcnt.ones.xlane vm1;
	v26 =	vmpcnt.ones.xlane vm0;
	v21 =	vadd.s32 v21, v22  }
0x9c: {  	vm0 =	vge.f32 v28, v20;
	v21 =	vadd.s32 v25, v21;
	v22 =	vadd.f32 v24, v23  }
0x9d: {  	v21 =	vadd.s32 v60, v21;
	v23 =	vmpcnt.ones.xlane vm0;
	vm0 =	vge.f32 v29, v20  }
0x9e: {  	v21 =	vadd.s32 v26, v21;
	v24 =	vmpcnt.ones.xlane vm0;
	vm0 =	vge.f32 v30, v20;
	[tilespmem:$0x2590] =	vst v22  }
0x9f: {  	v21 =	vadd.s32 v27, v21;
	v25 =	vmpcnt.ones.xlane vm0;
	vm0 =	vge.f32 v31, v20;
	v26 =	vld.idx.msk [tilespmem:v18+s12+$0x0], $0xffff  }
0xa0: {  	vm1 =	vge.f32 v34, v20;
	v28, _, _ =	vpop (xrf2);
	v21 =	vadd.s32 v23, v21;
	v27 =	vmpcnt.ones.xlane vm0  }
0xa1: {  	vm0 =	vge.f32 v32, v20;
	v21 =	vadd.s32 v24, v21;
	v24 =	vperm.xlane v28, v3  }
0xa2: {  	v23 =	vmpcnt.ones.xlane vm0;
	vm0 =	vge.f32 v33, v20;
	v21 =	vadd.s32 v25, v21  }
0xa3: {  	v28 =	vmpcnt.ones.xlane vm1;
	v25 =	vmpcnt.ones.xlane vm0;
	v21 =	vadd.s32 v27, v21  }
0xa4: {  	vm0 =	vge.f32 v35, v20;
	v21 =	vadd.s32 v23, v21;
	v24 =	vadd.f32 v24, v26  }
0xa5: {  	v23 =	vmpcnt.ones.xlane vm0;
	vm0 =	vge.f32 v22, v20;
	v21 =	vadd.s32 v25, v21  }
0xa6: {  	v22 =	vmpcnt.ones.xlane vm0;
	v21 =	vadd.s32 v28, v21;
	vm0 =	vge.f32 v24, v20  }
0xa7: {  	v21 =	vadd.s32 v23, v21;
	v25 =	vmpcnt.ones.xlane vm0  }
0xa8: {  	v21 =	vadd.s32 v22, v21  }
0xa9: {  	v21 =	vadd.s32 v25, v21  }
0xaa: {  	v21 =	vadd.s32 $0xFFFFFFFF, v21;
	_ =	sdelay $0x3  }
0xab: {  	[tilespmem:$0x2580] =	vst v24  }
0xac: {  	v22 =	vld.idx.msk [tilespmem:v21+s11+$0x0], $0xffff  }
0xad: {  	v23 =	vld.idx.msk [tilespmem:v21+s12+$0x0], $0xffff;
	[tilespmem:$0x2480] =	vst v1  }
0xae: {  	[tilespmem:$0x2490] =	vst v1  }
0xaf: {  	[tilespmem:$0x24A0] =	vst v1  }
0xb0: {  	[tilespmem:$0x24B0] =	vst v1  }
0xb1: {  	[tilespmem:$0x24C0] =	vst v1  }
0xb2: {  	[tilespmem:$0x24D0] =	vst v1  }
0xb3: {  	[tilespmem:$0x24E0] =	vst v1  }
0xb4: {  	[tilespmem:$0x24F0] =	vst v1  }
0xb5: {  	[tilespmem:$0x2500] =	vst v1  }
0xb6: {  	[tilespmem:$0x2510] =	vst v1  }
0xb7: {  	[tilespmem:$0x2520] =	vst v1  }
0xb8: {  	[tilespmem:$0x2530] =	vst v1  }
0xb9: {  	[tilespmem:$0x2540] =	vst v1  }
0xba: {  	[tilespmem:$0x2550] =	vst v1  }
0xbb: {  	[tilespmem:$0x2560] =	vst v1  }
0xbc: {  	s15 =	simm.s32 $0x40;
	[tilespmem:$0x2570] =	vst v1  }
0xbd: {  	v25 =	vld [tilespmem:s15+$0xFFFFFFC0]  }
0xbe: {  	v27 =	vld [tilespmem:s15+$0xFFFFFFE0];
	_ =	sdelay $0x2  }
0xbf: {  	v21 =	vshll.u32 v21, $0x17;
	v29 =	vld [tilespmem:s15+$0xFFFFFFF0]  }
0xc0: {  	v24 =	vshra.s32 v21, $0x17;
	v31 =	vld [tilespmem:s15+$0x20];
	v26 =	vshra.s32 v25, $0x17  }
0xc1: {  	v61 =	vld [tilespmem:s15+$0x30];
	v25 =	vshrl.u32 v25, $0xF;
	v28 =	vshra.s32 v27, $0x17;
	vm3 =	veq.s32 v26, v24  }
0xc2: {  	v27 =	vshrl.u32 v27, $0xF;
	v62 =	vand.u32 $0xFF, v25;
	vm2 =	veq.s32 v28, v24  }
0xc3: {  	v25 =	vld [tilespmem:s15+$0xFFFFFFD0];
	v28 =	vand.u32 $0xFF, v27;
	_ =	sdelay $0x1  }
0xc4: {  	v63 =	vshra.s32 v31, $0x17;
	v26 =	vshrl.u32 v29, $0xF;
	v27 =	vshra.s32 v29, $0x17;
	v29 =	vld [tilespmem:s15+$0x10]  }
0xc5: {  	v30 =	vld [tilespmem:s15+$0x0];
	v32 =	vshra.s32 v61, $0x17;
	vm0 =	veq.s32 v27, v24;
	v27 =	vshrl.u32 v31, $0xF  }
0xc6: {  	s16 =	simm.s32 $0xC0;
	vm1 =	veq.s32 v63, v24;
	s15 =	simm.s32 $0x0;
	v31 =	vshrl.u32 v61, $0xF;
	v27 =	vand.u32 $0xFF, v27;
	[tilespmem:v62+s11+$0x0] =	vst.idx.add.f32.msk vm3, v2  }
.LBB2_4:
0xc7: {  	s15 =	sadd.s32 $0x8, s15;
	v33 =	vshra.s32 v25, $0x17;
	[tilespmem:v28+s11+$0x0] =	vst.idx.add.f32.msk vm2, v2;
	vm3 =	veq.s32 v32, v24  }
0xc8: {  	v25 =	vshrl.u32 v25, $0xF;
	v28 =	vand.u32 $0xFF, v26;
	v32 =	vld [tilespmem:s16+$0xFFFFFFF0];
	p0 =	slt.u32 s15, $0x238;
	vm4 =	veq.s32 v33, v24  }
0xc9: {  	v31 =	vand.u32 $0xFF, v31;
	v34 =	vand.u32 $0xFF, v25;
	v33 =	vld [tilespmem:s16+$0xFFFFFFE0];
	v25 =	vshra.s32 v29, $0x17  }
0xca: {  	v29 =	vshrl.u32 v29, $0xF;
	v35 =	vld [tilespmem:s16+$0xFFFFFFC0];
	v26 =	vshra.s32 v30, $0x17;
	vm5 =	veq.s32 v25, v24  }
0xcb: {  	v25 =	vshrl.u32 v30, $0xF;
	v29 =	vand.u32 $0xFF, v29;
	v36 =	vld [tilespmem:s16+$0x30];
	vm6 =	veq.s32 v26, v24  }
0xcc: {  	v30 =	vand.u32 $0xFF, v25;
	v37 =	vld [tilespmem:s16+$0x20]  }
0xcd: {  	v25 =	vld [tilespmem:s16+$0xFFFFFFD0];
	v26 =	vshrl.u32 v32, $0xF  }
0xce: {  	[tilespmem:v28+s11+$0x0] =	vst.idx.add.f32.msk vm0, v2  }
0xcf: {  	v38 =	vshrl.u32 v33, $0xF;
	v33 =	vshra.s32 v33, $0x17;
	v28 =	vshra.s32 v35, $0x17;
	[tilespmem:v27+s11+$0x0] =	vst.idx.add.f32.msk vm1, v2  }
0xd0: {  	v27 =	vshrl.u32 v35, $0xF;
	vm2 =	veq.s32 v33, v24;
	vm7 =	veq.s32 v28, v24;
	[tilespmem:v29+s11+$0x0] =	vst.idx.add.f32.msk vm5, v2  }
0xd1: {  	v27 =	vand.u32 $0xFF, v27;
	v28 =	vand.u32 $0xFF, v38;
	[tilespmem:v30+s11+$0x0] =	vst.idx.add.f32.msk vm6, v2  }
.Ltmp1:
0xd2: {  	v29 =	vshra.s32 v32, $0x17;
	[tilespmem:v31+s11+$0x0] =	vst.idx.add.f32.msk vm3, v2;
	(pc) =	sbr.rel @p0 .LBB2_4-.Ltmp1, $4  }
0xd3: {  	vm0 =	veq.s32 v29, v24;
	[tilespmem:v34+s11+$0x0] =	vst.idx.add.f32.msk vm4, v2  }
0xd4: {  	v31 =	vshra.s32 v37, $0x17;
	v29 =	vld [tilespmem:s16+$0x10]  }
0xd5: {  	v32 =	vshrl.u32 v37, $0xF;
	vm1 =	veq.s32 v31, v24;
	v30 =	vld [tilespmem:s16+$0x0]  }
0xd6: {  	v31 =	vshrl.u32 v36, $0xF;
	s16 =	sadd.s32 $0x80, s16;
	[tilespmem:v27+s11+$0x0] =	vst.idx.add.f32.msk vm7, v2;
	v27 =	vand.u32 $0xFF, v32;
	v32 =	vshra.s32 v36, $0x17  }
0xd7: {  	_ =	sdelay $0x3  }
0xd8: {  	v26 =	vand.u32 $0xFF, v26;
	v48 =	vshra.s32 v25, $0x17  }
0xd9: {  	[tilespmem:v28+s11+$0x0] =	vst.idx.add.f32.msk vm2, v2;
	v25 =	vshrl.u32 v25, $0xF;
	vm2 =	veq.s32 v48, v24;
	v33 =	vshra.s32 v29, $0x17  }
0xda: {  	v25 =	vand.u32 $0xFF, v25;
	v29 =	vshrl.u32 v29, $0xF;
	vm3 =	veq.s32 v33, v24  }
0xdb: {  	vm5 =	veq.s32 v32, v24;
	v34 =	vshra.s32 v30, $0x17;
	v29 =	vand.u32 $0xFF, v29  }
0xdc: {  	v30 =	vshrl.u32 v30, $0xF;
	vm4 =	veq.s32 v34, v24;
	v24 =	vand.u32 $0xFF, v31  }
0xdd: {  	[tilespmem:v27+s11+$0x0] =	vst.idx.add.f32.msk vm1, v2;
	v30 =	vand.u32 $0xFF, v30  }
0xde: {  	[tilespmem:v26+s11+$0x0] =	vst.idx.add.f32.msk vm0, v2  }
0xdf: {  	[tilespmem:v25+s11+$0x0] =	vst.idx.add.f32.msk vm2, v2  }
0xe0: {  	[tilespmem:v29+s11+$0x0] =	vst.idx.add.f32.msk vm3, v2  }
0xe1: {  	[tilespmem:v24+s11+$0x0] =	vst.idx.add.f32.msk vm5, v2  }
0xe2: {  	[tilespmem:v30+s11+$0x0] =	vst.idx.add.f32.msk vm4, v2  }
0xe3: {  	v24 =	vld [tilespmem:$0x2570];
	_ =	sdelay $0x4  }
0xe4: {  	v24 =	vperm.xlane v24, v3;
	_ =	sdelay $0x1  }
0xe5: {  	(xrf2) =	vadd.scan.msk.f32 $0xffff, v24  }
0xe6: {  	v24 =	vld [tilespmem:$0x2560];
	_ =	sdelay $0x4  }
0xe7: {  	v24 =	vperm.xlane v24, v3;
	_ =	sdelay $0x1  }
0xe8: {  	(xrf2) =	vadd.scan.msk.f32 $0xffff, v24;
	v24 =	vld [tilespmem:$0x2550];
	_ =	sdelay $0x1  }
0xe9: {  	v25, _, _ =	vpop (xrf2)  }
0xea: {  	v25 =	vperm.xlane v25, v3;
	_ =	sdelay $0x1  }
0xeb: {  	v24 =	vperm.xlane v24, v3;
	v26 =	vadd.f32 $0.0e+00, v25;
	_ =	sdelay $0x1  }
0xec: {  	(xrf2) =	vadd.scan.msk.f32 $0xffff, v24;
	v24 =	vld [tilespmem:$0x2540];
	[tilespmem:$0x2670] =	vst v26  }
0xed: {  	v26 =	vld.idx.msk [tilespmem:v4+s12+$0x0], $0xffff;
	_ =	sdelay $0x1  }
0xee: {  	v27, _, _ =	vpop (xrf2)  }
0xef: {  	v27 =	vperm.xlane v27, v3;
	_ =	sdelay $0x1  }
0xf0: {  	v24 =	vperm.xlane v24, v3;
	v26 =	vadd.f32 v27, v26;
	_ =	sdelay $0x1  }
0xf1: {  	(xrf2) =	vadd.scan.msk.f32 $0xffff, v24;
	v24 =	vld [tilespmem:$0x2530];
	[tilespmem:$0x2660] =	vst v26  }
0xf2: {  	v27 =	vld.idx.msk [tilespmem:v5+s12+$0x0], $0xffff;
	_ =	sdelay $0x1  }
0xf3: {  	v28, _, _ =	vpop (xrf2)  }
0xf4: {  	v28 =	vperm.xlane v28, v3;
	_ =	sdelay $0x1  }
0xf5: {  	v24 =	vperm.xlane v24, v3;
	v27 =	vadd.f32 v28, v27;
	_ =	sdelay $0x1  }
0xf6: {  	(xrf2) =	vadd.scan.msk.f32 $0xffff, v24;
	v24 =	vld [tilespmem:$0x2520];
	[tilespmem:$0x2650] =	vst v27  }
0xf7: {  	v28 =	vld.idx.msk [tilespmem:v6+s12+$0x0], $0xffff;
	_ =	sdelay $0x1  }
0xf8: {  	v29, _, _ =	vpop (xrf2)  }
0xf9: {  	v29 =	vperm.xlane v29, v3;
	_ =	sdelay $0x1  }
0xfa: {  	v24 =	vperm.xlane v24, v3;
	v28 =	vadd.f32 v29, v28;
	_ =	sdelay $0x1  }
0xfb: {  	(xrf2) =	vadd.scan.msk.f32 $0xffff, v24;
	v24 =	vld [tilespmem:$0x2510];
	[tilespmem:$0x2640] =	vst v28  }
0xfc: {  	v29 =	vld.idx.msk [tilespmem:v7+s12+$0x0], $0xffff;
	_ =	sdelay $0x1  }
0xfd: {  	v30, _, _ =	vpop (xrf2)  }
0xfe: {  	v30 =	vperm.xlane v30, v3;
	_ =	sdelay $0x1  }
0xff: {  	v24 =	vperm.xlane v24, v3;
	v29 =	vadd.f32 v30, v29;
	_ =	sdelay $0x1  }
0x100: {  	(xrf2) =	vadd.scan.msk.f32 $0xffff, v24;
	v24 =	vld [tilespmem:$0x2500];
	[tilespmem:$0x2630] =	vst v29  }
0x101: {  	v30 =	vld.idx.msk [tilespmem:v8+s12+$0x0], $0xffff;
	_ =	sdelay $0x1  }
0x102: {  	v31, _, _ =	vpop (xrf2)  }
0x103: {  	v31 =	vperm.xlane v31, v3;
	_ =	sdelay $0x1  }
0x104: {  	v24 =	vperm.xlane v24, v3;
	v30 =	vadd.f32 v31, v30;
	_ =	sdelay $0x1  }
0x105: {  	(xrf2) =	vadd.scan.msk.f32 $0xffff, v24;
	v24 =	vld [tilespmem:$0x24F0];
	[tilespmem:$0x2620] =	vst v30  }
0x106: {  	v31 =	vld.idx.msk [tilespmem:v9+s12+$0x0], $0xffff;
	_ =	sdelay $0x1  }
0x107: {  	v49, _, _ =	vpop (xrf2)  }
0x108: {  	v32 =	vperm.xlane v49, v3;
	_ =	sdelay $0x1  }
0x109: {  	v24 =	vperm.xlane v24, v3;
	v31 =	vadd.f32 v32, v31;
	_ =	sdelay $0x1  }
0x10a: {  	(xrf2) =	vadd.scan.msk.f32 $0xffff, v24;
	v24 =	vld [tilespmem:$0x24E0];
	[tilespmem:$0x2610] =	vst v31  }
0x10b: {  	v50 =	vld.idx.msk [tilespmem:v10+s12+$0x0], $0xffff;
	_ =	sdelay $0x1  }
0x10c: {  	v51, _, _ =	vpop (xrf2)  }
0x10d: {  	v33 =	vperm.xlane v51, v3;
	_ =	sdelay $0x1  }
0x10e: {  	v24 =	vperm.xlane v24, v3;
	v32 =	vadd.f32 v33, v50;
	_ =	sdelay $0x1  }
0x10f: {  	(xrf2) =	vadd.scan.msk.f32 $0xffff, v24;
	v24 =	vld [tilespmem:$0x24D0];
	[tilespmem:$0x2600] =	vst v32  }
0x110: {  	v52 =	vld.idx.msk [tilespmem:v11+s12+$0x0], $0xffff;
	_ =	sdelay $0x1  }
0x111: {  	v53, _, _ =	vpop (xrf2)  }
0x112: {  	v34 =	vperm.xlane v53, v3;
	_ =	sdelay $0x1  }
0x113: {  	v24 =	vperm.xlane v24, v3;
	v33 =	vadd.f32 v34, v52;
	_ =	sdelay $0x1  }
0x114: {  	(xrf2) =	vadd.scan.msk.f32 $0xffff, v24;
	v24 =	vld [tilespmem:$0x24C0];
	[tilespmem:$0x25F0] =	vst v33  }
0x115: {  	v54 =	vld.idx.msk [tilespmem:v12+s12+$0x0], $0xffff;
	_ =	sdelay $0x1  }
0x116: {  	v35, _, _ =	vpop (xrf2)  }
0x117: {  	v35 =	vperm.xlane v35, v3;
	_ =	sdelay $0x1  }
0x118: {  	v24 =	vperm.xlane v24, v3;
	v34 =	vadd.f32 v35, v54;
	_ =	sdelay $0x1  }
0x119: {  	(xrf2) =	vadd.scan.msk.f32 $0xffff, v24;
	v24 =	vld [tilespmem:$0x24B0];
	[tilespmem:$0x25E0] =	vst v34  }
0x11a: {  	v55 =	vld.idx.msk [tilespmem:v13+s12+$0x0], $0xffff;
	_ =	sdelay $0x1  }
0x11b: {  	v36, _, _ =	vpop (xrf2)  }
0x11c: {  	v36 =	vperm.xlane v36, v3;
	_ =	sdelay $0x1  }
0x11d: {  	v24 =	vperm.xlane v24, v3;
	v35 =	vadd.f32 v36, v55;
	_ =	sdelay $0x1  }
0x11e: {  	(xrf2) =	vadd.scan.msk.f32 $0xffff, v24;
	v24 =	vld [tilespmem:$0x24A0];
	[tilespmem:$0x25D0] =	vst v35  }
0x11f: {  	v56 =	vld.idx.msk [tilespmem:v14+s12+$0x0], $0xffff;
	_ =	sdelay $0x1  }
0x120: {  	v37, _, _ =	vpop (xrf2)  }
0x121: {  	v37 =	vperm.xlane v37, v3;
	_ =	sdelay $0x1  }
0x122: {  	v24 =	vperm.xlane v24, v3;
	v36 =	vadd.f32 v37, v56;
	_ =	sdelay $0x1  }
0x123: {  	(xrf2) =	vadd.scan.msk.f32 $0xffff, v24;
	v24 =	vld [tilespmem:$0x2490];
	[tilespmem:$0x25C0] =	vst v36  }
0x124: {  	v57 =	vld.idx.msk [tilespmem:v15+s12+$0x0], $0xffff;
	_ =	sdelay $0x1  }
0x125: {  	v38, _, _ =	vpop (xrf2)  }
0x126: {  	v38 =	vperm.xlane v38, v3;
	_ =	sdelay $0x1  }
0x127: {  	v24 =	vperm.xlane v24, v3;
	v37 =	vadd.f32 v38, v57;
	_ =	sdelay $0x1  }
0x128: {  	(xrf2) =	vadd.scan.msk.f32 $0xffff, v24;
	v24 =	vld [tilespmem:$0x2480];
	[tilespmem:$0x25B0] =	vst v37  }
0x129: {  	v58 =	vld.idx.msk [tilespmem:v16+s12+$0x0], $0xffff;
	_ =	sdelay $0x1  }
0x12a: {  	v39, _, _ =	vpop (xrf2)  }
0x12b: {  	v22 =	vsub.f32 v23, v22;
	v23 =	vperm.xlane v39, v3;
	_ =	sdelay $0x1  }
0x12c: {  	v22 =	vsub.f32 v20, v22;
	v24 =	vperm.xlane v24, v3;
	v23 =	vadd.f32 v23, v58;
	_ =	sdelay $0x1  }
0x12d: {  	vm0 =	vge.f32 v25, v22;
	(xrf2) =	vadd.scan.msk.f32 $0xffff, v24;
	[tilespmem:$0x25A0] =	vst v23  }
0x12e: {  	v25 =	vmpcnt.ones.xlane vm0;
	vm0 =	vge.f32 v26, v22;
	vm1 =	vge.f32 v28, v22;
	v26 =	vld.idx.msk [tilespmem:v17+s12+$0x0], $0xffff  }
0x12f: {  	v59 =	vmpcnt.ones.xlane vm1  }
0x130: {  	vm1 =	vge.f32 v30, v22;
	v24 =	vmpcnt.ones.xlane vm0;
	vm0 =	vge.f32 v27, v22;
	v27, _, _ =	vpop (xrf2)  }
0x131: {  	v28 =	vmpcnt.ones.xlane vm0;
	vm0 =	vge.f32 v29, v22;
	v27 =	vperm.xlane v27, v3  }
0x132: {  	v30 =	vmpcnt.ones.xlane vm1;
	v29 =	vmpcnt.ones.xlane vm0;
	v24 =	vadd.s32 v24, v25  }
0x133: {  	vm0 =	vge.f32 v31, v22;
	v24 =	vadd.s32 v28, v24;
	v25 =	vadd.f32 v27, v26  }
0x134: {  	v24 =	vadd.s32 v59, v24;
	v26 =	vmpcnt.ones.xlane vm0;
	vm0 =	vge.f32 v32, v22  }
0x135: {  	v24 =	vadd.s32 v29, v24;
	v27 =	vmpcnt.ones.xlane vm0;
	vm0 =	vge.f32 v33, v22;
	[tilespmem:$0x2590] =	vst v25  }
0x136: {  	v24 =	vadd.s32 v30, v24;
	v28 =	vmpcnt.ones.xlane vm0;
	vm0 =	vge.f32 v34, v22;
	v29 =	vld.idx.msk [tilespmem:v18+s12+$0x0], $0xffff  }
0x137: {  	vm1 =	vge.f32 v37, v22;
	v31, _, _ =	vpop (xrf2);
	v24 =	vadd.s32 v26, v24;
	v30 =	vmpcnt.ones.xlane vm0  }
0x138: {  	vm0 =	vge.f32 v35, v22;
	v24 =	vadd.s32 v27, v24;
	v27 =	vperm.xlane v31, v3  }
0x139: {  	v26 =	vmpcnt.ones.xlane vm0;
	vm0 =	vge.f32 v36, v22;
	v24 =	vadd.s32 v28, v24  }
0x13a: {  	v31 =	vmpcnt.ones.xlane vm1;
	v28 =	vmpcnt.ones.xlane vm0;
	v24 =	vadd.s32 v30, v24  }
0x13b: {  	vm0 =	vge.f32 v23, v22;
	v24 =	vadd.s32 v26, v24;
	v23 =	vadd.f32 v27, v29  }
0x13c: {  	v26 =	vmpcnt.ones.xlane vm0;
	vm0 =	vge.f32 v25, v22;
	v24 =	vadd.s32 v28, v24  }
0x13d: {  	v25 =	vmpcnt.ones.xlane vm0;
	v24 =	vadd.s32 v31, v24;
	vm0 =	vge.f32 v23, v22  }
0x13e: {  	v24 =	vadd.s32 v26, v24;
	v27 =	vmpcnt.ones.xlane vm0  }
0x13f: {  	v24 =	vadd.s32 v25, v24  }
0x140: {  	v24 =	vadd.s32 v27, v24  }
0x141: {  	v25 =	vadd.s32 $0xFFFFFFFF, v24;
	_ =	sdelay $0x3  }
0x142: {  	[tilespmem:$0x2580] =	vst v23  }
0x143: {  	v23 =	vld.idx.msk [tilespmem:v25+s11+$0x0], $0xffff  }
0x144: {  	v24 =	vld.idx.msk [tilespmem:v25+s12+$0x0], $0xffff;
	[tilespmem:$0x2480] =	vst v1  }
0x145: {  	[tilespmem:$0x2490] =	vst v1  }
0x146: {  	[tilespmem:$0x24A0] =	vst v1  }
0x147: {  	[tilespmem:$0x24B0] =	vst v1  }
0x148: {  	[tilespmem:$0x24C0] =	vst v1  }
0x149: {  	[tilespmem:$0x24D0] =	vst v1  }
0x14a: {  	[tilespmem:$0x24E0] =	vst v1  }
0x14b: {  	[tilespmem:$0x24F0] =	vst v1  }
0x14c: {  	[tilespmem:$0x2500] =	vst v1  }
0x14d: {  	[tilespmem:$0x2510] =	vst v1  }
0x14e: {  	[tilespmem:$0x2520] =	vst v1  }
0x14f: {  	[tilespmem:$0x2530] =	vst v1  }
0x150: {  	[tilespmem:$0x2540] =	vst v1  }
0x151: {  	[tilespmem:$0x2550] =	vst v1  }
0x152: {  	[tilespmem:$0x2560] =	vst v1  }
0x153: {  	s15 =	simm.s32 $0x40;
	[tilespmem:$0x2570] =	vst v1  }
0x154: {  	v26 =	vld [tilespmem:s15+$0xFFFFFFC0]  }
0x155: {  	v28 =	vld [tilespmem:s15+$0xFFFFFFE0];
	_ =	sdelay $0x1  }
0x156: {  	v25 =	vshll.u32 v25, $0xF  }
0x157: {  	v21 =	vor.u32 v21, v25;
	v30 =	vld [tilespmem:s15+$0xFFFFFFF0]  }
0x158: {  	v60 =	vld [tilespmem:s15+$0x20];
	v25 =	vshra.s32 v21, $0xF;
	v27 =	vshra.s32 v26, $0xF  }
0x159: {  	v61 =	vld [tilespmem:s15+$0x30];
	v26 =	vshrl.u32 v26, $0x7;
	v29 =	vshra.s32 v28, $0xF;
	vm3 =	veq.s32 v27, v25  }
0x15a: {  	v28 =	vshrl.u32 v28, $0x7;
	v62 =	vand.u32 $0xFF, v26;
	vm2 =	veq.s32 v29, v25  }
0x15b: {  	v26 =	vld [tilespmem:s15+$0xFFFFFFD0];
	v29 =	vand.u32 $0xFF, v28;
	_ =	sdelay $0x1  }
0x15c: {  	v63 =	vshra.s32 v60, $0xF;
	v27 =	vshrl.u32 v30, $0x7;
	v28 =	vshra.s32 v30, $0xF;
	v30 =	vld [tilespmem:s15+$0x10]  }
0x15d: {  	v31 =	vld [tilespmem:s15+$0x0];
	v32 =	vshrl.u32 v61, $0x7;
	vm0 =	veq.s32 v28, v25;
	v28 =	vshrl.u32 v60, $0x7  }
0x15e: {  	s16 =	simm.s32 $0xC0;
	v33 =	vshra.s32 v61, $0xF;
	vm1 =	veq.s32 v63, v25;
	s15 =	simm.s32 $0x0;
	v28 =	vand.u32 $0xFF, v28;
	[tilespmem:v62+s11+$0x0] =	vst.idx.add.f32.msk vm3, v2  }
.LBB2_6:
0x15f: {  	s15 =	sadd.s32 $0x8, s15;
	v34 =	vshra.s32 v26, $0xF;
	[tilespmem:v29+s11+$0x0] =	vst.idx.add.f32.msk vm2, v2;
	vm3 =	veq.s32 v33, v25  }
0x160: {  	v26 =	vshrl.u32 v26, $0x7;
	v29 =	vand.u32 $0xFF, v27;
	v33 =	vld [tilespmem:s16+$0xFFFFFFF0];
	p0 =	slt.u32 s15, $0x238;
	vm4 =	veq.s32 v34, v25  }
0x161: {  	v32 =	vand.u32 $0xFF, v32;
	v35 =	vand.u32 $0xFF, v26;
	v34 =	vld [tilespmem:s16+$0xFFFFFFE0];
	v26 =	vshra.s32 v30, $0xF  }
0x162: {  	v30 =	vshrl.u32 v30, $0x7;
	v36 =	vld [tilespmem:s16+$0xFFFFFFC0];
	v27 =	vshra.s32 v31, $0xF;
	vm5 =	veq.s32 v26, v25  }
0x163: {  	v26 =	vshrl.u32 v31, $0x7;
	v30 =	vand.u32 $0xFF, v30;
	v37 =	vld [tilespmem:s16+$0x30];
	vm6 =	veq.s32 v27, v25  }
0x164: {  	v31 =	vand.u32 $0xFF, v26;
	v38 =	vld [tilespmem:s16+$0x20]  }
0x165: {  	v26 =	vld [tilespmem:s16+$0xFFFFFFD0];
	v27 =	vshrl.u32 v33, $0x7  }
0x166: {  	[tilespmem:v29+s11+$0x0] =	vst.idx.add.f32.msk vm0, v2  }
0x167: {  	v39 =	vshrl.u32 v34, $0x7;
	v34 =	vshra.s32 v34, $0xF;
	v29 =	vshra.s32 v36, $0xF;
	[tilespmem:v28+s11+$0x0] =	vst.idx.add.f32.msk vm1, v2  }
0x168: {  	v28 =	vshrl.u32 v36, $0x7;
	vm2 =	veq.s32 v34, v25;
	vm7 =	veq.s32 v29, v25;
	[tilespmem:v30+s11+$0x0] =	vst.idx.add.f32.msk vm5, v2  }
0x169: {  	v28 =	vand.u32 $0xFF, v28;
	v29 =	vand.u32 $0xFF, v39;
	[tilespmem:v31+s11+$0x0] =	vst.idx.add.f32.msk vm6, v2  }
.Ltmp2:
0x16a: {  	v30 =	vshra.s32 v33, $0xF;
	[tilespmem:v32+s11+$0x0] =	vst.idx.add.f32.msk vm3, v2;
	(pc) =	sbr.rel @p0 .LBB2_6-.Ltmp2, $4  }
0x16b: {  	vm0 =	veq.s32 v30, v25;
	[tilespmem:v35+s11+$0x0] =	vst.idx.add.f32.msk vm4, v2  }
0x16c: {  	v32 =	vshra.s32 v38, $0xF;
	v30 =	vld [tilespmem:s16+$0x10]  }
0x16d: {  	v33 =	vshrl.u32 v38, $0x7;
	vm1 =	veq.s32 v32, v25;
	v31 =	vld [tilespmem:s16+$0x0]  }
0x16e: {  	v32 =	vshrl.u32 v37, $0x7;
	s16 =	sadd.s32 $0x80, s16;
	[tilespmem:v28+s11+$0x0] =	vst.idx.add.f32.msk vm7, v2;
	v28 =	vand.u32 $0xFF, v33;
	v33 =	vshra.s32 v37, $0xF  }
0x16f: {  	_ =	sdelay $0x3  }
0x170: {  	v27 =	vand.u32 $0xFF, v27;
	v44 =	vshra.s32 v26, $0xF  }
0x171: {  	[tilespmem:v29+s11+$0x0] =	vst.idx.add.f32.msk vm2, v2;
	v26 =	vshrl.u32 v26, $0x7;
	vm2 =	veq.s32 v44, v25;
	v34 =	vshra.s32 v30, $0xF  }
0x172: {  	v26 =	vand.u32 $0xFF, v26;
	v30 =	vshrl.u32 v30, $0x7;
	vm3 =	veq.s32 v34, v25  }
0x173: {  	vm5 =	veq.s32 v33, v25;
	v35 =	vshra.s32 v31, $0xF;
	v30 =	vand.u32 $0xFF, v30  }
0x174: {  	v31 =	vshrl.u32 v31, $0x7;
	vm4 =	veq.s32 v35, v25;
	v25 =	vand.u32 $0xFF, v32  }
0x175: {  	[tilespmem:v28+s11+$0x0] =	vst.idx.add.f32.msk vm1, v2;
	v31 =	vand.u32 $0xFF, v31  }
0x176: {  	[tilespmem:v27+s11+$0x0] =	vst.idx.add.f32.msk vm0, v2  }
0x177: {  	[tilespmem:v26+s11+$0x0] =	vst.idx.add.f32.msk vm2, v2  }
0x178: {  	[tilespmem:v30+s11+$0x0] =	vst.idx.add.f32.msk vm3, v2  }
0x179: {  	[tilespmem:v25+s11+$0x0] =	vst.idx.add.f32.msk vm5, v2  }
0x17a: {  	[tilespmem:v31+s11+$0x0] =	vst.idx.add.f32.msk vm4, v2  }
0x17b: {  	v25 =	vld [tilespmem:$0x2570];
	_ =	sdelay $0x4  }
0x17c: {  	v25 =	vperm.xlane v25, v3;
	_ =	sdelay $0x1  }
0x17d: {  	(xrf2) =	vadd.scan.msk.f32 $0xffff, v25  }
0x17e: {  	v25 =	vld [tilespmem:$0x2560];
	_ =	sdelay $0x4  }
0x17f: {  	v25 =	vperm.xlane v25, v3;
	_ =	sdelay $0x1  }
0x180: {  	(xrf2) =	vadd.scan.msk.f32 $0xffff, v25  }
0x181: {  	v25 =	vld [tilespmem:$0x2550]  }
0x182: {  	v26, _, _ =	vpop (xrf2)  }
0x183: {  	v26 =	vperm.xlane v26, v3;
	_ =	sdelay $0x1  }
0x184: {  	v27 =	vadd.f32 $0.0e+00, v26  }
0x185: {  	v25 =	vperm.xlane v25, v3  }
0x186: {  	[tilespmem:$0x2670] =	vst v27  }
0x187: {  	(xrf2) =	vadd.scan.msk.f32 $0xffff, v25;
	v27 =	vld.idx.msk [tilespmem:v4+s12+$0x0], $0xffff  }
0x188: {  	v25 =	vld [tilespmem:$0x2540]  }
0x189: {  	v28, _, _ =	vpop (xrf2)  }
0x18a: {  	v28 =	vperm.xlane v28, v3;
	_ =	sdelay $0x1  }
0x18b: {  	v27 =	vadd.f32 v28, v27  }
0x18c: {  	v25 =	vperm.xlane v25, v3  }
0x18d: {  	[tilespmem:$0x2660] =	vst v27  }
0x18e: {  	(xrf2) =	vadd.scan.msk.f32 $0xffff, v25;
	v28 =	vld.idx.msk [tilespmem:v5+s12+$0x0], $0xffff  }
0x18f: {  	v25 =	vld [tilespmem:$0x2530]  }
0x190: {  	v29, _, _ =	vpop (xrf2)  }
0x191: {  	v29 =	vperm.xlane v29, v3;
	_ =	sdelay $0x1  }
0x192: {  	v28 =	vadd.f32 v29, v28  }
0x193: {  	v25 =	vperm.xlane v25, v3  }
0x194: {  	[tilespmem:$0x2650] =	vst v28  }
0x195: {  	(xrf2) =	vadd.scan.msk.f32 $0xffff, v25;
	v29 =	vld.idx.msk [tilespmem:v6+s12+$0x0], $0xffff  }
0x196: {  	v25 =	vld [tilespmem:$0x2520]  }
0x197: {  	v30, _, _ =	vpop (xrf2)  }
0x198: {  	v30 =	vperm.xlane v30, v3;
	_ =	sdelay $0x1  }
0x199: {  	v29 =	vadd.f32 v30, v29  }
0x19a: {  	v25 =	vperm.xlane v25, v3  }
0x19b: {  	[tilespmem:$0x2640] =	vst v29  }
0x19c: {  	(xrf2) =	vadd.scan.msk.f32 $0xffff, v25;
	v30 =	vld.idx.msk [tilespmem:v7+s12+$0x0], $0xffff  }
0x19d: {  	v25 =	vld [tilespmem:$0x2510]  }
0x19e: {  	v31, _, _ =	vpop (xrf2)  }
0x19f: {  	v31 =	vperm.xlane v31, v3;
	_ =	sdelay $0x1  }
0x1a0: {  	v30 =	vadd.f32 v31, v30  }
0x1a1: {  	v25 =	vperm.xlane v25, v3  }
0x1a2: {  	[tilespmem:$0x2630] =	vst v30  }
0x1a3: {  	(xrf2) =	vadd.scan.msk.f32 $0xffff, v25;
	v31 =	vld.idx.msk [tilespmem:v8+s12+$0x0], $0xffff  }
0x1a4: {  	v25 =	vld [tilespmem:$0x2500]  }
0x1a5: {  	v45, _, _ =	vpop (xrf2)  }
0x1a6: {  	v32 =	vperm.xlane v45, v3;
	_ =	sdelay $0x1  }
0x1a7: {  	v31 =	vadd.f32 v32, v31  }
0x1a8: {  	v25 =	vperm.xlane v25, v3  }
0x1a9: {  	[tilespmem:$0x2620] =	vst v31  }
0x1aa: {  	(xrf2) =	vadd.scan.msk.f32 $0xffff, v25;
	v46 =	vld.idx.msk [tilespmem:v9+s12+$0x0], $0xffff  }
0x1ab: {  	v25 =	vld [tilespmem:$0x24F0]  }
0x1ac: {  	v47, _, _ =	vpop (xrf2)  }
0x1ad: {  	v33 =	vperm.xlane v47, v3;
	_ =	sdelay $0x1  }
0x1ae: {  	v32 =	vadd.f32 v33, v46  }
0x1af: {  	v25 =	vperm.xlane v25, v3  }
0x1b0: {  	[tilespmem:$0x2610] =	vst v32  }
0x1b1: {  	(xrf2) =	vadd.scan.msk.f32 $0xffff, v25;
	v48 =	vld.idx.msk [tilespmem:v10+s12+$0x0], $0xffff  }
0x1b2: {  	v25 =	vld [tilespmem:$0x24E0]  }
0x1b3: {  	v49, _, _ =	vpop (xrf2)  }
0x1b4: {  	v34 =	vperm.xlane v49, v3;
	_ =	sdelay $0x1  }
0x1b5: {  	v33 =	vadd.f32 v34, v48  }
0x1b6: {  	v25 =	vperm.xlane v25, v3  }
0x1b7: {  	[tilespmem:$0x2600] =	vst v33  }
0x1b8: {  	(xrf2) =	vadd.scan.msk.f32 $0xffff, v25;
	v50 =	vld.idx.msk [tilespmem:v11+s12+$0x0], $0xffff  }
0x1b9: {  	v25 =	vld [tilespmem:$0x24D0]  }
0x1ba: {  	v51, _, _ =	vpop (xrf2)  }
0x1bb: {  	v35 =	vperm.xlane v51, v3;
	_ =	sdelay $0x1  }
0x1bc: {  	v34 =	vadd.f32 v35, v50  }
0x1bd: {  	v25 =	vperm.xlane v25, v3  }
0x1be: {  	[tilespmem:$0x25F0] =	vst v34  }
0x1bf: {  	(xrf2) =	vadd.scan.msk.f32 $0xffff, v25;
	v52 =	vld.idx.msk [tilespmem:v12+s12+$0x0], $0xffff  }
0x1c0: {  	v25 =	vld [tilespmem:$0x24C0]  }
0x1c1: {  	v36, _, _ =	vpop (xrf2)  }
0x1c2: {  	v36 =	vperm.xlane v36, v3;
	_ =	sdelay $0x1  }
0x1c3: {  	v35 =	vadd.f32 v36, v52  }
0x1c4: {  	v25 =	vperm.xlane v25, v3  }
0x1c5: {  	[tilespmem:$0x25E0] =	vst v35  }
0x1c6: {  	(xrf2) =	vadd.scan.msk.f32 $0xffff, v25;
	v53 =	vld.idx.msk [tilespmem:v13+s12+$0x0], $0xffff  }
0x1c7: {  	v25 =	vld [tilespmem:$0x24B0]  }
0x1c8: {  	v37, _, _ =	vpop (xrf2)  }
0x1c9: {  	v37 =	vperm.xlane v37, v3;
	_ =	sdelay $0x1  }
0x1ca: {  	v36 =	vadd.f32 v37, v53  }
0x1cb: {  	v25 =	vperm.xlane v25, v3  }
0x1cc: {  	[tilespmem:$0x25D0] =	vst v36  }
0x1cd: {  	(xrf2) =	vadd.scan.msk.f32 $0xffff, v25;
	v54 =	vld.idx.msk [tilespmem:v14+s12+$0x0], $0xffff  }
0x1ce: {  	v25 =	vld [tilespmem:$0x24A0]  }
0x1cf: {  	v38, _, _ =	vpop (xrf2)  }
0x1d0: {  	v38 =	vperm.xlane v38, v3;
	_ =	sdelay $0x1  }
0x1d1: {  	v37 =	vadd.f32 v38, v54  }
0x1d2: {  	v25 =	vperm.xlane v25, v3  }
0x1d3: {  	[tilespmem:$0x25C0] =	vst v37  }
0x1d4: {  	(xrf2) =	vadd.scan.msk.f32 $0xffff, v25;
	v55 =	vld.idx.msk [tilespmem:v15+s12+$0x0], $0xffff  }
0x1d5: {  	v25 =	vld [tilespmem:$0x2490]  }
0x1d6: {  	v39, _, _ =	vpop (xrf2)  }
0x1d7: {  	v39 =	vperm.xlane v39, v3;
	_ =	sdelay $0x1  }
0x1d8: {  	v38 =	vadd.f32 v39, v55  }
0x1d9: {  	v25 =	vperm.xlane v25, v3  }
0x1da: {  	[tilespmem:$0x25B0] =	vst v38  }
0x1db: {  	(xrf2) =	vadd.scan.msk.f32 $0xffff, v25;
	v56 =	vld.idx.msk [tilespmem:v16+s12+$0x0], $0xffff  }
0x1dc: {  	v25 =	vld [tilespmem:$0x2480]  }
0x1dd: {  	v40, _, _ =	vpop (xrf2)  }
0x1de: {  	v23 =	vsub.f32 v24, v23;
	v24 =	vperm.xlane v40, v3;
	_ =	sdelay $0x1  }
0x1df: {  	v22 =	vsub.f32 v22, v23;
	v23 =	vadd.f32 v24, v56  }
0x1e0: {  	v24 =	vperm.xlane v25, v3  }
0x1e1: {  	[tilespmem:$0x25A0] =	vst v23  }
0x1e2: {  	vm0 =	vge.f32 v26, v22;
	vm1 =	vge.f32 v29, v22;
	(xrf2) =	vadd.scan.msk.f32 $0xffff, v24;
	v26 =	vld.idx.msk [tilespmem:v17+s12+$0x0], $0xffff  }
0x1e3: {  	v29 =	vmpcnt.ones.xlane vm1;
	v25 =	vmpcnt.ones.xlane vm0;
	vm0 =	vge.f32 v27, v22  }
0x1e4: {  	vm1 =	vge.f32 v31, v22;
	v27, _, _ =	vpop (xrf2);
	v24 =	vmpcnt.ones.xlane vm0;
	vm0 =	vge.f32 v28, v22  }
0x1e5: {  	v27 =	vperm.xlane v27, v3;
	v28 =	vmpcnt.ones.xlane vm0;
	vm0 =	vge.f32 v30, v22  }
0x1e6: {  	v31 =	vmpcnt.ones.xlane vm1;
	v30 =	vmpcnt.ones.xlane vm0;
	v24 =	vadd.s32 v24, v25  }
0x1e7: {  	vm0 =	vge.f32 v32, v22;
	v24 =	vadd.s32 v28, v24;
	v25 =	vadd.f32 v27, v26  }
0x1e8: {  	v24 =	vadd.s32 v29, v24;
	v26 =	vmpcnt.ones.xlane vm0;
	vm0 =	vge.f32 v33, v22  }
0x1e9: {  	v24 =	vadd.s32 v30, v24;
	v27 =	vmpcnt.ones.xlane vm0;
	vm0 =	vge.f32 v34, v22;
	[tilespmem:$0x2590] =	vst v25  }
0x1ea: {  	v24 =	vadd.s32 v31, v24;
	v28 =	vmpcnt.ones.xlane vm0;
	vm0 =	vge.f32 v35, v22;
	v29 =	vld.idx.msk [tilespmem:v18+s12+$0x0], $0xffff  }
0x1eb: {  	v24 =	vadd.s32 v26, v24;
	v30 =	vmpcnt.ones.xlane vm0;
	vm0 =	vge.f32 v36, v22  }
0x1ec: {  	vm1 =	vge.f32 v38, v22;
	v24 =	vadd.s32 v27, v24;
	v26 =	vmpcnt.ones.xlane vm0;
	v31, _, _ =	vpop (xrf2)  }
0x1ed: {  	vm0 =	vge.f32 v37, v22;
	v24 =	vadd.s32 v28, v24;
	v27 =	vperm.xlane v31, v3  }
0x1ee: {  	v28 =	vmpcnt.ones.xlane vm0;
	v31 =	vmpcnt.ones.xlane vm1;
	v24 =	vadd.s32 v30, v24  }
0x1ef: {  	vm0 =	vge.f32 v23, v22;
	v24 =	vadd.s32 v26, v24;
	v23 =	vadd.f32 v27, v29  }
0x1f0: {  	v26 =	vmpcnt.ones.xlane vm0;
	vm0 =	vge.f32 v25, v22;
	v24 =	vadd.s32 v28, v24  }
0x1f1: {  	v25 =	vmpcnt.ones.xlane vm0;
	v24 =	vadd.s32 v31, v24;
	vm0 =	vge.f32 v23, v22  }
0x1f2: {  	v24 =	vadd.s32 v26, v24;
	v27 =	vmpcnt.ones.xlane vm0  }
0x1f3: {  	v24 =	vadd.s32 v25, v24  }
0x1f4: {  	v24 =	vadd.s32 v27, v24  }
0x1f5: {  	v25 =	vadd.s32 $0xFFFFFFFF, v24;
	_ =	sdelay $0x3  }
0x1f6: {  	[tilespmem:$0x2580] =	vst v23  }
0x1f7: {  	v23 =	vld.idx.msk [tilespmem:v25+s11+$0x0], $0xffff  }
0x1f8: {  	v24 =	vld.idx.msk [tilespmem:v25+s12+$0x0], $0xffff;
	[tilespmem:$0x2480] =	vst v1  }
0x1f9: {  	[tilespmem:$0x2490] =	vst v1  }
0x1fa: {  	[tilespmem:$0x24A0] =	vst v1  }
0x1fb: {  	[tilespmem:$0x24B0] =	vst v1  }
0x1fc: {  	[tilespmem:$0x24C0] =	vst v1  }
0x1fd: {  	[tilespmem:$0x24D0] =	vst v1  }
0x1fe: {  	[tilespmem:$0x24E0] =	vst v1  }
0x1ff: {  	[tilespmem:$0x24F0] =	vst v1  }
0x200: {  	[tilespmem:$0x2500] =	vst v1  }
0x201: {  	[tilespmem:$0x2510] =	vst v1  }
0x202: {  	[tilespmem:$0x2520] =	vst v1  }
0x203: {  	[tilespmem:$0x2530] =	vst v1  }
0x204: {  	[tilespmem:$0x2540] =	vst v1  }
0x205: {  	[tilespmem:$0x2550] =	vst v1  }
0x206: {  	[tilespmem:$0x2560] =	vst v1  }
0x207: {  	s15 =	simm.s32 $0x40;
	[tilespmem:$0x2570] =	vst v1  }
0x208: {  	v26 =	vld [tilespmem:s15+$0x30]  }
0x209: {  	v27 =	vld [tilespmem:s15+$0xFFFFFFD0]  }
0x20a: {  	v28 =	vld [tilespmem:s15+$0xFFFFFFE0]  }
0x20b: {  	v25 =	vshll.u32 v25, $0x7;
	v29 =	vld [tilespmem:s15+$0xFFFFFFF0]  }
0x20c: {  	v21 =	vor.u32 v21, v25  }
0x20d: {  	v25 =	vshra.s32 v21, $0x7;
	v30 =	vshra.s32 v26, $0x7  }
0x20e: {  	v31 =	vld [tilespmem:s15+$0x0];
	v57 =	vshra.s32 v27, $0x7;
	vm0 =	veq.s32 v30, v25  }
0x20f: {  	v62 =	vld [tilespmem:s15+$0xFFFFFFC0];
	v58 =	vshra.s32 v28, $0x7;
	v59 =	vand.u32 $0x7F, v26;
	vm2 =	veq.s32 v57, v25  }
0x210: {  	v60 =	vand.u32 $0x7F, v27;
	v26 =	vshra.s32 v29, $0x7;
	v30 =	vld [tilespmem:s15+$0x10];
	vm3 =	veq.s32 v58, v25  }
0x211: {  	v61 =	vld [tilespmem:s15+$0x20];
	v28 =	vand.u32 $0x7F, v28;
	vm4 =	veq.s32 v26, v25  }
0x212: {  	v63 =	vand.u32 $0x7F, v29;
	_ =	sdelay $0x1  }
0x213: {  	v27 =	vshra.s32 v31, $0x7;
	v26 =	vand.u32 $0x7F, v31;
	v31 =	vshra.s32 v62, $0x7;
	[tilespmem:v59+s11+$0x0] =	vst.idx.add.f32.msk vm0, v2  }
0x214: {  	v29 =	vshra.s32 v30, $0x7;
	vm0 =	veq.s32 v27, v25;
	v27 =	vand.u32 $0x7F, v30;
	[tilespmem:v60+s11+$0x0] =	vst.idx.add.f32.msk vm2, v2  }
0x215: {  	vm1 =	veq.s32 v29, v25;
	v30 =	vshra.s32 v61, $0x7;
	v29 =	vand.u32 $0x7F, v62;
	[tilespmem:v28+s11+$0x0] =	vst.idx.add.f32.msk vm3, v2  }
0x216: {  	s16 =	simm.s32 $0xC0;
	s15 =	simm.s32 $0x0;
	vm3 =	veq.s32 v31, v25;
	v28 =	vand.u32 $0x7F, v61;
	[tilespmem:v63+s11+$0x0] =	vst.idx.add.f32.msk vm4, v2;
	vm2 =	veq.s32 v30, v25  }
.LBB2_8:
0x217: {  	v30 =	vld [tilespmem:s16+$0x30];
	s15 =	sadd.s32 $0x8, s15  }
0x218: {  	v31 =	vld [tilespmem:s16+$0xFFFFFFD0];
	p0 =	slt.u32 s15, $0x238  }
0x219: {  	v32 =	vld [tilespmem:s16+$0xFFFFFFE0]  }
0x21a: {  	v33 =	vld [tilespmem:s16+$0xFFFFFFF0]  }
0x21b: {  	v34 =	vld [tilespmem:s16+$0x0]  }
0x21c: {  	v35 =	vld [tilespmem:s16+$0x10];
	v36 =	vshra.s32 v30, $0x7  }
0x21d: {  	v37 =	vand.u32 $0x7F, v31;
	v31 =	vshra.s32 v31, $0x7;
	v38 =	vld [tilespmem:s16+$0x20];
	vm4 =	veq.s32 v36, v25  }
0x21e: {  	v30 =	vand.u32 $0x7F, v30;
	v36 =	vld [tilespmem:s16+$0xFFFFFFC0];
	vm5 =	veq.s32 v31, v25;
	v31 =	vshra.s32 v32, $0x7  }
0x21f: {  	v32 =	vand.u32 $0x7F, v32;
	vm6 =	veq.s32 v31, v25;
	v31 =	vshra.s32 v33, $0x7;
	[tilespmem:v29+s11+$0x0] =	vst.idx.add.f32.msk vm3, v2  }
0x220: {  	v33 =	vand.u32 $0x7F, v33;
	vm7 =	veq.s32 v31, v25;
	v29 =	vshra.s32 v34, $0x7;
	[tilespmem:v26+s11+$0x0] =	vst.idx.add.f32.msk vm0, v2  }
0x221: {  	v26 =	vand.u32 $0x7F, v34;
	vm0 =	veq.s32 v29, v25;
	v29 =	vshra.s32 v35, $0x7;
	[tilespmem:v27+s11+$0x0] =	vst.idx.add.f32.msk vm1, v2  }
.Ltmp3:
0x222: {  	v27 =	vand.u32 $0x7F, v35;
	vm1 =	veq.s32 v29, v25;
	v31 =	vshra.s32 v38, $0x7;
	[tilespmem:v28+s11+$0x0] =	vst.idx.add.f32.msk vm2, v2;
	(pc) =	sbr.rel @p0 .LBB2_8-.Ltmp3, $4  }
0x223: {  	v29 =	vand.u32 $0x7F, v36;
	v28 =	vshra.s32 v36, $0x7;
	vm2 =	veq.s32 v31, v25;
	[tilespmem:v30+s11+$0x0] =	vst.idx.add.f32.msk vm4, v2  }
0x224: {  	vm3 =	veq.s32 v28, v25;
	[tilespmem:v37+s11+$0x0] =	vst.idx.add.f32.msk vm5, v2;
	v28 =	vand.u32 $0x7F, v38  }
0x225: {  	[tilespmem:v32+s11+$0x0] =	vst.idx.add.f32.msk vm6, v2  }
0x226: {  	s16 =	sadd.s32 $0x80, s16;
	[tilespmem:v33+s11+$0x0] =	vst.idx.add.f32.msk vm7, v2  }
0x227: {  	_ =	sdelay $0x4  }
0x228: {  	[tilespmem:v29+s11+$0x0] =	vst.idx.add.f32.msk vm3, v2  }
0x229: {  	[tilespmem:v26+s11+$0x0] =	vst.idx.add.f32.msk vm0, v2  }
0x22a: {  	[tilespmem:v27+s11+$0x0] =	vst.idx.add.f32.msk vm1, v2  }
0x22b: {  	[tilespmem:v28+s11+$0x0] =	vst.idx.add.f32.msk vm2, v2  }
0x22c: {  	v25 =	vld [tilespmem:$0x2570];
	_ =	sdelay $0x4  }
0x22d: {  	v25 =	vperm.xlane v25, v3;
	_ =	sdelay $0x1  }
0x22e: {  	(xrf2) =	vadd.scan.msk.f32 $0xffff, v25  }
0x22f: {  	v25 =	vld [tilespmem:$0x2560];
	_ =	sdelay $0x4  }
0x230: {  	v25 =	vperm.xlane v25, v3;
	_ =	sdelay $0x1  }
0x231: {  	(xrf2) =	vadd.scan.msk.f32 $0xffff, v25  }
0x232: {  	v25 =	vld [tilespmem:$0x2550]  }
0x233: {  	v26, _, _ =	vpop (xrf2)  }
0x234: {  	v26 =	vperm.xlane v26, v3;
	_ =	sdelay $0x1  }
0x235: {  	v27 =	vadd.f32 $0.0e+00, v26  }
0x236: {  	v25 =	vperm.xlane v25, v3  }
0x237: {  	[tilespmem:$0x2670] =	vst v27  }
0x238: {  	(xrf2) =	vadd.scan.msk.f32 $0xffff, v25;
	v27 =	vld.idx.msk [tilespmem:v4+s12+$0x0], $0xffff  }
0x239: {  	v25 =	vld [tilespmem:$0x2540]  }
0x23a: {  	v42, _, _ =	vpop (xrf2)  }
0x23b: {  	v28 =	vperm.xlane v42, v3;
	_ =	sdelay $0x1  }
0x23c: {  	v27 =	vadd.f32 v28, v27  }
0x23d: {  	v25 =	vperm.xlane v25, v3  }
0x23e: {  	[tilespmem:$0x2660] =	vst v27  }
0x23f: {  	(xrf2) =	vadd.scan.msk.f32 $0xffff, v25;
	v43 =	vld.idx.msk [tilespmem:v5+s12+$0x0], $0xffff  }
0x240: {  	v25 =	vld [tilespmem:$0x2530]  }
0x241: {  	v44, _, _ =	vpop (xrf2)  }
0x242: {  	v29 =	vperm.xlane v44, v3;
	_ =	sdelay $0x1  }
0x243: {  	v28 =	vadd.f32 v29, v43  }
0x244: {  	v25 =	vperm.xlane v25, v3  }
0x245: {  	[tilespmem:$0x2650] =	vst v28  }
0x246: {  	(xrf2) =	vadd.scan.msk.f32 $0xffff, v25;
	v45 =	vld.idx.msk [tilespmem:v6+s12+$0x0], $0xffff  }
0x247: {  	v25 =	vld [tilespmem:$0x2520]  }
0x248: {  	v30, _, _ =	vpop (xrf2)  }
0x249: {  	v30 =	vperm.xlane v30, v3;
	_ =	sdelay $0x1  }
0x24a: {  	v29 =	vadd.f32 v30, v45  }
0x24b: {  	v25 =	vperm.xlane v25, v3  }
0x24c: {  	[tilespmem:$0x2640] =	vst v29  }
0x24d: {  	(xrf2) =	vadd.scan.msk.f32 $0xffff, v25;
	v46 =	vld.idx.msk [tilespmem:v7+s12+$0x0], $0xffff  }
0x24e: {  	v25 =	vld [tilespmem:$0x2510]  }
0x24f: {  	v31, _, _ =	vpop (xrf2)  }
0x250: {  	v31 =	vperm.xlane v31, v3;
	_ =	sdelay $0x1  }
0x251: {  	v30 =	vadd.f32 v31, v46  }
0x252: {  	v25 =	vperm.xlane v25, v3  }
0x253: {  	[tilespmem:$0x2630] =	vst v30  }
0x254: {  	(xrf2) =	vadd.scan.msk.f32 $0xffff, v25;
	v47 =	vld.idx.msk [tilespmem:v8+s12+$0x0], $0xffff  }
0x255: {  	v25 =	vld [tilespmem:$0x2500]  }
0x256: {  	v32, _, _ =	vpop (xrf2)  }
0x257: {  	v32 =	vperm.xlane v32, v3;
	_ =	sdelay $0x1  }
0x258: {  	v31 =	vadd.f32 v32, v47  }
0x259: {  	v25 =	vperm.xlane v25, v3  }
0x25a: {  	[tilespmem:$0x2620] =	vst v31  }
0x25b: {  	(xrf2) =	vadd.scan.msk.f32 $0xffff, v25;
	v48 =	vld.idx.msk [tilespmem:v9+s12+$0x0], $0xffff  }
0x25c: {  	v25 =	vld [tilespmem:$0x24F0]  }
0x25d: {  	v33, _, _ =	vpop (xrf2)  }
0x25e: {  	v33 =	vperm.xlane v33, v3;
	_ =	sdelay $0x1  }
0x25f: {  	v32 =	vadd.f32 v33, v48  }
0x260: {  	v25 =	vperm.xlane v25, v3  }
0x261: {  	[tilespmem:$0x2610] =	vst v32  }
0x262: {  	(xrf2) =	vadd.scan.msk.f32 $0xffff, v25;
	v49 =	vld.idx.msk [tilespmem:v10+s12+$0x0], $0xffff  }
0x263: {  	v25 =	vld [tilespmem:$0x24E0]  }
0x264: {  	v34, _, _ =	vpop (xrf2)  }
0x265: {  	v34 =	vperm.xlane v34, v3;
	_ =	sdelay $0x1  }
0x266: {  	v33 =	vadd.f32 v34, v49  }
0x267: {  	v25 =	vperm.xlane v25, v3  }
0x268: {  	[tilespmem:$0x2600] =	vst v33  }
0x269: {  	(xrf2) =	vadd.scan.msk.f32 $0xffff, v25;
	v50 =	vld.idx.msk [tilespmem:v11+s12+$0x0], $0xffff  }
0x26a: {  	v25 =	vld [tilespmem:$0x24D0]  }
0x26b: {  	v35, _, _ =	vpop (xrf2)  }
0x26c: {  	v35 =	vperm.xlane v35, v3;
	_ =	sdelay $0x1  }
0x26d: {  	v34 =	vadd.f32 v35, v50  }
0x26e: {  	v25 =	vperm.xlane v25, v3  }
0x26f: {  	[tilespmem:$0x25F0] =	vst v34  }
0x270: {  	(xrf2) =	vadd.scan.msk.f32 $0xffff, v25;
	v51 =	vld.idx.msk [tilespmem:v12+s12+$0x0], $0xffff  }
0x271: {  	v25 =	vld [tilespmem:$0x24C0]  }
0x272: {  	v36, _, _ =	vpop (xrf2)  }
0x273: {  	v36 =	vperm.xlane v36, v3;
	_ =	sdelay $0x1  }
0x274: {  	v35 =	vadd.f32 v36, v51  }
0x275: {  	v25 =	vperm.xlane v25, v3  }
0x276: {  	[tilespmem:$0x25E0] =	vst v35  }
0x277: {  	(xrf2) =	vadd.scan.msk.f32 $0xffff, v25;
	v52 =	vld.idx.msk [tilespmem:v13+s12+$0x0], $0xffff  }
0x278: {  	v25 =	vld [tilespmem:$0x24B0]  }
0x279: {  	v37, _, _ =	vpop (xrf2)  }
0x27a: {  	v37 =	vperm.xlane v37, v3;
	_ =	sdelay $0x1  }
0x27b: {  	v36 =	vadd.f32 v37, v52  }
0x27c: {  	v25 =	vperm.xlane v25, v3  }
0x27d: {  	[tilespmem:$0x25D0] =	vst v36  }
0x27e: {  	(xrf2) =	vadd.scan.msk.f32 $0xffff, v25;
	v53 =	vld.idx.msk [tilespmem:v14+s12+$0x0], $0xffff  }
0x27f: {  	v25 =	vld [tilespmem:$0x24A0]  }
0x280: {  	v38, _, _ =	vpop (xrf2)  }
0x281: {  	v38 =	vperm.xlane v38, v3;
	_ =	sdelay $0x1  }
0x282: {  	v37 =	vadd.f32 v38, v53  }
0x283: {  	v25 =	vperm.xlane v25, v3  }
0x284: {  	[tilespmem:$0x25C0] =	vst v37  }
0x285: {  	(xrf2) =	vadd.scan.msk.f32 $0xffff, v25;
	v54 =	vld.idx.msk [tilespmem:v15+s12+$0x0], $0xffff  }
0x286: {  	v25 =	vld [tilespmem:$0x2490]  }
0x287: {  	v39, _, _ =	vpop (xrf2)  }
0x288: {  	v39 =	vperm.xlane v39, v3;
	_ =	sdelay $0x1  }
0x289: {  	v38 =	vadd.f32 v39, v54  }
0x28a: {  	v25 =	vperm.xlane v25, v3  }
0x28b: {  	[tilespmem:$0x25B0] =	vst v38  }
0x28c: {  	(xrf2) =	vadd.scan.msk.f32 $0xffff, v25;
	v55 =	vld.idx.msk [tilespmem:v16+s12+$0x0], $0xffff  }
0x28d: {  	v25 =	vld [tilespmem:$0x2480]  }
0x28e: {  	v40, _, _ =	vpop (xrf2)  }
0x28f: {  	v23 =	vsub.f32 v24, v23;
	v24 =	vperm.xlane v40, v3;
	_ =	sdelay $0x1  }
0x290: {  	v22 =	vsub.f32 v22, v23;
	v23 =	vadd.f32 v24, v55  }
0x291: {  	v24 =	vperm.xlane v25, v3  }
0x292: {  	[tilespmem:$0x25A0] =	vst v23  }
0x293: {  	vm0 =	vge.f32 v26, v22;
	vm1 =	vge.f32 v29, v22;
	(xrf2) =	vadd.scan.msk.f32 $0xffff, v24;
	v26 =	vld.idx.msk [tilespmem:v17+s12+$0x0], $0xffff  }
0x294: {  	v29 =	vmpcnt.ones.xlane vm1;
	v25 =	vmpcnt.ones.xlane vm0;
	vm0 =	vge.f32 v27, v22  }
0x295: {  	vm1 =	vge.f32 v31, v22;
	v27, _, _ =	vpop (xrf2);
	v24 =	vmpcnt.ones.xlane vm0;
	vm0 =	vge.f32 v28, v22  }
0x296: {  	v27 =	vperm.xlane v27, v3;
	v28 =	vmpcnt.ones.xlane vm0;
	vm0 =	vge.f32 v30, v22  }
0x297: {  	v31 =	vmpcnt.ones.xlane vm1;
	v30 =	vmpcnt.ones.xlane vm0;
	v24 =	vadd.s32 v24, v25  }
0x298: {  	vm0 =	vge.f32 v32, v22;
	v24 =	vadd.s32 v28, v24;
	v25 =	vadd.f32 v27, v26  }
0x299: {  	v24 =	vadd.s32 v29, v24;
	v26 =	vmpcnt.ones.xlane vm0;
	vm0 =	vge.f32 v33, v22  }
0x29a: {  	v24 =	vadd.s32 v30, v24;
	v27 =	vmpcnt.ones.xlane vm0;
	vm0 =	vge.f32 v34, v22;
	[tilespmem:$0x2590] =	vst v25  }
0x29b: {  	v24 =	vadd.s32 v31, v24;
	v56 =	vmpcnt.ones.xlane vm0;
	vm0 =	vge.f32 v35, v22;
	v57 =	vld.idx.msk [tilespmem:v18+s12+$0x0], $0xffff  }
0x29c: {  	v24 =	vadd.s32 v26, v24;
	v58 =	vmpcnt.ones.xlane vm0;
	vm0 =	vge.f32 v36, v22  }
0x29d: {  	vm1 =	vge.f32 v38, v22;
	v24 =	vadd.s32 v27, v24;
	v26 =	vmpcnt.ones.xlane vm0;
	v59, _, _ =	vpop (xrf2)  }
0x29e: {  	vm0 =	vge.f32 v37, v22;
	v24 =	vadd.s32 v56, v24;
	v27 =	vperm.xlane v59, v3  }
0x29f: {  	v61 =	vmpcnt.ones.xlane vm1;
	v60 =	vmpcnt.ones.xlane vm0;
	v24 =	vadd.s32 v58, v24  }
0x2a0: {  	vm0 =	vge.f32 v23, v22;
	v24 =	vadd.s32 v26, v24;
	v23 =	vadd.f32 v27, v57  }
0x2a1: {  	v26 =	vmpcnt.ones.xlane vm0;
	vm0 =	vge.f32 v25, v22;
	v24 =	vadd.s32 v60, v24  }
0x2a2: {  	s16 =	simm.s32 $0x40;
	v25 =	vmpcnt.ones.xlane vm0;
	[tilespmem:$0x2580] =	vst v23;
	vm0 =	vge.f32 v23, v22;
	v22 =	vadd.s32 v61, v24  }
0x2a3: {  	v23 =	vmpcnt.ones.xlane vm0;
	v22 =	vadd.s32 v26, v22;
	v24 =	vld [tilespmem:s16+$0xFFFFFFC0]  }
0x2a4: {  	v22 =	vadd.s32 v25, v22  }
0x2a5: {  	v22 =	vadd.s32 v23, v22;
	v23 =	vld [tilespmem:s16+$0xFFFFFFD0]  }
0x2a6: {  	v22 =	vadd.s32 $0xFFFFFFFF, v22  }
0x2a7: {  	v21 =	vor.u32 v21, v22;
	v22 =	vld [tilespmem:s16+$0xFFFFFFE0]  }
0x2a8: {  	vm0 =	vgt.f32 v24, v21  }
0x2a9: {  	v27 =	vld [tilespmem:s16+$0xFFFFFFF0];
	v25 =	vimm.f32 $0.0e+00;
	v24 =	vnsel vm0, $0x0, v24;
	v26 =	vsel vm0, $0x3F800000, v1  }
0x2aa: {  	v24 =	vadd.f32 v24, v25;
	v25 =	vadd.f32 v26, v25;
	vm0 =	vgt.f32 v23, v21  }
0x2ab: {  	v23 =	vnsel vm0, $0x0, v23;
	v26 =	vsel vm0, $0x3F800000, v1  }
0x2ac: {  	v62 =	vld [tilespmem:s16+$0x0];
	v23 =	vadd.f32 v23, v24;
	v24 =	vadd.f32 v26, v25;
	vm0 =	vgt.f32 v22, v21  }
0x2ad: {  	v26 =	vsel vm0, $0x3F800000, v1  }
0x2ae: {  	v25 =	vnsel vm0, $0x0, v22;
	v22 =	vld [tilespmem:s16+$0x10];
	vm0 =	vgt.f32 v27, v21;
	v24 =	vadd.f32 v26, v24  }
0x2af: {  	v23 =	vadd.f32 v25, v23;
	v26 =	vsel vm0, $0x3F800000, v1  }
0x2b0: {  	v25 =	vnsel vm0, $0x0, v27;
	v27 =	vadd.f32 v26, v24;
	v24 =	vld [tilespmem:s16+$0x20]  }
0x2b1: {  	vm0 =	vgt.f32 v62, v21;
	v25 =	vadd.f32 v25, v23  }
0x2b2: {  	v63 =	vsel vm0, $0x3F800000, v1;
	v26 =	vnsel vm0, $0x0, v62;
	v23 =	vld [tilespmem:s16+$0x30]  }
0x2b3: {  	s15 =	simm.s32 $0x0;
	s16 =	simm.s32 $0xC0;
	v26 =	vadd.f32 v26, v25;
	v25 =	vadd.f32 v63, v27;
	vm0 =	vgt.f32 v22, v21  }
.LBB2_10:
0x2b4: {  	v27 =	vld [tilespmem:s16+$0xFFFFFFC0];
	s15 =	sadd.s32 $0x8, s15;
	v22 =	vnsel vm0, $0x0, v22;
	v28 =	vsel vm0, $0x3F800000, v1  }
0x2b5: {  	p0 =	slt.u32 s15, $0x238;
	v22 =	vadd.f32 v22, v26;
	v25 =	vadd.f32 v28, v25;
	vm0 =	vgt.f32 v24, v21  }
0x2b6: {  	v26 =	vld [tilespmem:s16+$0xFFFFFFD0];
	v24 =	vnsel vm0, $0x0, v24;
	v28 =	vsel vm0, $0x3F800000, v1  }
0x2b7: {  	v22 =	vadd.f32 v24, v22;
	v24 =	vadd.f32 v28, v25;
	vm0 =	vgt.f32 v23, v21  }
0x2b8: {  	v25 =	vld [tilespmem:s16+$0xFFFFFFE0];
	v23 =	vnsel vm0, $0x0, v23;
	v28 =	vsel vm0, $0x3F800000, v1  }
0x2b9: {  	vm0 =	vgt.f32 v27, v21;
	v22 =	vadd.f32 v23, v22;
	v23 =	vadd.f32 v28, v24  }
0x2ba: {  	v24 =	vnsel vm0, $0x0, v27;
	v27 =	vsel vm0, $0x3F800000, v1;
	v28 =	vld [tilespmem:s16+$0xFFFFFFF0]  }
0x2bb: {  	v22 =	vadd.f32 v24, v22;
	v23 =	vadd.f32 v27, v23;
	vm0 =	vgt.f32 v26, v21  }
0x2bc: {  	v24 =	vnsel vm0, $0x0, v26;
	v26 =	vsel vm0, $0x3F800000, v1;
	v27 =	vld [tilespmem:s16+$0x0]  }
0x2bd: {  	v24 =	vadd.f32 v24, v22;
	v23 =	vadd.f32 v26, v23;
	vm0 =	vgt.f32 v25, v21  }
0x2be: {  	v25 =	vnsel vm0, $0x0, v25;
	v26 =	vsel vm0, $0x3F800000, v1;
	v22 =	vld [tilespmem:s16+$0x10]  }
.Ltmp4:
0x2bf: {  	v25 =	vadd.f32 v25, v24;
	v23 =	vadd.f32 v26, v23;
	vm0 =	vgt.f32 v28, v21;
	(pc) =	sbr.rel @p0 .LBB2_10-.Ltmp4, $4  }
0x2c0: {  	v26 =	vnsel vm0, $0x0, v28;
	v28 =	vsel vm0, $0x3F800000, v1;
	v24 =	vld [tilespmem:s16+$0x20]  }
0x2c1: {  	v25 =	vadd.f32 v26, v25;
	v28 =	vadd.f32 v28, v23;
	vm0 =	vgt.f32 v27, v21  }
0x2c2: {  	v26 =	vnsel vm0, $0x0, v27;
	v27 =	vsel vm0, $0x3F800000, v1;
	v23 =	vld [tilespmem:s16+$0x30]  }
0x2c3: {  	s16 =	sadd.s32 $0x80, s16;
	v26 =	vadd.f32 v26, v25;
	v25 =	vadd.f32 v27, v28;
	vm0 =	vgt.f32 v22, v21  }
0x2c4: {  	v22 =	vnsel vm0, $0x0, v22  }
0x2c5: {  	v61 =	vsel vm0, $0x3F800000, v1;
	v22 =	vadd.f32 v22, v26;
	vm1 =	vgt.f32 v24, v21  }
0x2c6: {  	v25 =	vadd.f32 v61, v25;
	v24 =	vnsel vm1, $0x0, v24  }
0x2c7: {  	v62 =	vsel vm1, $0x3F800000, v1;
	v22 =	vadd.f32 v24, v22;
	vm14 =	vgt.f32 v23, v21  }
0x2c8: {  	v24 =	vadd.f32 v62, v25;
	v23 =	vnsel vm14, $0x0, v23  }
0x2c9: {  	v63 =	vsel vm14, $0x3F800000, v1;
	v22 =	vadd.f32 v23, v22  }
0x2ca: {  	v23 =	vadd.f32 v63, v24  }
0x2cb: {  	(xrf2) =	vadd.scan.msk.f32 $0xffff, v22  }
0x2cc: {  	(xrf2) =	vadd.scan.msk.f32 $0xffff, v23;
	_ =	sdelay $0x8  }
0x2cd: {  	v22, _, _ =	vpop (xrf2)  }
0x2ce: {  	[tilespmem:$0x2680] =	vst v22;
	v23, _, _ =	vpop (xrf2)  }
0x2cf: {  	v22 =	vld.idx.msk [tilespmem:v19+s13+$0x0], $0xffff;
	[tilespmem:$0x2680] =	vst v23  }
0x2d0: {  	v23 =	vld.idx.msk [tilespmem:v19+s13+$0x0], $0xffff;
	_ =	sdelay $0x4  }
0x2d1: {  	v20 =	vsub.f32 v20, v23;
	_ =	sdelay $0x1  }
0x2d2: {  	v20 =	vmul.f32 v21, v20;
	_ =	sdelay $0x1  }
0x2d3: {  	v20 =	vadd.f32 v20, v22  }
0x2d4: {  	vm15 =	vmmov $0x1;
	s14 =	sadd.s32 $0x1, s14  }
0x2d5: {  	p0 =	sne.s32 s14, s6;
	v20 =	vnsel vm15, $0x0, v20  }
.Ltmp5:
0x2d6: {  	[tilespmem:$0x2680] =	vst v20;
	(pc) =	sbr.rel @p0 .LBB2_1-.Ltmp5, $4  }
0x2d7: {  	[hbm4b:s5+s2] =	stream.linear.scatter [tilespmem:s13], [sflag:$0x1], $0x80, $0x38;
	[tilespmem:$0x2700] =	vst v63  }
0x2d8: {  	_ =	swait.ge [sflag:s9], $0x80  }
0x2d9: {  	[sflag:s9] =	ssyncset.done $0x0  }
0x2da: {  	[sflag:s9] =	ssyncadd.s32 $0xFFFFFF80  }
0x2db: {  	_ =	sfence.sel $0x180000  }
0x2dc: {  	[bflag:$0x0] =	sbarrier.arrive $0xFFFF  }
0x2dd: {  	p0 =	sne.s32 s0, $0x0;
	_ =	strace $0x90000047  }
0x2de: {  	s0 =	sadd.s32 @!p0 $0x100000, s1;
	[bflag:$0x2] =	sbarrier.arrive $0xFFFF  }
0x2df: {  	[sflag:s0] =	ssyncadd.tile.s32 @!p0 $0x1;
	_ =	shalt  }
.Lfunc_end2:
_tile_overlayer_lowered:
.L_overlay_start_2:
0x2e0: {  	(tag) =	ssettag $0x2  }
0x2e1: {  	s0 =	rddreg [dreg:$0x0];
	s2 =	stileid.u32  }
0x2e2: {  	s1 =	rddreg [dreg:$0x1];
	p0 =	sne.s32 s2, $0x0  }
0x2e3: {  	s3 =	rddreg [dreg:$0x2];
	[bflag:$0x3] =	sbarrier.arrive $0xFFFF;
	s2 =	simm.s32 @!p0 $0x1C01  }
0x2e4: {  	[timem:s3], [sflag:s2] =	dma.local @!p0 [hbm:s0], s1  }
0x2e5: {  	s0 =	simm.s32 @!p0 $0x1  }
0x2e6: {  	_ =	swait.ge @!p0 [sflag:s0], s1  }
0x2e7: {  	s1 =	ssub.s32 @!p0 $0x0, s1;
	[sflag:s0] =	ssyncset.done @!p0 $0x0  }
0x2e8: {  	[sflag:s0] =	ssyncadd.s32 @!p0 s1  }
0x2e9: {  	[bflag:$0x3] =	sbarrier.arrive $0xFFFF  }
0x2ea: {  	_ =	shalt  }

</sc_bundles>
